<compile_context>
chip_gen: v7x
topology: tpu7x:2x2x1
jax: 0.10.2.dev20260603
libtpu: 0.0.44.dev20260713+nightly
codegen_flags: <defaults>
</compile_context>

<pallas_src>
import functools

import jax
import jax.numpy as jnp
from jax import lax
from jax.experimental import pallas as pl
from jax.experimental.pallas import tpu as pltpu
from jax.experimental.pallas import tpu_sc as plsc

N_TOP = 4
LANES = 16
NUM_CORES = 2
NUM_SUBCORES = 16
NUM_WORKERS = NUM_CORES * NUM_SUBCORES
CHUNK_ROWS = 64
N_SETS = 4


def _sort4(v0, v1, v2, v3):
    a0, a1 = jnp.maximum(v0, v1), jnp.minimum(v0, v1)
    a2, a3 = jnp.maximum(v2, v3), jnp.minimum(v2, v3)
    b0, b2 = jnp.maximum(a0, a2), jnp.minimum(a0, a2)
    b1, b3 = jnp.maximum(a1, a3), jnp.minimum(a1, a3)
    c1, c2 = jnp.maximum(b1, b2), jnp.minimum(b1, b2)
    return b0, c1, c2, b3


def _merge4(a, b):
    a1, a2, a3, a4 = a
    b1, b2, b3, b4 = b
    l1 = jnp.maximum(a1, b4)
    l2 = jnp.maximum(a2, b3)
    l3 = jnp.maximum(a3, b2)
    l4 = jnp.maximum(a4, b1)
    m1, m3 = jnp.maximum(l1, l3), jnp.minimum(l1, l3)
    m2, m4 = jnp.maximum(l2, l4), jnp.minimum(l2, l4)
    r1, r2 = jnp.maximum(m1, m2), jnp.minimum(m1, m2)
    r3, r4 = jnp.maximum(m3, m4), jnp.minimum(m3, m4)
    return r1, r2, r3, r4


def kernel(contributions):
    n_samples, n_proto, n_class = contributions.shape
    n_groups = n_class // LANES
    n_chunks = n_proto // CHUNK_ROWS
    samples_per_worker = n_samples // NUM_WORKERS
    acc_rows = n_groups * N_SETS * N_TOP

    mesh = plsc.VectorSubcoreMesh(core_axis_name="c", subcore_axis_name="s")

    @functools.partial(
        pl.kernel,
        mesh=mesh,
        out_type=jax.ShapeDtypeStruct(contributions.shape, contributions.dtype),
        compiler_params=pltpu.CompilerParams(use_tc_tiling_on_sc=True),
        scratch_types=[
            pltpu.VMEM((CHUNK_ROWS, n_class), jnp.float32),
            pltpu.VMEM((CHUNK_ROWS, n_class), jnp.float32),
            pltpu.VMEM((CHUNK_ROWS, n_class), jnp.float32),
            pltpu.VMEM((CHUNK_ROWS, n_class), jnp.float32),
            pltpu.VMEM((acc_rows, LANES), jnp.float32),
            pltpu.VMEM((n_groups, LANES), jnp.float32),
            pltpu.SemaphoreType.DMA,
            pltpu.SemaphoreType.DMA,
            pltpu.SemaphoreType.DMA,
            pltpu.SemaphoreType.DMA,
            pltpu.SemaphoreType.DMA,
            pltpu.SemaphoreType.DMA,
        ],
    )
    def _run(
        x_hbm, out_hbm, a0, a1, b0, b1, acc, thresh, la0, la1, lb0, lb1, sb0, sb1
    ):
        wid = lax.axis_index("s") * NUM_CORES + lax.axis_index("c")
        bufs_a = (a0, a1)
        bufs_b = (b0, b1)
        lsems_a = (la0, la1)
        lsems_b = (lb0, lb1)
        ssems = (sb0, sb1)

        def load_a(s_idx, ck, b):
            return pltpu.make_async_copy(
                x_hbm.at[s_idx, pl.ds(ck * CHUNK_ROWS, CHUNK_ROWS), :],
                bufs_a[b],
                lsems_a[b],
            )

        def load_b(s_idx, ck, b):
            return pltpu.make_async_copy(
                x_hbm.at[s_idx, pl.ds(ck * CHUNK_ROWS, CHUNK_ROWS), :],
                bufs_b[b],
                lsems_b[b],
            )

        def store(s_idx, ck, b):
            return pltpu.make_async_copy(
                bufs_b[b],
                out_hbm.at[s_idx, pl.ds(ck * CHUNK_ROWS, CHUNK_ROWS), :],
                ssems[b],
            )

        def accumulate(tile):
            @pl.loop(0, n_groups)
            def _grp(j):
                a0 = j * (N_SETS * N_TOP)
                sets = [
                    [acc[a0 + 4 * k + i] for i in range(N_TOP)]
                    for k in range(N_SETS)
                ]

                def body(i, flat):
                    st = [list(flat[4 * k : 4 * k + 4]) for k in range(N_SETS)]
                    for k in range(N_SETS):
                        r0 = i * (4 * N_SETS) + 4 * k
                        rows = _sort4(
                            *(
                                tile[r0 + d, pl.ds(j * LANES, LANES)]
                                for d in range(4)
                            )
                        )
                        st[k] = list(_merge4(tuple(st[k]), rows))
                    return tuple(x for s_ in st for x in s_)

                flat = lax.fori_loop(
                    0,
                    CHUNK_ROWS // (4 * N_SETS),
                    body,
                    tuple(x for s_ in sets for x in s_),
                )
                for i in range(N_SETS * N_TOP):
                    acc[a0 + i] = flat[i]

        def finalize():
            @pl.loop(0, n_groups)
            def _grp(j):
                a0 = j * (N_SETS * N_TOP)
                sets = [
                    tuple(acc[a0 + 4 * k + i] for i in range(N_TOP))
                    for k in range(N_SETS)
                ]
                top = _merge4(
                    _merge4(sets[0], sets[1]), _merge4(sets[2], sets[3])
                )
                thresh[j] = top[3]

        def mask(tile):
            zeros = jnp.zeros((LANES,), jnp.float32)

            @pl.loop(0, n_groups)
            def _grp(j):
                thr = thresh[j]

                @pl.loop(0, CHUNK_ROWS, step=8)
                def _rows(r):
                    for k in range(8):
                        v = tile[r + k, pl.ds(j * LANES, LANES)]
                        tile[r + k, pl.ds(j * LANES, LANES)] = jnp.where(
                            v >= thr, zeros, v
                        )

        neg_inf = jnp.full((LANES,), -jnp.inf, jnp.float32)

        def init_acc():
            @pl.loop(0, acc_rows)
            def _init(g):
                acc[g] = neg_inf

        s0_idx = wid * samples_per_worker
        s1_idx = s0_idx + 1

        init_acc()
        load_a(s0_idx, 0, 0).start()

        @pl.loop(0, n_chunks, step=2)
        def _s1loop(t):
            for par in range(2):
                cur, nxt = par, 1 - par
                ck = t + par
                load_a(s0_idx, ck, cur).wait()

                @pl.when(ck + 1 < n_chunks)
                def _pf():
                    load_a(s0_idx, ck + 1, nxt).start()

                accumulate(bufs_a[cur])

        load_b(s0_idx, 0, 0).start()
        load_a(s1_idx, 0, 0).start()
        finalize()
        init_acc()

        @pl.loop(0, n_chunks, step=2)
        def _s2loop(t):
            for par in range(2):
                cur, nxt = par, 1 - par
                ck = t + par
                load_b(s0_idx, ck, cur).wait()

                @pl.when(ck + 1 < n_chunks)
                def _pfb():
                    @pl.when(ck >= 1)
                    def _drain():
                        store(s0_idx, ck - 1, nxt).wait()

                    load_b(s0_idx, ck + 1, nxt).start()

                load_a(s1_idx, ck, cur).wait()

                @pl.when(ck + 1 < n_chunks)
                def _pfa():
                    load_a(s1_idx, ck + 1, nxt).start()

                mask(bufs_b[cur])
                store(s0_idx, ck, cur).start()
                accumulate(bufs_a[cur])

        store(s0_idx, n_chunks - 2, 0).wait()
        store(s0_idx, n_chunks - 1, 1).wait()
        load_b(s1_idx, 0, 0).start()
        finalize()

        @pl.loop(0, n_chunks, step=2)
        def _s3loop(t):
            for par in range(2):
                cur, nxt = par, 1 - par
                ck = t + par
                load_b(s1_idx, ck, cur).wait()

                @pl.when(ck + 1 < n_chunks)
                def _pf():
                    @pl.when(ck >= 1)
                    def _drain():
                        store(s1_idx, ck - 1, nxt).wait()

                    load_b(s1_idx, ck + 1, nxt).start()

                mask(bufs_b[cur])
                store(s1_idx, ck, cur).start()

        store(s1_idx, n_chunks - 2, 0).wait()
        store(s1_idx, n_chunks - 1, 1).wait()

    return _run(contributions)

# --- scband reference (transcript-rebuilt; emitter-appended) ---
"""Pipeline reference for scband-num-proto-loss-17858474017094 (READ-ONLY COPY).

The authoritative reference and input builder live on the scoring server;
editing this copy changes nothing except your own understanding.
"""

import jax, jax.numpy as jnp
import numpy as np

N_TOP = 4


def setup_inputs(seed: int = 0) -> dict:
    key = jax.random.key(seed)
    contributions = jax.random.normal(key, (64, 2048, 256), dtype=jnp.float32)
    return {"contributions": contributions}


def reference(contributions):
    # contributions: [n_samples, n_proto, n_class]
    n_samples, n_proto, n_class = contributions.shape
    # torch: contributions.argsort(dim=1, descending=True)[:, :n]
    args = jnp.argsort(-contributions, axis=1)[:, :N_TOP, :]  # [S, n, C]
    # build index grids matching torch's inds / other_inds construction
    s_idx = jnp.broadcast_to(jnp.arange(n_samples)[:, None, None], args.shape)
    c_idx = jnp.broadcast_to(jnp.arange(n_class)[None, None, :], args.shape)
    mask = jnp.ones_like(contributions)
    # torch: mask[tuple(zipped_args.T)] = 0  -> scatter-overwrite zeros at top-n protos per (sample, class)
    mask = mask.at[s_idx, args, c_idx].set(0.0)
    loss = contributions * mask
    # reduce=False -> return unreduced loss [S, P, C]
    return loss

if __name__ == "__main__":
    import jax
    _d = setup_inputs()
    print(jax.jit(kernel)(*tuple(_d.values())))

</pallas_src>

<mosaic_0001>
#map = affine_map<(d0, d1) -> (0, 0, 0)>
module attributes {stable_mosaic.version = 14 : i64} {
  func.func @_run(%arg0: i32, %arg1: i32, %arg2: memref<64x2048x256xf32, #tpu.memory_space<hbm>>, %arg3: memref<64x2048x256xf32, #tpu.memory_space<hbm>>, %arg4: memref<64x256xf32, #tpu.memory_space<vmem>>, %arg5: memref<64x256xf32, #tpu.memory_space<vmem>>, %arg6: memref<64x256xf32, #tpu.memory_space<vmem>>, %arg7: memref<64x256xf32, #tpu.memory_space<vmem>>, %arg8: memref<256x16xf32, #tpu.memory_space<vmem>>, %arg9: memref<16x16xf32, #tpu.memory_space<vmem>>, %arg10: memref<!tpu.dma_semaphore, #tpu.memory_space<semaphore_mem>>, %arg11: memref<!tpu.dma_semaphore, #tpu.memory_space<semaphore_mem>>, %arg12: memref<!tpu.dma_semaphore, #tpu.memory_space<semaphore_mem>>, %arg13: memref<!tpu.dma_semaphore, #tpu.memory_space<semaphore_mem>>, %arg14: memref<!tpu.dma_semaphore, #tpu.memory_space<semaphore_mem>>, %arg15: memref<!tpu.dma_semaphore, #tpu.memory_space<semaphore_mem>>) attributes {dimension_semantics = [#tpu.dimension_semantics<core_parallel>, #tpu.dimension_semantics<subcore_parallel>], iteration_bounds = array<i64: 2, 16>, scalar_prefetch = 0 : i64, scratch_operands = 12 : i64, tpu.core_type = #tpu.core_type<sc_vector_subcore>, window_params = [{transform_indices = #map}, {transform_indices = #map}]} {
    %mul3A = arith.constant 2 : i32
    %mul3A_0 = arith.muli %arg1, %mul3A : i32
    %add3A = arith.addi %mul3A_0, %arg0 : i32
    %broadcast_in_dim3A = arith.constant 0xFF800000 : f32
    %broadcast_in_dim3A_1 = vector.broadcast %broadcast_in_dim3A : f32 to vector<16xf32>
    %mul3A_2 = arith.constant 2 : i32
    %mul3A_3 = arith.muli %add3A, %mul3A_2 : i32
    %add3A_4 = arith.constant 1 : i32
    %add3A_5 = arith.addi %mul3A_3, %add3A_4 : i32
    %scan3A = arith.constant 0 : i32
    %scan3A_6 = arith.constant 256 : i32
    %scan3A_7 = arith.addi %scan3A, %scan3A_6 : i32
    %scan3A_8 = arith.constant 1 : i32
    scf.for %scan3A_102 = %scan3A to %scan3A_7 step %scan3A_8  : i32 {
      %mul3A_103 = arith.constant 1 : i32
      %mul3A_104 = arith.muli %scan3A_102, %mul3A_103 : i32
      %add3A_105 = arith.constant 0 : i32
      %add3A_106 = arith.addi %add3A_105, %mul3A_104 : i32
      %swap3A = arith.index_cast %add3A_106 : i32 to index
      %swap3A_107 = arith.constant 0 : index
      %swap3A_108 = tpu.vector_load %arg8[%swap3A, %swap3A_107] {strides = array<i32>} : memref<256x16xf32, #tpu.memory_space<vmem>>, vector<1x16xf32>,
      %swap3A_109 = vector.shape_cast %swap3A_108 : vector<1x16xf32> to vector<16xf32>
      %swap3A_110 = vector.shape_cast %broadcast_in_dim3A_1 : vector<16xf32> to vector<1x16xf32>
      tpu.vector_store %arg8[%swap3A, %swap3A_107], %swap3A_110 {strides = array<i32>} : memref<256x16xf32, #tpu.memory_space<vmem>>, vector<1x16xf32>,
    }
    %scan3A_9 = arith.constant 256 : i32
    %dma_start3A = arith.constant 0 : i32
    %dma_start3A_10 = arith.constant 0 : i32
    %dma_start3A_11 = tpu.memref_slice %arg2[%mul3A_3, %dma_start3A, %dma_start3A_10] : memref<64x2048x256xf32, #tpu.memory_space<hbm>> -> memref<1x64x256xf32, #tpu.memory_space<hbm>>
    %dma_start3A_12 = tpu.memref_squeeze %dma_start3A_11 : memref<1x64x256xf32, #tpu.memory_space<hbm>> -> memref<64x256xf32, #tpu.memory_space<hbm>>
    %dma_start3A_13 = arith.constant 0 : i32
    %dma_start3A_14 = arith.constant 0 : i32
    %dma_start3A_15 = tpu.memref_slice %arg2[%mul3A_3, %dma_start3A_13, %dma_start3A_14] : memref<64x2048x256xf32, #tpu.memory_space<hbm>> -> memref<1x64x256xf32, #tpu.memory_space<hbm>>
    %dma_start3A_16 = tpu.memref_squeeze %dma_start3A_15 : memref<1x64x256xf32, #tpu.memory_space<hbm>> -> memref<64x256xf32, #tpu.memory_space<hbm>>
    tpu.enqueue_dma source(%dma_start3A_16 : memref<64x256xf32, #tpu.memory_space<hbm>>) target(%arg4 : memref<64x256xf32, #tpu.memory_space<vmem>>) target_semaphore(%arg10 : memref<!tpu.dma_semaphore, #tpu.memory_space<semaphore_mem>>)
    %scan3A_17 = arith.constant 0 : i32
    %scan3A_18 = arith.constant 16 : i32
    %scan3A_19 = arith.addi %scan3A_17, %scan3A_18 : i32
    %scan3A_20 = arith.constant 1 : i32
    scf.for %scan3A_102 = %scan3A_17 to %scan3A_19 step %scan3A_20  : i32 {
      %mul3A_103 = arith.constant 2 : i32
      %mul3A_104 = arith.muli %scan3A_102, %mul3A_103 : i32
      %add3A_105 = arith.constant 0 : i32
      %add3A_106 = arith.addi %add3A_105, %mul3A_104 : i32
      %add3A_107 = arith.constant 0 : i32
      %add3A_108 = arith.addi %add3A_106, %add3A_107 : i32
      %mul3A_109 = arith.constant 64 : i32
      %mul3A_110 = arith.muli %add3A_108, %mul3A_109 : i32
      %dma_wait3A_111 = arith.constant 0 : i32
      %dma_wait3A_112 = tpu.memref_slice %arg2[%mul3A_3, %mul3A_110, %dma_wait3A_111] : memref<64x2048x256xf32, #tpu.memory_space<hbm>> -> memref<1x64x256xf32, #tpu.memory_space<hbm>>
      %dma_wait3A_113 = tpu.memref_squeeze %dma_wait3A_112 : memref<1x64x256xf32, #tpu.memory_space<hbm>> -> memref<64x256xf32, #tpu.memory_space<hbm>>
      %dma_wait3A_114 = arith.constant 0 : i32
      %dma_wait3A_115 = tpu.memref_slice %arg2[%mul3A_3, %mul3A_110, %dma_wait3A_114] : memref<64x2048x256xf32, #tpu.memory_space<hbm>> -> memref<1x64x256xf32, #tpu.memory_space<hbm>>
      %dma_wait3A_116 = tpu.memref_squeeze %dma_wait3A_115 : memref<1x64x256xf32, #tpu.memory_space<hbm>> -> memref<64x256xf32, #tpu.memory_space<hbm>>
      tpu.wait_dma2 semaphore(%arg10 : memref<!tpu.dma_semaphore, #tpu.memory_space<semaphore_mem>>) src(%dma_wait3A_116 : memref<64x256xf32, #tpu.memory_space<hbm>>) dst(%arg4 : memref<64x256xf32, #tpu.memory_space<vmem>>)
      %add3A_117 = arith.constant 1 : i32
      %add3A_118 = arith.addi %add3A_108, %add3A_117 : i32
      %lt3A = arith.constant 32 : i32
      %lt3A_119 = arith.cmpi slt, %add3A_118, %lt3A : i32
      %convert_element_type3A = arith.extui %lt3A_119 : i1 to i32
      %cond3A = arith.constant 0 : i32
      %cond3A_120 = arith.cmpi ne, %convert_element_type3A, %cond3A : i32
      scf.if %cond3A_120 {
        %add3A_148 = arith.constant 1 : i32
        %add3A_149 = arith.addi %add3A_108, %add3A_148 : i32
        %mul3A_150 = arith.constant 64 : i32
        %mul3A_151 = arith.muli %add3A_149, %mul3A_150 : i32
        %dma_start3A_152 = arith.constant 0 : i32
        %dma_start3A_153 = tpu.memref_slice %arg2[%mul3A_3, %mul3A_151, %dma_start3A_152] : memref<64x2048x256xf32, #tpu.memory_space<hbm>> -> memref<1x64x256xf32, #tpu.memory_space<hbm>>
        %dma_start3A_154 = tpu.memref_squeeze %dma_start3A_153 : memref<1x64x256xf32, #tpu.memory_space<hbm>> -> memref<64x256xf32, #tpu.memory_space<hbm>>
        %dma_start3A_155 = arith.constant 0 : i32
        %dma_start3A_156 = tpu.memref_slice %arg2[%mul3A_3, %mul3A_151, %dma_start3A_155] : memref<64x2048x256xf32, #tpu.memory_space<hbm>> -> memref<1x64x256xf32, #tpu.memory_space<hbm>>
        %dma_start3A_157 = tpu.memref_squeeze %dma_start3A_156 : memref<1x64x256xf32, #tpu.memory_space<hbm>> -> memref<64x256xf32, #tpu.memory_space<hbm>>
        tpu.enqueue_dma source(%dma_start3A_157 : memref<64x256xf32, #tpu.memory_space<hbm>>) target(%arg5 : memref<64x256xf32, #tpu.memory_space<vmem>>) target_semaphore(%arg11 : memref<!tpu.dma_semaphore, #tpu.memory_space<semaphore_mem>>)
      } else {
      }
      %scan3A_121 = arith.constant 0 : i32
      %scan3A_122 = arith.constant 16 : i32
      %scan3A_123 = arith.addi %scan3A_121, %scan3A_122 : i32
      %scan3A_124 = arith.constant 1 : i32
      scf.for %scan3A_148 = %scan3A_121 to %scan3A_123 step %scan3A_124  : i32 {
        %mul3A_149 = arith.constant 1 : i32
        %mul3A_150 = arith.muli %scan3A_148, %mul3A_149 : i32
        %add3A_151 = arith.constant 0 : i32
        %add3A_152 = arith.addi %add3A_151, %mul3A_150 : i32
        %mul3A_153 = arith.constant 16 : i32
        %mul3A_154 = arith.muli %add3A_152, %mul3A_153 : i32
        %add3A_155 = arith.constant 0 : i32
        %add3A_156 = arith.addi %mul3A_154, %add3A_155 : i32
        %add3A_157 = arith.constant 0 : i32
        %add3A_158 = arith.addi %add3A_156, %add3A_157 : i32
        %get3A = arith.index_cast %add3A_158 : i32 to index
        %get3A_159 = arith.constant 0 : index
        %get3A_160 = tpu.vector_load %arg8[%get3A, %get3A_159] {strides = array<i32>} : memref<256x16xf32, #tpu.memory_space<vmem>>, vector<1x16xf32>,
        %get3A_161 = vector.shape_cast %get3A_160 : vector<1x16xf32> to vector<16xf32>
        %add3A_162 = arith.constant 0 : i32
        %add3A_163 = arith.addi %mul3A_154, %add3A_162 : i32
        %add3A_164 = arith.constant 1 : i32
        %add3A_165 = arith.addi %add3A_163, %add3A_164 : i32
        %get3A_166 = arith.index_cast %add3A_165 : i32 to index
        %get3A_167 = arith.constant 0 : index
        %get3A_168 = tpu.vector_load %arg8[%get3A_166, %get3A_167] {strides = array<i32>} : memref<256x16xf32, #tpu.memory_space<vmem>>, vector<1x16xf32>,
        %get3A_169 = vector.shape_cast %get3A_168 : vector<1x16xf32> to vector<16xf32>
        %add3A_170 = arith.constant 0 : i32
        %add3A_171 = arith.addi %mul3A_154, %add3A_170 : i32
        %add3A_172 = arith.constant 2 : i32
        %add3A_173 = arith.addi %add3A_171, %add3A_172 : i32
        %get3A_174 = arith.index_cast %add3A_173 : i32 to index
        %get3A_175 = arith.constant 0 : index
        %get3A_176 = tpu.vector_load %arg8[%get3A_174, %get3A_175] {strides = array<i32>} : memref<256x16xf32, #tpu.memory_space<vmem>>, vector<1x16xf32>,
        %get3A_177 = vector.shape_cast %get3A_176 : vector<1x16xf32> to vector<16xf32>
        %add3A_178 = arith.constant 0 : i32
        %add3A_179 = arith.addi %mul3A_154, %add3A_178 : i32
        %add3A_180 = arith.constant 3 : i32
        %add3A_181 = arith.addi %add3A_179, %add3A_180 : i32
        %get3A_182 = arith.index_cast %add3A_181 : i32 to index
        %get3A_183 = arith.constant 0 : index
        %get3A_184 = tpu.vector_load %arg8[%get3A_182, %get3A_183] {strides = array<i32>} : memref<256x16xf32, #tpu.memory_space<vmem>>, vector<1x16xf32>,
        %get3A_185 = vector.shape_cast %get3A_184 : vector<1x16xf32> to vector<16xf32>
        %add3A_186 = arith.constant 4 : i32
        %add3A_187 = arith.addi %mul3A_154, %add3A_186 : i32
        %add3A_188 = arith.constant 0 : i32
        %add3A_189 = arith.addi %add3A_187, %add3A_188 : i32
        %get3A_190 = arith.index_cast %add3A_189 : i32 to index
        %get3A_191 = arith.constant 0 : index
        %get3A_192 = tpu.vector_load %arg8[%get3A_190, %get3A_191] {strides = array<i32>} : memref<256x16xf32, #tpu.memory_space<vmem>>, vector<1x16xf32>,
        %get3A_193 = vector.shape_cast %get3A_192 : vector<1x16xf32> to vector<16xf32>
        %add3A_194 = arith.constant 4 : i32
        %add3A_195 = arith.addi %mul3A_154, %add3A_194 : i32
        %add3A_196 = arith.constant 1 : i32
        %add3A_197 = arith.addi %add3A_195, %add3A_196 : i32
        %get3A_198 = arith.index_cast %add3A_197 : i32 to index
        %get3A_199 = arith.constant 0 : index
        %get3A_200 = tpu.vector_load %arg8[%get3A_198, %get3A_199] {strides = array<i32>} : memref<256x16xf32, #tpu.memory_space<vmem>>, vector<1x16xf32>,
        %get3A_201 = vector.shape_cast %get3A_200 : vector<1x16xf32> to vector<16xf32>
        %add3A_202 = arith.constant 4 : i32
        %add3A_203 = arith.addi %mul3A_154, %add3A_202 : i32
        %add3A_204 = arith.constant 2 : i32
        %add3A_205 = arith.addi %add3A_203, %add3A_204 : i32
        %get3A_206 = arith.index_cast %add3A_205 : i32 to index
        %get3A_207 = arith.constant 0 : index
        %get3A_208 = tpu.vector_load %arg8[%get3A_206, %get3A_207] {strides = array<i32>} : memref<256x16xf32, #tpu.memory_space<vmem>>, vector<1x16xf32>,
        %get3A_209 = vector.shape_cast %get3A_208 : vector<1x16xf32> to vector<16xf32>
        %add3A_210 = arith.constant 4 : i32
        %add3A_211 = arith.addi %mul3A_154, %add3A_210 : i32
        %add3A_212 = arith.constant 3 : i32
        %add3A_213 = arith.addi %add3A_211, %add3A_212 : i32
        %get3A_214 = arith.index_cast %add3A_213 : i32 to index
        %get3A_215 = arith.constant 0 : index
        %get3A_216 = tpu.vector_load %arg8[%get3A_214, %get3A_215] {strides = array<i32>} : memref<256x16xf32, #tpu.memory_space<vmem>>, vector<1x16xf32>,
        %get3A_217 = vector.shape_cast %get3A_216 : vector<1x16xf32> to vector<16xf32>
        %add3A_218 = arith.constant 8 : i32
        %add3A_219 = arith.addi %mul3A_154, %add3A_218 : i32
        %add3A_220 = arith.constant 0 : i32
        %add3A_221 = arith.addi %add3A_219, %add3A_220 : i32
        %get3A_222 = arith.index_cast %add3A_221 : i32 to index
        %get3A_223 = arith.constant 0 : index
        %get3A_224 = tpu.vector_load %arg8[%get3A_222, %get3A_223] {strides = array<i32>} : memref<256x16xf32, #tpu.memory_space<vmem>>, vector<1x16xf32>,
        %get3A_225 = vector.shape_cast %get3A_224 : vector<1x16xf32> to vector<16xf32>
        %add3A_226 = arith.constant 8 : i32
        %add3A_227 = arith.addi %mul3A_154, %add3A_226 : i32
        %add3A_228 = arith.constant 1 : i32
        %add3A_229 = arith.addi %add3A_227, %add3A_228 : i32
        %get3A_230 = arith.index_cast %add3A_229 : i32 to index
        %get3A_231 = arith.constant 0 : index
        %get3A_232 = tpu.vector_load %arg8[%get3A_230, %get3A_231] {strides = array<i32>} : memref<256x16xf32, #tpu.memory_space<vmem>>, vector<1x16xf32>,
        %get3A_233 = vector.shape_cast %get3A_232 : vector<1x16xf32> to vector<16xf32>
        %add3A_234 = arith.constant 8 : i32
        %add3A_235 = arith.addi %mul3A_154, %add3A_234 : i32
        %add3A_236 = arith.constant 2 : i32
        %add3A_237 = arith.addi %add3A_235, %add3A_236 : i32
        %get3A_238 = arith.index_cast %add3A_237 : i32 to index
        %get3A_239 = arith.constant 0 : index
        %get3A_240 = tpu.vector_load %arg8[%get3A_238, %get3A_239] {strides = array<i32>} : memref<256x16xf32, #tpu.memory_space<vmem>>, vector<1x16xf32>,
        %get3A_241 = vector.shape_cast %get3A_240 : vector<1x16xf32> to vector<16xf32>
        %add3A_242 = arith.constant 8 : i32
        %add3A_243 = arith.addi %mul3A_154, %add3A_242 : i32
        %add3A_244 = arith.constant 3 : i32
        %add3A_245 = arith.addi %add3A_243, %add3A_244 : i32
        %get3A_246 = arith.index_cast %add3A_245 : i32 to index
        %get3A_247 = arith.constant 0 : index
        %get3A_248 = tpu.vector_load %arg8[%get3A_246, %get3A_247] {strides = array<i32>} : memref<256x16xf32, #tpu.memory_space<vmem>>, vector<1x16xf32>,
        %get3A_249 = vector.shape_cast %get3A_248 : vector<1x16xf32> to vector<16xf32>
        %add3A_250 = arith.constant 12 : i32
        %add3A_251 = arith.addi %mul3A_154, %add3A_250 : i32
        %add3A_252 = arith.constant 0 : i32
        %add3A_253 = arith.addi %add3A_251, %add3A_252 : i32
        %get3A_254 = arith.index_cast %add3A_253 : i32 to index
        %get3A_255 = arith.constant 0 : index
        %get3A_256 = tpu.vector_load %arg8[%get3A_254, %get3A_255] {strides = array<i32>} : memref<256x16xf32, #tpu.memory_space<vmem>>, vector<1x16xf32>,
        %get3A_257 = vector.shape_cast %get3A_256 : vector<1x16xf32> to vector<16xf32>
        %add3A_258 = arith.constant 12 : i32
        %add3A_259 = arith.addi %mul3A_154, %add3A_258 : i32
        %add3A_260 = arith.constant 1 : i32
        %add3A_261 = arith.addi %add3A_259, %add3A_260 : i32
        %get3A_262 = arith.index_cast %add3A_261 : i32 to index
        %get3A_263 = arith.constant 0 : index
        %get3A_264 = tpu.vector_load %arg8[%get3A_262, %get3A_263] {strides = array<i32>} : memref<256x16xf32, #tpu.memory_space<vmem>>, vector<1x16xf32>,
        %get3A_265 = vector.shape_cast %get3A_264 : vector<1x16xf32> to vector<16xf32>
        %add3A_266 = arith.constant 12 : i32
        %add3A_267 = arith.addi %mul3A_154, %add3A_266 : i32
        %add3A_268 = arith.constant 2 : i32
        %add3A_269 = arith.addi %add3A_267, %add3A_268 : i32
        %get3A_270 = arith.index_cast %add3A_269 : i32 to index
        %get3A_271 = arith.constant 0 : index
        %get3A_272 = tpu.vector_load %arg8[%get3A_270, %get3A_271] {strides = array<i32>} : memref<256x16xf32, #tpu.memory_space<vmem>>, vector<1x16xf32>,
        %get3A_273 = vector.shape_cast %get3A_272 : vector<1x16xf32> to vector<16xf32>
        %add3A_274 = arith.constant 12 : i32
        %add3A_275 = arith.addi %mul3A_154, %add3A_274 : i32
        %add3A_276 = arith.constant 3 : i32
        %add3A_277 = arith.addi %add3A_275, %add3A_276 : i32
        %get3A_278 = arith.index_cast %add3A_277 : i32 to index
        %get3A_279 = arith.constant 0 : index
        %get3A_280 = tpu.vector_load %arg8[%get3A_278, %get3A_279] {strides = array<i32>} : memref<256x16xf32, #tpu.memory_space<vmem>>, vector<1x16xf32>,
        %get3A_281 = vector.shape_cast %get3A_280 : vector<1x16xf32> to vector<16xf32>
        %scan3A_282 = arith.constant 0 : i32
        %scan3A_283 = arith.constant 4 : i32
        %scan3A_284 = arith.addi %scan3A_282, %scan3A_283 : i32
        %scan3A_285 = arith.constant 1 : i32
        %scan3A_286:16 = scf.for %scan3A_399 = %scan3A_282 to %scan3A_284 step %scan3A_285 iter_args(%scan3A_400 = %get3A_161, %scan3A_401 = %get3A_169, %scan3A_402 = %get3A_177, %scan3A_403 = %get3A_185, %scan3A_404 = %get3A_193, %scan3A_405 = %get3A_201, %scan3A_406 = %get3A_209, %scan3A_407 = %get3A_217, %scan3A_408 = %get3A_225, %scan3A_409 = %get3A_233, %scan3A_410 = %get3A_241, %scan3A_411 = %get3A_249, %scan3A_412 = %get3A_257, %scan3A_413 = %get3A_265, %scan3A_414 = %get3A_273, %scan3A_415 = %get3A_281) -> (vector<16xf32>, vector<16xf32>, vector<16xf32>, vector<16xf32>, vector<16xf32>, vector<16xf32>, vector<16xf32>, vector<16xf32>, vector<16xf32>, vector<16xf32>, vector<16xf32>, vector<16xf32>, vector<16xf32>, vector<16xf32>, vector<16xf32>, vector<16xf32>)  : i32 {
          %mul3A_416 = arith.constant 16 : i32
          %mul3A_417 = arith.muli %scan3A_399, %mul3A_416 : i32
          %add3A_418 = arith.constant 0 : i32
          %add3A_419 = arith.addi %mul3A_417, %add3A_418 : i32
          %add3A_420 = arith.constant 0 : i32
          %add3A_421 = arith.addi %add3A_419, %add3A_420 : i32
          %mul3A_422 = arith.constant 16 : i32
          %mul3A_423 = arith.muli %add3A_152, %mul3A_422 : i32
          %get3A_424 = arith.index_cast %add3A_421 : i32 to index
          %get3A_425 = arith.index_cast %mul3A_423 : i32 to index
          %get3A_426 = tpu.vector_load %arg4[%get3A_424, %get3A_425] {strides = array<i32>} : memref<64x256xf32, #tpu.memory_space<vmem>>, vector<1x16xf32>,
          %get3A_427 = vector.shape_cast %get3A_426 : vector<1x16xf32> to vector<16xf32>
          %add3A_428 = arith.constant 1 : i32
          %add3A_429 = arith.addi %add3A_419, %add3A_428 : i32
          %mul3A_430 = arith.constant 16 : i32
          %mul3A_431 = arith.muli %add3A_152, %mul3A_430 : i32
          %get3A_432 = arith.index_cast %add3A_429 : i32 to index
          %get3A_433 = arith.index_cast %mul3A_431 : i32 to index
          %get3A_434 = tpu.vector_load %arg4[%get3A_432, %get3A_433] {strides = array<i32>} : memref<64x256xf32, #tpu.memory_space<vmem>>, vector<1x16xf32>,
          %get3A_435 = vector.shape_cast %get3A_434 : vector<1x16xf32> to vector<16xf32>
          %add3A_436 = arith.constant 2 : i32
          %add3A_437 = arith.addi %add3A_419, %add3A_436 : i32
          %mul3A_438 = arith.constant 16 : i32
          %mul3A_439 = arith.muli %add3A_152, %mul3A_438 : i32
          %get3A_440 = arith.index_cast %add3A_437 : i32 to index
          %get3A_441 = arith.index_cast %mul3A_439 : i32 to index
          %get3A_442 = tpu.vector_load %arg4[%get3A_440, %get3A_441] {strides = array<i32>} : memref<64x256xf32, #tpu.memory_space<vmem>>, vector<1x16xf32>,
          %get3A_443 = vector.shape_cast %get3A_442 : vector<1x16xf32> to vector<16xf32>
          %add3A_444 = arith.constant 3 : i32
          %add3A_445 = arith.addi %add3A_419, %add3A_444 : i32
          %mul3A_446 = arith.constant 16 : i32
          %mul3A_447 = arith.muli %add3A_152, %mul3A_446 : i32
          %get3A_448 = arith.index_cast %add3A_445 : i32 to index
          %get3A_449 = arith.index_cast %mul3A_447 : i32 to index
          %get3A_450 = tpu.vector_load %arg4[%get3A_448, %get3A_449] {strides = array<i32>} : memref<64x256xf32, #tpu.memory_space<vmem>>, vector<1x16xf32>,
          %get3A_451 = vector.shape_cast %get3A_450 : vector<1x16xf32> to vector<16xf32>
          %max3A = arith.maximumf %get3A_427, %get3A_435 : vector<16xf32>
          %min3A = arith.minimumf %get3A_427, %get3A_435 : vector<16xf32>
          %max3A_452 = arith.maximumf %get3A_443, %get3A_451 : vector<16xf32>
          %min3A_453 = arith.minimumf %get3A_443, %get3A_451 : vector<16xf32>
          %max3A_454 = arith.maximumf %max3A, %max3A_452 : vector<16xf32>
          %min3A_455 = arith.minimumf %max3A, %max3A_452 : vector<16xf32>
          %max3A_456 = arith.maximumf %min3A, %min3A_453 : vector<16xf32>
          %min3A_457 = arith.minimumf %min3A, %min3A_453 : vector<16xf32>
          %max3A_458 = arith.maximumf %max3A_456, %min3A_455 : vector<16xf32>
          %min3A_459 = arith.minimumf %max3A_456, %min3A_455 : vector<16xf32>
          %max3A_460 = arith.maximumf %scan3A_400, %min3A_457 : vector<16xf32>
          %max3A_461 = arith.maximumf %scan3A_401, %min3A_459 : vector<16xf32>
          %max3A_462 = arith.maximumf %scan3A_402, %max3A_458 : vector<16xf32>
          %max3A_463 = arith.maximumf %scan3A_403, %max3A_454 : vector<16xf32>
          %max3A_464 = arith.maximumf %max3A_460, %max3A_462 : vector<16xf32>
          %min3A_465 = arith.minimumf %max3A_460, %max3A_462 : vector<16xf32>
          %max3A_466 = arith.maximumf %max3A_461, %max3A_463 : vector<16xf32>
          %min3A_467 = arith.minimumf %max3A_461, %max3A_463 : vector<16xf32>
          %max3A_468 = arith.maximumf %max3A_464, %max3A_466 : vector<16xf32>
          %min3A_469 = arith.minimumf %max3A_464, %max3A_466 : vector<16xf32>
          %max3A_470 = arith.maximumf %min3A_465, %min3A_467 : vector<16xf32>
          %min3A_471 = arith.minimumf %min3A_465, %min3A_467 : vector<16xf32>
          %mul3A_472 = arith.constant 16 : i32
          %mul3A_473 = arith.muli %scan3A_399, %mul3A_472 : i32
          %add3A_474 = arith.constant 4 : i32
          %add3A_475 = arith.addi %mul3A_473, %add3A_474 : i32
          %add3A_476 = arith.constant 0 : i32
          %add3A_477 = arith.addi %add3A_475, %add3A_476 : i32
          %mul3A_478 = arith.constant 16 : i32
          %mul3A_479 = arith.muli %add3A_152, %mul3A_478 : i32
          %get3A_480 = arith.index_cast %add3A_477 : i32 to index
          %get3A_481 = arith.index_cast %mul3A_479 : i32 to index
          %get3A_482 = tpu.vector_load %arg4[%get3A_480, %get3A_481] {strides = array<i32>} : memref<64x256xf32, #tpu.memory_space<vmem>>, vector<1x16xf32>,
          %get3A_483 = vector.shape_cast %get3A_482 : vector<1x16xf32> to vector<16xf32>
          %add3A_484 = arith.constant 1 : i32
          %add3A_485 = arith.addi %add3A_475, %add3A_484 : i32
          %mul3A_486 = arith.constant 16 : i32
          %mul3A_487 = arith.muli %add3A_152, %mul3A_486 : i32
          %get3A_488 = arith.index_cast %add3A_485 : i32 to index
          %get3A_489 = arith.index_cast %mul3A_487 : i32 to index
          %get3A_490 = tpu.vector_load %arg4[%get3A_488, %get3A_489] {strides = array<i32>} : memref<64x256xf32, #tpu.memory_space<vmem>>, vector<1x16xf32>,
          %get3A_491 = vector.shape_cast %get3A_490 : vector<1x16xf32> to vector<16xf32>
          %add3A_492 = arith.constant 2 : i32
          %add3A_493 = arith.addi %add3A_475, %add3A_492 : i32
          %mul3A_494 = arith.constant 16 : i32
          %mul3A_495 = arith.muli %add3A_152, %mul3A_494 : i32
          %get3A_496 = arith.index_cast %add3A_493 : i32 to index
          %get3A_497 = arith.index_cast %mul3A_495 : i32 to index
          %get3A_498 = tpu.vector_load %arg4[%get3A_496, %get3A_497] {strides = array<i32>} : memref<64x256xf32, #tpu.memory_space<vmem>>, vector<1x16xf32>,
          %get3A_499 = vector.shape_cast %get3A_498 : vector<1x16xf32> to vector<16xf32>
          %add3A_500 = arith.constant 3 : i32
          %add3A_501 = arith.addi %add3A_475, %add3A_500 : i32
          %mul3A_502 = arith.constant 16 : i32
          %mul3A_503 = arith.muli %add3A_152, %mul3A_502 : i32
          %get3A_504 = arith.index_cast %add3A_501 : i32 to index
          %get3A_505 = arith.index_cast %mul3A_503 : i32 to index
          %get3A_506 = tpu.vector_load %arg4[%get3A_504, %get3A_505] {strides = array<i32>} : memref<64x256xf32, #tpu.memory_space<vmem>>, vector<1x16xf32>,
          %get3A_507 = vector.shape_cast %get3A_506 : vector<1x16xf32> to vector<16xf32>
          %max3A_508 = arith.maximumf %get3A_483, %get3A_491 : vector<16xf32>
          %min3A_509 = arith.minimumf %get3A_483, %get3A_491 : vector<16xf32>
          %max3A_510 = arith.maximumf %get3A_499, %get3A_507 : vector<16xf32>
          %min3A_511 = arith.minimumf %get3A_499, %get3A_507 : vector<16xf32>
          %max3A_512 = arith.maximumf %max3A_508, %max3A_510 : vector<16xf32>
          %min3A_513 = arith.minimumf %max3A_508, %max3A_510 : vector<16xf32>
          %max3A_514 = arith.maximumf %min3A_509, %min3A_511 : vector<16xf32>
          %min3A_515 = arith.minimumf %min3A_509, %min3A_511 : vector<16xf32>
          %max3A_516 = arith.maximumf %max3A_514, %min3A_513 : vector<16xf32>
          %min3A_517 = arith.minimumf %max3A_514, %min3A_513 : vector<16xf32>
          %max3A_518 = arith.maximumf %scan3A_404, %min3A_515 : vector<16xf32>
          %max3A_519 = arith.maximumf %scan3A_405, %min3A_517 : vector<16xf32>
          %max3A_520 = arith.maximumf %scan3A_406, %max3A_516 : vector<16xf32>
          %max3A_521 = arith.maximumf %scan3A_407, %max3A_512 : vector<16xf32>
          %max3A_522 = arith.maximumf %max3A_518, %max3A_520 : vector<16xf32>
          %min3A_523 = arith.minimumf %max3A_518, %max3A_520 : vector<16xf32>
          %max3A_524 = arith.maximumf %max3A_519, %max3A_521 : vector<16xf32>
          %min3A_525 = arith.minimumf %max3A_519, %max3A_521 : vector<16xf32>
          %max3A_526 = arith.maximumf %max3A_522, %max3A_524 : vector<16xf32>
          %min3A_527 = arith.minimumf %max3A_522, %max3A_524 : vector<16xf32>
          %max3A_528 = arith.maximumf %min3A_523, %min3A_525 : vector<16xf32>
          %min3A_529 = arith.minimumf %min3A_523, %min3A_525 : vector<16xf32>
          %mul3A_530 = arith.constant 16 : i32
          %mul3A_531 = arith.muli %scan3A_399, %mul3A_530 : i32
          %add3A_532 = arith.constant 8 : i32
          %add3A_533 = arith.addi %mul3A_531, %add3A_532 : i32
          %add3A_534 = arith.constant 0 : i32
          %add3A_535 = arith.addi %add3A_533, %add3A_534 : i32
          %mul3A_536 = arith.constant 16 : i32
          %mul3A_537 = arith.muli %add3A_152, %mul3A_536 : i32
          %get3A_538 = arith.index_cast %add3A_535 : i32 to index
          %get3A_539 = arith.index_cast %mul3A_537 : i32 to index
          %get3A_540 = tpu.vector_load %arg4[%get3A_538, %get3A_539] {strides = array<i32>} : memref<64x256xf32, #tpu.memory_space<vmem>>, vector<1x16xf32>,
          %get3A_541 = vector.shape_cast %get3A_540 : vector<1x16xf32> to vector<16xf32>
          %add3A_542 = arith.constant 1 : i32
          %add3A_543 = arith.addi %add3A_533, %add3A_542 : i32
          %mul3A_544 = arith.constant 16 : i32
          %mul3A_545 = arith.muli %add3A_152, %mul3A_544 : i32
          %get3A_546 = arith.index_cast %add3A_543 : i32 to index
          %get3A_547 = arith.index_cast %mul3A_545 : i32 to index
          %get3A_548 = tpu.vector_load %arg4[%get3A_546, %get3A_547] {strides = array<i32>} : memref<64x256xf32, #tpu.memory_space<vmem>>, vector<1x16xf32>,
          %get3A_549 = vector.shape_cast %get3A_548 : vector<1x16xf32> to vector<16xf32>
          %add3A_550 = arith.constant 2 : i32
          %add3A_551 = arith.addi %add3A_533, %add3A_550 : i32
          %mul3A_552 = arith.constant 16 : i32
          %mul3A_553 = arith.muli %add3A_152, %mul3A_552 : i32
          %get3A_554 = arith.index_cast %add3A_551 : i32 to index
          %get3A_555 = arith.index_cast %mul3A_553 : i32 to index
          %get3A_556 = tpu.vector_load %arg4[%get3A_554, %get3A_555] {strides = array<i32>} : memref<64x256xf32, #tpu.memory_space<vmem>>, vector<1x16xf32>,
          %get3A_557 = vector.shape_cast %get3A_556 : vector<1x16xf32> to vector<16xf32>
          %add3A_558 = arith.constant 3 : i32
          %add3A_559 = arith.addi %add3A_533, %add3A_558 : i32
          %mul3A_560 = arith.constant 16 : i32
          %mul3A_561 = arith.muli %add3A_152, %mul3A_560 : i32
          %get3A_562 = arith.index_cast %add3A_559 : i32 to index
          %get3A_563 = arith.index_cast %mul3A_561 : i32 to index
          %get3A_564 = tpu.vector_load %arg4[%get3A_562, %get3A_563] {strides = array<i32>} : memref<64x256xf32, #tpu.memory_space<vmem>>, vector<1x16xf32>,
          %get3A_565 = vector.shape_cast %get3A_564 : vector<1x16xf32> to vector<16xf32>
          %max3A_566 = arith.maximumf %get3A_541, %get3A_549 : vector<16xf32>
          %min3A_567 = arith.minimumf %get3A_541, %get3A_549 : vector<16xf32>
          %max3A_568 = arith.maximumf %get3A_557, %get3A_565 : vector<16xf32>
          %min3A_569 = arith.minimumf %get3A_557, %get3A_565 : vector<16xf32>
          %max3A_570 = arith.maximumf %max3A_566, %max3A_568 : vector<16xf32>
          %min3A_571 = arith.minimumf %max3A_566, %max3A_568 : vector<16xf32>
          %max3A_572 = arith.maximumf %min3A_567, %min3A_569 : vector<16xf32>
          %min3A_573 = arith.minimumf %min3A_567, %min3A_569 : vector<16xf32>
          %max3A_574 = arith.maximumf %max3A_572, %min3A_571 : vector<16xf32>
          %min3A_575 = arith.minimumf %max3A_572, %min3A_571 : vector<16xf32>
          %max3A_576 = arith.maximumf %scan3A_408, %min3A_573 : vector<16xf32>
          %max3A_577 = arith.maximumf %scan3A_409, %min3A_575 : vector<16xf32>
          %max3A_578 = arith.maximumf %scan3A_410, %max3A_574 : vector<16xf32>
          %max3A_579 = arith.maximumf %scan3A_411, %max3A_570 : vector<16xf32>
          %max3A_580 = arith.maximumf %max3A_576, %max3A_578 : vector<16xf32>
          %min3A_581 = arith.minimumf %max3A_576, %max3A_578 : vector<16xf32>
          %max3A_582 = arith.maximumf %max3A_577, %max3A_579 : vector<16xf32>
          %min3A_583 = arith.minimumf %max3A_577, %max3A_579 : vector<16xf32>
          %max3A_584 = arith.maximumf %max3A_580, %max3A_582 : vector<16xf32>
          %min3A_585 = arith.minimumf %max3A_580, %max3A_582 : vector<16xf32>
          %max3A_586 = arith.maximumf %min3A_581, %min3A_583 : vector<16xf32>
          %min3A_587 = arith.minimumf %min3A_581, %min3A_583 : vector<16xf32>
          %mul3A_588 = arith.constant 16 : i32
          %mul3A_589 = arith.muli %scan3A_399, %mul3A_588 : i32
          %add3A_590 = arith.constant 12 : i32
          %add3A_591 = arith.addi %mul3A_589, %add3A_590 : i32
          %add3A_592 = arith.constant 0 : i32
          %add3A_593 = arith.addi %add3A_591, %add3A_592 : i32
          %mul3A_594 = arith.constant 16 : i32
          %mul3A_595 = arith.muli %add3A_152, %mul3A_594 : i32
          %get3A_596 = arith.index_cast %add3A_593 : i32 to index
          %get3A_597 = arith.index_cast %mul3A_595 : i32 to index
          %get3A_598 = tpu.vector_load %arg4[%get3A_596, %get3A_597] {strides = array<i32>} : memref<64x256xf32, #tpu.memory_space<vmem>>, vector<1x16xf32>,
          %get3A_599 = vector.shape_cast %get3A_598 : vector<1x16xf32> to vector<16xf32>
          %add3A_600 = arith.constant 1 : i32
          %add3A_601 = arith.addi %add3A_591, %add3A_600 : i32
          %mul3A_602 = arith.constant 16 : i32
          %mul3A_603 = arith.muli %add3A_152, %mul3A_602 : i32
          %get3A_604 = arith.index_cast %add3A_601 : i32 to index
          %get3A_605 = arith.index_cast %mul3A_603 : i32 to index
          %get3A_606 = tpu.vector_load %arg4[%get3A_604, %get3A_605] {strides = array<i32>} : memref<64x256xf32, #tpu.memory_space<vmem>>, vector<1x16xf32>,
          %get3A_607 = vector.shape_cast %get3A_606 : vector<1x16xf32> to vector<16xf32>
          %add3A_608 = arith.constant 2 : i32
          %add3A_609 = arith.addi %add3A_591, %add3A_608 : i32
          %mul3A_610 = arith.constant 16 : i32
          %mul3A_611 = arith.muli %add3A_152, %mul3A_610 : i32
          %get3A_612 = arith.index_cast %add3A_609 : i32 to index
          %get3A_613 = arith.index_cast %mul3A_611 : i32 to index
          %get3A_614 = tpu.vector_load %arg4[%get3A_612, %get3A_613] {strides = array<i32>} : memref<64x256xf32, #tpu.memory_space<vmem>>, vector<1x16xf32>,
          %get3A_615 = vector.shape_cast %get3A_614 : vector<1x16xf32> to vector<16xf32>
          %add3A_616 = arith.constant 3 : i32
          %add3A_617 = arith.addi %add3A_591, %add3A_616 : i32
          %mul3A_618 = arith.constant 16 : i32
          %mul3A_619 = arith.muli %add3A_152, %mul3A_618 : i32
          %get3A_620 = arith.index_cast %add3A_617 : i32 to index
          %get3A_621 = arith.index_cast %mul3A_619 : i32 to index
          %get3A_622 = tpu.vector_load %arg4[%get3A_620, %get3A_621] {strides = array<i32>} : memref<64x256xf32, #tpu.memory_space<vmem>>, vector<1x16xf32>,
          %get3A_623 = vector.shape_cast %get3A_622 : vector<1x16xf32> to vector<16xf32>
          %max3A_624 = arith.maximumf %get3A_599, %get3A_607 : vector<16xf32>
          %min3A_625 = arith.minimumf %get3A_599, %get3A_607 : vector<16xf32>
          %max3A_626 = arith.maximumf %get3A_615, %get3A_623 : vector<16xf32>
          %min3A_627 = arith.minimumf %get3A_615, %get3A_623 : vector<16xf32>
          %max3A_628 = arith.maximumf %max3A_624, %max3A_626 : vector<16xf32>
          %min3A_629 = arith.minimumf %max3A_624, %max3A_626 : vector<16xf32>
          %max3A_630 = arith.maximumf %min3A_625, %min3A_627 : vector<16xf32>
          %min3A_631 = arith.minimumf %min3A_625, %min3A_627 : vector<16xf32>
          %max3A_632 = arith.maximumf %max3A_630, %min3A_629 : vector<16xf32>
          %min3A_633 = arith.minimumf %max3A_630, %min3A_629 : vector<16xf32>
          %max3A_634 = arith.maximumf %scan3A_412, %min3A_631 : vector<16xf32>
          %max3A_635 = arith.maximumf %scan3A_413, %min3A_633 : vector<16xf32>
          %max3A_636 = arith.maximumf %scan3A_414, %max3A_632 : vector<16xf32>
          %max3A_637 = arith.maximumf %scan3A_415, %max3A_628 : vector<16xf32>
          %max3A_638 = arith.maximumf %max3A_634, %max3A_636 : vector<16xf32>
          %min3A_639 = arith.minimumf %max3A_634, %max3A_636 : vector<16xf32>
          %max3A_640 = arith.maximumf %max3A_635, %max3A_637 : vector<16xf32>
          %min3A_641 = arith.minimumf %max3A_635, %max3A_637 : vector<16xf32>
          %max3A_642 = arith.maximumf %max3A_638, %max3A_640 : vector<16xf32>
          %min3A_643 = arith.minimumf %max3A_638, %max3A_640 : vector<16xf32>
          %max3A_644 = arith.maximumf %min3A_639, %min3A_641 : vector<16xf32>
          %min3A_645 = arith.minimumf %min3A_639, %min3A_641 : vector<16xf32>
          scf.yield %max3A_468, %min3A_469, %max3A_470, %min3A_471, %max3A_526, %min3A_527, %max3A_528, %min3A_529, %max3A_584, %min3A_585, %max3A_586, %min3A_587, %max3A_642, %min3A_643, %max3A_644, %min3A_645 : vector<16xf32>, vector<16xf32>, vector<16xf32>, vector<16xf32>, vector<16xf32>, vector<16xf32>, vector<16xf32>, vector<16xf32>, vector<16xf32>, vector<16xf32>, vector<16xf32>, vector<16xf32>, vector<16xf32>, vector<16xf32>, vector<16xf32>, vector<16xf32>
        }
        %scan3A_287 = arith.constant 4 : i32
        %add3A_288 = arith.constant 0 : i32
        %add3A_289 = arith.addi %mul3A_154, %add3A_288 : i32
        %swap3A = arith.index_cast %add3A_289 : i32 to index
        %swap3A_290 = arith.constant 0 : index
        %swap3A_291 = tpu.vector_load %arg8[%swap3A, %swap3A_290] {strides = array<i32>} : memref<256x16xf32, #tpu.memory_space<vmem>>, vector<1x16xf32>,
        %swap3A_292 = vector.shape_cast %swap3A_291 : vector<1x16xf32> to vector<16xf32>
        %swap3A_293 = vector.shape_cast %scan3A_286#0 : vector<16xf32> to vector<1x16xf32>
        tpu.vector_store %arg8[%swap3A, %swap3A_290], %swap3A_293 {strides = array<i32>} : memref<256x16xf32, #tpu.memory_space<vmem>>, vector<1x16xf32>,
        %add3A_294 = arith.constant 1 : i32
        %add3A_295 = arith.addi %mul3A_154, %add3A_294 : i32
        %swap3A_296 = arith.index_cast %add3A_295 : i32 to index
        %swap3A_297 = arith.constant 0 : index
        %swap3A_298 = tpu.vector_load %arg8[%swap3A_296, %swap3A_297] {strides = array<i32>} : memref<256x16xf32, #tpu.memory_space<vmem>>, vector<1x16xf32>,
        %swap3A_299 = vector.shape_cast %swap3A_298 : vector<1x16xf32> to vector<16xf32>
        %swap3A_300 = vector.shape_cast %scan3A_286#1 : vector<16xf32> to vector<1x16xf32>
        tpu.vector_store %arg8[%swap3A_296, %swap3A_297], %swap3A_300 {strides = array<i32>} : memref<256x16xf32, #tpu.memory_space<vmem>>, vector<1x16xf32>,
        %add3A_301 = arith.constant 2 : i32
        %add3A_302 = arith.addi %mul3A_154, %add3A_301 : i32
        %swap3A_303 = arith.index_cast %add3A_302 : i32 to index
        %swap3A_304 = arith.constant 0 : index
        %swap3A_305 = tpu.vector_load %arg8[%swap3A_303, %swap3A_304] {strides = array<i32>} : memref<256x16xf32, #tpu.memory_space<vmem>>, vector<1x16xf32>,
        %swap3A_306 = vector.shape_cast %swap3A_305 : vector<1x16xf32> to vector<16xf32>
        %swap3A_307 = vector.shape_cast %scan3A_286#2 : vector<16xf32> to vector<1x16xf32>
        tpu.vector_store %arg8[%swap3A_303, %swap3A_304], %swap3A_307 {strides = array<i32>} : memref<256x16xf32, #tpu.memory_space<vmem>>, vector<1x16xf32>,
        %add3A_308 = arith.constant 3 : i32
        %add3A_309 = arith.addi %mul3A_154, %add3A_308 : i32
        %swap3A_310 = arith.index_cast %add3A_309 : i32 to index
        %swap3A_311 = arith.constant 0 : index
        %swap3A_312 = tpu.vector_load %arg8[%swap3A_310, %swap3A_311] {strides = array<i32>} : memref<256x16xf32, #tpu.memory_space<vmem>>, vector<1x16xf32>,
        %swap3A_313 = vector.shape_cast %swap3A_312 : vector<1x16xf32> to vector<16xf32>
        %swap3A_314 = vector.shape_cast %scan3A_286#3 : vector<16xf32> to vector<1x16xf32>
        tpu.vector_store %arg8[%swap3A_310, %swap3A_311], %swap3A_314 {strides = array<i32>} : memref<256x16xf32, #tpu.memory_space<vmem>>, vector<1x16xf32>,
        %add3A_315 = arith.constant 4 : i32
        %add3A_316 = arith.addi %mul3A_154, %add3A_315 : i32
        %swap3A_317 = arith.index_cast %add3A_316 : i32 to index
        %swap3A_318 = arith.constant 0 : index
        %swap3A_319 = tpu.vector_load %arg8[%swap3A_317, %swap3A_318] {strides = array<i32>} : memref<256x16xf32, #tpu.memory_space<vmem>>, vector<1x16xf32>,
        %swap3A_320 = vector.shape_cast %swap3A_319 : vector<1x16xf32> to vector<16xf32>
        %swap3A_321 = vector.shape_cast %scan3A_286#4 : vector<16xf32> to vector<1x16xf32>
        tpu.vector_store %arg8[%swap3A_317, %swap3A_318], %swap3A_321 {strides = array<i32>} : memref<256x16xf32, #tpu.memory_space<vmem>>, vector<1x16xf32>,
        %add3A_322 = arith.constant 5 : i32
        %add3A_323 = arith.addi %mul3A_154, %add3A_322 : i32
        %swap3A_324 = arith.index_cast %add3A_323 : i32 to index
        %swap3A_325 = arith.constant 0 : index
        %swap3A_326 = tpu.vector_load %arg8[%swap3A_324, %swap3A_325] {strides = array<i32>} : memref<256x16xf32, #tpu.memory_space<vmem>>, vector<1x16xf32>,
        %swap3A_327 = vector.shape_cast %swap3A_326 : vector<1x16xf32> to vector<16xf32>
        %swap3A_328 = vector.shape_cast %scan3A_286#5 : vector<16xf32> to vector<1x16xf32>
        tpu.vector_store %arg8[%swap3A_324, %swap3A_325], %swap3A_328 {strides = array<i32>} : memref<256x16xf32, #tpu.memory_space<vmem>>, vector<1x16xf32>,
        %add3A_329 = arith.constant 6 : i32
        %add3A_330 = arith.addi %mul3A_154, %add3A_329 : i32
        %swap3A_331 = arith.index_cast %add3A_330 : i32 to index
        %swap3A_332 = arith.constant 0 : index
        %swap3A_333 = tpu.vector_load %arg8[%swap3A_331, %swap3A_332] {strides = array<i32>} : memref<256x16xf32, #tpu.memory_space<vmem>>, vector<1x16xf32>,
        %swap3A_334 = vector.shape_cast %swap3A_333 : vector<1x16xf32> to vector<16xf32>
        %swap3A_335 = vector.shape_cast %scan3A_286#6 : vector<16xf32> to vector<1x16xf32>
        tpu.vector_store %arg8[%swap3A_331, %swap3A_332], %swap3A_335 {strides = array<i32>} : memref<256x16xf32, #tpu.memory_space<vmem>>, vector<1x16xf32>,
        %add3A_336 = arith.constant 7 : i32
        %add3A_337 = arith.addi %mul3A_154, %add3A_336 : i32
        %swap3A_338 = arith.index_cast %add3A_337 : i32 to index
        %swap3A_339 = arith.constant 0 : index
        %swap3A_340 = tpu.vector_load %arg8[%swap3A_338, %swap3A_339] {strides = array<i32>} : memref<256x16xf32, #tpu.memory_space<vmem>>, vector<1x16xf32>,
        %swap3A_341 = vector.shape_cast %swap3A_340 : vector<1x16xf32> to vector<16xf32>
        %swap3A_342 = vector.shape_cast %scan3A_286#7 : vector<16xf32> to vector<1x16xf32>
        tpu.vector_store %arg8[%swap3A_338, %swap3A_339], %swap3A_342 {strides = array<i32>} : memref<256x16xf32, #tpu.memory_space<vmem>>, vector<1x16xf32>,
        %add3A_343 = arith.constant 8 : i32
        %add3A_344 = arith.addi %mul3A_154, %add3A_343 : i32
        %swap3A_345 = arith.index_cast %add3A_344 : i32 to index
        %swap3A_346 = arith.constant 0 : index
        %swap3A_347 = tpu.vector_load %arg8[%swap3A_345, %swap3A_346] {strides = array<i32>} : memref<256x16xf32, #tpu.memory_space<vmem>>, vector<1x16xf32>,
        %swap3A_348 = vector.shape_cast %swap3A_347 : vector<1x16xf32> to vector<16xf32>
        %swap3A_349 = vector.shape_cast %scan3A_286#8 : vector<16xf32> to vector<1x16xf32>
        tpu.vector_store %arg8[%swap3A_345, %swap3A_346], %swap3A_349 {strides = array<i32>} : memref<256x16xf32, #tpu.memory_space<vmem>>, vector<1x16xf32>,
        %add3A_350 = arith.constant 9 : i32
        %add3A_351 = arith.addi %mul3A_154, %add3A_350 : i32
        %swap3A_352 = arith.index_cast %add3A_351 : i32 to index
        %swap3A_353 = arith.constant 0 : index
        %swap3A_354 = tpu.vector_load %arg8[%swap3A_352, %swap3A_353] {strides = array<i32>} : memref<256x16xf32, #tpu.memory_space<vmem>>, vector<1x16xf32>,
        %swap3A_355 = vector.shape_cast %swap3A_354 : vector<1x16xf32> to vector<16xf32>
        %swap3A_356 = vector.shape_cast %scan3A_286#9 : vector<16xf32> to vector<1x16xf32>
        tpu.vector_store %arg8[%swap3A_352, %swap3A_353], %swap3A_356 {strides = array<i32>} : memref<256x16xf32, #tpu.memory_space<vmem>>, vector<1x16xf32>,
        %add3A_357 = arith.constant 10 : i32
        %add3A_358 = arith.addi %mul3A_154, %add3A_357 : i32
        %swap3A_359 = arith.index_cast %add3A_358 : i32 to index
        %swap3A_360 = arith.constant 0 : index
        %swap3A_361 = tpu.vector_load %arg8[%swap3A_359, %swap3A_360] {strides = array<i32>} : memref<256x16xf32, #tpu.memory_space<vmem>>, vector<1x16xf32>,
        %swap3A_362 = vector.shape_cast %swap3A_361 : vector<1x16xf32> to vector<16xf32>
        %swap3A_363 = vector.shape_cast %scan3A_286#10 : vector<16xf32> to vector<1x16xf32>
        tpu.vector_store %arg8[%swap3A_359, %swap3A_360], %swap3A_363 {strides = array<i32>} : memref<256x16xf32, #tpu.memory_space<vmem>>, vector<1x16xf32>,
        %add3A_364 = arith.constant 11 : i32
        %add3A_365 = arith.addi %mul3A_154, %add3A_364 : i32
        %swap3A_366 = arith.index_cast %add3A_365 : i32 to index
        %swap3A_367 = arith.constant 0 : index
        %swap3A_368 = tpu.vector_load %arg8[%swap3A_366, %swap3A_367] {strides = array<i32>} : memref<256x16xf32, #tpu.memory_space<vmem>>, vector<1x16xf32>,
        %swap3A_369 = vector.shape_cast %swap3A_368 : vector<1x16xf32> to vector<16xf32>
        %swap3A_370 = vector.shape_cast %scan3A_286#11 : vector<16xf32> to vector<1x16xf32>
        tpu.vector_store %arg8[%swap3A_366, %swap3A_367], %swap3A_370 {strides = array<i32>} : memref<256x16xf32, #tpu.memory_space<vmem>>, vector<1x16xf32>,
        %add3A_371 = arith.constant 12 : i32
        %add3A_372 = arith.addi %mul3A_154, %add3A_371 : i32
        %swap3A_373 = arith.index_cast %add3A_372 : i32 to index
        %swap3A_374 = arith.constant 0 : index
        %swap3A_375 = tpu.vector_load %arg8[%swap3A_373, %swap3A_374] {strides = array<i32>} : memref<256x16xf32, #tpu.memory_space<vmem>>, vector<1x16xf32>,
        %swap3A_376 = vector.shape_cast %swap3A_375 : vector<1x16xf32> to vector<16xf32>
        %swap3A_377 = vector.shape_cast %scan3A_286#12 : vector<16xf32> to vector<1x16xf32>
        tpu.vector_store %arg8[%swap3A_373, %swap3A_374], %swap3A_377 {strides = array<i32>} : memref<256x16xf32, #tpu.memory_space<vmem>>, vector<1x16xf32>,
        %add3A_378 = arith.constant 13 : i32
        %add3A_379 = arith.addi %mul3A_154, %add3A_378 : i32
        %swap3A_380 = arith.index_cast %add3A_379 : i32 to index
        %swap3A_381 = arith.constant 0 : index
        %swap3A_382 = tpu.vector_load %arg8[%swap3A_380, %swap3A_381] {strides = array<i32>} : memref<256x16xf32, #tpu.memory_space<vmem>>, vector<1x16xf32>,
        %swap3A_383 = vector.shape_cast %swap3A_382 : vector<1x16xf32> to vector<16xf32>
        %swap3A_384 = vector.shape_cast %scan3A_286#13 : vector<16xf32> to vector<1x16xf32>
        tpu.vector_store %arg8[%swap3A_380, %swap3A_381], %swap3A_384 {strides = array<i32>} : memref<256x16xf32, #tpu.memory_space<vmem>>, vector<1x16xf32>,
        %add3A_385 = arith.constant 14 : i32
        %add3A_386 = arith.addi %mul3A_154, %add3A_385 : i32
        %swap3A_387 = arith.index_cast %add3A_386 : i32 to index
        %swap3A_388 = arith.constant 0 : index
        %swap3A_389 = tpu.vector_load %arg8[%swap3A_387, %swap3A_388] {strides = array<i32>} : memref<256x16xf32, #tpu.memory_space<vmem>>, vector<1x16xf32>,
        %swap3A_390 = vector.shape_cast %swap3A_389 : vector<1x16xf32> to vector<16xf32>
        %swap3A_391 = vector.shape_cast %scan3A_286#14 : vector<16xf32> to vector<1x16xf32>
        tpu.vector_store %arg8[%swap3A_387, %swap3A_388], %swap3A_391 {strides = array<i32>} : memref<256x16xf32, #tpu.memory_space<vmem>>, vector<1x16xf32>,
        %add3A_392 = arith.constant 15 : i32
        %add3A_393 = arith.addi %mul3A_154, %add3A_392 : i32
        %swap3A_394 = arith.index_cast %add3A_393 : i32 to index
        %swap3A_395 = arith.constant 0 : index
        %swap3A_396 = tpu.vector_load %arg8[%swap3A_394, %swap3A_395] {strides = array<i32>} : memref<256x16xf32, #tpu.memory_space<vmem>>, vector<1x16xf32>,
        %swap3A_397 = vector.shape_cast %swap3A_396 : vector<1x16xf32> to vector<16xf32>
        %swap3A_398 = vector.shape_cast %scan3A_286#15 : vector<16xf32> to vector<1x16xf32>
        tpu.vector_store %arg8[%swap3A_394, %swap3A_395], %swap3A_398 {strides = array<i32>} : memref<256x16xf32, #tpu.memory_space<vmem>>, vector<1x16xf32>,
      }
      %scan3A_125 = arith.constant 16 : i32
      %add3A_126 = arith.constant 1 : i32
      %add3A_127 = arith.addi %add3A_106, %add3A_126 : i32
      %mul3A_128 = arith.constant 64 : i32
      %mul3A_129 = arith.muli %add3A_127, %mul3A_128 : i32
      %dma_wait3A_130 = arith.constant 0 : i32
      %dma_wait3A_131 = tpu.memref_slice %arg2[%mul3A_3, %mul3A_129, %dma_wait3A_130] : memref<64x2048x256xf32, #tpu.memory_space<hbm>> -> memref<1x64x256xf32, #tpu.memory_space<hbm>>
      %dma_wait3A_132 = tpu.memref_squeeze %dma_wait3A_131 : memref<1x64x256xf32, #tpu.memory_space<hbm>> -> memref<64x256xf32, #tpu.memory_space<hbm>>
      %dma_wait3A_133 = arith.constant 0 : i32
      %dma_wait3A_134 = tpu.memref_slice %arg2[%mul3A_3, %mul3A_129, %dma_wait3A_133] : memref<64x2048x256xf32, #tpu.memory_space<hbm>> -> memref<1x64x256xf32, #tpu.memory_space<hbm>>
      %dma_wait3A_135 = tpu.memref_squeeze %dma_wait3A_134 : memref<1x64x256xf32, #tpu.memory_space<hbm>> -> memref<64x256xf32, #tpu.memory_space<hbm>>
      tpu.wait_dma2 semaphore(%arg11 : memref<!tpu.dma_semaphore, #tpu.memory_space<semaphore_mem>>) src(%dma_wait3A_135 : memref<64x256xf32, #tpu.memory_space<hbm>>) dst(%arg5 : memref<64x256xf32, #tpu.memory_space<vmem>>)
      %add3A_136 = arith.constant 1 : i32
      %add3A_137 = arith.addi %add3A_127, %add3A_136 : i32
      %lt3A_138 = arith.constant 32 : i32
      %lt3A_139 = arith.cmpi slt, %add3A_137, %lt3A_138 : i32
      %convert_element_type3A_140 = arith.extui %lt3A_139 : i1 to i32
      %cond3A_141 = arith.constant 0 : i32
      %cond3A_142 = arith.cmpi ne, %convert_element_type3A_140, %cond3A_141 : i32
      scf.if %cond3A_142 {
        %add3A_148 = arith.constant 1 : i32
        %add3A_149 = arith.addi %add3A_127, %add3A_148 : i32
        %mul3A_150 = arith.constant 64 : i32
        %mul3A_151 = arith.muli %add3A_149, %mul3A_150 : i32
        %dma_start3A_152 = arith.constant 0 : i32
        %dma_start3A_153 = tpu.memref_slice %arg2[%mul3A_3, %mul3A_151, %dma_start3A_152] : memref<64x2048x256xf32, #tpu.memory_space<hbm>> -> memref<1x64x256xf32, #tpu.memory_space<hbm>>
        %dma_start3A_154 = tpu.memref_squeeze %dma_start3A_153 : memref<1x64x256xf32, #tpu.memory_space<hbm>> -> memref<64x256xf32, #tpu.memory_space<hbm>>
        %dma_start3A_155 = arith.constant 0 : i32
        %dma_start3A_156 = tpu.memref_slice %arg2[%mul3A_3, %mul3A_151, %dma_start3A_155] : memref<64x2048x256xf32, #tpu.memory_space<hbm>> -> memref<1x64x256xf32, #tpu.memory_space<hbm>>
        %dma_start3A_157 = tpu.memref_squeeze %dma_start3A_156 : memref<1x64x256xf32, #tpu.memory_space<hbm>> -> memref<64x256xf32, #tpu.memory_space<hbm>>
        tpu.enqueue_dma source(%dma_start3A_157 : memref<64x256xf32, #tpu.memory_space<hbm>>) target(%arg4 : memref<64x256xf32, #tpu.memory_space<vmem>>) target_semaphore(%arg10 : memref<!tpu.dma_semaphore, #tpu.memory_space<semaphore_mem>>)
      } else {
      }
      %scan3A_143 = arith.constant 0 : i32
      %scan3A_144 = arith.constant 16 : i32
      %scan3A_145 = arith.addi %scan3A_143, %scan3A_144 : i32
      %scan3A_146 = arith.constant 1 : i32
      scf.for %scan3A_148 = %scan3A_143 to %scan3A_145 step %scan3A_146  : i32 {
        %mul3A_149 = arith.constant 1 : i32
        %mul3A_150 = arith.muli %scan3A_148, %mul3A_149 : i32
        %add3A_151 = arith.constant 0 : i32
        %add3A_152 = arith.addi %add3A_151, %mul3A_150 : i32
        %mul3A_153 = arith.constant 16 : i32
        %mul3A_154 = arith.muli %add3A_152, %mul3A_153 : i32
        %add3A_155 = arith.constant 0 : i32
        %add3A_156 = arith.addi %mul3A_154, %add3A_155 : i32
        %add3A_157 = arith.constant 0 : i32
        %add3A_158 = arith.addi %add3A_156, %add3A_157 : i32
        %get3A = arith.index_cast %add3A_158 : i32 to index
        %get3A_159 = arith.constant 0 : index
        %get3A_160 = tpu.vector_load %arg8[%get3A, %get3A_159] {strides = array<i32>} : memref<256x16xf32, #tpu.memory_space<vmem>>, vector<1x16xf32>,
        %get3A_161 = vector.shape_cast %get3A_160 : vector<1x16xf32> to vector<16xf32>
        %add3A_162 = arith.constant 0 : i32
        %add3A_163 = arith.addi %mul3A_154, %add3A_162 : i32
        %add3A_164 = arith.constant 1 : i32
        %add3A_165 = arith.addi %add3A_163, %add3A_164 : i32
        %get3A_166 = arith.index_cast %add3A_165 : i32 to index
        %get3A_167 = arith.constant 0 : index
        %get3A_168 = tpu.vector_load %arg8[%get3A_166, %get3A_167] {strides = array<i32>} : memref<256x16xf32, #tpu.memory_space<vmem>>, vector<1x16xf32>,
        %get3A_169 = vector.shape_cast %get3A_168 : vector<1x16xf32> to vector<16xf32>
        %add3A_170 = arith.constant 0 : i32
        %add3A_171 = arith.addi %mul3A_154, %add3A_170 : i32
        %add3A_172 = arith.constant 2 : i32
        %add3A_173 = arith.addi %add3A_171, %add3A_172 : i32
        %get3A_174 = arith.index_cast %add3A_173 : i32 to index
        %get3A_175 = arith.constant 0 : index
        %get3A_176 = tpu.vector_load %arg8[%get3A_174, %get3A_175] {strides = array<i32>} : memref<256x16xf32, #tpu.memory_space<vmem>>, vector<1x16xf32>,
        %get3A_177 = vector.shape_cast %get3A_176 : vector<1x16xf32> to vector<16xf32>
        %add3A_178 = arith.constant 0 : i32
        %add3A_179 = arith.addi %mul3A_154, %add3A_178 : i32
        %add3A_180 = arith.constant 3 : i32
        %add3A_181 = arith.addi %add3A_179, %add3A_180 : i32
        %get3A_182 = arith.index_cast %add3A_181 : i32 to index
        %get3A_183 = arith.constant 0 : index
        %get3A_184 = tpu.vector_load %arg8[%get3A_182, %get3A_183] {strides = array<i32>} : memref<256x16xf32, #tpu.memory_space<vmem>>, vector<1x16xf32>,
        %get3A_185 = vector.shape_cast %get3A_184 : vector<1x16xf32> to vector<16xf32>
        %add3A_186 = arith.constant 4 : i32
        %add3A_187 = arith.addi %mul3A_154, %add3A_186 : i32
        %add3A_188 = arith.constant 0 : i32
        %add3A_189 = arith.addi %add3A_187, %add3A_188 : i32
        %get3A_190 = arith.index_cast %add3A_189 : i32 to index
        %get3A_191 = arith.constant 0 : index
        %get3A_192 = tpu.vector_load %arg8[%get3A_190, %get3A_191] {strides = array<i32>} : memref<256x16xf32, #tpu.memory_space<vmem>>, vector<1x16xf32>,
        %get3A_193 = vector.shape_cast %get3A_192 : vector<1x16xf32> to vector<16xf32>
        %add3A_194 = arith.constant 4 : i32
        %add3A_195 = arith.addi %mul3A_154, %add3A_194 : i32
        %add3A_196 = arith.constant 1 : i32
        %add3A_197 = arith.addi %add3A_195, %add3A_196 : i32
        %get3A_198 = arith.index_cast %add3A_197 : i32 to index
        %get3A_199 = arith.constant 0 : index
        %get3A_200 = tpu.vector_load %arg8[%get3A_198, %get3A_199] {strides = array<i32>} : memref<256x16xf32, #tpu.memory_space<vmem>>, vector<1x16xf32>,
        %get3A_201 = vector.shape_cast %get3A_200 : vector<1x16xf32> to vector<16xf32>
        %add3A_202 = arith.constant 4 : i32
        %add3A_203 = arith.addi %mul3A_154, %add3A_202 : i32
        %add3A_204 = arith.constant 2 : i32
        %add3A_205 = arith.addi %add3A_203, %add3A_204 : i32
        %get3A_206 = arith.index_cast %add3A_205 : i32 to index
        %get3A_207 = arith.constant 0 : index
        %get3A_208 = tpu.vector_load %arg8[%get3A_206, %get3A_207] {strides = array<i32>} : memref<256x16xf32, #tpu.memory_space<vmem>>, vector<1x16xf32>,
        %get3A_209 = vector.shape_cast %get3A_208 : vector<1x16xf32> to vector<16xf32>
        %add3A_210 = arith.constant 4 : i32
        %add3A_211 = arith.addi %mul3A_154, %add3A_210 : i32
        %add3A_212 = arith.constant 3 : i32
        %add3A_213 = arith.addi %add3A_211, %add3A_212 : i32
        %get3A_214 = arith.index_cast %add3A_213 : i32 to index
        %get3A_215 = arith.constant 0 : index
        %get3A_216 = tpu.vector_load %arg8[%get3A_214, %get3A_215] {strides = array<i32>} : memref<256x16xf32, #tpu.memory_space<vmem>>, vector<1x16xf32>,
        %get3A_217 = vector.shape_cast %get3A_216 : vector<1x16xf32> to vector<16xf32>
        %add3A_218 = arith.constant 8 : i32
        %add3A_219 = arith.addi %mul3A_154, %add3A_218 : i32
        %add3A_220 = arith.constant 0 : i32
        %add3A_221 = arith.addi %add3A_219, %add3A_220 : i32
        %get3A_222 = arith.index_cast %add3A_221 : i32 to index
        %get3A_223 = arith.constant 0 : index
        %get3A_224 = tpu.vector_load %arg8[%get3A_222, %get3A_223] {strides = array<i32>} : memref<256x16xf32, #tpu.memory_space<vmem>>, vector<1x16xf32>,
        %get3A_225 = vector.shape_cast %get3A_224 : vector<1x16xf32> to vector<16xf32>
        %add3A_226 = arith.constant 8 : i32
        %add3A_227 = arith.addi %mul3A_154, %add3A_226 : i32
        %add3A_228 = arith.constant 1 : i32
        %add3A_229 = arith.addi %add3A_227, %add3A_228 : i32
        %get3A_230 = arith.index_cast %add3A_229 : i32 to index
        %get3A_231 = arith.constant 0 : index
        %get3A_232 = tpu.vector_load %arg8[%get3A_230, %get3A_231] {strides = array<i32>} : memref<256x16xf32, #tpu.memory_space<vmem>>, vector<1x16xf32>,
        %get3A_233 = vector.shape_cast %get3A_232 : vector<1x16xf32> to vector<16xf32>
        %add3A_234 = arith.constant 8 : i32
        %add3A_235 = arith.addi %mul3A_154, %add3A_234 : i32
        %add3A_236 = arith.constant 2 : i32
        %add3A_237 = arith.addi %add3A_235, %add3A_236 : i32
        %get3A_238 = arith.index_cast %add3A_237 : i32 to index
        %get3A_239 = arith.constant 0 : index
        %get3A_240 = tpu.vector_load %arg8[%get3A_238, %get3A_239] {strides = array<i32>} : memref<256x16xf32, #tpu.memory_space<vmem>>, vector<1x16xf32>,
        %get3A_241 = vector.shape_cast %get3A_240 : vector<1x16xf32> to vector<16xf32>
        %add3A_242 = arith.constant 8 : i32
        %add3A_243 = arith.addi %mul3A_154, %add3A_242 : i32
        %add3A_244 = arith.constant 3 : i32
        %add3A_245 = arith.addi %add3A_243, %add3A_244 : i32
        %get3A_246 = arith.index_cast %add3A_245 : i32 to index
        %get3A_247 = arith.constant 0 : index
        %get3A_248 = tpu.vector_load %arg8[%get3A_246, %get3A_247] {strides = array<i32>} : memref<256x16xf32, #tpu.memory_space<vmem>>, vector<1x16xf32>,
        %get3A_249 = vector.shape_cast %get3A_248 : vector<1x16xf32> to vector<16xf32>
        %add3A_250 = arith.constant 12 : i32
        %add3A_251 = arith.addi %mul3A_154, %add3A_250 : i32
        %add3A_252 = arith.constant 0 : i32
        %add3A_253 = arith.addi %add3A_251, %add3A_252 : i32
        %get3A_254 = arith.index_cast %add3A_253 : i32 to index
        %get3A_255 = arith.constant 0 : index
        %get3A_256 = tpu.vector_load %arg8[%get3A_254, %get3A_255] {strides = array<i32>} : memref<256x16xf32, #tpu.memory_space<vmem>>, vector<1x16xf32>,
        %get3A_257 = vector.shape_cast %get3A_256 : vector<1x16xf32> to vector<16xf32>
        %add3A_258 = arith.constant 12 : i32
        %add3A_259 = arith.addi %mul3A_154, %add3A_258 : i32
        %add3A_260 = arith.constant 1 : i32
        %add3A_261 = arith.addi %add3A_259, %add3A_260 : i32
        %get3A_262 = arith.index_cast %add3A_261 : i32 to index
        %get3A_263 = arith.constant 0 : index
        %get3A_264 = tpu.vector_load %arg8[%get3A_262, %get3A_263] {strides = array<i32>} : memref<256x16xf32, #tpu.memory_space<vmem>>, vector<1x16xf32>,
        %get3A_265 = vector.shape_cast %get3A_264 : vector<1x16xf32> to vector<16xf32>
        %add3A_266 = arith.constant 12 : i32
        %add3A_267 = arith.addi %mul3A_154, %add3A_266 : i32
        %add3A_268 = arith.constant 2 : i32
        %add3A_269 = arith.addi %add3A_267, %add3A_268 : i32
        %get3A_270 = arith.index_cast %add3A_269 : i32 to index
        %get3A_271 = arith.constant 0 : index
        %get3A_272 = tpu.vector_load %arg8[%get3A_270, %get3A_271] {strides = array<i32>} : memref<256x16xf32, #tpu.memory_space<vmem>>, vector<1x16xf32>,
        %get3A_273 = vector.shape_cast %get3A_272 : vector<1x16xf32> to vector<16xf32>
        %add3A_274 = arith.constant 12 : i32
        %add3A_275 = arith.addi %mul3A_154, %add3A_274 : i32
        %add3A_276 = arith.constant 3 : i32
        %add3A_277 = arith.addi %add3A_275, %add3A_276 : i32
        %get3A_278 = arith.index_cast %add3A_277 : i32 to index
        %get3A_279 = arith.constant 0 : index
        %get3A_280 = tpu.vector_load %arg8[%get3A_278, %get3A_279] {strides = array<i32>} : memref<256x16xf32, #tpu.memory_space<vmem>>, vector<1x16xf32>,
        %get3A_281 = vector.shape_cast %get3A_280 : vector<1x16xf32> to vector<16xf32>
        %scan3A_282 = arith.constant 0 : i32
        %scan3A_283 = arith.constant 4 : i32
        %scan3A_284 = arith.addi %scan3A_282, %scan3A_283 : i32
        %scan3A_285 = arith.constant 1 : i32
        %scan3A_286:16 = scf.for %scan3A_399 = %scan3A_282 to %scan3A_284 step %scan3A_285 iter_args(%scan3A_400 = %get3A_161, %scan3A_401 = %get3A_169, %scan3A_402 = %get3A_177, %scan3A_403 = %get3A_185, %scan3A_404 = %get3A_193, %scan3A_405 = %get3A_201, %scan3A_406 = %get3A_209, %scan3A_407 = %get3A_217, %scan3A_408 = %get3A_225, %scan3A_409 = %get3A_233, %scan3A_410 = %get3A_241, %scan3A_411 = %get3A_249, %scan3A_412 = %get3A_257, %scan3A_413 = %get3A_265, %scan3A_414 = %get3A_273, %scan3A_415 = %get3A_281) -> (vector<16xf32>, vector<16xf32>, vector<16xf32>, vector<16xf32>, vector<16xf32>, vector<16xf32>, vector<16xf32>, vector<16xf32>, vector<16xf32>, vector<16xf32>, vector<16xf32>, vector<16xf32>, vector<16xf32>, vector<16xf32>, vector<16xf32>, vector<16xf32>)  : i32 {
          %mul3A_416 = arith.constant 16 : i32
          %mul3A_417 = arith.muli %scan3A_399, %mul3A_416 : i32
          %add3A_418 = arith.constant 0 : i32
          %add3A_419 = arith.addi %mul3A_417, %add3A_418 : i32
          %add3A_420 = arith.constant 0 : i32
          %add3A_421 = arith.addi %add3A_419, %add3A_420 : i32
          %mul3A_422 = arith.constant 16 : i32
          %mul3A_423 = arith.muli %add3A_152, %mul3A_422 : i32
          %get3A_424 = arith.index_cast %add3A_421 : i32 to index
          %get3A_425 = arith.index_cast %mul3A_423 : i32 to index
          %get3A_426 = tpu.vector_load %arg5[%get3A_424, %get3A_425] {strides = array<i32>} : memref<64x256xf32, #tpu.memory_space<vmem>>, vector<1x16xf32>,
          %get3A_427 = vector.shape_cast %get3A_426 : vector<1x16xf32> to vector<16xf32>
          %add3A_428 = arith.constant 1 : i32
          %add3A_429 = arith.addi %add3A_419, %add3A_428 : i32
          %mul3A_430 = arith.constant 16 : i32
          %mul3A_431 = arith.muli %add3A_152, %mul3A_430 : i32
          %get3A_432 = arith.index_cast %add3A_429 : i32 to index
          %get3A_433 = arith.index_cast %mul3A_431 : i32 to index
          %get3A_434 = tpu.vector_load %arg5[%get3A_432, %get3A_433] {strides = array<i32>} : memref<64x256xf32, #tpu.memory_space<vmem>>, vector<1x16xf32>,
          %get3A_435 = vector.shape_cast %get3A_434 : vector<1x16xf32> to vector<16xf32>
          %add3A_436 = arith.constant 2 : i32
          %add3A_437 = arith.addi %add3A_419, %add3A_436 : i32
          %mul3A_438 = arith.constant 16 : i32
          %mul3A_439 = arith.muli %add3A_152, %mul3A_438 : i32
          %get3A_440 = arith.index_cast %add3A_437 : i32 to index
          %get3A_441 = arith.index_cast %mul3A_439 : i32 to index
          %get3A_442 = tpu.vector_load %arg5[%get3A_440, %get3A_441] {strides = array<i32>} : memref<64x256xf32, #tpu.memory_space<vmem>>, vector<1x16xf32>,
          %get3A_443 = vector.shape_cast %get3A_442 : vector<1x16xf32> to vector<16xf32>
          %add3A_444 = arith.constant 3 : i32
          %add3A_445 = arith.addi %add3A_419, %add3A_444 : i32
          %mul3A_446 = arith.constant 16 : i32
          %mul3A_447 = arith.muli %add3A_152, %mul3A_446 : i32
          %get3A_448 = arith.index_cast %add3A_445 : i32 to index
          %get3A_449 = arith.index_cast %mul3A_447 : i32 to index
          %get3A_450 = tpu.vector_load %arg5[%get3A_448, %get3A_449] {strides = array<i32>} : memref<64x256xf32, #tpu.memory_space<vmem>>, vector<1x16xf32>,
          %get3A_451 = vector.shape_cast %get3A_450 : vector<1x16xf32> to vector<16xf32>
          %max3A = arith.maximumf %get3A_427, %get3A_435 : vector<16xf32>
          %min3A = arith.minimumf %get3A_427, %get3A_435 : vector<16xf32>
          %max3A_452 = arith.maximumf %get3A_443, %get3A_451 : vector<16xf32>
          %min3A_453 = arith.minimumf %get3A_443, %get3A_451 : vector<16xf32>
          %max3A_454 = arith.maximumf %max3A, %max3A_452 : vector<16xf32>
          %min3A_455 = arith.minimumf %max3A, %max3A_452 : vector<16xf32>
          %max3A_456 = arith.maximumf %min3A, %min3A_453 : vector<16xf32>
          %min3A_457 = arith.minimumf %min3A, %min3A_453 : vector<16xf32>
          %max3A_458 = arith.maximumf %max3A_456, %min3A_455 : vector<16xf32>
          %min3A_459 = arith.minimumf %max3A_456, %min3A_455 : vector<16xf32>
          %max3A_460 = arith.maximumf %scan3A_400, %min3A_457 : vector<16xf32>
          %max3A_461 = arith.maximumf %scan3A_401, %min3A_459 : vector<16xf32>
          %max3A_462 = arith.maximumf %scan3A_402, %max3A_458 : vector<16xf32>
          %max3A_463 = arith.maximumf %scan3A_403, %max3A_454 : vector<16xf32>
          %max3A_464 = arith.maximumf %max3A_460, %max3A_462 : vector<16xf32>
          %min3A_465 = arith.minimumf %max3A_460, %max3A_462 : vector<16xf32>
          %max3A_466 = arith.maximumf %max3A_461, %max3A_463 : vector<16xf32>
          %min3A_467 = arith.minimumf %max3A_461, %max3A_463 : vector<16xf32>
          %max3A_468 = arith.maximumf %max3A_464, %max3A_466 : vector<16xf32>
          %min3A_469 = arith.minimumf %max3A_464, %max3A_466 : vector<16xf32>
          %max3A_470 = arith.maximumf %min3A_465, %min3A_467 : vector<16xf32>
          %min3A_471 = arith.minimumf %min3A_465, %min3A_467 : vector<16xf32>
          %mul3A_472 = arith.constant 16 : i32
          %mul3A_473 = arith.muli %scan3A_399, %mul3A_472 : i32
          %add3A_474 = arith.constant 4 : i32
          %add3A_475 = arith.addi %mul3A_473, %add3A_474 : i32
          %add3A_476 = arith.constant 0 : i32
          %add3A_477 = arith.addi %add3A_475, %add3A_476 : i32
          %mul3A_478 = arith.constant 16 : i32
          %mul3A_479 = arith.muli %add3A_152, %mul3A_478 : i32
          %get3A_480 = arith.index_cast %add3A_477 : i32 to index
          %get3A_481 = arith.index_cast %mul3A_479 : i32 to index
          %get3A_482 = tpu.vector_load %arg5[%get3A_480, %get3A_481] {strides = array<i32>} : memref<64x256xf32, #tpu.memory_space<vmem>>, vector<1x16xf32>,
          %get3A_483 = vector.shape_cast %get3A_482 : vector<1x16xf32> to vector<16xf32>
          %add3A_484 = arith.constant 1 : i32
          %add3A_485 = arith.addi %add3A_475, %add3A_484 : i32
          %mul3A_486 = arith.constant 16 : i32
          %mul3A_487 = arith.muli %add3A_152, %mul3A_486 : i32
          %get3A_488 = arith.index_cast %add3A_485 : i32 to index
          %get3A_489 = arith.index_cast %mul3A_487 : i32 to index
          %get3A_490 = tpu.vector_load %arg5[%get3A_488, %get3A_489] {strides = array<i32>} : memref<64x256xf32, #tpu.memory_space<vmem>>, vector<1x16xf32>,
          %get3A_491 = vector.shape_cast %get3A_490 : vector<1x16xf32> to vector<16xf32>
          %add3A_492 = arith.constant 2 : i32
          %add3A_493 = arith.addi %add3A_475, %add3A_492 : i32
          %mul3A_494 = arith.constant 16 : i32
          %mul3A_495 = arith.muli %add3A_152, %mul3A_494 : i32
          %get3A_496 = arith.index_cast %add3A_493 : i32 to index
          %get3A_497 = arith.index_cast %mul3A_495 : i32 to index
          %get3A_498 = tpu.vector_load %arg5[%get3A_496, %get3A_497] {strides = array<i32>} : memref<64x256xf32, #tpu.memory_space<vmem>>, vector<1x16xf32>,
          %get3A_499 = vector.shape_cast %get3A_498 : vector<1x16xf32> to vector<16xf32>
          %add3A_500 = arith.constant 3 : i32
          %add3A_501 = arith.addi %add3A_475, %add3A_500 : i32
          %mul3A_502 = arith.constant 16 : i32
          %mul3A_503 = arith.muli %add3A_152, %mul3A_502 : i32
          %get3A_504 = arith.index_cast %add3A_501 : i32 to index
          %get3A_505 = arith.index_cast %mul3A_503 : i32 to index
          %get3A_506 = tpu.vector_load %arg5[%get3A_504, %get3A_505] {strides = array<i32>} : memref<64x256xf32, #tpu.memory_space<vmem>>, vector<1x16xf32>,
          %get3A_507 = vector.shape_cast %get3A_506 : vector<1x16xf32> to vector<16xf32>
          %max3A_508 = arith.maximumf %get3A_483, %get3A_491 : vector<16xf32>
          %min3A_509 = arith.minimumf %get3A_483, %get3A_491 : vector<16xf32>
          %max3A_510 = arith.maximumf %get3A_499, %get3A_507 : vector<16xf32>
          %min3A_511 = arith.minimumf %get3A_499, %get3A_507 : vector<16xf32>
          %max3A_512 = arith.maximumf %max3A_508, %max3A_510 : vector<16xf32>
          %min3A_513 = arith.minimumf %max3A_508, %max3A_510 : vector<16xf32>
          %max3A_514 = arith.maximumf %min3A_509, %min3A_511 : vector<16xf32>
          %min3A_515 = arith.minimumf %min3A_509, %min3A_511 : vector<16xf32>
          %max3A_516 = arith.maximumf %max3A_514, %min3A_513 : vector<16xf32>
          %min3A_517 = arith.minimumf %max3A_514, %min3A_513 : vector<16xf32>
          %max3A_518 = arith.maximumf %scan3A_404, %min3A_515 : vector<16xf32>
          %max3A_519 = arith.maximumf %scan3A_405, %min3A_517 : vector<16xf32>
          %max3A_520 = arith.maximumf %scan3A_406, %max3A_516 : vector<16xf32>
          %max3A_521 = arith.maximumf %scan3A_407, %max3A_512 : vector<16xf32>
          %max3A_522 = arith.maximumf %max3A_518, %max3A_520 : vector<16xf32>
          %min3A_523 = arith.minimumf %max3A_518, %max3A_520 : vector<16xf32>
          %max3A_524 = arith.maximumf %max3A_519, %max3A_521 : vector<16xf32>
          %min3A_525 = arith.minimumf %max3A_519, %max3A_521 : vector<16xf32>
          %max3A_526 = arith.maximumf %max3A_522, %max3A_524 : vector<16xf32>
          %min3A_527 = arith.minimumf %max3A_522, %max3A_524 : vector<16xf32>
          %max3A_528 = arith.maximumf %min3A_523, %min3A_525 : vector<16xf32>
          %min3A_529 = arith.minimumf %min3A_523, %min3A_525 : vector<16xf32>
          %mul3A_530 = arith.constant 16 : i32
          %mul3A_531 = arith.muli %scan3A_399, %mul3A_530 : i32
          %add3A_532 = arith.constant 8 : i32
          %add3A_533 = arith.addi %mul3A_531, %add3A_532 : i32
          %add3A_534 = arith.constant 0 : i32
          %add3A_535 = arith.addi %add3A_533, %add3A_534 : i32
          %mul3A_536 = arith.constant 16 : i32
          %mul3A_537 = arith.muli %add3A_152, %mul3A_536 : i32
          %get3A_538 = arith.index_cast %add3A_535 : i32 to index
          %get3A_539 = arith.index_cast %mul3A_537 : i32 to index
          %get3A_540 = tpu.vector_load %arg5[%get3A_538, %get3A_539] {strides = array<i32>} : memref<64x256xf32, #tpu.memory_space<vmem>>, vector<1x16xf32>,
          %get3A_541 = vector.shape_cast %get3A_540 : vector<1x16xf32> to vector<16xf32>
          %add3A_542 = arith.constant 1 : i32
          %add3A_543 = arith.addi %add3A_533, %add3A_542 : i32
          %mul3A_544 = arith.constant 16 : i32
          %mul3A_545 = arith.muli %add3A_152, %mul3A_544 : i32
          %get3A_546 = arith.index_cast %add3A_543 : i32 to index
          %get3A_547 = arith.index_cast %mul3A_545 : i32 to index
          %get3A_548 = tpu.vector_load %arg5[%get3A_546, %get3A_547] {strides = array<i32>} : memref<64x256xf32, #tpu.memory_space<vmem>>, vector<1x16xf32>,
          %get3A_549 = vector.shape_cast %get3A_548 : vector<1x16xf32> to vector<16xf32>
          %add3A_550 = arith.constant 2 : i32
          %add3A_551 = arith.addi %add3A_533, %add3A_550 : i32
          %mul3A_552 = arith.constant 16 : i32
          %mul3A_553 = arith.muli %add3A_152, %mul3A_552 : i32
          %get3A_554 = arith.index_cast %add3A_551 : i32 to index
          %get3A_555 = arith.index_cast %mul3A_553 : i32 to index
          %get3A_556 = tpu.vector_load %arg5[%get3A_554, %get3A_555] {strides = array<i32>} : memref<64x256xf32, #tpu.memory_space<vmem>>, vector<1x16xf32>,
          %get3A_557 = vector.shape_cast %get3A_556 : vector<1x16xf32> to vector<16xf32>
          %add3A_558 = arith.constant 3 : i32
          %add3A_559 = arith.addi %add3A_533, %add3A_558 : i32
          %mul3A_560 = arith.constant 16 : i32
          %mul3A_561 = arith.muli %add3A_152, %mul3A_560 : i32
          %get3A_562 = arith.index_cast %add3A_559 : i32 to index
          %get3A_563 = arith.index_cast %mul3A_561 : i32 to index
          %get3A_564 = tpu.vector_load %arg5[%get3A_562, %get3A_563] {strides = array<i32>} : memref<64x256xf32, #tpu.memory_space<vmem>>, vector<1x16xf32>,
          %get3A_565 = vector.shape_cast %get3A_564 : vector<1x16xf32> to vector<16xf32>
          %max3A_566 = arith.maximumf %get3A_541, %get3A_549 : vector<16xf32>
          %min3A_567 = arith.minimumf %get3A_541, %get3A_549 : vector<16xf32>
          %max3A_568 = arith.maximumf %get3A_557, %get3A_565 : vector<16xf32>
          %min3A_569 = arith.minimumf %get3A_557, %get3A_565 : vector<16xf32>
          %max3A_570 = arith.maximumf %max3A_566, %max3A_568 : vector<16xf32>
          %min3A_571 = arith.minimumf %max3A_566, %max3A_568 : vector<16xf32>
          %max3A_572 = arith.maximumf %min3A_567, %min3A_569 : vector<16xf32>
          %min3A_573 = arith.minimumf %min3A_567, %min3A_569 : vector<16xf32>
          %max3A_574 = arith.maximumf %max3A_572, %min3A_571 : vector<16xf32>
          %min3A_575 = arith.minimumf %max3A_572, %min3A_571 : vector<16xf32>
          %max3A_576 = arith.maximumf %scan3A_408, %min3A_573 : vector<16xf32>
          %max3A_577 = arith.maximumf %scan3A_409, %min3A_575 : vector<16xf32>
          %max3A_578 = arith.maximumf %scan3A_410, %max3A_574 : vector<16xf32>
          %max3A_579 = arith.maximumf %scan3A_411, %max3A_570 : vector<16xf32>
          %max3A_580 = arith.maximumf %max3A_576, %max3A_578 : vector<16xf32>
          %min3A_581 = arith.minimumf %max3A_576, %max3A_578 : vector<16xf32>
          %max3A_582 = arith.maximumf %max3A_577, %max3A_579 : vector<16xf32>
          %min3A_583 = arith.minimumf %max3A_577, %max3A_579 : vector<16xf32>
          %max3A_584 = arith.maximumf %max3A_580, %max3A_582 : vector<16xf32>
          %min3A_585 = arith.minimumf %max3A_580, %max3A_582 : vector<16xf32>
          %max3A_586 = arith.maximumf %min3A_581, %min3A_583 : vector<16xf32>
          %min3A_587 = arith.minimumf %min3A_581, %min3A_583 : vector<16xf32>
          %mul3A_588 = arith.constant 16 : i32
          %mul3A_589 = arith.muli %scan3A_399, %mul3A_588 : i32
          %add3A_590 = arith.constant 12 : i32
          %add3A_591 = arith.addi %mul3A_589, %add3A_590 : i32
          %add3A_592 = arith.constant 0 : i32
          %add3A_593 = arith.addi %add3A_591, %add3A_592 : i32
          %mul3A_594 = arith.constant 16 : i32
          %mul3A_595 = arith.muli %add3A_152, %mul3A_594 : i32
          %get3A_596 = arith.index_cast %add3A_593 : i32 to index
          %get3A_597 = arith.index_cast %mul3A_595 : i32 to index
          %get3A_598 = tpu.vector_load %arg5[%get3A_596, %get3A_597] {strides = array<i32>} : memref<64x256xf32, #tpu.memory_space<vmem>>, vector<1x16xf32>,
          %get3A_599 = vector.shape_cast %get3A_598 : vector<1x16xf32> to vector<16xf32>
          %add3A_600 = arith.constant 1 : i32
          %add3A_601 = arith.addi %add3A_591, %add3A_600 : i32
          %mul3A_602 = arith.constant 16 : i32
          %mul3A_603 = arith.muli %add3A_152, %mul3A_602 : i32
          %get3A_604 = arith.index_cast %add3A_601 : i32 to index
          %get3A_605 = arith.index_cast %mul3A_603 : i32 to index
          %get3A_606 = tpu.vector_load %arg5[%get3A_604, %get3A_605] {strides = array<i32>} : memref<64x256xf32, #tpu.memory_space<vmem>>, vector<1x16xf32>,
          %get3A_607 = vector.shape_cast %get3A_606 : vector<1x16xf32> to vector<16xf32>
          %add3A_608 = arith.constant 2 : i32
          %add3A_609 = arith.addi %add3A_591, %add3A_608 : i32
          %mul3A_610 = arith.constant 16 : i32
          %mul3A_611 = arith.muli %add3A_152, %mul3A_610 : i32
          %get3A_612 = arith.index_cast %add3A_609 : i32 to index
          %get3A_613 = arith.index_cast %mul3A_611 : i32 to index
          %get3A_614 = tpu.vector_load %arg5[%get3A_612, %get3A_613] {strides = array<i32>} : memref<64x256xf32, #tpu.memory_space<vmem>>, vector<1x16xf32>,
          %get3A_615 = vector.shape_cast %get3A_614 : vector<1x16xf32> to vector<16xf32>
          %add3A_616 = arith.constant 3 : i32
          %add3A_617 = arith.addi %add3A_591, %add3A_616 : i32
          %mul3A_618 = arith.constant 16 : i32
          %mul3A_619 = arith.muli %add3A_152, %mul3A_618 : i32
          %get3A_620 = arith.index_cast %add3A_617 : i32 to index
          %get3A_621 = arith.index_cast %mul3A_619 : i32 to index
          %get3A_622 = tpu.vector_load %arg5[%get3A_620, %get3A_621] {strides = array<i32>} : memref<64x256xf32, #tpu.memory_space<vmem>>, vector<1x16xf32>,
          %get3A_623 = vector.shape_cast %get3A_622 : vector<1x16xf32> to vector<16xf32>
          %max3A_624 = arith.maximumf %get3A_599, %get3A_607 : vector<16xf32>
          %min3A_625 = arith.minimumf %get3A_599, %get3A_607 : vector<16xf32>
          %max3A_626 = arith.maximumf %get3A_615, %get3A_623 : vector<16xf32>
          %min3A_627 = arith.minimumf %get3A_615, %get3A_623 : vector<16xf32>
          %max3A_628 = arith.maximumf %max3A_624, %max3A_626 : vector<16xf32>
          %min3A_629 = arith.minimumf %max3A_624, %max3A_626 : vector<16xf32>
          %max3A_630 = arith.maximumf %min3A_625, %min3A_627 : vector<16xf32>
          %min3A_631 = arith.minimumf %min3A_625, %min3A_627 : vector<16xf32>
          %max3A_632 = arith.maximumf %max3A_630, %min3A_629 : vector<16xf32>
          %min3A_633 = arith.minimumf %max3A_630, %min3A_629 : vector<16xf32>
          %max3A_634 = arith.maximumf %scan3A_412, %min3A_631 : vector<16xf32>
          %max3A_635 = arith.maximumf %scan3A_413, %min3A_633 : vector<16xf32>
          %max3A_636 = arith.maximumf %scan3A_414, %max3A_632 : vector<16xf32>
          %max3A_637 = arith.maximumf %scan3A_415, %max3A_628 : vector<16xf32>
          %max3A_638 = arith.maximumf %max3A_634, %max3A_636 : vector<16xf32>
          %min3A_639 = arith.minimumf %max3A_634, %max3A_636 : vector<16xf32>
          %max3A_640 = arith.maximumf %max3A_635, %max3A_637 : vector<16xf32>
          %min3A_641 = arith.minimumf %max3A_635, %max3A_637 : vector<16xf32>
          %max3A_642 = arith.maximumf %max3A_638, %max3A_640 : vector<16xf32>
          %min3A_643 = arith.minimumf %max3A_638, %max3A_640 : vector<16xf32>
          %max3A_644 = arith.maximumf %min3A_639, %min3A_641 : vector<16xf32>
          %min3A_645 = arith.minimumf %min3A_639, %min3A_641 : vector<16xf32>
          scf.yield %max3A_468, %min3A_469, %max3A_470, %min3A_471, %max3A_526, %min3A_527, %max3A_528, %min3A_529, %max3A_584, %min3A_585, %max3A_586, %min3A_587, %max3A_642, %min3A_643, %max3A_644, %min3A_645 : vector<16xf32>, vector<16xf32>, vector<16xf32>, vector<16xf32>, vector<16xf32>, vector<16xf32>, vector<16xf32>, vector<16xf32>, vector<16xf32>, vector<16xf32>, vector<16xf32>, vector<16xf32>, vector<16xf32>, vector<16xf32>, vector<16xf32>, vector<16xf32>
        }
        %scan3A_287 = arith.constant 4 : i32
        %add3A_288 = arith.constant 0 : i32
        %add3A_289 = arith.addi %mul3A_154, %add3A_288 : i32
        %swap3A = arith.index_cast %add3A_289 : i32 to index
        %swap3A_290 = arith.constant 0 : index
        %swap3A_291 = tpu.vector_load %arg8[%swap3A, %swap3A_290] {strides = array<i32>} : memref<256x16xf32, #tpu.memory_space<vmem>>, vector<1x16xf32>,
        %swap3A_292 = vector.shape_cast %swap3A_291 : vector<1x16xf32> to vector<16xf32>
        %swap3A_293 = vector.shape_cast %scan3A_286#0 : vector<16xf32> to vector<1x16xf32>
        tpu.vector_store %arg8[%swap3A, %swap3A_290], %swap3A_293 {strides = array<i32>} : memref<256x16xf32, #tpu.memory_space<vmem>>, vector<1x16xf32>,
        %add3A_294 = arith.constant 1 : i32
        %add3A_295 = arith.addi %mul3A_154, %add3A_294 : i32
        %swap3A_296 = arith.index_cast %add3A_295 : i32 to index
        %swap3A_297 = arith.constant 0 : index
        %swap3A_298 = tpu.vector_load %arg8[%swap3A_296, %swap3A_297] {strides = array<i32>} : memref<256x16xf32, #tpu.memory_space<vmem>>, vector<1x16xf32>,
        %swap3A_299 = vector.shape_cast %swap3A_298 : vector<1x16xf32> to vector<16xf32>
        %swap3A_300 = vector.shape_cast %scan3A_286#1 : vector<16xf32> to vector<1x16xf32>
        tpu.vector_store %arg8[%swap3A_296, %swap3A_297], %swap3A_300 {strides = array<i32>} : memref<256x16xf32, #tpu.memory_space<vmem>>, vector<1x16xf32>,
        %add3A_301 = arith.constant 2 : i32
        %add3A_302 = arith.addi %mul3A_154, %add3A_301 : i32
        %swap3A_303 = arith.index_cast %add3A_302 : i32 to index
        %swap3A_304 = arith.constant 0 : index
        %swap3A_305 = tpu.vector_load %arg8[%swap3A_303, %swap3A_304] {strides = array<i32>} : memref<256x16xf32, #tpu.memory_space<vmem>>, vector<1x16xf32>,
        %swap3A_306 = vector.shape_cast %swap3A_305 : vector<1x16xf32> to vector<16xf32>
        %swap3A_307 = vector.shape_cast %scan3A_286#2 : vector<16xf32> to vector<1x16xf32>
        tpu.vector_store %arg8[%swap3A_303, %swap3A_304], %swap3A_307 {strides = array<i32>} : memref<256x16xf32, #tpu.memory_space<vmem>>, vector<1x16xf32>,
        %add3A_308 = arith.constant 3 : i32
        %add3A_309 = arith.addi %mul3A_154, %add3A_308 : i32
        %swap3A_310 = arith.index_cast %add3A_309 : i32 to index
        %swap3A_311 = arith.constant 0 : index
        %swap3A_312 = tpu.vector_load %arg8[%swap3A_310, %swap3A_311] {strides = array<i32>} : memref<256x16xf32, #tpu.memory_space<vmem>>, vector<1x16xf32>,
        %swap3A_313 = vector.shape_cast %swap3A_312 : vector<1x16xf32> to vector<16xf32>
        %swap3A_314 = vector.shape_cast %scan3A_286#3 : vector<16xf32> to vector<1x16xf32>
        tpu.vector_store %arg8[%swap3A_310, %swap3A_311], %swap3A_314 {strides = array<i32>} : memref<256x16xf32, #tpu.memory_space<vmem>>, vector<1x16xf32>,
        %add3A_315 = arith.constant 4 : i32
        %add3A_316 = arith.addi %mul3A_154, %add3A_315 : i32
        %swap3A_317 = arith.index_cast %add3A_316 : i32 to index
        %swap3A_318 = arith.constant 0 : index
        %swap3A_319 = tpu.vector_load %arg8[%swap3A_317, %swap3A_318] {strides = array<i32>} : memref<256x16xf32, #tpu.memory_space<vmem>>, vector<1x16xf32>,
        %swap3A_320 = vector.shape_cast %swap3A_319 : vector<1x16xf32> to vector<16xf32>
        %swap3A_321 = vector.shape_cast %scan3A_286#4 : vector<16xf32> to vector<1x16xf32>
        tpu.vector_store %arg8[%swap3A_317, %swap3A_318], %swap3A_321 {strides = array<i32>} : memref<256x16xf32, #tpu.memory_space<vmem>>, vector<1x16xf32>,
        %add3A_322 = arith.constant 5 : i32
        %add3A_323 = arith.addi %mul3A_154, %add3A_322 : i32
        %swap3A_324 = arith.index_cast %add3A_323 : i32 to index
        %swap3A_325 = arith.constant 0 : index
        %swap3A_326 = tpu.vector_load %arg8[%swap3A_324, %swap3A_325] {strides = array<i32>} : memref<256x16xf32, #tpu.memory_space<vmem>>, vector<1x16xf32>,
        %swap3A_327 = vector.shape_cast %swap3A_326 : vector<1x16xf32> to vector<16xf32>
        %swap3A_328 = vector.shape_cast %scan3A_286#5 : vector<16xf32> to vector<1x16xf32>
        tpu.vector_store %arg8[%swap3A_324, %swap3A_325], %swap3A_328 {strides = array<i32>} : memref<256x16xf32, #tpu.memory_space<vmem>>, vector<1x16xf32>,
        %add3A_329 = arith.constant 6 : i32
        %add3A_330 = arith.addi %mul3A_154, %add3A_329 : i32
        %swap3A_331 = arith.index_cast %add3A_330 : i32 to index
        %swap3A_332 = arith.constant 0 : index
        %swap3A_333 = tpu.vector_load %arg8[%swap3A_331, %swap3A_332] {strides = array<i32>} : memref<256x16xf32, #tpu.memory_space<vmem>>, vector<1x16xf32>,
        %swap3A_334 = vector.shape_cast %swap3A_333 : vector<1x16xf32> to vector<16xf32>
        %swap3A_335 = vector.shape_cast %scan3A_286#6 : vector<16xf32> to vector<1x16xf32>
        tpu.vector_store %arg8[%swap3A_331, %swap3A_332], %swap3A_335 {strides = array<i32>} : memref<256x16xf32, #tpu.memory_space<vmem>>, vector<1x16xf32>,
        %add3A_336 = arith.constant 7 : i32
        %add3A_337 = arith.addi %mul3A_154, %add3A_336 : i32
        %swap3A_338 = arith.index_cast %add3A_337 : i32 to index
        %swap3A_339 = arith.constant 0 : index
        %swap3A_340 = tpu.vector_load %arg8[%swap3A_338, %swap3A_339] {strides = array<i32>} : memref<256x16xf32, #tpu.memory_space<vmem>>, vector<1x16xf32>,
        %swap3A_341 = vector.shape_cast %swap3A_340 : vector<1x16xf32> to vector<16xf32>
        %swap3A_342 = vector.shape_cast %scan3A_286#7 : vector<16xf32> to vector<1x16xf32>
        tpu.vector_store %arg8[%swap3A_338, %swap3A_339], %swap3A_342 {strides = array<i32>} : memref<256x16xf32, #tpu.memory_space<vmem>>, vector<1x16xf32>,
        %add3A_343 = arith.constant 8 : i32
        %add3A_344 = arith.addi %mul3A_154, %add3A_343 : i32
        %swap3A_345 = arith.index_cast %add3A_344 : i32 to index
        %swap3A_346 = arith.constant 0 : index
        %swap3A_347 = tpu.vector_load %arg8[%swap3A_345, %swap3A_346] {strides = array<i32>} : memref<256x16xf32, #tpu.memory_space<vmem>>, vector<1x16xf32>,
        %swap3A_348 = vector.shape_cast %swap3A_347 : vector<1x16xf32> to vector<16xf32>
        %swap3A_349 = vector.shape_cast %scan3A_286#8 : vector<16xf32> to vector<1x16xf32>
        tpu.vector_store %arg8[%swap3A_345, %swap3A_346], %swap3A_349 {strides = array<i32>} : memref<256x16xf32, #tpu.memory_space<vmem>>, vector<1x16xf32>,
        %add3A_350 = arith.constant 9 : i32
        %add3A_351 = arith.addi %mul3A_154, %add3A_350 : i32
        %swap3A_352 = arith.index_cast %add3A_351 : i32 to index
        %swap3A_353 = arith.constant 0 : index
        %swap3A_354 = tpu.vector_load %arg8[%swap3A_352, %swap3A_353] {strides = array<i32>} : memref<256x16xf32, #tpu.memory_space<vmem>>, vector<1x16xf32>,
        %swap3A_355 = vector.shape_cast %swap3A_354 : vector<1x16xf32> to vector<16xf32>
        %swap3A_356 = vector.shape_cast %scan3A_286#9 : vector<16xf32> to vector<1x16xf32>
        tpu.vector_store %arg8[%swap3A_352, %swap3A_353], %swap3A_356 {strides = array<i32>} : memref<256x16xf32, #tpu.memory_space<vmem>>, vector<1x16xf32>,
        %add3A_357 = arith.constant 10 : i32
        %add3A_358 = arith.addi %mul3A_154, %add3A_357 : i32
        %swap3A_359 = arith.index_cast %add3A_358 : i32 to index
        %swap3A_360 = arith.constant 0 : index
        %swap3A_361 = tpu.vector_load %arg8[%swap3A_359, %swap3A_360] {strides = array<i32>} : memref<256x16xf32, #tpu.memory_space<vmem>>, vector<1x16xf32>,
        %swap3A_362 = vector.shape_cast %swap3A_361 : vector<1x16xf32> to vector<16xf32>
        %swap3A_363 = vector.shape_cast %scan3A_286#10 : vector<16xf32> to vector<1x16xf32>
        tpu.vector_store %arg8[%swap3A_359, %swap3A_360], %swap3A_363 {strides = array<i32>} : memref<256x16xf32, #tpu.memory_space<vmem>>, vector<1x16xf32>,
        %add3A_364 = arith.constant 11 : i32
        %add3A_365 = arith.addi %mul3A_154, %add3A_364 : i32
        %swap3A_366 = arith.index_cast %add3A_365 : i32 to index
        %swap3A_367 = arith.constant 0 : index
        %swap3A_368 = tpu.vector_load %arg8[%swap3A_366, %swap3A_367] {strides = array<i32>} : memref<256x16xf32, #tpu.memory_space<vmem>>, vector<1x16xf32>,
        %swap3A_369 = vector.shape_cast %swap3A_368 : vector<1x16xf32> to vector<16xf32>
        %swap3A_370 = vector.shape_cast %scan3A_286#11 : vector<16xf32> to vector<1x16xf32>
        tpu.vector_store %arg8[%swap3A_366, %swap3A_367], %swap3A_370 {strides = array<i32>} : memref<256x16xf32, #tpu.memory_space<vmem>>, vector<1x16xf32>,
        %add3A_371 = arith.constant 12 : i32
        %add3A_372 = arith.addi %mul3A_154, %add3A_371 : i32
        %swap3A_373 = arith.index_cast %add3A_372 : i32 to index
        %swap3A_374 = arith.constant 0 : index
        %swap3A_375 = tpu.vector_load %arg8[%swap3A_373, %swap3A_374] {strides = array<i32>} : memref<256x16xf32, #tpu.memory_space<vmem>>, vector<1x16xf32>,
        %swap3A_376 = vector.shape_cast %swap3A_375 : vector<1x16xf32> to vector<16xf32>
        %swap3A_377 = vector.shape_cast %scan3A_286#12 : vector<16xf32> to vector<1x16xf32>
        tpu.vector_store %arg8[%swap3A_373, %swap3A_374], %swap3A_377 {strides = array<i32>} : memref<256x16xf32, #tpu.memory_space<vmem>>, vector<1x16xf32>,
        %add3A_378 = arith.constant 13 : i32
        %add3A_379 = arith.addi %mul3A_154, %add3A_378 : i32
        %swap3A_380 = arith.index_cast %add3A_379 : i32 to index
        %swap3A_381 = arith.constant 0 : index
        %swap3A_382 = tpu.vector_load %arg8[%swap3A_380, %swap3A_381] {strides = array<i32>} : memref<256x16xf32, #tpu.memory_space<vmem>>, vector<1x16xf32>,
        %swap3A_383 = vector.shape_cast %swap3A_382 : vector<1x16xf32> to vector<16xf32>
        %swap3A_384 = vector.shape_cast %scan3A_286#13 : vector<16xf32> to vector<1x16xf32>
        tpu.vector_store %arg8[%swap3A_380, %swap3A_381], %swap3A_384 {strides = array<i32>} : memref<256x16xf32, #tpu.memory_space<vmem>>, vector<1x16xf32>,
        %add3A_385 = arith.constant 14 : i32
        %add3A_386 = arith.addi %mul3A_154, %add3A_385 : i32
        %swap3A_387 = arith.index_cast %add3A_386 : i32 to index
        %swap3A_388 = arith.constant 0 : index
        %swap3A_389 = tpu.vector_load %arg8[%swap3A_387, %swap3A_388] {strides = array<i32>} : memref<256x16xf32, #tpu.memory_space<vmem>>, vector<1x16xf32>,
        %swap3A_390 = vector.shape_cast %swap3A_389 : vector<1x16xf32> to vector<16xf32>
        %swap3A_391 = vector.shape_cast %scan3A_286#14 : vector<16xf32> to vector<1x16xf32>
        tpu.vector_store %arg8[%swap3A_387, %swap3A_388], %swap3A_391 {strides = array<i32>} : memref<256x16xf32, #tpu.memory_space<vmem>>, vector<1x16xf32>,
        %add3A_392 = arith.constant 15 : i32
        %add3A_393 = arith.addi %mul3A_154, %add3A_392 : i32
        %swap3A_394 = arith.index_cast %add3A_393 : i32 to index
        %swap3A_395 = arith.constant 0 : index
        %swap3A_396 = tpu.vector_load %arg8[%swap3A_394, %swap3A_395] {strides = array<i32>} : memref<256x16xf32, #tpu.memory_space<vmem>>, vector<1x16xf32>,
        %swap3A_397 = vector.shape_cast %swap3A_396 : vector<1x16xf32> to vector<16xf32>
        %swap3A_398 = vector.shape_cast %scan3A_286#15 : vector<16xf32> to vector<1x16xf32>
        tpu.vector_store %arg8[%swap3A_394, %swap3A_395], %swap3A_398 {strides = array<i32>} : memref<256x16xf32, #tpu.memory_space<vmem>>, vector<1x16xf32>,
      }
      %scan3A_147 = arith.constant 16 : i32
    }
    %scan3A_21 = arith.constant 16 : i32
    %dma_start3A_22 = arith.constant 0 : i32
    %dma_start3A_23 = arith.constant 0 : i32
    %dma_start3A_24 = tpu.memref_slice %arg2[%mul3A_3, %dma_start3A_22, %dma_start3A_23] : memref<64x2048x256xf32, #tpu.memory_space<hbm>> -> memref<1x64x256xf32, #tpu.memory_space<hbm>>
    %dma_start3A_25 = tpu.memref_squeeze %dma_start3A_24 : memref<1x64x256xf32, #tpu.memory_space<hbm>> -> memref<64x256xf32, #tpu.memory_space<hbm>>
    %dma_start3A_26 = arith.constant 0 : i32
    %dma_start3A_27 = arith.constant 0 : i32
    %dma_start3A_28 = tpu.memref_slice %arg2[%mul3A_3, %dma_start3A_26, %dma_start3A_27] : memref<64x2048x256xf32, #tpu.memory_space<hbm>> -> memref<1x64x256xf32, #tpu.memory_space<hbm>>
    %dma_start3A_29 = tpu.memref_squeeze %dma_start3A_28 : memref<1x64x256xf32, #tpu.memory_space<hbm>> -> memref<64x256xf32, #tpu.memory_space<hbm>>
    tpu.enqueue_dma source(%dma_start3A_29 : memref<64x256xf32, #tpu.memory_space<hbm>>) target(%arg6 : memref<64x256xf32, #tpu.memory_space<vmem>>) target_semaphore(%arg12 : memref<!tpu.dma_semaphore, #tpu.memory_space<semaphore_mem>>)
    %dma_start3A_30 = arith.constant 0 : i32
    %dma_start3A_31 = arith.constant 0 : i32
    %dma_start3A_32 = tpu.memref_slice %arg2[%add3A_5, %dma_start3A_30, %dma_start3A_31] : memref<64x2048x256xf32, #tpu.memory_space<hbm>> -> memref<1x64x256xf32, #tpu.memory_space<hbm>>
    %dma_start3A_33 = tpu.memref_squeeze %dma_start3A_32 : memref<1x64x256xf32, #tpu.memory_space<hbm>> -> memref<64x256xf32, #tpu.memory_space<hbm>>
    %dma_start3A_34 = arith.constant 0 : i32
    %dma_start3A_35 = arith.constant 0 : i32
    %dma_start3A_36 = tpu.memref_slice %arg2[%add3A_5, %dma_start3A_34, %dma_start3A_35] : memref<64x2048x256xf32, #tpu.memory_space<hbm>> -> memref<1x64x256xf32, #tpu.memory_space<hbm>>
    %dma_start3A_37 = tpu.memref_squeeze %dma_start3A_36 : memref<1x64x256xf32, #tpu.memory_space<hbm>> -> memref<64x256xf32, #tpu.memory_space<hbm>>
    tpu.enqueue_dma source(%dma_start3A_37 : memref<64x256xf32, #tpu.memory_space<hbm>>) target(%arg4 : memref<64x256xf32, #tpu.memory_space<vmem>>) target_semaphore(%arg10 : memref<!tpu.dma_semaphore, #tpu.memory_space<semaphore_mem>>)
    %scan3A_38 = arith.constant 0 : i32
    %scan3A_39 = arith.constant 16 : i32
    %scan3A_40 = arith.addi %scan3A_38, %scan3A_39 : i32
    %scan3A_41 = arith.constant 1 : i32
    scf.for %scan3A_102 = %scan3A_38 to %scan3A_40 step %scan3A_41  : i32 {
      %mul3A_103 = arith.constant 1 : i32
      %mul3A_104 = arith.muli %scan3A_102, %mul3A_103 : i32
      %add3A_105 = arith.constant 0 : i32
      %add3A_106 = arith.addi %add3A_105, %mul3A_104 : i32
      %mul3A_107 = arith.constant 16 : i32
      %mul3A_108 = arith.muli %add3A_106, %mul3A_107 : i32
      %add3A_109 = arith.constant 0 : i32
      %add3A_110 = arith.addi %mul3A_108, %add3A_109 : i32
      %add3A_111 = arith.constant 0 : i32
      %add3A_112 = arith.addi %add3A_110, %add3A_111 : i32
      %get3A = arith.index_cast %add3A_112 : i32 to index
      %get3A_113 = arith.constant 0 : index
      %get3A_114 = tpu.vector_load %arg8[%get3A, %get3A_113] {strides = array<i32>} : memref<256x16xf32, #tpu.memory_space<vmem>>, vector<1x16xf32>,
      %get3A_115 = vector.shape_cast %get3A_114 : vector<1x16xf32> to vector<16xf32>
      %add3A_116 = arith.constant 0 : i32
      %add3A_117 = arith.addi %mul3A_108, %add3A_116 : i32
      %add3A_118 = arith.constant 1 : i32
      %add3A_119 = arith.addi %add3A_117, %add3A_118 : i32
      %get3A_120 = arith.index_cast %add3A_119 : i32 to index
      %get3A_121 = arith.constant 0 : index
      %get3A_122 = tpu.vector_load %arg8[%get3A_120, %get3A_121] {strides = array<i32>} : memref<256x16xf32, #tpu.memory_space<vmem>>, vector<1x16xf32>,
      %get3A_123 = vector.shape_cast %get3A_122 : vector<1x16xf32> to vector<16xf32>
      %add3A_124 = arith.constant 0 : i32
      %add3A_125 = arith.addi %mul3A_108, %add3A_124 : i32
      %add3A_126 = arith.constant 2 : i32
      %add3A_127 = arith.addi %add3A_125, %add3A_126 : i32
      %get3A_128 = arith.index_cast %add3A_127 : i32 to index
      %get3A_129 = arith.constant 0 : index
      %get3A_130 = tpu.vector_load %arg8[%get3A_128, %get3A_129] {strides = array<i32>} : memref<256x16xf32, #tpu.memory_space<vmem>>, vector<1x16xf32>,
      %get3A_131 = vector.shape_cast %get3A_130 : vector<1x16xf32> to vector<16xf32>
      %add3A_132 = arith.constant 0 : i32
      %add3A_133 = arith.addi %mul3A_108, %add3A_132 : i32
      %add3A_134 = arith.constant 3 : i32
      %add3A_135 = arith.addi %add3A_133, %add3A_134 : i32
      %get3A_136 = arith.index_cast %add3A_135 : i32 to index
      %get3A_137 = arith.constant 0 : index
      %get3A_138 = tpu.vector_load %arg8[%get3A_136, %get3A_137] {strides = array<i32>} : memref<256x16xf32, #tpu.memory_space<vmem>>, vector<1x16xf32>,
      %get3A_139 = vector.shape_cast %get3A_138 : vector<1x16xf32> to vector<16xf32>
      %add3A_140 = arith.constant 4 : i32
      %add3A_141 = arith.addi %mul3A_108, %add3A_140 : i32
      %add3A_142 = arith.constant 0 : i32
      %add3A_143 = arith.addi %add3A_141, %add3A_142 : i32
      %get3A_144 = arith.index_cast %add3A_143 : i32 to index
      %get3A_145 = arith.constant 0 : index
      %get3A_146 = tpu.vector_load %arg8[%get3A_144, %get3A_145] {strides = array<i32>} : memref<256x16xf32, #tpu.memory_space<vmem>>, vector<1x16xf32>,
      %get3A_147 = vector.shape_cast %get3A_146 : vector<1x16xf32> to vector<16xf32>
      %add3A_148 = arith.constant 4 : i32
      %add3A_149 = arith.addi %mul3A_108, %add3A_148 : i32
      %add3A_150 = arith.constant 1 : i32
      %add3A_151 = arith.addi %add3A_149, %add3A_150 : i32
      %get3A_152 = arith.index_cast %add3A_151 : i32 to index
      %get3A_153 = arith.constant 0 : index
      %get3A_154 = tpu.vector_load %arg8[%get3A_152, %get3A_153] {strides = array<i32>} : memref<256x16xf32, #tpu.memory_space<vmem>>, vector<1x16xf32>,
      %get3A_155 = vector.shape_cast %get3A_154 : vector<1x16xf32> to vector<16xf32>
      %add3A_156 = arith.constant 4 : i32
      %add3A_157 = arith.addi %mul3A_108, %add3A_156 : i32
      %add3A_158 = arith.constant 2 : i32
      %add3A_159 = arith.addi %add3A_157, %add3A_158 : i32
      %get3A_160 = arith.index_cast %add3A_159 : i32 to index
      %get3A_161 = arith.constant 0 : index
      %get3A_162 = tpu.vector_load %arg8[%get3A_160, %get3A_161] {strides = array<i32>} : memref<256x16xf32, #tpu.memory_space<vmem>>, vector<1x16xf32>,
      %get3A_163 = vector.shape_cast %get3A_162 : vector<1x16xf32> to vector<16xf32>
      %add3A_164 = arith.constant 4 : i32
      %add3A_165 = arith.addi %mul3A_108, %add3A_164 : i32
      %add3A_166 = arith.constant 3 : i32
      %add3A_167 = arith.addi %add3A_165, %add3A_166 : i32
      %get3A_168 = arith.index_cast %add3A_167 : i32 to index
      %get3A_169 = arith.constant 0 : index
      %get3A_170 = tpu.vector_load %arg8[%get3A_168, %get3A_169] {strides = array<i32>} : memref<256x16xf32, #tpu.memory_space<vmem>>, vector<1x16xf32>,
      %get3A_171 = vector.shape_cast %get3A_170 : vector<1x16xf32> to vector<16xf32>
      %add3A_172 = arith.constant 8 : i32
      %add3A_173 = arith.addi %mul3A_108, %add3A_172 : i32
      %add3A_174 = arith.constant 0 : i32
      %add3A_175 = arith.addi %add3A_173, %add3A_174 : i32
      %get3A_176 = arith.index_cast %add3A_175 : i32 to index
      %get3A_177 = arith.constant 0 : index
      %get3A_178 = tpu.vector_load %arg8[%get3A_176, %get3A_177] {strides = array<i32>} : memref<256x16xf32, #tpu.memory_space<vmem>>, vector<1x16xf32>,
      %get3A_179 = vector.shape_cast %get3A_178 : vector<1x16xf32> to vector<16xf32>
      %add3A_180 = arith.constant 8 : i32
      %add3A_181 = arith.addi %mul3A_108, %add3A_180 : i32
      %add3A_182 = arith.constant 1 : i32
      %add3A_183 = arith.addi %add3A_181, %add3A_182 : i32
      %get3A_184 = arith.index_cast %add3A_183 : i32 to index
      %get3A_185 = arith.constant 0 : index
      %get3A_186 = tpu.vector_load %arg8[%get3A_184, %get3A_185] {strides = array<i32>} : memref<256x16xf32, #tpu.memory_space<vmem>>, vector<1x16xf32>,
      %get3A_187 = vector.shape_cast %get3A_186 : vector<1x16xf32> to vector<16xf32>
      %add3A_188 = arith.constant 8 : i32
      %add3A_189 = arith.addi %mul3A_108, %add3A_188 : i32
      %add3A_190 = arith.constant 2 : i32
      %add3A_191 = arith.addi %add3A_189, %add3A_190 : i32
      %get3A_192 = arith.index_cast %add3A_191 : i32 to index
      %get3A_193 = arith.constant 0 : index
      %get3A_194 = tpu.vector_load %arg8[%get3A_192, %get3A_193] {strides = array<i32>} : memref<256x16xf32, #tpu.memory_space<vmem>>, vector<1x16xf32>,
      %get3A_195 = vector.shape_cast %get3A_194 : vector<1x16xf32> to vector<16xf32>
      %add3A_196 = arith.constant 8 : i32
      %add3A_197 = arith.addi %mul3A_108, %add3A_196 : i32
      %add3A_198 = arith.constant 3 : i32
      %add3A_199 = arith.addi %add3A_197, %add3A_198 : i32
      %get3A_200 = arith.index_cast %add3A_199 : i32 to index
      %get3A_201 = arith.constant 0 : index
      %get3A_202 = tpu.vector_load %arg8[%get3A_200, %get3A_201] {strides = array<i32>} : memref<256x16xf32, #tpu.memory_space<vmem>>, vector<1x16xf32>,
      %get3A_203 = vector.shape_cast %get3A_202 : vector<1x16xf32> to vector<16xf32>
      %add3A_204 = arith.constant 12 : i32
      %add3A_205 = arith.addi %mul3A_108, %add3A_204 : i32
      %add3A_206 = arith.constant 0 : i32
      %add3A_207 = arith.addi %add3A_205, %add3A_206 : i32
      %get3A_208 = arith.index_cast %add3A_207 : i32 to index
      %get3A_209 = arith.constant 0 : index
      %get3A_210 = tpu.vector_load %arg8[%get3A_208, %get3A_209] {strides = array<i32>} : memref<256x16xf32, #tpu.memory_space<vmem>>, vector<1x16xf32>,
      %get3A_211 = vector.shape_cast %get3A_210 : vector<1x16xf32> to vector<16xf32>
      %add3A_212 = arith.constant 12 : i32
      %add3A_213 = arith.addi %mul3A_108, %add3A_212 : i32
      %add3A_214 = arith.constant 1 : i32
      %add3A_215 = arith.addi %add3A_213, %add3A_214 : i32
      %get3A_216 = arith.index_cast %add3A_215 : i32 to index
      %get3A_217 = arith.constant 0 : index
      %get3A_218 = tpu.vector_load %arg8[%get3A_216, %get3A_217] {strides = array<i32>} : memref<256x16xf32, #tpu.memory_space<vmem>>, vector<1x16xf32>,
      %get3A_219 = vector.shape_cast %get3A_218 : vector<1x16xf32> to vector<16xf32>
      %add3A_220 = arith.constant 12 : i32
      %add3A_221 = arith.addi %mul3A_108, %add3A_220 : i32
      %add3A_222 = arith.constant 2 : i32
      %add3A_223 = arith.addi %add3A_221, %add3A_222 : i32
      %get3A_224 = arith.index_cast %add3A_223 : i32 to index
      %get3A_225 = arith.constant 0 : index
      %get3A_226 = tpu.vector_load %arg8[%get3A_224, %get3A_225] {strides = array<i32>} : memref<256x16xf32, #tpu.memory_space<vmem>>, vector<1x16xf32>,
      %get3A_227 = vector.shape_cast %get3A_226 : vector<1x16xf32> to vector<16xf32>
      %add3A_228 = arith.constant 12 : i32
      %add3A_229 = arith.addi %mul3A_108, %add3A_228 : i32
      %add3A_230 = arith.constant 3 : i32
      %add3A_231 = arith.addi %add3A_229, %add3A_230 : i32
      %get3A_232 = arith.index_cast %add3A_231 : i32 to index
      %get3A_233 = arith.constant 0 : index
      %get3A_234 = tpu.vector_load %arg8[%get3A_232, %get3A_233] {strides = array<i32>} : memref<256x16xf32, #tpu.memory_space<vmem>>, vector<1x16xf32>,
      %get3A_235 = vector.shape_cast %get3A_234 : vector<1x16xf32> to vector<16xf32>
      %max3A = arith.maximumf %get3A_115, %get3A_171 : vector<16xf32>
      %max3A_236 = arith.maximumf %get3A_123, %get3A_163 : vector<16xf32>
      %max3A_237 = arith.maximumf %get3A_131, %get3A_155 : vector<16xf32>
      %max3A_238 = arith.maximumf %get3A_139, %get3A_147 : vector<16xf32>
      %max3A_239 = arith.maximumf %max3A, %max3A_237 : vector<16xf32>
      %min3A = arith.minimumf %max3A, %max3A_237 : vector<16xf32>
      %max3A_240 = arith.maximumf %max3A_236, %max3A_238 : vector<16xf32>
      %min3A_241 = arith.minimumf %max3A_236, %max3A_238 : vector<16xf32>
      %max3A_242 = arith.maximumf %max3A_239, %max3A_240 : vector<16xf32>
      %min3A_243 = arith.minimumf %max3A_239, %max3A_240 : vector<16xf32>
      %max3A_244 = arith.maximumf %min3A, %min3A_241 : vector<16xf32>
      %min3A_245 = arith.minimumf %min3A, %min3A_241 : vector<16xf32>
      %max3A_246 = arith.maximumf %get3A_179, %get3A_235 : vector<16xf32>
      %max3A_247 = arith.maximumf %get3A_187, %get3A_227 : vector<16xf32>
      %max3A_248 = arith.maximumf %get3A_195, %get3A_219 : vector<16xf32>
      %max3A_249 = arith.maximumf %get3A_203, %get3A_211 : vector<16xf32>
      %max3A_250 = arith.maximumf %max3A_246, %max3A_248 : vector<16xf32>
      %min3A_251 = arith.minimumf %max3A_246, %max3A_248 : vector<16xf32>
      %max3A_252 = arith.maximumf %max3A_247, %max3A_249 : vector<16xf32>
      %min3A_253 = arith.minimumf %max3A_247, %max3A_249 : vector<16xf32>
      %max3A_254 = arith.maximumf %max3A_250, %max3A_252 : vector<16xf32>
      %min3A_255 = arith.minimumf %max3A_250, %max3A_252 : vector<16xf32>
      %max3A_256 = arith.maximumf %min3A_251, %min3A_253 : vector<16xf32>
      %min3A_257 = arith.minimumf %min3A_251, %min3A_253 : vector<16xf32>
      %max3A_258 = arith.maximumf %max3A_242, %min3A_257 : vector<16xf32>
      %max3A_259 = arith.maximumf %min3A_243, %max3A_256 : vector<16xf32>
      %max3A_260 = arith.maximumf %max3A_244, %min3A_255 : vector<16xf32>
      %max3A_261 = arith.maximumf %min3A_245, %max3A_254 : vector<16xf32>
      %max3A_262 = arith.maximumf %max3A_258, %max3A_260 : vector<16xf32>
      %min3A_263 = arith.minimumf %max3A_258, %max3A_260 : vector<16xf32>
      %max3A_264 = arith.maximumf %max3A_259, %max3A_261 : vector<16xf32>
      %min3A_265 = arith.minimumf %max3A_259, %max3A_261 : vector<16xf32>
      %max3A_266 = arith.maximumf %max3A_262, %max3A_264 : vector<16xf32>
      %min3A_267 = arith.minimumf %max3A_262, %max3A_264 : vector<16xf32>
      %max3A_268 = arith.maximumf %min3A_263, %min3A_265 : vector<16xf32>
      %min3A_269 = arith.minimumf %min3A_263, %min3A_265 : vector<16xf32>
      %swap3A = arith.index_cast %add3A_106 : i32 to index
      %swap3A_270 = arith.constant 0 : index
      %swap3A_271 = tpu.vector_load %arg9[%swap3A, %swap3A_270] {strides = array<i32>} : memref<16x16xf32, #tpu.memory_space<vmem>>, vector<1x16xf32>,
      %swap3A_272 = vector.shape_cast %swap3A_271 : vector<1x16xf32> to vector<16xf32>
      %swap3A_273 = vector.shape_cast %min3A_269 : vector<16xf32> to vector<1x16xf32>
      tpu.vector_store %arg9[%swap3A, %swap3A_270], %swap3A_273 {strides = array<i32>} : memref<16x16xf32, #tpu.memory_space<vmem>>, vector<1x16xf32>,
    }
    %scan3A_42 = arith.constant 16 : i32
    %scan3A_43 = arith.constant 0 : i32
    %scan3A_44 = arith.constant 256 : i32
    %scan3A_45 = arith.addi %scan3A_43, %scan3A_44 : i32
    %scan3A_46 = arith.constant 1 : i32
    scf.for %scan3A_102 = %scan3A_43 to %scan3A_45 step %scan3A_46  : i32 {
      %mul3A_103 = arith.constant 1 : i32
      %mul3A_104 = arith.muli %scan3A_102, %mul3A_103 : i32
      %add3A_105 = arith.constant 0 : i32
      %add3A_106 = arith.addi %add3A_105, %mul3A_104 : i32
      %swap3A = arith.index_cast %add3A_106 : i32 to index
      %swap3A_107 = arith.constant 0 : index
      %swap3A_108 = tpu.vector_load %arg8[%swap3A, %swap3A_107] {strides = array<i32>} : memref<256x16xf32, #tpu.memory_space<vmem>>, vector<1x16xf32>,
      %swap3A_109 = vector.shape_cast %swap3A_108 : vector<1x16xf32> to vector<16xf32>
      %swap3A_110 = vector.shape_cast %broadcast_in_dim3A_1 : vector<16xf32> to vector<1x16xf32>
      tpu.vector_store %arg8[%swap3A, %swap3A_107], %swap3A_110 {strides = array<i32>} : memref<256x16xf32, #tpu.memory_space<vmem>>, vector<1x16xf32>,
    }
    %scan3A_47 = arith.constant 256 : i32
    %scan3A_48 = arith.constant 0 : i32
    %scan3A_49 = arith.constant 16 : i32
    %scan3A_50 = arith.addi %scan3A_48, %scan3A_49 : i32
    %scan3A_51 = arith.constant 1 : i32
    scf.for %scan3A_102 = %scan3A_48 to %scan3A_50 step %scan3A_51  : i32 {
      %mul3A_103 = arith.constant 2 : i32
      %mul3A_104 = arith.muli %scan3A_102, %mul3A_103 : i32
      %add3A_105 = arith.constant 0 : i32
      %add3A_106 = arith.addi %add3A_105, %mul3A_104 : i32
      %add3A_107 = arith.constant 0 : i32
      %add3A_108 = arith.addi %add3A_106, %add3A_107 : i32
      %mul3A_109 = arith.constant 64 : i32
      %mul3A_110 = arith.muli %add3A_108, %mul3A_109 : i32
      %dma_wait3A_111 = arith.constant 0 : i32
      %dma_wait3A_112 = tpu.memref_slice %arg2[%mul3A_3, %mul3A_110, %dma_wait3A_111] : memref<64x2048x256xf32, #tpu.memory_space<hbm>> -> memref<1x64x256xf32, #tpu.memory_space<hbm>>
      %dma_wait3A_113 = tpu.memref_squeeze %dma_wait3A_112 : memref<1x64x256xf32, #tpu.memory_space<hbm>> -> memref<64x256xf32, #tpu.memory_space<hbm>>
      %dma_wait3A_114 = arith.constant 0 : i32
      %dma_wait3A_115 = tpu.memref_slice %arg2[%mul3A_3, %mul3A_110, %dma_wait3A_114] : memref<64x2048x256xf32, #tpu.memory_space<hbm>> -> memref<1x64x256xf32, #tpu.memory_space<hbm>>
      %dma_wait3A_116 = tpu.memref_squeeze %dma_wait3A_115 : memref<1x64x256xf32, #tpu.memory_space<hbm>> -> memref<64x256xf32, #tpu.memory_space<hbm>>
      tpu.wait_dma2 semaphore(%arg12 : memref<!tpu.dma_semaphore, #tpu.memory_space<semaphore_mem>>) src(%dma_wait3A_116 : memref<64x256xf32, #tpu.memory_space<hbm>>) dst(%arg6 : memref<64x256xf32, #tpu.memory_space<vmem>>)
      %add3A_117 = arith.constant 1 : i32
      %add3A_118 = arith.addi %add3A_108, %add3A_117 : i32
      %lt3A = arith.constant 32 : i32
      %lt3A_119 = arith.cmpi slt, %add3A_118, %lt3A : i32
      %convert_element_type3A = arith.extui %lt3A_119 : i1 to i32
      %cond3A = arith.constant 0 : i32
      %cond3A_120 = arith.cmpi ne, %convert_element_type3A, %cond3A : i32
      scf.if %cond3A_120 {
        %ge3A = arith.constant 1 : i32
        %ge3A_208 = arith.cmpi sge, %add3A_108, %ge3A : i32
        %convert_element_type3A_209 = arith.extui %ge3A_208 : i1 to i32
        %cond3A_210 = arith.constant 0 : i32
        %cond3A_211 = arith.cmpi ne, %convert_element_type3A_209, %cond3A_210 : i32
        scf.if %cond3A_211 {
          %sub3A = arith.constant 1 : i32
          %sub3A_222 = arith.subi %add3A_108, %sub3A : i32
          %mul3A_223 = arith.constant 64 : i32
          %mul3A_224 = arith.muli %sub3A_222, %mul3A_223 : i32
          %dma_wait3A_225 = arith.constant 0 : i32
          %dma_wait3A_226 = tpu.memref_slice %arg3[%mul3A_3, %mul3A_224, %dma_wait3A_225] : memref<64x2048x256xf32, #tpu.memory_space<hbm>> -> memref<1x64x256xf32, #tpu.memory_space<hbm>>
          %dma_wait3A_227 = tpu.memref_squeeze %dma_wait3A_226 : memref<1x64x256xf32, #tpu.memory_space<hbm>> -> memref<64x256xf32, #tpu.memory_space<hbm>>
          %dma_wait3A_228 = arith.constant 0 : i32
          %dma_wait3A_229 = tpu.memref_slice %arg3[%mul3A_3, %mul3A_224, %dma_wait3A_228] : memref<64x2048x256xf32, #tpu.memory_space<hbm>> -> memref<1x64x256xf32, #tpu.memory_space<hbm>>
          %dma_wait3A_230 = tpu.memref_squeeze %dma_wait3A_229 : memref<1x64x256xf32, #tpu.memory_space<hbm>> -> memref<64x256xf32, #tpu.memory_space<hbm>>
          tpu.wait_dma2 semaphore(%arg15 : memref<!tpu.dma_semaphore, #tpu.memory_space<semaphore_mem>>) src(%arg7 : memref<64x256xf32, #tpu.memory_space<vmem>>) dst(%dma_wait3A_230 : memref<64x256xf32, #tpu.memory_space<hbm>>)
        } else {
        }
        %add3A_212 = arith.constant 1 : i32
        %add3A_213 = arith.addi %add3A_108, %add3A_212 : i32
        %mul3A_214 = arith.constant 64 : i32
        %mul3A_215 = arith.muli %add3A_213, %mul3A_214 : i32
        %dma_start3A_216 = arith.constant 0 : i32
        %dma_start3A_217 = tpu.memref_slice %arg2[%mul3A_3, %mul3A_215, %dma_start3A_216] : memref<64x2048x256xf32, #tpu.memory_space<hbm>> -> memref<1x64x256xf32, #tpu.memory_space<hbm>>
        %dma_start3A_218 = tpu.memref_squeeze %dma_start3A_217 : memref<1x64x256xf32, #tpu.memory_space<hbm>> -> memref<64x256xf32, #tpu.memory_space<hbm>>
        %dma_start3A_219 = arith.constant 0 : i32
        %dma_start3A_220 = tpu.memref_slice %arg2[%mul3A_3, %mul3A_215, %dma_start3A_219] : memref<64x2048x256xf32, #tpu.memory_space<hbm>> -> memref<1x64x256xf32, #tpu.memory_space<hbm>>
        %dma_start3A_221 = tpu.memref_squeeze %dma_start3A_220 : memref<1x64x256xf32, #tpu.memory_space<hbm>> -> memref<64x256xf32, #tpu.memory_space<hbm>>
        tpu.enqueue_dma source(%dma_start3A_221 : memref<64x256xf32, #tpu.memory_space<hbm>>) target(%arg7 : memref<64x256xf32, #tpu.memory_space<vmem>>) target_semaphore(%arg13 : memref<!tpu.dma_semaphore, #tpu.memory_space<semaphore_mem>>)
      } else {
      }
      %mul3A_121 = arith.constant 64 : i32
      %mul3A_122 = arith.muli %add3A_108, %mul3A_121 : i32
      %dma_wait3A_123 = arith.constant 0 : i32
      %dma_wait3A_124 = tpu.memref_slice %arg2[%add3A_5, %mul3A_122, %dma_wait3A_123] : memref<64x2048x256xf32, #tpu.memory_space<hbm>> -> memref<1x64x256xf32, #tpu.memory_space<hbm>>
      %dma_wait3A_125 = tpu.memref_squeeze %dma_wait3A_124 : memref<1x64x256xf32, #tpu.memory_space<hbm>> -> memref<64x256xf32, #tpu.memory_space<hbm>>
      %dma_wait3A_126 = arith.constant 0 : i32
      %dma_wait3A_127 = tpu.memref_slice %arg2[%add3A_5, %mul3A_122, %dma_wait3A_126] : memref<64x2048x256xf32, #tpu.memory_space<hbm>> -> memref<1x64x256xf32, #tpu.memory_space<hbm>>
      %dma_wait3A_128 = tpu.memref_squeeze %dma_wait3A_127 : memref<1x64x256xf32, #tpu.memory_space<hbm>> -> memref<64x256xf32, #tpu.memory_space<hbm>>
      tpu.wait_dma2 semaphore(%arg10 : memref<!tpu.dma_semaphore, #tpu.memory_space<semaphore_mem>>) src(%dma_wait3A_128 : memref<64x256xf32, #tpu.memory_space<hbm>>) dst(%arg4 : memref<64x256xf32, #tpu.memory_space<vmem>>)
      %add3A_129 = arith.constant 1 : i32
      %add3A_130 = arith.addi %add3A_108, %add3A_129 : i32
      %lt3A_131 = arith.constant 32 : i32
      %lt3A_132 = arith.cmpi slt, %add3A_130, %lt3A_131 : i32
      %convert_element_type3A_133 = arith.extui %lt3A_132 : i1 to i32
      %cond3A_134 = arith.constant 0 : i32
      %cond3A_135 = arith.cmpi ne, %convert_element_type3A_133, %cond3A_134 : i32
      scf.if %cond3A_135 {
        %add3A_208 = arith.constant 1 : i32
        %add3A_209 = arith.addi %add3A_108, %add3A_208 : i32
        %mul3A_210 = arith.constant 64 : i32
        %mul3A_211 = arith.muli %add3A_209, %mul3A_210 : i32
        %dma_start3A_212 = arith.constant 0 : i32
        %dma_start3A_213 = tpu.memref_slice %arg2[%add3A_5, %mul3A_211, %dma_start3A_212] : memref<64x2048x256xf32, #tpu.memory_space<hbm>> -> memref<1x64x256xf32, #tpu.memory_space<hbm>>
        %dma_start3A_214 = tpu.memref_squeeze %dma_start3A_213 : memref<1x64x256xf32, #tpu.memory_space<hbm>> -> memref<64x256xf32, #tpu.memory_space<hbm>>
        %dma_start3A_215 = arith.constant 0 : i32
        %dma_start3A_216 = tpu.memref_slice %arg2[%add3A_5, %mul3A_211, %dma_start3A_215] : memref<64x2048x256xf32, #tpu.memory_space<hbm>> -> memref<1x64x256xf32, #tpu.memory_space<hbm>>
        %dma_start3A_217 = tpu.memref_squeeze %dma_start3A_216 : memref<1x64x256xf32, #tpu.memory_space<hbm>> -> memref<64x256xf32, #tpu.memory_space<hbm>>
        tpu.enqueue_dma source(%dma_start3A_217 : memref<64x256xf32, #tpu.memory_space<hbm>>) target(%arg5 : memref<64x256xf32, #tpu.memory_space<vmem>>) target_semaphore(%arg11 : memref<!tpu.dma_semaphore, #tpu.memory_space<semaphore_mem>>)
      } else {
      }
      %broadcast_in_dim3A_136 = arith.constant 0.000000e+00 : f32
      %broadcast_in_dim3A_137 = vector.broadcast %broadcast_in_dim3A_136 : f32 to vector<16xf32>
      %scan3A_138 = arith.constant 0 : i32
      %scan3A_139 = arith.constant 16 : i32
      %scan3A_140 = arith.addi %scan3A_138, %scan3A_139 : i32
      %scan3A_141 = arith.constant 1 : i32
      scf.for %scan3A_208 = %scan3A_138 to %scan3A_140 step %scan3A_141  : i32 {
        %mul3A_209 = arith.constant 1 : i32
        %mul3A_210 = arith.muli %scan3A_208, %mul3A_209 : i32
        %add3A_211 = arith.constant 0 : i32
        %add3A_212 = arith.addi %add3A_211, %mul3A_210 : i32
        %get3A = arith.index_cast %add3A_212 : i32 to index
        %get3A_213 = arith.constant 0 : index
        %get3A_214 = tpu.vector_load %arg9[%get3A, %get3A_213] {strides = array<i32>} : memref<16x16xf32, #tpu.memory_space<vmem>>, vector<1x16xf32>,
        %get3A_215 = vector.shape_cast %get3A_214 : vector<1x16xf32> to vector<16xf32>
        %scan3A_216 = arith.constant 0 : i32
        %scan3A_217 = arith.constant 8 : i32
        %scan3A_218 = arith.addi %scan3A_216, %scan3A_217 : i32
        %scan3A_219 = arith.constant 1 : i32
        scf.for %scan3A_221 = %scan3A_216 to %scan3A_218 step %scan3A_219  : i32 {
          %mul3A_222 = arith.constant 8 : i32
          %mul3A_223 = arith.muli %scan3A_221, %mul3A_222 : i32
          %add3A_224 = arith.constant 0 : i32
          %add3A_225 = arith.addi %add3A_224, %mul3A_223 : i32
          %add3A_226 = arith.constant 0 : i32
          %add3A_227 = arith.addi %add3A_225, %add3A_226 : i32
          %mul3A_228 = arith.constant 16 : i32
          %mul3A_229 = arith.muli %add3A_212, %mul3A_228 : i32
          %get3A_230 = arith.index_cast %add3A_227 : i32 to index
          %get3A_231 = arith.index_cast %mul3A_229 : i32 to index
          %get3A_232 = tpu.vector_load %arg6[%get3A_230, %get3A_231] {strides = array<i32>} : memref<64x256xf32, #tpu.memory_space<vmem>>, vector<1x16xf32>,
          %get3A_233 = vector.shape_cast %get3A_232 : vector<1x16xf32> to vector<16xf32>
          %ge3A = arith.cmpf oge, %get3A_233, %get3A_215 : vector<16xf32>
          %select_n3A = arith.select %ge3A, %broadcast_in_dim3A_137, %get3A_233 : vector<16xi1>, vector<16xf32>
          %add3A_234 = arith.constant 0 : i32
          %add3A_235 = arith.addi %add3A_225, %add3A_234 : i32
          %mul3A_236 = arith.constant 16 : i32
          %mul3A_237 = arith.muli %add3A_212, %mul3A_236 : i32
          %swap3A = arith.index_cast %add3A_235 : i32 to index
          %swap3A_238 = arith.index_cast %mul3A_237 : i32 to index
          %swap3A_239 = tpu.vector_load %arg6[%swap3A, %swap3A_238] {strides = array<i32>} : memref<64x256xf32, #tpu.memory_space<vmem>>, vector<1x16xf32>,
          %swap3A_240 = vector.shape_cast %swap3A_239 : vector<1x16xf32> to vector<16xf32>
          %swap3A_241 = vector.shape_cast %select_n3A : vector<16xf32> to vector<1x16xf32>
          tpu.vector_store %arg6[%swap3A, %swap3A_238], %swap3A_241 {strides = array<i32>} : memref<64x256xf32, #tpu.memory_space<vmem>>, vector<1x16xf32>,
          %add3A_242 = arith.constant 1 : i32
          %add3A_243 = arith.addi %add3A_225, %add3A_242 : i32
          %mul3A_244 = arith.constant 16 : i32
          %mul3A_245 = arith.muli %add3A_212, %mul3A_244 : i32
          %get3A_246 = arith.index_cast %add3A_243 : i32 to index
          %get3A_247 = arith.index_cast %mul3A_245 : i32 to index
          %get3A_248 = tpu.vector_load %arg6[%get3A_246, %get3A_247] {strides = array<i32>} : memref<64x256xf32, #tpu.memory_space<vmem>>, vector<1x16xf32>,
          %get3A_249 = vector.shape_cast %get3A_248 : vector<1x16xf32> to vector<16xf32>
          %ge3A_250 = arith.cmpf oge, %get3A_249, %get3A_215 : vector<16xf32>
          %select_n3A_251 = arith.select %ge3A_250, %broadcast_in_dim3A_137, %get3A_249 : vector<16xi1>, vector<16xf32>
          %add3A_252 = arith.constant 1 : i32
          %add3A_253 = arith.addi %add3A_225, %add3A_252 : i32
          %mul3A_254 = arith.constant 16 : i32
          %mul3A_255 = arith.muli %add3A_212, %mul3A_254 : i32
          %swap3A_256 = arith.index_cast %add3A_253 : i32 to index
          %swap3A_257 = arith.index_cast %mul3A_255 : i32 to index
          %swap3A_258 = tpu.vector_load %arg6[%swap3A_256, %swap3A_257] {strides = array<i32>} : memref<64x256xf32, #tpu.memory_space<vmem>>, vector<1x16xf32>,
          %swap3A_259 = vector.shape_cast %swap3A_258 : vector<1x16xf32> to vector<16xf32>
          %swap3A_260 = vector.shape_cast %select_n3A_251 : vector<16xf32> to vector<1x16xf32>
          tpu.vector_store %arg6[%swap3A_256, %swap3A_257], %swap3A_260 {strides = array<i32>} : memref<64x256xf32, #tpu.memory_space<vmem>>, vector<1x16xf32>,
          %add3A_261 = arith.constant 2 : i32
          %add3A_262 = arith.addi %add3A_225, %add3A_261 : i32
          %mul3A_263 = arith.constant 16 : i32
          %mul3A_264 = arith.muli %add3A_212, %mul3A_263 : i32
          %get3A_265 = arith.index_cast %add3A_262 : i32 to index
          %get3A_266 = arith.index_cast %mul3A_264 : i32 to index
          %get3A_267 = tpu.vector_load %arg6[%get3A_265, %get3A_266] {strides = array<i32>} : memref<64x256xf32, #tpu.memory_space<vmem>>, vector<1x16xf32>,
          %get3A_268 = vector.shape_cast %get3A_267 : vector<1x16xf32> to vector<16xf32>
          %ge3A_269 = arith.cmpf oge, %get3A_268, %get3A_215 : vector<16xf32>
          %select_n3A_270 = arith.select %ge3A_269, %broadcast_in_dim3A_137, %get3A_268 : vector<16xi1>, vector<16xf32>
          %add3A_271 = arith.constant 2 : i32
          %add3A_272 = arith.addi %add3A_225, %add3A_271 : i32
          %mul3A_273 = arith.constant 16 : i32
          %mul3A_274 = arith.muli %add3A_212, %mul3A_273 : i32
          %swap3A_275 = arith.index_cast %add3A_272 : i32 to index
          %swap3A_276 = arith.index_cast %mul3A_274 : i32 to index
          %swap3A_277 = tpu.vector_load %arg6[%swap3A_275, %swap3A_276] {strides = array<i32>} : memref<64x256xf32, #tpu.memory_space<vmem>>, vector<1x16xf32>,
          %swap3A_278 = vector.shape_cast %swap3A_277 : vector<1x16xf32> to vector<16xf32>
          %swap3A_279 = vector.shape_cast %select_n3A_270 : vector<16xf32> to vector<1x16xf32>
          tpu.vector_store %arg6[%swap3A_275, %swap3A_276], %swap3A_279 {strides = array<i32>} : memref<64x256xf32, #tpu.memory_space<vmem>>, vector<1x16xf32>,
          %add3A_280 = arith.constant 3 : i32
          %add3A_281 = arith.addi %add3A_225, %add3A_280 : i32
          %mul3A_282 = arith.constant 16 : i32
          %mul3A_283 = arith.muli %add3A_212, %mul3A_282 : i32
          %get3A_284 = arith.index_cast %add3A_281 : i32 to index
          %get3A_285 = arith.index_cast %mul3A_283 : i32 to index
          %get3A_286 = tpu.vector_load %arg6[%get3A_284, %get3A_285] {strides = array<i32>} : memref<64x256xf32, #tpu.memory_space<vmem>>, vector<1x16xf32>,
          %get3A_287 = vector.shape_cast %get3A_286 : vector<1x16xf32> to vector<16xf32>
          %ge3A_288 = arith.cmpf oge, %get3A_287, %get3A_215 : vector<16xf32>
          %select_n3A_289 = arith.select %ge3A_288, %broadcast_in_dim3A_137, %get3A_287 : vector<16xi1>, vector<16xf32>
          %add3A_290 = arith.constant 3 : i32
          %add3A_291 = arith.addi %add3A_225, %add3A_290 : i32
          %mul3A_292 = arith.constant 16 : i32
          %mul3A_293 = arith.muli %add3A_212, %mul3A_292 : i32
          %swap3A_294 = arith.index_cast %add3A_291 : i32 to index
          %swap3A_295 = arith.index_cast %mul3A_293 : i32 to index
          %swap3A_296 = tpu.vector_load %arg6[%swap3A_294, %swap3A_295] {strides = array<i32>} : memref<64x256xf32, #tpu.memory_space<vmem>>, vector<1x16xf32>,
          %swap3A_297 = vector.shape_cast %swap3A_296 : vector<1x16xf32> to vector<16xf32>
          %swap3A_298 = vector.shape_cast %select_n3A_289 : vector<16xf32> to vector<1x16xf32>
          tpu.vector_store %arg6[%swap3A_294, %swap3A_295], %swap3A_298 {strides = array<i32>} : memref<64x256xf32, #tpu.memory_space<vmem>>, vector<1x16xf32>,
          %add3A_299 = arith.constant 4 : i32
          %add3A_300 = arith.addi %add3A_225, %add3A_299 : i32
          %mul3A_301 = arith.constant 16 : i32
          %mul3A_302 = arith.muli %add3A_212, %mul3A_301 : i32
          %get3A_303 = arith.index_cast %add3A_300 : i32 to index
          %get3A_304 = arith.index_cast %mul3A_302 : i32 to index
          %get3A_305 = tpu.vector_load %arg6[%get3A_303, %get3A_304] {strides = array<i32>} : memref<64x256xf32, #tpu.memory_space<vmem>>, vector<1x16xf32>,
          %get3A_306 = vector.shape_cast %get3A_305 : vector<1x16xf32> to vector<16xf32>
          %ge3A_307 = arith.cmpf oge, %get3A_306, %get3A_215 : vector<16xf32>
          %select_n3A_308 = arith.select %ge3A_307, %broadcast_in_dim3A_137, %get3A_306 : vector<16xi1>, vector<16xf32>
          %add3A_309 = arith.constant 4 : i32
          %add3A_310 = arith.addi %add3A_225, %add3A_309 : i32
          %mul3A_311 = arith.constant 16 : i32
          %mul3A_312 = arith.muli %add3A_212, %mul3A_311 : i32
          %swap3A_313 = arith.index_cast %add3A_310 : i32 to index
          %swap3A_314 = arith.index_cast %mul3A_312 : i32 to index
          %swap3A_315 = tpu.vector_load %arg6[%swap3A_313, %swap3A_314] {strides = array<i32>} : memref<64x256xf32, #tpu.memory_space<vmem>>, vector<1x16xf32>,
          %swap3A_316 = vector.shape_cast %swap3A_315 : vector<1x16xf32> to vector<16xf32>
          %swap3A_317 = vector.shape_cast %select_n3A_308 : vector<16xf32> to vector<1x16xf32>
          tpu.vector_store %arg6[%swap3A_313, %swap3A_314], %swap3A_317 {strides = array<i32>} : memref<64x256xf32, #tpu.memory_space<vmem>>, vector<1x16xf32>,
          %add3A_318 = arith.constant 5 : i32
          %add3A_319 = arith.addi %add3A_225, %add3A_318 : i32
          %mul3A_320 = arith.constant 16 : i32
          %mul3A_321 = arith.muli %add3A_212, %mul3A_320 : i32
          %get3A_322 = arith.index_cast %add3A_319 : i32 to index
          %get3A_323 = arith.index_cast %mul3A_321 : i32 to index
          %get3A_324 = tpu.vector_load %arg6[%get3A_322, %get3A_323] {strides = array<i32>} : memref<64x256xf32, #tpu.memory_space<vmem>>, vector<1x16xf32>,
          %get3A_325 = vector.shape_cast %get3A_324 : vector<1x16xf32> to vector<16xf32>
          %ge3A_326 = arith.cmpf oge, %get3A_325, %get3A_215 : vector<16xf32>
          %select_n3A_327 = arith.select %ge3A_326, %broadcast_in_dim3A_137, %get3A_325 : vector<16xi1>, vector<16xf32>
          %add3A_328 = arith.constant 5 : i32
          %add3A_329 = arith.addi %add3A_225, %add3A_328 : i32
          %mul3A_330 = arith.constant 16 : i32
          %mul3A_331 = arith.muli %add3A_212, %mul3A_330 : i32
          %swap3A_332 = arith.index_cast %add3A_329 : i32 to index
          %swap3A_333 = arith.index_cast %mul3A_331 : i32 to index
          %swap3A_334 = tpu.vector_load %arg6[%swap3A_332, %swap3A_333] {strides = array<i32>} : memref<64x256xf32, #tpu.memory_space<vmem>>, vector<1x16xf32>,
          %swap3A_335 = vector.shape_cast %swap3A_334 : vector<1x16xf32> to vector<16xf32>
          %swap3A_336 = vector.shape_cast %select_n3A_327 : vector<16xf32> to vector<1x16xf32>
          tpu.vector_store %arg6[%swap3A_332, %swap3A_333], %swap3A_336 {strides = array<i32>} : memref<64x256xf32, #tpu.memory_space<vmem>>, vector<1x16xf32>,
          %add3A_337 = arith.constant 6 : i32
          %add3A_338 = arith.addi %add3A_225, %add3A_337 : i32
          %mul3A_339 = arith.constant 16 : i32
          %mul3A_340 = arith.muli %add3A_212, %mul3A_339 : i32
          %get3A_341 = arith.index_cast %add3A_338 : i32 to index
          %get3A_342 = arith.index_cast %mul3A_340 : i32 to index
          %get3A_343 = tpu.vector_load %arg6[%get3A_341, %get3A_342] {strides = array<i32>} : memref<64x256xf32, #tpu.memory_space<vmem>>, vector<1x16xf32>,
          %get3A_344 = vector.shape_cast %get3A_343 : vector<1x16xf32> to vector<16xf32>
          %ge3A_345 = arith.cmpf oge, %get3A_344, %get3A_215 : vector<16xf32>
          %select_n3A_346 = arith.select %ge3A_345, %broadcast_in_dim3A_137, %get3A_344 : vector<16xi1>, vector<16xf32>
          %add3A_347 = arith.constant 6 : i32
          %add3A_348 = arith.addi %add3A_225, %add3A_347 : i32
          %mul3A_349 = arith.constant 16 : i32
          %mul3A_350 = arith.muli %add3A_212, %mul3A_349 : i32
          %swap3A_351 = arith.index_cast %add3A_348 : i32 to index
          %swap3A_352 = arith.index_cast %mul3A_350 : i32 to index
          %swap3A_353 = tpu.vector_load %arg6[%swap3A_351, %swap3A_352] {strides = array<i32>} : memref<64x256xf32, #tpu.memory_space<vmem>>, vector<1x16xf32>,
          %swap3A_354 = vector.shape_cast %swap3A_353 : vector<1x16xf32> to vector<16xf32>
          %swap3A_355 = vector.shape_cast %select_n3A_346 : vector<16xf32> to vector<1x16xf32>
          tpu.vector_store %arg6[%swap3A_351, %swap3A_352], %swap3A_355 {strides = array<i32>} : memref<64x256xf32, #tpu.memory_space<vmem>>, vector<1x16xf32>,
          %add3A_356 = arith.constant 7 : i32
          %add3A_357 = arith.addi %add3A_225, %add3A_356 : i32
          %mul3A_358 = arith.constant 16 : i32
          %mul3A_359 = arith.muli %add3A_212, %mul3A_358 : i32
          %get3A_360 = arith.index_cast %add3A_357 : i32 to index
          %get3A_361 = arith.index_cast %mul3A_359 : i32 to index
          %get3A_362 = tpu.vector_load %arg6[%get3A_360, %get3A_361] {strides = array<i32>} : memref<64x256xf32, #tpu.memory_space<vmem>>, vector<1x16xf32>,
          %get3A_363 = vector.shape_cast %get3A_362 : vector<1x16xf32> to vector<16xf32>
          %ge3A_364 = arith.cmpf oge, %get3A_363, %get3A_215 : vector<16xf32>
          %select_n3A_365 = arith.select %ge3A_364, %broadcast_in_dim3A_137, %get3A_363 : vector<16xi1>, vector<16xf32>
          %add3A_366 = arith.constant 7 : i32
          %add3A_367 = arith.addi %add3A_225, %add3A_366 : i32
          %mul3A_368 = arith.constant 16 : i32
          %mul3A_369 = arith.muli %add3A_212, %mul3A_368 : i32
          %swap3A_370 = arith.index_cast %add3A_367 : i32 to index
          %swap3A_371 = arith.index_cast %mul3A_369 : i32 to index
          %swap3A_372 = tpu.vector_load %arg6[%swap3A_370, %swap3A_371] {strides = array<i32>} : memref<64x256xf32, #tpu.memory_space<vmem>>, vector<1x16xf32>,
          %swap3A_373 = vector.shape_cast %swap3A_372 : vector<1x16xf32> to vector<16xf32>
          %swap3A_374 = vector.shape_cast %select_n3A_365 : vector<16xf32> to vector<1x16xf32>
          tpu.vector_store %arg6[%swap3A_370, %swap3A_371], %swap3A_374 {strides = array<i32>} : memref<64x256xf32, #tpu.memory_space<vmem>>, vector<1x16xf32>,
        }
        %scan3A_220 = arith.constant 8 : i32
      }
      %scan3A_142 = arith.constant 16 : i32
      %mul3A_143 = arith.constant 64 : i32
      %mul3A_144 = arith.muli %add3A_108, %mul3A_143 : i32
      %dma_start3A_145 = arith.constant 0 : i32
      %dma_start3A_146 = tpu.memref_slice %arg3[%mul3A_3, %mul3A_144, %dma_start3A_145] : memref<64x2048x256xf32, #tpu.memory_space<hbm>> -> memref<1x64x256xf32, #tpu.memory_space<hbm>>
      %dma_start3A_147 = tpu.memref_squeeze %dma_start3A_146 : memref<1x64x256xf32, #tpu.memory_space<hbm>> -> memref<64x256xf32, #tpu.memory_space<hbm>>
      %dma_start3A_148 = arith.constant 0 : i32
      %dma_start3A_149 = tpu.memref_slice %arg3[%mul3A_3, %mul3A_144, %dma_start3A_148] : memref<64x2048x256xf32, #tpu.memory_space<hbm>> -> memref<1x64x256xf32, #tpu.memory_space<hbm>>
      %dma_start3A_150 = tpu.memref_squeeze %dma_start3A_149 : memref<1x64x256xf32, #tpu.memory_space<hbm>> -> memref<64x256xf32, #tpu.memory_space<hbm>>
      tpu.enqueue_dma source(%arg6 : memref<64x256xf32, #tpu.memory_space<vmem>>) target(%dma_start3A_150 : memref<64x256xf32, #tpu.memory_space<hbm>>) target_semaphore(%arg14 : memref<!tpu.dma_semaphore, #tpu.memory_space<semaphore_mem>>)
      %scan3A_151 = arith.constant 0 : i32
      %scan3A_152 = arith.constant 16 : i32
      %scan3A_153 = arith.addi %scan3A_151, %scan3A_152 : i32
      %scan3A_154 = arith.constant 1 : i32
      scf.for %scan3A_208 = %scan3A_151 to %scan3A_153 step %scan3A_154  : i32 {
        %mul3A_209 = arith.constant 1 : i32
        %mul3A_210 = arith.muli %scan3A_208, %mul3A_209 : i32
        %add3A_211 = arith.constant 0 : i32
        %add3A_212 = arith.addi %add3A_211, %mul3A_210 : i32
        %mul3A_213 = arith.constant 16 : i32
        %mul3A_214 = arith.muli %add3A_212, %mul3A_213 : i32
        %add3A_215 = arith.constant 0 : i32
        %add3A_216 = arith.addi %mul3A_214, %add3A_215 : i32
        %add3A_217 = arith.constant 0 : i32
        %add3A_218 = arith.addi %add3A_216, %add3A_217 : i32
        %get3A = arith.index_cast %add3A_218 : i32 to index
        %get3A_219 = arith.constant 0 : index
        %get3A_220 = tpu.vector_load %arg8[%get3A, %get3A_219] {strides = array<i32>} : memref<256x16xf32, #tpu.memory_space<vmem>>, vector<1x16xf32>,
        %get3A_221 = vector.shape_cast %get3A_220 : vector<1x16xf32> to vector<16xf32>
        %add3A_222 = arith.constant 0 : i32
        %add3A_223 = arith.addi %mul3A_214, %add3A_222 : i32
        %add3A_224 = arith.constant 1 : i32
        %add3A_225 = arith.addi %add3A_223, %add3A_224 : i32
        %get3A_226 = arith.index_cast %add3A_225 : i32 to index
        %get3A_227 = arith.constant 0 : index
        %get3A_228 = tpu.vector_load %arg8[%get3A_226, %get3A_227] {strides = array<i32>} : memref<256x16xf32, #tpu.memory_space<vmem>>, vector<1x16xf32>,
        %get3A_229 = vector.shape_cast %get3A_228 : vector<1x16xf32> to vector<16xf32>
        %add3A_230 = arith.constant 0 : i32
        %add3A_231 = arith.addi %mul3A_214, %add3A_230 : i32
        %add3A_232 = arith.constant 2 : i32
        %add3A_233 = arith.addi %add3A_231, %add3A_232 : i32
        %get3A_234 = arith.index_cast %add3A_233 : i32 to index
        %get3A_235 = arith.constant 0 : index
        %get3A_236 = tpu.vector_load %arg8[%get3A_234, %get3A_235] {strides = array<i32>} : memref<256x16xf32, #tpu.memory_space<vmem>>, vector<1x16xf32>,
        %get3A_237 = vector.shape_cast %get3A_236 : vector<1x16xf32> to vector<16xf32>
        %add3A_238 = arith.constant 0 : i32
        %add3A_239 = arith.addi %mul3A_214, %add3A_238 : i32
        %add3A_240 = arith.constant 3 : i32
        %add3A_241 = arith.addi %add3A_239, %add3A_240 : i32
        %get3A_242 = arith.index_cast %add3A_241 : i32 to index
        %get3A_243 = arith.constant 0 : index
        %get3A_244 = tpu.vector_load %arg8[%get3A_242, %get3A_243] {strides = array<i32>} : memref<256x16xf32, #tpu.memory_space<vmem>>, vector<1x16xf32>,
        %get3A_245 = vector.shape_cast %get3A_244 : vector<1x16xf32> to vector<16xf32>
        %add3A_246 = arith.constant 4 : i32
        %add3A_247 = arith.addi %mul3A_214, %add3A_246 : i32
        %add3A_248 = arith.constant 0 : i32
        %add3A_249 = arith.addi %add3A_247, %add3A_248 : i32
        %get3A_250 = arith.index_cast %add3A_249 : i32 to index
        %get3A_251 = arith.constant 0 : index
        %get3A_252 = tpu.vector_load %arg8[%get3A_250, %get3A_251] {strides = array<i32>} : memref<256x16xf32, #tpu.memory_space<vmem>>, vector<1x16xf32>,
        %get3A_253 = vector.shape_cast %get3A_252 : vector<1x16xf32> to vector<16xf32>
        %add3A_254 = arith.constant 4 : i32
        %add3A_255 = arith.addi %mul3A_214, %add3A_254 : i32
        %add3A_256 = arith.constant 1 : i32
        %add3A_257 = arith.addi %add3A_255, %add3A_256 : i32
        %get3A_258 = arith.index_cast %add3A_257 : i32 to index
        %get3A_259 = arith.constant 0 : index
        %get3A_260 = tpu.vector_load %arg8[%get3A_258, %get3A_259] {strides = array<i32>} : memref<256x16xf32, #tpu.memory_space<vmem>>, vector<1x16xf32>,
        %get3A_261 = vector.shape_cast %get3A_260 : vector<1x16xf32> to vector<16xf32>
        %add3A_262 = arith.constant 4 : i32
        %add3A_263 = arith.addi %mul3A_214, %add3A_262 : i32
        %add3A_264 = arith.constant 2 : i32
        %add3A_265 = arith.addi %add3A_263, %add3A_264 : i32
        %get3A_266 = arith.index_cast %add3A_265 : i32 to index
        %get3A_267 = arith.constant 0 : index
        %get3A_268 = tpu.vector_load %arg8[%get3A_266, %get3A_267] {strides = array<i32>} : memref<256x16xf32, #tpu.memory_space<vmem>>, vector<1x16xf32>,
        %get3A_269 = vector.shape_cast %get3A_268 : vector<1x16xf32> to vector<16xf32>
        %add3A_270 = arith.constant 4 : i32
        %add3A_271 = arith.addi %mul3A_214, %add3A_270 : i32
        %add3A_272 = arith.constant 3 : i32
        %add3A_273 = arith.addi %add3A_271, %add3A_272 : i32
        %get3A_274 = arith.index_cast %add3A_273 : i32 to index
        %get3A_275 = arith.constant 0 : index
        %get3A_276 = tpu.vector_load %arg8[%get3A_274, %get3A_275] {strides = array<i32>} : memref<256x16xf32, #tpu.memory_space<vmem>>, vector<1x16xf32>,
        %get3A_277 = vector.shape_cast %get3A_276 : vector<1x16xf32> to vector<16xf32>
        %add3A_278 = arith.constant 8 : i32
        %add3A_279 = arith.addi %mul3A_214, %add3A_278 : i32
        %add3A_280 = arith.constant 0 : i32
        %add3A_281 = arith.addi %add3A_279, %add3A_280 : i32
        %get3A_282 = arith.index_cast %add3A_281 : i32 to index
        %get3A_283 = arith.constant 0 : index
        %get3A_284 = tpu.vector_load %arg8[%get3A_282, %get3A_283] {strides = array<i32>} : memref<256x16xf32, #tpu.memory_space<vmem>>, vector<1x16xf32>,
        %get3A_285 = vector.shape_cast %get3A_284 : vector<1x16xf32> to vector<16xf32>
        %add3A_286 = arith.constant 8 : i32
        %add3A_287 = arith.addi %mul3A_214, %add3A_286 : i32
        %add3A_288 = arith.constant 1 : i32
        %add3A_289 = arith.addi %add3A_287, %add3A_288 : i32
        %get3A_290 = arith.index_cast %add3A_289 : i32 to index
        %get3A_291 = arith.constant 0 : index
        %get3A_292 = tpu.vector_load %arg8[%get3A_290, %get3A_291] {strides = array<i32>} : memref<256x16xf32, #tpu.memory_space<vmem>>, vector<1x16xf32>,
        %get3A_293 = vector.shape_cast %get3A_292 : vector<1x16xf32> to vector<16xf32>
        %add3A_294 = arith.constant 8 : i32
        %add3A_295 = arith.addi %mul3A_214, %add3A_294 : i32
        %add3A_296 = arith.constant 2 : i32
        %add3A_297 = arith.addi %add3A_295, %add3A_296 : i32
        %get3A_298 = arith.index_cast %add3A_297 : i32 to index
        %get3A_299 = arith.constant 0 : index
        %get3A_300 = tpu.vector_load %arg8[%get3A_298, %get3A_299] {strides = array<i32>} : memref<256x16xf32, #tpu.memory_space<vmem>>, vector<1x16xf32>,
        %get3A_301 = vector.shape_cast %get3A_300 : vector<1x16xf32> to vector<16xf32>
        %add3A_302 = arith.constant 8 : i32
        %add3A_303 = arith.addi %mul3A_214, %add3A_302 : i32
        %add3A_304 = arith.constant 3 : i32
        %add3A_305 = arith.addi %add3A_303, %add3A_304 : i32
        %get3A_306 = arith.index_cast %add3A_305 : i32 to index
        %get3A_307 = arith.constant 0 : index
        %get3A_308 = tpu.vector_load %arg8[%get3A_306, %get3A_307] {strides = array<i32>} : memref<256x16xf32, #tpu.memory_space<vmem>>, vector<1x16xf32>,
        %get3A_309 = vector.shape_cast %get3A_308 : vector<1x16xf32> to vector<16xf32>
        %add3A_310 = arith.constant 12 : i32
        %add3A_311 = arith.addi %mul3A_214, %add3A_310 : i32
        %add3A_312 = arith.constant 0 : i32
        %add3A_313 = arith.addi %add3A_311, %add3A_312 : i32
        %get3A_314 = arith.index_cast %add3A_313 : i32 to index
        %get3A_315 = arith.constant 0 : index
        %get3A_316 = tpu.vector_load %arg8[%get3A_314, %get3A_315] {strides = array<i32>} : memref<256x16xf32, #tpu.memory_space<vmem>>, vector<1x16xf32>,
        %get3A_317 = vector.shape_cast %get3A_316 : vector<1x16xf32> to vector<16xf32>
        %add3A_318 = arith.constant 12 : i32
        %add3A_319 = arith.addi %mul3A_214, %add3A_318 : i32
        %add3A_320 = arith.constant 1 : i32
        %add3A_321 = arith.addi %add3A_319, %add3A_320 : i32
        %get3A_322 = arith.index_cast %add3A_321 : i32 to index
        %get3A_323 = arith.constant 0 : index
        %get3A_324 = tpu.vector_load %arg8[%get3A_322, %get3A_323] {strides = array<i32>} : memref<256x16xf32, #tpu.memory_space<vmem>>, vector<1x16xf32>,
        %get3A_325 = vector.shape_cast %get3A_324 : vector<1x16xf32> to vector<16xf32>
        %add3A_326 = arith.constant 12 : i32
        %add3A_327 = arith.addi %mul3A_214, %add3A_326 : i32
        %add3A_328 = arith.constant 2 : i32
        %add3A_329 = arith.addi %add3A_327, %add3A_328 : i32
        %get3A_330 = arith.index_cast %add3A_329 : i32 to index
        %get3A_331 = arith.constant 0 : index
        %get3A_332 = tpu.vector_load %arg8[%get3A_330, %get3A_331] {strides = array<i32>} : memref<256x16xf32, #tpu.memory_space<vmem>>, vector<1x16xf32>,
        %get3A_333 = vector.shape_cast %get3A_332 : vector<1x16xf32> to vector<16xf32>
        %add3A_334 = arith.constant 12 : i32
        %add3A_335 = arith.addi %mul3A_214, %add3A_334 : i32
        %add3A_336 = arith.constant 3 : i32
        %add3A_337 = arith.addi %add3A_335, %add3A_336 : i32
        %get3A_338 = arith.index_cast %add3A_337 : i32 to index
        %get3A_339 = arith.constant 0 : index
        %get3A_340 = tpu.vector_load %arg8[%get3A_338, %get3A_339] {strides = array<i32>} : memref<256x16xf32, #tpu.memory_space<vmem>>, vector<1x16xf32>,
        %get3A_341 = vector.shape_cast %get3A_340 : vector<1x16xf32> to vector<16xf32>
        %scan3A_342 = arith.constant 0 : i32
        %scan3A_343 = arith.constant 4 : i32
        %scan3A_344 = arith.addi %scan3A_342, %scan3A_343 : i32
        %scan3A_345 = arith.constant 1 : i32
        %scan3A_346:16 = scf.for %scan3A_459 = %scan3A_342 to %scan3A_344 step %scan3A_345 iter_args(%scan3A_460 = %get3A_221, %scan3A_461 = %get3A_229, %scan3A_462 = %get3A_237, %scan3A_463 = %get3A_245, %scan3A_464 = %get3A_253, %scan3A_465 = %get3A_261, %scan3A_466 = %get3A_269, %scan3A_467 = %get3A_277, %scan3A_468 = %get3A_285, %scan3A_469 = %get3A_293, %scan3A_470 = %get3A_301, %scan3A_471 = %get3A_309, %scan3A_472 = %get3A_317, %scan3A_473 = %get3A_325, %scan3A_474 = %get3A_333, %scan3A_475 = %get3A_341) -> (vector<16xf32>, vector<16xf32>, vector<16xf32>, vector<16xf32>, vector<16xf32>, vector<16xf32>, vector<16xf32>, vector<16xf32>, vector<16xf32>, vector<16xf32>, vector<16xf32>, vector<16xf32>, vector<16xf32>, vector<16xf32>, vector<16xf32>, vector<16xf32>)  : i32 {
          %mul3A_476 = arith.constant 16 : i32
          %mul3A_477 = arith.muli %scan3A_459, %mul3A_476 : i32
          %add3A_478 = arith.constant 0 : i32
          %add3A_479 = arith.addi %mul3A_477, %add3A_478 : i32
          %add3A_480 = arith.constant 0 : i32
          %add3A_481 = arith.addi %add3A_479, %add3A_480 : i32
          %mul3A_482 = arith.constant 16 : i32
          %mul3A_483 = arith.muli %add3A_212, %mul3A_482 : i32
          %get3A_484 = arith.index_cast %add3A_481 : i32 to index
          %get3A_485 = arith.index_cast %mul3A_483 : i32 to index
          %get3A_486 = tpu.vector_load %arg4[%get3A_484, %get3A_485] {strides = array<i32>} : memref<64x256xf32, #tpu.memory_space<vmem>>, vector<1x16xf32>,
          %get3A_487 = vector.shape_cast %get3A_486 : vector<1x16xf32> to vector<16xf32>
          %add3A_488 = arith.constant 1 : i32
          %add3A_489 = arith.addi %add3A_479, %add3A_488 : i32
          %mul3A_490 = arith.constant 16 : i32
          %mul3A_491 = arith.muli %add3A_212, %mul3A_490 : i32
          %get3A_492 = arith.index_cast %add3A_489 : i32 to index
          %get3A_493 = arith.index_cast %mul3A_491 : i32 to index
          %get3A_494 = tpu.vector_load %arg4[%get3A_492, %get3A_493] {strides = array<i32>} : memref<64x256xf32, #tpu.memory_space<vmem>>, vector<1x16xf32>,
          %get3A_495 = vector.shape_cast %get3A_494 : vector<1x16xf32> to vector<16xf32>
          %add3A_496 = arith.constant 2 : i32
          %add3A_497 = arith.addi %add3A_479, %add3A_496 : i32
          %mul3A_498 = arith.constant 16 : i32
          %mul3A_499 = arith.muli %add3A_212, %mul3A_498 : i32
          %get3A_500 = arith.index_cast %add3A_497 : i32 to index
          %get3A_501 = arith.index_cast %mul3A_499 : i32 to index
          %get3A_502 = tpu.vector_load %arg4[%get3A_500, %get3A_501] {strides = array<i32>} : memref<64x256xf32, #tpu.memory_space<vmem>>, vector<1x16xf32>,
          %get3A_503 = vector.shape_cast %get3A_502 : vector<1x16xf32> to vector<16xf32>
          %add3A_504 = arith.constant 3 : i32
          %add3A_505 = arith.addi %add3A_479, %add3A_504 : i32
          %mul3A_506 = arith.constant 16 : i32
          %mul3A_507 = arith.muli %add3A_212, %mul3A_506 : i32
          %get3A_508 = arith.index_cast %add3A_505 : i32 to index
          %get3A_509 = arith.index_cast %mul3A_507 : i32 to index
          %get3A_510 = tpu.vector_load %arg4[%get3A_508, %get3A_509] {strides = array<i32>} : memref<64x256xf32, #tpu.memory_space<vmem>>, vector<1x16xf32>,
          %get3A_511 = vector.shape_cast %get3A_510 : vector<1x16xf32> to vector<16xf32>
          %max3A = arith.maximumf %get3A_487, %get3A_495 : vector<16xf32>
          %min3A = arith.minimumf %get3A_487, %get3A_495 : vector<16xf32>
          %max3A_512 = arith.maximumf %get3A_503, %get3A_511 : vector<16xf32>
          %min3A_513 = arith.minimumf %get3A_503, %get3A_511 : vector<16xf32>
          %max3A_514 = arith.maximumf %max3A, %max3A_512 : vector<16xf32>
          %min3A_515 = arith.minimumf %max3A, %max3A_512 : vector<16xf32>
          %max3A_516 = arith.maximumf %min3A, %min3A_513 : vector<16xf32>
          %min3A_517 = arith.minimumf %min3A, %min3A_513 : vector<16xf32>
          %max3A_518 = arith.maximumf %max3A_516, %min3A_515 : vector<16xf32>
          %min3A_519 = arith.minimumf %max3A_516, %min3A_515 : vector<16xf32>
          %max3A_520 = arith.maximumf %scan3A_460, %min3A_517 : vector<16xf32>
          %max3A_521 = arith.maximumf %scan3A_461, %min3A_519 : vector<16xf32>
          %max3A_522 = arith.maximumf %scan3A_462, %max3A_518 : vector<16xf32>
          %max3A_523 = arith.maximumf %scan3A_463, %max3A_514 : vector<16xf32>
          %max3A_524 = arith.maximumf %max3A_520, %max3A_522 : vector<16xf32>
          %min3A_525 = arith.minimumf %max3A_520, %max3A_522 : vector<16xf32>
          %max3A_526 = arith.maximumf %max3A_521, %max3A_523 : vector<16xf32>
          %min3A_527 = arith.minimumf %max3A_521, %max3A_523 : vector<16xf32>
          %max3A_528 = arith.maximumf %max3A_524, %max3A_526 : vector<16xf32>
          %min3A_529 = arith.minimumf %max3A_524, %max3A_526 : vector<16xf32>
          %max3A_530 = arith.maximumf %min3A_525, %min3A_527 : vector<16xf32>
          %min3A_531 = arith.minimumf %min3A_525, %min3A_527 : vector<16xf32>
          %mul3A_532 = arith.constant 16 : i32
          %mul3A_533 = arith.muli %scan3A_459, %mul3A_532 : i32
          %add3A_534 = arith.constant 4 : i32
          %add3A_535 = arith.addi %mul3A_533, %add3A_534 : i32
          %add3A_536 = arith.constant 0 : i32
          %add3A_537 = arith.addi %add3A_535, %add3A_536 : i32
          %mul3A_538 = arith.constant 16 : i32
          %mul3A_539 = arith.muli %add3A_212, %mul3A_538 : i32
          %get3A_540 = arith.index_cast %add3A_537 : i32 to index
          %get3A_541 = arith.index_cast %mul3A_539 : i32 to index
          %get3A_542 = tpu.vector_load %arg4[%get3A_540, %get3A_541] {strides = array<i32>} : memref<64x256xf32, #tpu.memory_space<vmem>>, vector<1x16xf32>,
          %get3A_543 = vector.shape_cast %get3A_542 : vector<1x16xf32> to vector<16xf32>
          %add3A_544 = arith.constant 1 : i32
          %add3A_545 = arith.addi %add3A_535, %add3A_544 : i32
          %mul3A_546 = arith.constant 16 : i32
          %mul3A_547 = arith.muli %add3A_212, %mul3A_546 : i32
          %get3A_548 = arith.index_cast %add3A_545 : i32 to index
          %get3A_549 = arith.index_cast %mul3A_547 : i32 to index
          %get3A_550 = tpu.vector_load %arg4[%get3A_548, %get3A_549] {strides = array<i32>} : memref<64x256xf32, #tpu.memory_space<vmem>>, vector<1x16xf32>,
          %get3A_551 = vector.shape_cast %get3A_550 : vector<1x16xf32> to vector<16xf32>
          %add3A_552 = arith.constant 2 : i32
          %add3A_553 = arith.addi %add3A_535, %add3A_552 : i32
          %mul3A_554 = arith.constant 16 : i32
          %mul3A_555 = arith.muli %add3A_212, %mul3A_554 : i32
          %get3A_556 = arith.index_cast %add3A_553 : i32 to index
          %get3A_557 = arith.index_cast %mul3A_555 : i32 to index
          %get3A_558 = tpu.vector_load %arg4[%get3A_556, %get3A_557] {strides = array<i32>} : memref<64x256xf32, #tpu.memory_space<vmem>>, vector<1x16xf32>,
          %get3A_559 = vector.shape_cast %get3A_558 : vector<1x16xf32> to vector<16xf32>
          %add3A_560 = arith.constant 3 : i32
          %add3A_561 = arith.addi %add3A_535, %add3A_560 : i32
          %mul3A_562 = arith.constant 16 : i32
          %mul3A_563 = arith.muli %add3A_212, %mul3A_562 : i32
          %get3A_564 = arith.index_cast %add3A_561 : i32 to index
          %get3A_565 = arith.index_cast %mul3A_563 : i32 to index
          %get3A_566 = tpu.vector_load %arg4[%get3A_564, %get3A_565] {strides = array<i32>} : memref<64x256xf32, #tpu.memory_space<vmem>>, vector<1x16xf32>,
          %get3A_567 = vector.shape_cast %get3A_566 : vector<1x16xf32> to vector<16xf32>
          %max3A_568 = arith.maximumf %get3A_543, %get3A_551 : vector<16xf32>
          %min3A_569 = arith.minimumf %get3A_543, %get3A_551 : vector<16xf32>
          %max3A_570 = arith.maximumf %get3A_559, %get3A_567 : vector<16xf32>
          %min3A_571 = arith.minimumf %get3A_559, %get3A_567 : vector<16xf32>
          %max3A_572 = arith.maximumf %max3A_568, %max3A_570 : vector<16xf32>
          %min3A_573 = arith.minimumf %max3A_568, %max3A_570 : vector<16xf32>
          %max3A_574 = arith.maximumf %min3A_569, %min3A_571 : vector<16xf32>
          %min3A_575 = arith.minimumf %min3A_569, %min3A_571 : vector<16xf32>
          %max3A_576 = arith.maximumf %max3A_574, %min3A_573 : vector<16xf32>
          %min3A_577 = arith.minimumf %max3A_574, %min3A_573 : vector<16xf32>
          %max3A_578 = arith.maximumf %scan3A_464, %min3A_575 : vector<16xf32>
          %max3A_579 = arith.maximumf %scan3A_465, %min3A_577 : vector<16xf32>
          %max3A_580 = arith.maximumf %scan3A_466, %max3A_576 : vector<16xf32>
          %max3A_581 = arith.maximumf %scan3A_467, %max3A_572 : vector<16xf32>
          %max3A_582 = arith.maximumf %max3A_578, %max3A_580 : vector<16xf32>
          %min3A_583 = arith.minimumf %max3A_578, %max3A_580 : vector<16xf32>
          %max3A_584 = arith.maximumf %max3A_579, %max3A_581 : vector<16xf32>
          %min3A_585 = arith.minimumf %max3A_579, %max3A_581 : vector<16xf32>
          %max3A_586 = arith.maximumf %max3A_582, %max3A_584 : vector<16xf32>
          %min3A_587 = arith.minimumf %max3A_582, %max3A_584 : vector<16xf32>
          %max3A_588 = arith.maximumf %min3A_583, %min3A_585 : vector<16xf32>
          %min3A_589 = arith.minimumf %min3A_583, %min3A_585 : vector<16xf32>
          %mul3A_590 = arith.constant 16 : i32
          %mul3A_591 = arith.muli %scan3A_459, %mul3A_590 : i32
          %add3A_592 = arith.constant 8 : i32
          %add3A_593 = arith.addi %mul3A_591, %add3A_592 : i32
          %add3A_594 = arith.constant 0 : i32
          %add3A_595 = arith.addi %add3A_593, %add3A_594 : i32
          %mul3A_596 = arith.constant 16 : i32
          %mul3A_597 = arith.muli %add3A_212, %mul3A_596 : i32
          %get3A_598 = arith.index_cast %add3A_595 : i32 to index
          %get3A_599 = arith.index_cast %mul3A_597 : i32 to index
          %get3A_600 = tpu.vector_load %arg4[%get3A_598, %get3A_599] {strides = array<i32>} : memref<64x256xf32, #tpu.memory_space<vmem>>, vector<1x16xf32>,
          %get3A_601 = vector.shape_cast %get3A_600 : vector<1x16xf32> to vector<16xf32>
          %add3A_602 = arith.constant 1 : i32
          %add3A_603 = arith.addi %add3A_593, %add3A_602 : i32
          %mul3A_604 = arith.constant 16 : i32
          %mul3A_605 = arith.muli %add3A_212, %mul3A_604 : i32
          %get3A_606 = arith.index_cast %add3A_603 : i32 to index
          %get3A_607 = arith.index_cast %mul3A_605 : i32 to index
          %get3A_608 = tpu.vector_load %arg4[%get3A_606, %get3A_607] {strides = array<i32>} : memref<64x256xf32, #tpu.memory_space<vmem>>, vector<1x16xf32>,
          %get3A_609 = vector.shape_cast %get3A_608 : vector<1x16xf32> to vector<16xf32>
          %add3A_610 = arith.constant 2 : i32
          %add3A_611 = arith.addi %add3A_593, %add3A_610 : i32
          %mul3A_612 = arith.constant 16 : i32
          %mul3A_613 = arith.muli %add3A_212, %mul3A_612 : i32
          %get3A_614 = arith.index_cast %add3A_611 : i32 to index
          %get3A_615 = arith.index_cast %mul3A_613 : i32 to index
          %get3A_616 = tpu.vector_load %arg4[%get3A_614, %get3A_615] {strides = array<i32>} : memref<64x256xf32, #tpu.memory_space<vmem>>, vector<1x16xf32>,
          %get3A_617 = vector.shape_cast %get3A_616 : vector<1x16xf32> to vector<16xf32>
          %add3A_618 = arith.constant 3 : i32
          %add3A_619 = arith.addi %add3A_593, %add3A_618 : i32
          %mul3A_620 = arith.constant 16 : i32
          %mul3A_621 = arith.muli %add3A_212, %mul3A_620 : i32
          %get3A_622 = arith.index_cast %add3A_619 : i32 to index
          %get3A_623 = arith.index_cast %mul3A_621 : i32 to index
          %get3A_624 = tpu.vector_load %arg4[%get3A_622, %get3A_623] {strides = array<i32>} : memref<64x256xf32, #tpu.memory_space<vmem>>, vector<1x16xf32>,
          %get3A_625 = vector.shape_cast %get3A_624 : vector<1x16xf32> to vector<16xf32>
          %max3A_626 = arith.maximumf %get3A_601, %get3A_609 : vector<16xf32>
          %min3A_627 = arith.minimumf %get3A_601, %get3A_609 : vector<16xf32>
          %max3A_628 = arith.maximumf %get3A_617, %get3A_625 : vector<16xf32>
          %min3A_629 = arith.minimumf %get3A_617, %get3A_625 : vector<16xf32>
          %max3A_630 = arith.maximumf %max3A_626, %max3A_628 : vector<16xf32>
          %min3A_631 = arith.minimumf %max3A_626, %max3A_628 : vector<16xf32>
          %max3A_632 = arith.maximumf %min3A_627, %min3A_629 : vector<16xf32>
          %min3A_633 = arith.minimumf %min3A_627, %min3A_629 : vector<16xf32>
          %max3A_634 = arith.maximumf %max3A_632, %min3A_631 : vector<16xf32>
          %min3A_635 = arith.minimumf %max3A_632, %min3A_631 : vector<16xf32>
          %max3A_636 = arith.maximumf %scan3A_468, %min3A_633 : vector<16xf32>
          %max3A_637 = arith.maximumf %scan3A_469, %min3A_635 : vector<16xf32>
          %max3A_638 = arith.maximumf %scan3A_470, %max3A_634 : vector<16xf32>
          %max3A_639 = arith.maximumf %scan3A_471, %max3A_630 : vector<16xf32>
          %max3A_640 = arith.maximumf %max3A_636, %max3A_638 : vector<16xf32>
          %min3A_641 = arith.minimumf %max3A_636, %max3A_638 : vector<16xf32>
          %max3A_642 = arith.maximumf %max3A_637, %max3A_639 : vector<16xf32>
          %min3A_643 = arith.minimumf %max3A_637, %max3A_639 : vector<16xf32>
          %max3A_644 = arith.maximumf %max3A_640, %max3A_642 : vector<16xf32>
          %min3A_645 = arith.minimumf %max3A_640, %max3A_642 : vector<16xf32>
          %max3A_646 = arith.maximumf %min3A_641, %min3A_643 : vector<16xf32>
          %min3A_647 = arith.minimumf %min3A_641, %min3A_643 : vector<16xf32>
          %mul3A_648 = arith.constant 16 : i32
          %mul3A_649 = arith.muli %scan3A_459, %mul3A_648 : i32
          %add3A_650 = arith.constant 12 : i32
          %add3A_651 = arith.addi %mul3A_649, %add3A_650 : i32
          %add3A_652 = arith.constant 0 : i32
          %add3A_653 = arith.addi %add3A_651, %add3A_652 : i32
          %mul3A_654 = arith.constant 16 : i32
          %mul3A_655 = arith.muli %add3A_212, %mul3A_654 : i32
          %get3A_656 = arith.index_cast %add3A_653 : i32 to index
          %get3A_657 = arith.index_cast %mul3A_655 : i32 to index
          %get3A_658 = tpu.vector_load %arg4[%get3A_656, %get3A_657] {strides = array<i32>} : memref<64x256xf32, #tpu.memory_space<vmem>>, vector<1x16xf32>,
          %get3A_659 = vector.shape_cast %get3A_658 : vector<1x16xf32> to vector<16xf32>
          %add3A_660 = arith.constant 1 : i32
          %add3A_661 = arith.addi %add3A_651, %add3A_660 : i32
          %mul3A_662 = arith.constant 16 : i32
          %mul3A_663 = arith.muli %add3A_212, %mul3A_662 : i32
          %get3A_664 = arith.index_cast %add3A_661 : i32 to index
          %get3A_665 = arith.index_cast %mul3A_663 : i32 to index
          %get3A_666 = tpu.vector_load %arg4[%get3A_664, %get3A_665] {strides = array<i32>} : memref<64x256xf32, #tpu.memory_space<vmem>>, vector<1x16xf32>,
          %get3A_667 = vector.shape_cast %get3A_666 : vector<1x16xf32> to vector<16xf32>
          %add3A_668 = arith.constant 2 : i32
          %add3A_669 = arith.addi %add3A_651, %add3A_668 : i32
          %mul3A_670 = arith.constant 16 : i32
          %mul3A_671 = arith.muli %add3A_212, %mul3A_670 : i32
          %get3A_672 = arith.index_cast %add3A_669 : i32 to index
          %get3A_673 = arith.index_cast %mul3A_671 : i32 to index
          %get3A_674 = tpu.vector_load %arg4[%get3A_672, %get3A_673] {strides = array<i32>} : memref<64x256xf32, #tpu.memory_space<vmem>>, vector<1x16xf32>,
          %get3A_675 = vector.shape_cast %get3A_674 : vector<1x16xf32> to vector<16xf32>
          %add3A_676 = arith.constant 3 : i32
          %add3A_677 = arith.addi %add3A_651, %add3A_676 : i32
          %mul3A_678 = arith.constant 16 : i32
          %mul3A_679 = arith.muli %add3A_212, %mul3A_678 : i32
          %get3A_680 = arith.index_cast %add3A_677 : i32 to index
          %get3A_681 = arith.index_cast %mul3A_679 : i32 to index
          %get3A_682 = tpu.vector_load %arg4[%get3A_680, %get3A_681] {strides = array<i32>} : memref<64x256xf32, #tpu.memory_space<vmem>>, vector<1x16xf32>,
          %get3A_683 = vector.shape_cast %get3A_682 : vector<1x16xf32> to vector<16xf32>
          %max3A_684 = arith.maximumf %get3A_659, %get3A_667 : vector<16xf32>
          %min3A_685 = arith.minimumf %get3A_659, %get3A_667 : vector<16xf32>
          %max3A_686 = arith.maximumf %get3A_675, %get3A_683 : vector<16xf32>
          %min3A_687 = arith.minimumf %get3A_675, %get3A_683 : vector<16xf32>
          %max3A_688 = arith.maximumf %max3A_684, %max3A_686 : vector<16xf32>
          %min3A_689 = arith.minimumf %max3A_684, %max3A_686 : vector<16xf32>
          %max3A_690 = arith.maximumf %min3A_685, %min3A_687 : vector<16xf32>
          %min3A_691 = arith.minimumf %min3A_685, %min3A_687 : vector<16xf32>
          %max3A_692 = arith.maximumf %max3A_690, %min3A_689 : vector<16xf32>
          %min3A_693 = arith.minimumf %max3A_690, %min3A_689 : vector<16xf32>
          %max3A_694 = arith.maximumf %scan3A_472, %min3A_691 : vector<16xf32>
          %max3A_695 = arith.maximumf %scan3A_473, %min3A_693 : vector<16xf32>
          %max3A_696 = arith.maximumf %scan3A_474, %max3A_692 : vector<16xf32>
          %max3A_697 = arith.maximumf %scan3A_475, %max3A_688 : vector<16xf32>
          %max3A_698 = arith.maximumf %max3A_694, %max3A_696 : vector<16xf32>
          %min3A_699 = arith.minimumf %max3A_694, %max3A_696 : vector<16xf32>
          %max3A_700 = arith.maximumf %max3A_695, %max3A_697 : vector<16xf32>
          %min3A_701 = arith.minimumf %max3A_695, %max3A_697 : vector<16xf32>
          %max3A_702 = arith.maximumf %max3A_698, %max3A_700 : vector<16xf32>
          %min3A_703 = arith.minimumf %max3A_698, %max3A_700 : vector<16xf32>
          %max3A_704 = arith.maximumf %min3A_699, %min3A_701 : vector<16xf32>
          %min3A_705 = arith.minimumf %min3A_699, %min3A_701 : vector<16xf32>
          scf.yield %max3A_528, %min3A_529, %max3A_530, %min3A_531, %max3A_586, %min3A_587, %max3A_588, %min3A_589, %max3A_644, %min3A_645, %max3A_646, %min3A_647, %max3A_702, %min3A_703, %max3A_704, %min3A_705 : vector<16xf32>, vector<16xf32>, vector<16xf32>, vector<16xf32>, vector<16xf32>, vector<16xf32>, vector<16xf32>, vector<16xf32>, vector<16xf32>, vector<16xf32>, vector<16xf32>, vector<16xf32>, vector<16xf32>, vector<16xf32>, vector<16xf32>, vector<16xf32>
        }
        %scan3A_347 = arith.constant 4 : i32
        %add3A_348 = arith.constant 0 : i32
        %add3A_349 = arith.addi %mul3A_214, %add3A_348 : i32
        %swap3A = arith.index_cast %add3A_349 : i32 to index
        %swap3A_350 = arith.constant 0 : index
        %swap3A_351 = tpu.vector_load %arg8[%swap3A, %swap3A_350] {strides = array<i32>} : memref<256x16xf32, #tpu.memory_space<vmem>>, vector<1x16xf32>,
        %swap3A_352 = vector.shape_cast %swap3A_351 : vector<1x16xf32> to vector<16xf32>
        %swap3A_353 = vector.shape_cast %scan3A_346#0 : vector<16xf32> to vector<1x16xf32>
        tpu.vector_store %arg8[%swap3A, %swap3A_350], %swap3A_353 {strides = array<i32>} : memref<256x16xf32, #tpu.memory_space<vmem>>, vector<1x16xf32>,
        %add3A_354 = arith.constant 1 : i32
        %add3A_355 = arith.addi %mul3A_214, %add3A_354 : i32
        %swap3A_356 = arith.index_cast %add3A_355 : i32 to index
        %swap3A_357 = arith.constant 0 : index
        %swap3A_358 = tpu.vector_load %arg8[%swap3A_356, %swap3A_357] {strides = array<i32>} : memref<256x16xf32, #tpu.memory_space<vmem>>, vector<1x16xf32>,
        %swap3A_359 = vector.shape_cast %swap3A_358 : vector<1x16xf32> to vector<16xf32>
        %swap3A_360 = vector.shape_cast %scan3A_346#1 : vector<16xf32> to vector<1x16xf32>
        tpu.vector_store %arg8[%swap3A_356, %swap3A_357], %swap3A_360 {strides = array<i32>} : memref<256x16xf32, #tpu.memory_space<vmem>>, vector<1x16xf32>,
        %add3A_361 = arith.constant 2 : i32
        %add3A_362 = arith.addi %mul3A_214, %add3A_361 : i32
        %swap3A_363 = arith.index_cast %add3A_362 : i32 to index
        %swap3A_364 = arith.constant 0 : index
        %swap3A_365 = tpu.vector_load %arg8[%swap3A_363, %swap3A_364] {strides = array<i32>} : memref<256x16xf32, #tpu.memory_space<vmem>>, vector<1x16xf32>,
        %swap3A_366 = vector.shape_cast %swap3A_365 : vector<1x16xf32> to vector<16xf32>
        %swap3A_367 = vector.shape_cast %scan3A_346#2 : vector<16xf32> to vector<1x16xf32>
        tpu.vector_store %arg8[%swap3A_363, %swap3A_364], %swap3A_367 {strides = array<i32>} : memref<256x16xf32, #tpu.memory_space<vmem>>, vector<1x16xf32>,
        %add3A_368 = arith.constant 3 : i32
        %add3A_369 = arith.addi %mul3A_214, %add3A_368 : i32
        %swap3A_370 = arith.index_cast %add3A_369 : i32 to index
        %swap3A_371 = arith.constant 0 : index
        %swap3A_372 = tpu.vector_load %arg8[%swap3A_370, %swap3A_371] {strides = array<i32>} : memref<256x16xf32, #tpu.memory_space<vmem>>, vector<1x16xf32>,
        %swap3A_373 = vector.shape_cast %swap3A_372 : vector<1x16xf32> to vector<16xf32>
        %swap3A_374 = vector.shape_cast %scan3A_346#3 : vector<16xf32> to vector<1x16xf32>
        tpu.vector_store %arg8[%swap3A_370, %swap3A_371], %swap3A_374 {strides = array<i32>} : memref<256x16xf32, #tpu.memory_space<vmem>>, vector<1x16xf32>,
        %add3A_375 = arith.constant 4 : i32
        %add3A_376 = arith.addi %mul3A_214, %add3A_375 : i32
        %swap3A_377 = arith.index_cast %add3A_376 : i32 to index
        %swap3A_378 = arith.constant 0 : index
        %swap3A_379 = tpu.vector_load %arg8[%swap3A_377, %swap3A_378] {strides = array<i32>} : memref<256x16xf32, #tpu.memory_space<vmem>>, vector<1x16xf32>,
        %swap3A_380 = vector.shape_cast %swap3A_379 : vector<1x16xf32> to vector<16xf32>
        %swap3A_381 = vector.shape_cast %scan3A_346#4 : vector<16xf32> to vector<1x16xf32>
        tpu.vector_store %arg8[%swap3A_377, %swap3A_378], %swap3A_381 {strides = array<i32>} : memref<256x16xf32, #tpu.memory_space<vmem>>, vector<1x16xf32>,
        %add3A_382 = arith.constant 5 : i32
        %add3A_383 = arith.addi %mul3A_214, %add3A_382 : i32
        %swap3A_384 = arith.index_cast %add3A_383 : i32 to index
        %swap3A_385 = arith.constant 0 : index
        %swap3A_386 = tpu.vector_load %arg8[%swap3A_384, %swap3A_385] {strides = array<i32>} : memref<256x16xf32, #tpu.memory_space<vmem>>, vector<1x16xf32>,
        %swap3A_387 = vector.shape_cast %swap3A_386 : vector<1x16xf32> to vector<16xf32>
        %swap3A_388 = vector.shape_cast %scan3A_346#5 : vector<16xf32> to vector<1x16xf32>
        tpu.vector_store %arg8[%swap3A_384, %swap3A_385], %swap3A_388 {strides = array<i32>} : memref<256x16xf32, #tpu.memory_space<vmem>>, vector<1x16xf32>,
        %add3A_389 = arith.constant 6 : i32
        %add3A_390 = arith.addi %mul3A_214, %add3A_389 : i32
        %swap3A_391 = arith.index_cast %add3A_390 : i32 to index
        %swap3A_392 = arith.constant 0 : index
        %swap3A_393 = tpu.vector_load %arg8[%swap3A_391, %swap3A_392] {strides = array<i32>} : memref<256x16xf32, #tpu.memory_space<vmem>>, vector<1x16xf32>,
        %swap3A_394 = vector.shape_cast %swap3A_393 : vector<1x16xf32> to vector<16xf32>
        %swap3A_395 = vector.shape_cast %scan3A_346#6 : vector<16xf32> to vector<1x16xf32>
        tpu.vector_store %arg8[%swap3A_391, %swap3A_392], %swap3A_395 {strides = array<i32>} : memref<256x16xf32, #tpu.memory_space<vmem>>, vector<1x16xf32>,
        %add3A_396 = arith.constant 7 : i32
        %add3A_397 = arith.addi %mul3A_214, %add3A_396 : i32
        %swap3A_398 = arith.index_cast %add3A_397 : i32 to index
        %swap3A_399 = arith.constant 0 : index
        %swap3A_400 = tpu.vector_load %arg8[%swap3A_398, %swap3A_399] {strides = array<i32>} : memref<256x16xf32, #tpu.memory_space<vmem>>, vector<1x16xf32>,
        %swap3A_401 = vector.shape_cast %swap3A_400 : vector<1x16xf32> to vector<16xf32>
        %swap3A_402 = vector.shape_cast %scan3A_346#7 : vector<16xf32> to vector<1x16xf32>
        tpu.vector_store %arg8[%swap3A_398, %swap3A_399], %swap3A_402 {strides = array<i32>} : memref<256x16xf32, #tpu.memory_space<vmem>>, vector<1x16xf32>,
        %add3A_403 = arith.constant 8 : i32
        %add3A_404 = arith.addi %mul3A_214, %add3A_403 : i32
        %swap3A_405 = arith.index_cast %add3A_404 : i32 to index
        %swap3A_406 = arith.constant 0 : index
        %swap3A_407 = tpu.vector_load %arg8[%swap3A_405, %swap3A_406] {strides = array<i32>} : memref<256x16xf32, #tpu.memory_space<vmem>>, vector<1x16xf32>,
        %swap3A_408 = vector.shape_cast %swap3A_407 : vector<1x16xf32> to vector<16xf32>
        %swap3A_409 = vector.shape_cast %scan3A_346#8 : vector<16xf32> to vector<1x16xf32>
        tpu.vector_store %arg8[%swap3A_405, %swap3A_406], %swap3A_409 {strides = array<i32>} : memref<256x16xf32, #tpu.memory_space<vmem>>, vector<1x16xf32>,
        %add3A_410 = arith.constant 9 : i32
        %add3A_411 = arith.addi %mul3A_214, %add3A_410 : i32
        %swap3A_412 = arith.index_cast %add3A_411 : i32 to index
        %swap3A_413 = arith.constant 0 : index
        %swap3A_414 = tpu.vector_load %arg8[%swap3A_412, %swap3A_413] {strides = array<i32>} : memref<256x16xf32, #tpu.memory_space<vmem>>, vector<1x16xf32>,
        %swap3A_415 = vector.shape_cast %swap3A_414 : vector<1x16xf32> to vector<16xf32>
        %swap3A_416 = vector.shape_cast %scan3A_346#9 : vector<16xf32> to vector<1x16xf32>
        tpu.vector_store %arg8[%swap3A_412, %swap3A_413], %swap3A_416 {strides = array<i32>} : memref<256x16xf32, #tpu.memory_space<vmem>>, vector<1x16xf32>,
        %add3A_417 = arith.constant 10 : i32
        %add3A_418 = arith.addi %mul3A_214, %add3A_417 : i32
        %swap3A_419 = arith.index_cast %add3A_418 : i32 to index
        %swap3A_420 = arith.constant 0 : index
        %swap3A_421 = tpu.vector_load %arg8[%swap3A_419, %swap3A_420] {strides = array<i32>} : memref<256x16xf32, #tpu.memory_space<vmem>>, vector<1x16xf32>,
        %swap3A_422 = vector.shape_cast %swap3A_421 : vector<1x16xf32> to vector<16xf32>
        %swap3A_423 = vector.shape_cast %scan3A_346#10 : vector<16xf32> to vector<1x16xf32>
        tpu.vector_store %arg8[%swap3A_419, %swap3A_420], %swap3A_423 {strides = array<i32>} : memref<256x16xf32, #tpu.memory_space<vmem>>, vector<1x16xf32>,
        %add3A_424 = arith.constant 11 : i32
        %add3A_425 = arith.addi %mul3A_214, %add3A_424 : i32
        %swap3A_426 = arith.index_cast %add3A_425 : i32 to index
        %swap3A_427 = arith.constant 0 : index
        %swap3A_428 = tpu.vector_load %arg8[%swap3A_426, %swap3A_427] {strides = array<i32>} : memref<256x16xf32, #tpu.memory_space<vmem>>, vector<1x16xf32>,
        %swap3A_429 = vector.shape_cast %swap3A_428 : vector<1x16xf32> to vector<16xf32>
        %swap3A_430 = vector.shape_cast %scan3A_346#11 : vector<16xf32> to vector<1x16xf32>
        tpu.vector_store %arg8[%swap3A_426, %swap3A_427], %swap3A_430 {strides = array<i32>} : memref<256x16xf32, #tpu.memory_space<vmem>>, vector<1x16xf32>,
        %add3A_431 = arith.constant 12 : i32
        %add3A_432 = arith.addi %mul3A_214, %add3A_431 : i32
        %swap3A_433 = arith.index_cast %add3A_432 : i32 to index
        %swap3A_434 = arith.constant 0 : index
        %swap3A_435 = tpu.vector_load %arg8[%swap3A_433, %swap3A_434] {strides = array<i32>} : memref<256x16xf32, #tpu.memory_space<vmem>>, vector<1x16xf32>,
        %swap3A_436 = vector.shape_cast %swap3A_435 : vector<1x16xf32> to vector<16xf32>
        %swap3A_437 = vector.shape_cast %scan3A_346#12 : vector<16xf32> to vector<1x16xf32>
        tpu.vector_store %arg8[%swap3A_433, %swap3A_434], %swap3A_437 {strides = array<i32>} : memref<256x16xf32, #tpu.memory_space<vmem>>, vector<1x16xf32>,
        %add3A_438 = arith.constant 13 : i32
        %add3A_439 = arith.addi %mul3A_214, %add3A_438 : i32
        %swap3A_440 = arith.index_cast %add3A_439 : i32 to index
        %swap3A_441 = arith.constant 0 : index
        %swap3A_442 = tpu.vector_load %arg8[%swap3A_440, %swap3A_441] {strides = array<i32>} : memref<256x16xf32, #tpu.memory_space<vmem>>, vector<1x16xf32>,
        %swap3A_443 = vector.shape_cast %swap3A_442 : vector<1x16xf32> to vector<16xf32>
        %swap3A_444 = vector.shape_cast %scan3A_346#13 : vector<16xf32> to vector<1x16xf32>
        tpu.vector_store %arg8[%swap3A_440, %swap3A_441], %swap3A_444 {strides = array<i32>} : memref<256x16xf32, #tpu.memory_space<vmem>>, vector<1x16xf32>,
        %add3A_445 = arith.constant 14 : i32
        %add3A_446 = arith.addi %mul3A_214, %add3A_445 : i32
        %swap3A_447 = arith.index_cast %add3A_446 : i32 to index
        %swap3A_448 = arith.constant 0 : index
        %swap3A_449 = tpu.vector_load %arg8[%swap3A_447, %swap3A_448] {strides = array<i32>} : memref<256x16xf32, #tpu.memory_space<vmem>>, vector<1x16xf32>,
        %swap3A_450 = vector.shape_cast %swap3A_449 : vector<1x16xf32> to vector<16xf32>
        %swap3A_451 = vector.shape_cast %scan3A_346#14 : vector<16xf32> to vector<1x16xf32>
        tpu.vector_store %arg8[%swap3A_447, %swap3A_448], %swap3A_451 {strides = array<i32>} : memref<256x16xf32, #tpu.memory_space<vmem>>, vector<1x16xf32>,
        %add3A_452 = arith.constant 15 : i32
        %add3A_453 = arith.addi %mul3A_214, %add3A_452 : i32
        %swap3A_454 = arith.index_cast %add3A_453 : i32 to index
        %swap3A_455 = arith.constant 0 : index
        %swap3A_456 = tpu.vector_load %arg8[%swap3A_454, %swap3A_455] {strides = array<i32>} : memref<256x16xf32, #tpu.memory_space<vmem>>, vector<1x16xf32>,
        %swap3A_457 = vector.shape_cast %swap3A_456 : vector<1x16xf32> to vector<16xf32>
        %swap3A_458 = vector.shape_cast %scan3A_346#15 : vector<16xf32> to vector<1x16xf32>
        tpu.vector_store %arg8[%swap3A_454, %swap3A_455], %swap3A_458 {strides = array<i32>} : memref<256x16xf32, #tpu.memory_space<vmem>>, vector<1x16xf32>,
      }
      %scan3A_155 = arith.constant 16 : i32
      %add3A_156 = arith.constant 1 : i32
      %add3A_157 = arith.addi %add3A_106, %add3A_156 : i32
      %mul3A_158 = arith.constant 64 : i32
      %mul3A_159 = arith.muli %add3A_157, %mul3A_158 : i32
      %dma_wait3A_160 = arith.constant 0 : i32
      %dma_wait3A_161 = tpu.memref_slice %arg2[%mul3A_3, %mul3A_159, %dma_wait3A_160] : memref<64x2048x256xf32, #tpu.memory_space<hbm>> -> memref<1x64x256xf32, #tpu.memory_space<hbm>>
      %dma_wait3A_162 = tpu.memref_squeeze %dma_wait3A_161 : memref<1x64x256xf32, #tpu.memory_space<hbm>> -> memref<64x256xf32, #tpu.memory_space<hbm>>
      %dma_wait3A_163 = arith.constant 0 : i32
      %dma_wait3A_164 = tpu.memref_slice %arg2[%mul3A_3, %mul3A_159, %dma_wait3A_163] : memref<64x2048x256xf32, #tpu.memory_space<hbm>> -> memref<1x64x256xf32, #tpu.memory_space<hbm>>
      %dma_wait3A_165 = tpu.memref_squeeze %dma_wait3A_164 : memref<1x64x256xf32, #tpu.memory_space<hbm>> -> memref<64x256xf32, #tpu.memory_space<hbm>>
      tpu.wait_dma2 semaphore(%arg13 : memref<!tpu.dma_semaphore, #tpu.memory_space<semaphore_mem>>) src(%dma_wait3A_165 : memref<64x256xf32, #tpu.memory_space<hbm>>) dst(%arg7 : memref<64x256xf32, #tpu.memory_space<vmem>>)
      %add3A_166 = arith.constant 1 : i32
      %add3A_167 = arith.addi %add3A_157, %add3A_166 : i32
      %lt3A_168 = arith.constant 32 : i32
      %lt3A_169 = arith.cmpi slt, %add3A_167, %lt3A_168 : i32
      %convert_element_type3A_170 = arith.extui %lt3A_169 : i1 to i32
      %cond3A_171 = arith.constant 0 : i32
      %cond3A_172 = arith.cmpi ne, %convert_element_type3A_170, %cond3A_171 : i32
      scf.if %cond3A_172 {
        %ge3A = arith.constant 1 : i32
        %ge3A_208 = arith.cmpi sge, %add3A_157, %ge3A : i32
        %convert_element_type3A_209 = arith.extui %ge3A_208 : i1 to i32
        %cond3A_210 = arith.constant 0 : i32
        %cond3A_211 = arith.cmpi ne, %convert_element_type3A_209, %cond3A_210 : i32
        scf.if %cond3A_211 {
          %sub3A = arith.constant 1 : i32
          %sub3A_222 = arith.subi %add3A_157, %sub3A : i32
          %mul3A_223 = arith.constant 64 : i32
          %mul3A_224 = arith.muli %sub3A_222, %mul3A_223 : i32
          %dma_wait3A_225 = arith.constant 0 : i32
          %dma_wait3A_226 = tpu.memref_slice %arg3[%mul3A_3, %mul3A_224, %dma_wait3A_225] : memref<64x2048x256xf32, #tpu.memory_space<hbm>> -> memref<1x64x256xf32, #tpu.memory_space<hbm>>
          %dma_wait3A_227 = tpu.memref_squeeze %dma_wait3A_226 : memref<1x64x256xf32, #tpu.memory_space<hbm>> -> memref<64x256xf32, #tpu.memory_space<hbm>>
          %dma_wait3A_228 = arith.constant 0 : i32
          %dma_wait3A_229 = tpu.memref_slice %arg3[%mul3A_3, %mul3A_224, %dma_wait3A_228] : memref<64x2048x256xf32, #tpu.memory_space<hbm>> -> memref<1x64x256xf32, #tpu.memory_space<hbm>>
          %dma_wait3A_230 = tpu.memref_squeeze %dma_wait3A_229 : memref<1x64x256xf32, #tpu.memory_space<hbm>> -> memref<64x256xf32, #tpu.memory_space<hbm>>
          tpu.wait_dma2 semaphore(%arg14 : memref<!tpu.dma_semaphore, #tpu.memory_space<semaphore_mem>>) src(%arg6 : memref<64x256xf32, #tpu.memory_space<vmem>>) dst(%dma_wait3A_230 : memref<64x256xf32, #tpu.memory_space<hbm>>)
        } else {
        }
        %add3A_212 = arith.constant 1 : i32
        %add3A_213 = arith.addi %add3A_157, %add3A_212 : i32
        %mul3A_214 = arith.constant 64 : i32
        %mul3A_215 = arith.muli %add3A_213, %mul3A_214 : i32
        %dma_start3A_216 = arith.constant 0 : i32
        %dma_start3A_217 = tpu.memref_slice %arg2[%mul3A_3, %mul3A_215, %dma_start3A_216] : memref<64x2048x256xf32, #tpu.memory_space<hbm>> -> memref<1x64x256xf32, #tpu.memory_space<hbm>>
        %dma_start3A_218 = tpu.memref_squeeze %dma_start3A_217 : memref<1x64x256xf32, #tpu.memory_space<hbm>> -> memref<64x256xf32, #tpu.memory_space<hbm>>
        %dma_start3A_219 = arith.constant 0 : i32
        %dma_start3A_220 = tpu.memref_slice %arg2[%mul3A_3, %mul3A_215, %dma_start3A_219] : memref<64x2048x256xf32, #tpu.memory_space<hbm>> -> memref<1x64x256xf32, #tpu.memory_space<hbm>>
        %dma_start3A_221 = tpu.memref_squeeze %dma_start3A_220 : memref<1x64x256xf32, #tpu.memory_space<hbm>> -> memref<64x256xf32, #tpu.memory_space<hbm>>
        tpu.enqueue_dma source(%dma_start3A_221 : memref<64x256xf32, #tpu.memory_space<hbm>>) target(%arg6 : memref<64x256xf32, #tpu.memory_space<vmem>>) target_semaphore(%arg12 : memref<!tpu.dma_semaphore, #tpu.memory_space<semaphore_mem>>)
      } else {
      }
      %mul3A_173 = arith.constant 64 : i32
      %mul3A_174 = arith.muli %add3A_157, %mul3A_173 : i32
      %dma_wait3A_175 = arith.constant 0 : i32
      %dma_wait3A_176 = tpu.memref_slice %arg2[%add3A_5, %mul3A_174, %dma_wait3A_175] : memref<64x2048x256xf32, #tpu.memory_space<hbm>> -> memref<1x64x256xf32, #tpu.memory_space<hbm>>
      %dma_wait3A_177 = tpu.memref_squeeze %dma_wait3A_176 : memref<1x64x256xf32, #tpu.memory_space<hbm>> -> memref<64x256xf32, #tpu.memory_space<hbm>>
      %dma_wait3A_178 = arith.constant 0 : i32
      %dma_wait3A_179 = tpu.memref_slice %arg2[%add3A_5, %mul3A_174, %dma_wait3A_178] : memref<64x2048x256xf32, #tpu.memory_space<hbm>> -> memref<1x64x256xf32, #tpu.memory_space<hbm>>
      %dma_wait3A_180 = tpu.memref_squeeze %dma_wait3A_179 : memref<1x64x256xf32, #tpu.memory_space<hbm>> -> memref<64x256xf32, #tpu.memory_space<hbm>>
      tpu.wait_dma2 semaphore(%arg11 : memref<!tpu.dma_semaphore, #tpu.memory_space<semaphore_mem>>) src(%dma_wait3A_180 : memref<64x256xf32, #tpu.memory_space<hbm>>) dst(%arg5 : memref<64x256xf32, #tpu.memory_space<vmem>>)
      %add3A_181 = arith.constant 1 : i32
      %add3A_182 = arith.addi %add3A_157, %add3A_181 : i32
      %lt3A_183 = arith.constant 32 : i32
      %lt3A_184 = arith.cmpi slt, %add3A_182, %lt3A_183 : i32
      %convert_element_type3A_185 = arith.extui %lt3A_184 : i1 to i32
      %cond3A_186 = arith.constant 0 : i32
      %cond3A_187 = arith.cmpi ne, %convert_element_type3A_185, %cond3A_186 : i32
      scf.if %cond3A_187 {
        %add3A_208 = arith.constant 1 : i32
        %add3A_209 = arith.addi %add3A_157, %add3A_208 : i32
        %mul3A_210 = arith.constant 64 : i32
        %mul3A_211 = arith.muli %add3A_209, %mul3A_210 : i32
        %dma_start3A_212 = arith.constant 0 : i32
        %dma_start3A_213 = tpu.memref_slice %arg2[%add3A_5, %mul3A_211, %dma_start3A_212] : memref<64x2048x256xf32, #tpu.memory_space<hbm>> -> memref<1x64x256xf32, #tpu.memory_space<hbm>>
        %dma_start3A_214 = tpu.memref_squeeze %dma_start3A_213 : memref<1x64x256xf32, #tpu.memory_space<hbm>> -> memref<64x256xf32, #tpu.memory_space<hbm>>
        %dma_start3A_215 = arith.constant 0 : i32
        %dma_start3A_216 = tpu.memref_slice %arg2[%add3A_5, %mul3A_211, %dma_start3A_215] : memref<64x2048x256xf32, #tpu.memory_space<hbm>> -> memref<1x64x256xf32, #tpu.memory_space<hbm>>
        %dma_start3A_217 = tpu.memref_squeeze %dma_start3A_216 : memref<1x64x256xf32, #tpu.memory_space<hbm>> -> memref<64x256xf32, #tpu.memory_space<hbm>>
        tpu.enqueue_dma source(%dma_start3A_217 : memref<64x256xf32, #tpu.memory_space<hbm>>) target(%arg4 : memref<64x256xf32, #tpu.memory_space<vmem>>) target_semaphore(%arg10 : memref<!tpu.dma_semaphore, #tpu.memory_space<semaphore_mem>>)
      } else {
      }
      %broadcast_in_dim3A_188 = arith.constant 0.000000e+00 : f32
      %broadcast_in_dim3A_189 = vector.broadcast %broadcast_in_dim3A_188 : f32 to vector<16xf32>
      %scan3A_190 = arith.constant 0 : i32
      %scan3A_191 = arith.constant 16 : i32
      %scan3A_192 = arith.addi %scan3A_190, %scan3A_191 : i32
      %scan3A_193 = arith.constant 1 : i32
      scf.for %scan3A_208 = %scan3A_190 to %scan3A_192 step %scan3A_193  : i32 {
        %mul3A_209 = arith.constant 1 : i32
        %mul3A_210 = arith.muli %scan3A_208, %mul3A_209 : i32
        %add3A_211 = arith.constant 0 : i32
        %add3A_212 = arith.addi %add3A_211, %mul3A_210 : i32
        %get3A = arith.index_cast %add3A_212 : i32 to index
        %get3A_213 = arith.constant 0 : index
        %get3A_214 = tpu.vector_load %arg9[%get3A, %get3A_213] {strides = array<i32>} : memref<16x16xf32, #tpu.memory_space<vmem>>, vector<1x16xf32>,
        %get3A_215 = vector.shape_cast %get3A_214 : vector<1x16xf32> to vector<16xf32>
        %scan3A_216 = arith.constant 0 : i32
        %scan3A_217 = arith.constant 8 : i32
        %scan3A_218 = arith.addi %scan3A_216, %scan3A_217 : i32
        %scan3A_219 = arith.constant 1 : i32
        scf.for %scan3A_221 = %scan3A_216 to %scan3A_218 step %scan3A_219  : i32 {
          %mul3A_222 = arith.constant 8 : i32
          %mul3A_223 = arith.muli %scan3A_221, %mul3A_222 : i32
          %add3A_224 = arith.constant 0 : i32
          %add3A_225 = arith.addi %add3A_224, %mul3A_223 : i32
          %add3A_226 = arith.constant 0 : i32
          %add3A_227 = arith.addi %add3A_225, %add3A_226 : i32
          %mul3A_228 = arith.constant 16 : i32
          %mul3A_229 = arith.muli %add3A_212, %mul3A_228 : i32
          %get3A_230 = arith.index_cast %add3A_227 : i32 to index
          %get3A_231 = arith.index_cast %mul3A_229 : i32 to index
          %get3A_232 = tpu.vector_load %arg7[%get3A_230, %get3A_231] {strides = array<i32>} : memref<64x256xf32, #tpu.memory_space<vmem>>, vector<1x16xf32>,
          %get3A_233 = vector.shape_cast %get3A_232 : vector<1x16xf32> to vector<16xf32>
          %ge3A = arith.cmpf oge, %get3A_233, %get3A_215 : vector<16xf32>
          %select_n3A = arith.select %ge3A, %broadcast_in_dim3A_189, %get3A_233 : vector<16xi1>, vector<16xf32>
          %add3A_234 = arith.constant 0 : i32
          %add3A_235 = arith.addi %add3A_225, %add3A_234 : i32
          %mul3A_236 = arith.constant 16 : i32
          %mul3A_237 = arith.muli %add3A_212, %mul3A_236 : i32
          %swap3A = arith.index_cast %add3A_235 : i32 to index
          %swap3A_238 = arith.index_cast %mul3A_237 : i32 to index
          %swap3A_239 = tpu.vector_load %arg7[%swap3A, %swap3A_238] {strides = array<i32>} : memref<64x256xf32, #tpu.memory_space<vmem>>, vector<1x16xf32>,
          %swap3A_240 = vector.shape_cast %swap3A_239 : vector<1x16xf32> to vector<16xf32>
          %swap3A_241 = vector.shape_cast %select_n3A : vector<16xf32> to vector<1x16xf32>
          tpu.vector_store %arg7[%swap3A, %swap3A_238], %swap3A_241 {strides = array<i32>} : memref<64x256xf32, #tpu.memory_space<vmem>>, vector<1x16xf32>,
          %add3A_242 = arith.constant 1 : i32
          %add3A_243 = arith.addi %add3A_225, %add3A_242 : i32
          %mul3A_244 = arith.constant 16 : i32
          %mul3A_245 = arith.muli %add3A_212, %mul3A_244 : i32
          %get3A_246 = arith.index_cast %add3A_243 : i32 to index
          %get3A_247 = arith.index_cast %mul3A_245 : i32 to index
          %get3A_248 = tpu.vector_load %arg7[%get3A_246, %get3A_247] {strides = array<i32>} : memref<64x256xf32, #tpu.memory_space<vmem>>, vector<1x16xf32>,
          %get3A_249 = vector.shape_cast %get3A_248 : vector<1x16xf32> to vector<16xf32>
          %ge3A_250 = arith.cmpf oge, %get3A_249, %get3A_215 : vector<16xf32>
          %select_n3A_251 = arith.select %ge3A_250, %broadcast_in_dim3A_189, %get3A_249 : vector<16xi1>, vector<16xf32>
          %add3A_252 = arith.constant 1 : i32
          %add3A_253 = arith.addi %add3A_225, %add3A_252 : i32
          %mul3A_254 = arith.constant 16 : i32
          %mul3A_255 = arith.muli %add3A_212, %mul3A_254 : i32
          %swap3A_256 = arith.index_cast %add3A_253 : i32 to index
          %swap3A_257 = arith.index_cast %mul3A_255 : i32 to index
          %swap3A_258 = tpu.vector_load %arg7[%swap3A_256, %swap3A_257] {strides = array<i32>} : memref<64x256xf32, #tpu.memory_space<vmem>>, vector<1x16xf32>,
          %swap3A_259 = vector.shape_cast %swap3A_258 : vector<1x16xf32> to vector<16xf32>
          %swap3A_260 = vector.shape_cast %select_n3A_251 : vector<16xf32> to vector<1x16xf32>
          tpu.vector_store %arg7[%swap3A_256, %swap3A_257], %swap3A_260 {strides = array<i32>} : memref<64x256xf32, #tpu.memory_space<vmem>>, vector<1x16xf32>,
          %add3A_261 = arith.constant 2 : i32
          %add3A_262 = arith.addi %add3A_225, %add3A_261 : i32
          %mul3A_263 = arith.constant 16 : i32
          %mul3A_264 = arith.muli %add3A_212, %mul3A_263 : i32
          %get3A_265 = arith.index_cast %add3A_262 : i32 to index
          %get3A_266 = arith.index_cast %mul3A_264 : i32 to index
          %get3A_267 = tpu.vector_load %arg7[%get3A_265, %get3A_266] {strides = array<i32>} : memref<64x256xf32, #tpu.memory_space<vmem>>, vector<1x16xf32>,
          %get3A_268 = vector.shape_cast %get3A_267 : vector<1x16xf32> to vector<16xf32>
          %ge3A_269 = arith.cmpf oge, %get3A_268, %get3A_215 : vector<16xf32>
          %select_n3A_270 = arith.select %ge3A_269, %broadcast_in_dim3A_189, %get3A_268 : vector<16xi1>, vector<16xf32>
          %add3A_271 = arith.constant 2 : i32
          %add3A_272 = arith.addi %add3A_225, %add3A_271 : i32
          %mul3A_273 = arith.constant 16 : i32
          %mul3A_274 = arith.muli %add3A_212, %mul3A_273 : i32
          %swap3A_275 = arith.index_cast %add3A_272 : i32 to index
          %swap3A_276 = arith.index_cast %mul3A_274 : i32 to index
          %swap3A_277 = tpu.vector_load %arg7[%swap3A_275, %swap3A_276] {strides = array<i32>} : memref<64x256xf32, #tpu.memory_space<vmem>>, vector<1x16xf32>,
          %swap3A_278 = vector.shape_cast %swap3A_277 : vector<1x16xf32> to vector<16xf32>
          %swap3A_279 = vector.shape_cast %select_n3A_270 : vector<16xf32> to vector<1x16xf32>
          tpu.vector_store %arg7[%swap3A_275, %swap3A_276], %swap3A_279 {strides = array<i32>} : memref<64x256xf32, #tpu.memory_space<vmem>>, vector<1x16xf32>,
          %add3A_280 = arith.constant 3 : i32
          %add3A_281 = arith.addi %add3A_225, %add3A_280 : i32
          %mul3A_282 = arith.constant 16 : i32
          %mul3A_283 = arith.muli %add3A_212, %mul3A_282 : i32
          %get3A_284 = arith.index_cast %add3A_281 : i32 to index
          %get3A_285 = arith.index_cast %mul3A_283 : i32 to index
          %get3A_286 = tpu.vector_load %arg7[%get3A_284, %get3A_285] {strides = array<i32>} : memref<64x256xf32, #tpu.memory_space<vmem>>, vector<1x16xf32>,
          %get3A_287 = vector.shape_cast %get3A_286 : vector<1x16xf32> to vector<16xf32>
          %ge3A_288 = arith.cmpf oge, %get3A_287, %get3A_215 : vector<16xf32>
          %select_n3A_289 = arith.select %ge3A_288, %broadcast_in_dim3A_189, %get3A_287 : vector<16xi1>, vector<16xf32>
          %add3A_290 = arith.constant 3 : i32
          %add3A_291 = arith.addi %add3A_225, %add3A_290 : i32
          %mul3A_292 = arith.constant 16 : i32
          %mul3A_293 = arith.muli %add3A_212, %mul3A_292 : i32
          %swap3A_294 = arith.index_cast %add3A_291 : i32 to index
          %swap3A_295 = arith.index_cast %mul3A_293 : i32 to index
          %swap3A_296 = tpu.vector_load %arg7[%swap3A_294, %swap3A_295] {strides = array<i32>} : memref<64x256xf32, #tpu.memory_space<vmem>>, vector<1x16xf32>,
          %swap3A_297 = vector.shape_cast %swap3A_296 : vector<1x16xf32> to vector<16xf32>
          %swap3A_298 = vector.shape_cast %select_n3A_289 : vector<16xf32> to vector<1x16xf32>
          tpu.vector_store %arg7[%swap3A_294, %swap3A_295], %swap3A_298 {strides = array<i32>} : memref<64x256xf32, #tpu.memory_space<vmem>>, vector<1x16xf32>,
          %add3A_299 = arith.constant 4 : i32
          %add3A_300 = arith.addi %add3A_225, %add3A_299 : i32
          %mul3A_301 = arith.constant 16 : i32
          %mul3A_302 = arith.muli %add3A_212, %mul3A_301 : i32
          %get3A_303 = arith.index_cast %add3A_300 : i32 to index
          %get3A_304 = arith.index_cast %mul3A_302 : i32 to index
          %get3A_305 = tpu.vector_load %arg7[%get3A_303, %get3A_304] {strides = array<i32>} : memref<64x256xf32, #tpu.memory_space<vmem>>, vector<1x16xf32>,
          %get3A_306 = vector.shape_cast %get3A_305 : vector<1x16xf32> to vector<16xf32>
          %ge3A_307 = arith.cmpf oge, %get3A_306, %get3A_215 : vector<16xf32>
          %select_n3A_308 = arith.select %ge3A_307, %broadcast_in_dim3A_189, %get3A_306 : vector<16xi1>, vector<16xf32>
          %add3A_309 = arith.constant 4 : i32
          %add3A_310 = arith.addi %add3A_225, %add3A_309 : i32
          %mul3A_311 = arith.constant 16 : i32
          %mul3A_312 = arith.muli %add3A_212, %mul3A_311 : i32
          %swap3A_313 = arith.index_cast %add3A_310 : i32 to index
          %swap3A_314 = arith.index_cast %mul3A_312 : i32 to index
          %swap3A_315 = tpu.vector_load %arg7[%swap3A_313, %swap3A_314] {strides = array<i32>} : memref<64x256xf32, #tpu.memory_space<vmem>>, vector<1x16xf32>,
          %swap3A_316 = vector.shape_cast %swap3A_315 : vector<1x16xf32> to vector<16xf32>
          %swap3A_317 = vector.shape_cast %select_n3A_308 : vector<16xf32> to vector<1x16xf32>
          tpu.vector_store %arg7[%swap3A_313, %swap3A_314], %swap3A_317 {strides = array<i32>} : memref<64x256xf32, #tpu.memory_space<vmem>>, vector<1x16xf32>,
          %add3A_318 = arith.constant 5 : i32
          %add3A_319 = arith.addi %add3A_225, %add3A_318 : i32
          %mul3A_320 = arith.constant 16 : i32
          %mul3A_321 = arith.muli %add3A_212, %mul3A_320 : i32
          %get3A_322 = arith.index_cast %add3A_319 : i32 to index
          %get3A_323 = arith.index_cast %mul3A_321 : i32 to index
          %get3A_324 = tpu.vector_load %arg7[%get3A_322, %get3A_323] {strides = array<i32>} : memref<64x256xf32, #tpu.memory_space<vmem>>, vector<1x16xf32>,
          %get3A_325 = vector.shape_cast %get3A_324 : vector<1x16xf32> to vector<16xf32>
          %ge3A_326 = arith.cmpf oge, %get3A_325, %get3A_215 : vector<16xf32>
          %select_n3A_327 = arith.select %ge3A_326, %broadcast_in_dim3A_189, %get3A_325 : vector<16xi1>, vector<16xf32>
          %add3A_328 = arith.constant 5 : i32
          %add3A_329 = arith.addi %add3A_225, %add3A_328 : i32
          %mul3A_330 = arith.constant 16 : i32
          %mul3A_331 = arith.muli %add3A_212, %mul3A_330 : i32
          %swap3A_332 = arith.index_cast %add3A_329 : i32 to index
          %swap3A_333 = arith.index_cast %mul3A_331 : i32 to index
          %swap3A_334 = tpu.vector_load %arg7[%swap3A_332, %swap3A_333] {strides = array<i32>} : memref<64x256xf32, #tpu.memory_space<vmem>>, vector<1x16xf32>,
          %swap3A_335 = vector.shape_cast %swap3A_334 : vector<1x16xf32> to vector<16xf32>
          %swap3A_336 = vector.shape_cast %select_n3A_327 : vector<16xf32> to vector<1x16xf32>
          tpu.vector_store %arg7[%swap3A_332, %swap3A_333], %swap3A_336 {strides = array<i32>} : memref<64x256xf32, #tpu.memory_space<vmem>>, vector<1x16xf32>,
          %add3A_337 = arith.constant 6 : i32
          %add3A_338 = arith.addi %add3A_225, %add3A_337 : i32
          %mul3A_339 = arith.constant 16 : i32
          %mul3A_340 = arith.muli %add3A_212, %mul3A_339 : i32
          %get3A_341 = arith.index_cast %add3A_338 : i32 to index
          %get3A_342 = arith.index_cast %mul3A_340 : i32 to index
          %get3A_343 = tpu.vector_load %arg7[%get3A_341, %get3A_342] {strides = array<i32>} : memref<64x256xf32, #tpu.memory_space<vmem>>, vector<1x16xf32>,
          %get3A_344 = vector.shape_cast %get3A_343 : vector<1x16xf32> to vector<16xf32>
          %ge3A_345 = arith.cmpf oge, %get3A_344, %get3A_215 : vector<16xf32>
          %select_n3A_346 = arith.select %ge3A_345, %broadcast_in_dim3A_189, %get3A_344 : vector<16xi1>, vector<16xf32>
          %add3A_347 = arith.constant 6 : i32
          %add3A_348 = arith.addi %add3A_225, %add3A_347 : i32
          %mul3A_349 = arith.constant 16 : i32
          %mul3A_350 = arith.muli %add3A_212, %mul3A_349 : i32
          %swap3A_351 = arith.index_cast %add3A_348 : i32 to index
          %swap3A_352 = arith.index_cast %mul3A_350 : i32 to index
          %swap3A_353 = tpu.vector_load %arg7[%swap3A_351, %swap3A_352] {strides = array<i32>} : memref<64x256xf32, #tpu.memory_space<vmem>>, vector<1x16xf32>,
          %swap3A_354 = vector.shape_cast %swap3A_353 : vector<1x16xf32> to vector<16xf32>
          %swap3A_355 = vector.shape_cast %select_n3A_346 : vector<16xf32> to vector<1x16xf32>
          tpu.vector_store %arg7[%swap3A_351, %swap3A_352], %swap3A_355 {strides = array<i32>} : memref<64x256xf32, #tpu.memory_space<vmem>>, vector<1x16xf32>,
          %add3A_356 = arith.constant 7 : i32
          %add3A_357 = arith.addi %add3A_225, %add3A_356 : i32
          %mul3A_358 = arith.constant 16 : i32
          %mul3A_359 = arith.muli %add3A_212, %mul3A_358 : i32
          %get3A_360 = arith.index_cast %add3A_357 : i32 to index
          %get3A_361 = arith.index_cast %mul3A_359 : i32 to index
          %get3A_362 = tpu.vector_load %arg7[%get3A_360, %get3A_361] {strides = array<i32>} : memref<64x256xf32, #tpu.memory_space<vmem>>, vector<1x16xf32>,
          %get3A_363 = vector.shape_cast %get3A_362 : vector<1x16xf32> to vector<16xf32>
          %ge3A_364 = arith.cmpf oge, %get3A_363, %get3A_215 : vector<16xf32>
          %select_n3A_365 = arith.select %ge3A_364, %broadcast_in_dim3A_189, %get3A_363 : vector<16xi1>, vector<16xf32>
          %add3A_366 = arith.constant 7 : i32
          %add3A_367 = arith.addi %add3A_225, %add3A_366 : i32
          %mul3A_368 = arith.constant 16 : i32
          %mul3A_369 = arith.muli %add3A_212, %mul3A_368 : i32
          %swap3A_370 = arith.index_cast %add3A_367 : i32 to index
          %swap3A_371 = arith.index_cast %mul3A_369 : i32 to index
          %swap3A_372 = tpu.vector_load %arg7[%swap3A_370, %swap3A_371] {strides = array<i32>} : memref<64x256xf32, #tpu.memory_space<vmem>>, vector<1x16xf32>,
          %swap3A_373 = vector.shape_cast %swap3A_372 : vector<1x16xf32> to vector<16xf32>
          %swap3A_374 = vector.shape_cast %select_n3A_365 : vector<16xf32> to vector<1x16xf32>
          tpu.vector_store %arg7[%swap3A_370, %swap3A_371], %swap3A_374 {strides = array<i32>} : memref<64x256xf32, #tpu.memory_space<vmem>>, vector<1x16xf32>,
        }
        %scan3A_220 = arith.constant 8 : i32
      }
      %scan3A_194 = arith.constant 16 : i32
      %mul3A_195 = arith.constant 64 : i32
      %mul3A_196 = arith.muli %add3A_157, %mul3A_195 : i32
      %dma_start3A_197 = arith.constant 0 : i32
      %dma_start3A_198 = tpu.memref_slice %arg3[%mul3A_3, %mul3A_196, %dma_start3A_197] : memref<64x2048x256xf32, #tpu.memory_space<hbm>> -> memref<1x64x256xf32, #tpu.memory_space<hbm>>
      %dma_start3A_199 = tpu.memref_squeeze %dma_start3A_198 : memref<1x64x256xf32, #tpu.memory_space<hbm>> -> memref<64x256xf32, #tpu.memory_space<hbm>>
      %dma_start3A_200 = arith.constant 0 : i32
      %dma_start3A_201 = tpu.memref_slice %arg3[%mul3A_3, %mul3A_196, %dma_start3A_200] : memref<64x2048x256xf32, #tpu.memory_space<hbm>> -> memref<1x64x256xf32, #tpu.memory_space<hbm>>
      %dma_start3A_202 = tpu.memref_squeeze %dma_start3A_201 : memref<1x64x256xf32, #tpu.memory_space<hbm>> -> memref<64x256xf32, #tpu.memory_space<hbm>>
      tpu.enqueue_dma source(%arg7 : memref<64x256xf32, #tpu.memory_space<vmem>>) target(%dma_start3A_202 : memref<64x256xf32, #tpu.memory_space<hbm>>) target_semaphore(%arg15 : memref<!tpu.dma_semaphore, #tpu.memory_space<semaphore_mem>>)
      %scan3A_203 = arith.constant 0 : i32
      %scan3A_204 = arith.constant 16 : i32
      %scan3A_205 = arith.addi %scan3A_203, %scan3A_204 : i32
      %scan3A_206 = arith.constant 1 : i32
      scf.for %scan3A_208 = %scan3A_203 to %scan3A_205 step %scan3A_206  : i32 {
        %mul3A_209 = arith.constant 1 : i32
        %mul3A_210 = arith.muli %scan3A_208, %mul3A_209 : i32
        %add3A_211 = arith.constant 0 : i32
        %add3A_212 = arith.addi %add3A_211, %mul3A_210 : i32
        %mul3A_213 = arith.constant 16 : i32
        %mul3A_214 = arith.muli %add3A_212, %mul3A_213 : i32
        %add3A_215 = arith.constant 0 : i32
        %add3A_216 = arith.addi %mul3A_214, %add3A_215 : i32
        %add3A_217 = arith.constant 0 : i32
        %add3A_218 = arith.addi %add3A_216, %add3A_217 : i32
        %get3A = arith.index_cast %add3A_218 : i32 to index
        %get3A_219 = arith.constant 0 : index
        %get3A_220 = tpu.vector_load %arg8[%get3A, %get3A_219] {strides = array<i32>} : memref<256x16xf32, #tpu.memory_space<vmem>>, vector<1x16xf32>,
        %get3A_221 = vector.shape_cast %get3A_220 : vector<1x16xf32> to vector<16xf32>
        %add3A_222 = arith.constant 0 : i32
        %add3A_223 = arith.addi %mul3A_214, %add3A_222 : i32
        %add3A_224 = arith.constant 1 : i32
        %add3A_225 = arith.addi %add3A_223, %add3A_224 : i32
        %get3A_226 = arith.index_cast %add3A_225 : i32 to index
        %get3A_227 = arith.constant 0 : index
        %get3A_228 = tpu.vector_load %arg8[%get3A_226, %get3A_227] {strides = array<i32>} : memref<256x16xf32, #tpu.memory_space<vmem>>, vector<1x16xf32>,
        %get3A_229 = vector.shape_cast %get3A_228 : vector<1x16xf32> to vector<16xf32>
        %add3A_230 = arith.constant 0 : i32
        %add3A_231 = arith.addi %mul3A_214, %add3A_230 : i32
        %add3A_232 = arith.constant 2 : i32
        %add3A_233 = arith.addi %add3A_231, %add3A_232 : i32
        %get3A_234 = arith.index_cast %add3A_233 : i32 to index
        %get3A_235 = arith.constant 0 : index
        %get3A_236 = tpu.vector_load %arg8[%get3A_234, %get3A_235] {strides = array<i32>} : memref<256x16xf32, #tpu.memory_space<vmem>>, vector<1x16xf32>,
        %get3A_237 = vector.shape_cast %get3A_236 : vector<1x16xf32> to vector<16xf32>
        %add3A_238 = arith.constant 0 : i32
        %add3A_239 = arith.addi %mul3A_214, %add3A_238 : i32
        %add3A_240 = arith.constant 3 : i32
        %add3A_241 = arith.addi %add3A_239, %add3A_240 : i32
        %get3A_242 = arith.index_cast %add3A_241 : i32 to index
        %get3A_243 = arith.constant 0 : index
        %get3A_244 = tpu.vector_load %arg8[%get3A_242, %get3A_243] {strides = array<i32>} : memref<256x16xf32, #tpu.memory_space<vmem>>, vector<1x16xf32>,
        %get3A_245 = vector.shape_cast %get3A_244 : vector<1x16xf32> to vector<16xf32>
        %add3A_246 = arith.constant 4 : i32
        %add3A_247 = arith.addi %mul3A_214, %add3A_246 : i32
        %add3A_248 = arith.constant 0 : i32
        %add3A_249 = arith.addi %add3A_247, %add3A_248 : i32
        %get3A_250 = arith.index_cast %add3A_249 : i32 to index
        %get3A_251 = arith.constant 0 : index
        %get3A_252 = tpu.vector_load %arg8[%get3A_250, %get3A_251] {strides = array<i32>} : memref<256x16xf32, #tpu.memory_space<vmem>>, vector<1x16xf32>,
        %get3A_253 = vector.shape_cast %get3A_252 : vector<1x16xf32> to vector<16xf32>
        %add3A_254 = arith.constant 4 : i32
        %add3A_255 = arith.addi %mul3A_214, %add3A_254 : i32
        %add3A_256 = arith.constant 1 : i32
        %add3A_257 = arith.addi %add3A_255, %add3A_256 : i32
        %get3A_258 = arith.index_cast %add3A_257 : i32 to index
        %get3A_259 = arith.constant 0 : index
        %get3A_260 = tpu.vector_load %arg8[%get3A_258, %get3A_259] {strides = array<i32>} : memref<256x16xf32, #tpu.memory_space<vmem>>, vector<1x16xf32>,
        %get3A_261 = vector.shape_cast %get3A_260 : vector<1x16xf32> to vector<16xf32>
        %add3A_262 = arith.constant 4 : i32
        %add3A_263 = arith.addi %mul3A_214, %add3A_262 : i32
        %add3A_264 = arith.constant 2 : i32
        %add3A_265 = arith.addi %add3A_263, %add3A_264 : i32
        %get3A_266 = arith.index_cast %add3A_265 : i32 to index
        %get3A_267 = arith.constant 0 : index
        %get3A_268 = tpu.vector_load %arg8[%get3A_266, %get3A_267] {strides = array<i32>} : memref<256x16xf32, #tpu.memory_space<vmem>>, vector<1x16xf32>,
        %get3A_269 = vector.shape_cast %get3A_268 : vector<1x16xf32> to vector<16xf32>
        %add3A_270 = arith.constant 4 : i32
        %add3A_271 = arith.addi %mul3A_214, %add3A_270 : i32
        %add3A_272 = arith.constant 3 : i32
        %add3A_273 = arith.addi %add3A_271, %add3A_272 : i32
        %get3A_274 = arith.index_cast %add3A_273 : i32 to index
        %get3A_275 = arith.constant 0 : index
        %get3A_276 = tpu.vector_load %arg8[%get3A_274, %get3A_275] {strides = array<i32>} : memref<256x16xf32, #tpu.memory_space<vmem>>, vector<1x16xf32>,
        %get3A_277 = vector.shape_cast %get3A_276 : vector<1x16xf32> to vector<16xf32>
        %add3A_278 = arith.constant 8 : i32
        %add3A_279 = arith.addi %mul3A_214, %add3A_278 : i32
        %add3A_280 = arith.constant 0 : i32
        %add3A_281 = arith.addi %add3A_279, %add3A_280 : i32
        %get3A_282 = arith.index_cast %add3A_281 : i32 to index
        %get3A_283 = arith.constant 0 : index
        %get3A_284 = tpu.vector_load %arg8[%get3A_282, %get3A_283] {strides = array<i32>} : memref<256x16xf32, #tpu.memory_space<vmem>>, vector<1x16xf32>,
        %get3A_285 = vector.shape_cast %get3A_284 : vector<1x16xf32> to vector<16xf32>
        %add3A_286 = arith.constant 8 : i32
        %add3A_287 = arith.addi %mul3A_214, %add3A_286 : i32
        %add3A_288 = arith.constant 1 : i32
        %add3A_289 = arith.addi %add3A_287, %add3A_288 : i32
        %get3A_290 = arith.index_cast %add3A_289 : i32 to index
        %get3A_291 = arith.constant 0 : index
        %get3A_292 = tpu.vector_load %arg8[%get3A_290, %get3A_291] {strides = array<i32>} : memref<256x16xf32, #tpu.memory_space<vmem>>, vector<1x16xf32>,
        %get3A_293 = vector.shape_cast %get3A_292 : vector<1x16xf32> to vector<16xf32>
        %add3A_294 = arith.constant 8 : i32
        %add3A_295 = arith.addi %mul3A_214, %add3A_294 : i32
        %add3A_296 = arith.constant 2 : i32
        %add3A_297 = arith.addi %add3A_295, %add3A_296 : i32
        %get3A_298 = arith.index_cast %add3A_297 : i32 to index
        %get3A_299 = arith.constant 0 : index
        %get3A_300 = tpu.vector_load %arg8[%get3A_298, %get3A_299] {strides = array<i32>} : memref<256x16xf32, #tpu.memory_space<vmem>>, vector<1x16xf32>,
        %get3A_301 = vector.shape_cast %get3A_300 : vector<1x16xf32> to vector<16xf32>
        %add3A_302 = arith.constant 8 : i32
        %add3A_303 = arith.addi %mul3A_214, %add3A_302 : i32
        %add3A_304 = arith.constant 3 : i32
        %add3A_305 = arith.addi %add3A_303, %add3A_304 : i32
        %get3A_306 = arith.index_cast %add3A_305 : i32 to index
        %get3A_307 = arith.constant 0 : index
        %get3A_308 = tpu.vector_load %arg8[%get3A_306, %get3A_307] {strides = array<i32>} : memref<256x16xf32, #tpu.memory_space<vmem>>, vector<1x16xf32>,
        %get3A_309 = vector.shape_cast %get3A_308 : vector<1x16xf32> to vector<16xf32>
        %add3A_310 = arith.constant 12 : i32
        %add3A_311 = arith.addi %mul3A_214, %add3A_310 : i32
        %add3A_312 = arith.constant 0 : i32
        %add3A_313 = arith.addi %add3A_311, %add3A_312 : i32
        %get3A_314 = arith.index_cast %add3A_313 : i32 to index
        %get3A_315 = arith.constant 0 : index
        %get3A_316 = tpu.vector_load %arg8[%get3A_314, %get3A_315] {strides = array<i32>} : memref<256x16xf32, #tpu.memory_space<vmem>>, vector<1x16xf32>,
        %get3A_317 = vector.shape_cast %get3A_316 : vector<1x16xf32> to vector<16xf32>
        %add3A_318 = arith.constant 12 : i32
        %add3A_319 = arith.addi %mul3A_214, %add3A_318 : i32
        %add3A_320 = arith.constant 1 : i32
        %add3A_321 = arith.addi %add3A_319, %add3A_320 : i32
        %get3A_322 = arith.index_cast %add3A_321 : i32 to index
        %get3A_323 = arith.constant 0 : index
        %get3A_324 = tpu.vector_load %arg8[%get3A_322, %get3A_323] {strides = array<i32>} : memref<256x16xf32, #tpu.memory_space<vmem>>, vector<1x16xf32>,
        %get3A_325 = vector.shape_cast %get3A_324 : vector<1x16xf32> to vector<16xf32>
        %add3A_326 = arith.constant 12 : i32
        %add3A_327 = arith.addi %mul3A_214, %add3A_326 : i32
        %add3A_328 = arith.constant 2 : i32
        %add3A_329 = arith.addi %add3A_327, %add3A_328 : i32
        %get3A_330 = arith.index_cast %add3A_329 : i32 to index
        %get3A_331 = arith.constant 0 : index
        %get3A_332 = tpu.vector_load %arg8[%get3A_330, %get3A_331] {strides = array<i32>} : memref<256x16xf32, #tpu.memory_space<vmem>>, vector<1x16xf32>,
        %get3A_333 = vector.shape_cast %get3A_332 : vector<1x16xf32> to vector<16xf32>
        %add3A_334 = arith.constant 12 : i32
        %add3A_335 = arith.addi %mul3A_214, %add3A_334 : i32
        %add3A_336 = arith.constant 3 : i32
        %add3A_337 = arith.addi %add3A_335, %add3A_336 : i32
        %get3A_338 = arith.index_cast %add3A_337 : i32 to index
        %get3A_339 = arith.constant 0 : index
        %get3A_340 = tpu.vector_load %arg8[%get3A_338, %get3A_339] {strides = array<i32>} : memref<256x16xf32, #tpu.memory_space<vmem>>, vector<1x16xf32>,
        %get3A_341 = vector.shape_cast %get3A_340 : vector<1x16xf32> to vector<16xf32>
        %scan3A_342 = arith.constant 0 : i32
        %scan3A_343 = arith.constant 4 : i32
        %scan3A_344 = arith.addi %scan3A_342, %scan3A_343 : i32
        %scan3A_345 = arith.constant 1 : i32
        %scan3A_346:16 = scf.for %scan3A_459 = %scan3A_342 to %scan3A_344 step %scan3A_345 iter_args(%scan3A_460 = %get3A_221, %scan3A_461 = %get3A_229, %scan3A_462 = %get3A_237, %scan3A_463 = %get3A_245, %scan3A_464 = %get3A_253, %scan3A_465 = %get3A_261, %scan3A_466 = %get3A_269, %scan3A_467 = %get3A_277, %scan3A_468 = %get3A_285, %scan3A_469 = %get3A_293, %scan3A_470 = %get3A_301, %scan3A_471 = %get3A_309, %scan3A_472 = %get3A_317, %scan3A_473 = %get3A_325, %scan3A_474 = %get3A_333, %scan3A_475 = %get3A_341) -> (vector<16xf32>, vector<16xf32>, vector<16xf32>, vector<16xf32>, vector<16xf32>, vector<16xf32>, vector<16xf32>, vector<16xf32>, vector<16xf32>, vector<16xf32>, vector<16xf32>, vector<16xf32>, vector<16xf32>, vector<16xf32>, vector<16xf32>, vector<16xf32>)  : i32 {
          %mul3A_476 = arith.constant 16 : i32
          %mul3A_477 = arith.muli %scan3A_459, %mul3A_476 : i32
          %add3A_478 = arith.constant 0 : i32
          %add3A_479 = arith.addi %mul3A_477, %add3A_478 : i32
          %add3A_480 = arith.constant 0 : i32
          %add3A_481 = arith.addi %add3A_479, %add3A_480 : i32
          %mul3A_482 = arith.constant 16 : i32
          %mul3A_483 = arith.muli %add3A_212, %mul3A_482 : i32
          %get3A_484 = arith.index_cast %add3A_481 : i32 to index
          %get3A_485 = arith.index_cast %mul3A_483 : i32 to index
          %get3A_486 = tpu.vector_load %arg5[%get3A_484, %get3A_485] {strides = array<i32>} : memref<64x256xf32, #tpu.memory_space<vmem>>, vector<1x16xf32>,
          %get3A_487 = vector.shape_cast %get3A_486 : vector<1x16xf32> to vector<16xf32>
          %add3A_488 = arith.constant 1 : i32
          %add3A_489 = arith.addi %add3A_479, %add3A_488 : i32
          %mul3A_490 = arith.constant 16 : i32
          %mul3A_491 = arith.muli %add3A_212, %mul3A_490 : i32
          %get3A_492 = arith.index_cast %add3A_489 : i32 to index
          %get3A_493 = arith.index_cast %mul3A_491 : i32 to index
          %get3A_494 = tpu.vector_load %arg5[%get3A_492, %get3A_493] {strides = array<i32>} : memref<64x256xf32, #tpu.memory_space<vmem>>, vector<1x16xf32>,
          %get3A_495 = vector.shape_cast %get3A_494 : vector<1x16xf32> to vector<16xf32>
          %add3A_496 = arith.constant 2 : i32
          %add3A_497 = arith.addi %add3A_479, %add3A_496 : i32
          %mul3A_498 = arith.constant 16 : i32
          %mul3A_499 = arith.muli %add3A_212, %mul3A_498 : i32
          %get3A_500 = arith.index_cast %add3A_497 : i32 to index
          %get3A_501 = arith.index_cast %mul3A_499 : i32 to index
          %get3A_502 = tpu.vector_load %arg5[%get3A_500, %get3A_501] {strides = array<i32>} : memref<64x256xf32, #tpu.memory_space<vmem>>, vector<1x16xf32>,
          %get3A_503 = vector.shape_cast %get3A_502 : vector<1x16xf32> to vector<16xf32>
          %add3A_504 = arith.constant 3 : i32
          %add3A_505 = arith.addi %add3A_479, %add3A_504 : i32
          %mul3A_506 = arith.constant 16 : i32
          %mul3A_507 = arith.muli %add3A_212, %mul3A_506 : i32
          %get3A_508 = arith.index_cast %add3A_505 : i32 to index
          %get3A_509 = arith.index_cast %mul3A_507 : i32 to index
          %get3A_510 = tpu.vector_load %arg5[%get3A_508, %get3A_509] {strides = array<i32>} : memref<64x256xf32, #tpu.memory_space<vmem>>, vector<1x16xf32>,
          %get3A_511 = vector.shape_cast %get3A_510 : vector<1x16xf32> to vector<16xf32>
          %max3A = arith.maximumf %get3A_487, %get3A_495 : vector<16xf32>
          %min3A = arith.minimumf %get3A_487, %get3A_495 : vector<16xf32>
          %max3A_512 = arith.maximumf %get3A_503, %get3A_511 : vector<16xf32>
          %min3A_513 = arith.minimumf %get3A_503, %get3A_511 : vector<16xf32>
          %max3A_514 = arith.maximumf %max3A, %max3A_512 : vector<16xf32>
          %min3A_515 = arith.minimumf %max3A, %max3A_512 : vector<16xf32>
          %max3A_516 = arith.maximumf %min3A, %min3A_513 : vector<16xf32>
          %min3A_517 = arith.minimumf %min3A, %min3A_513 : vector<16xf32>
          %max3A_518 = arith.maximumf %max3A_516, %min3A_515 : vector<16xf32>
          %min3A_519 = arith.minimumf %max3A_516, %min3A_515 : vector<16xf32>
          %max3A_520 = arith.maximumf %scan3A_460, %min3A_517 : vector<16xf32>
          %max3A_521 = arith.maximumf %scan3A_461, %min3A_519 : vector<16xf32>
          %max3A_522 = arith.maximumf %scan3A_462, %max3A_518 : vector<16xf32>
          %max3A_523 = arith.maximumf %scan3A_463, %max3A_514 : vector<16xf32>
          %max3A_524 = arith.maximumf %max3A_520, %max3A_522 : vector<16xf32>
          %min3A_525 = arith.minimumf %max3A_520, %max3A_522 : vector<16xf32>
          %max3A_526 = arith.maximumf %max3A_521, %max3A_523 : vector<16xf32>
          %min3A_527 = arith.minimumf %max3A_521, %max3A_523 : vector<16xf32>
          %max3A_528 = arith.maximumf %max3A_524, %max3A_526 : vector<16xf32>
          %min3A_529 = arith.minimumf %max3A_524, %max3A_526 : vector<16xf32>
          %max3A_530 = arith.maximumf %min3A_525, %min3A_527 : vector<16xf32>
          %min3A_531 = arith.minimumf %min3A_525, %min3A_527 : vector<16xf32>
          %mul3A_532 = arith.constant 16 : i32
          %mul3A_533 = arith.muli %scan3A_459, %mul3A_532 : i32
          %add3A_534 = arith.constant 4 : i32
          %add3A_535 = arith.addi %mul3A_533, %add3A_534 : i32
          %add3A_536 = arith.constant 0 : i32
          %add3A_537 = arith.addi %add3A_535, %add3A_536 : i32
          %mul3A_538 = arith.constant 16 : i32
          %mul3A_539 = arith.muli %add3A_212, %mul3A_538 : i32
          %get3A_540 = arith.index_cast %add3A_537 : i32 to index
          %get3A_541 = arith.index_cast %mul3A_539 : i32 to index
          %get3A_542 = tpu.vector_load %arg5[%get3A_540, %get3A_541] {strides = array<i32>} : memref<64x256xf32, #tpu.memory_space<vmem>>, vector<1x16xf32>,
          %get3A_543 = vector.shape_cast %get3A_542 : vector<1x16xf32> to vector<16xf32>
          %add3A_544 = arith.constant 1 : i32
          %add3A_545 = arith.addi %add3A_535, %add3A_544 : i32
          %mul3A_546 = arith.constant 16 : i32
          %mul3A_547 = arith.muli %add3A_212, %mul3A_546 : i32
          %get3A_548 = arith.index_cast %add3A_545 : i32 to index
          %get3A_549 = arith.index_cast %mul3A_547 : i32 to index
          %get3A_550 = tpu.vector_load %arg5[%get3A_548, %get3A_549] {strides = array<i32>} : memref<64x256xf32, #tpu.memory_space<vmem>>, vector<1x16xf32>,
          %get3A_551 = vector.shape_cast %get3A_550 : vector<1x16xf32> to vector<16xf32>
          %add3A_552 = arith.constant 2 : i32
          %add3A_553 = arith.addi %add3A_535, %add3A_552 : i32
          %mul3A_554 = arith.constant 16 : i32
          %mul3A_555 = arith.muli %add3A_212, %mul3A_554 : i32
          %get3A_556 = arith.index_cast %add3A_553 : i32 to index
          %get3A_557 = arith.index_cast %mul3A_555 : i32 to index
          %get3A_558 = tpu.vector_load %arg5[%get3A_556, %get3A_557] {strides = array<i32>} : memref<64x256xf32, #tpu.memory_space<vmem>>, vector<1x16xf32>,
          %get3A_559 = vector.shape_cast %get3A_558 : vector<1x16xf32> to vector<16xf32>
          %add3A_560 = arith.constant 3 : i32
          %add3A_561 = arith.addi %add3A_535, %add3A_560 : i32
          %mul3A_562 = arith.constant 16 : i32
          %mul3A_563 = arith.muli %add3A_212, %mul3A_562 : i32
          %get3A_564 = arith.index_cast %add3A_561 : i32 to index
          %get3A_565 = arith.index_cast %mul3A_563 : i32 to index
          %get3A_566 = tpu.vector_load %arg5[%get3A_564, %get3A_565] {strides = array<i32>} : memref<64x256xf32, #tpu.memory_space<vmem>>, vector<1x16xf32>,
          %get3A_567 = vector.shape_cast %get3A_566 : vector<1x16xf32> to vector<16xf32>
          %max3A_568 = arith.maximumf %get3A_543, %get3A_551 : vector<16xf32>
          %min3A_569 = arith.minimumf %get3A_543, %get3A_551 : vector<16xf32>
          %max3A_570 = arith.maximumf %get3A_559, %get3A_567 : vector<16xf32>
          %min3A_571 = arith.minimumf %get3A_559, %get3A_567 : vector<16xf32>
          %max3A_572 = arith.maximumf %max3A_568, %max3A_570 : vector<16xf32>
          %min3A_573 = arith.minimumf %max3A_568, %max3A_570 : vector<16xf32>
          %max3A_574 = arith.maximumf %min3A_569, %min3A_571 : vector<16xf32>
          %min3A_575 = arith.minimumf %min3A_569, %min3A_571 : vector<16xf32>
          %max3A_576 = arith.maximumf %max3A_574, %min3A_573 : vector<16xf32>
          %min3A_577 = arith.minimumf %max3A_574, %min3A_573 : vector<16xf32>
          %max3A_578 = arith.maximumf %scan3A_464, %min3A_575 : vector<16xf32>
          %max3A_579 = arith.maximumf %scan3A_465, %min3A_577 : vector<16xf32>
          %max3A_580 = arith.maximumf %scan3A_466, %max3A_576 : vector<16xf32>
          %max3A_581 = arith.maximumf %scan3A_467, %max3A_572 : vector<16xf32>
          %max3A_582 = arith.maximumf %max3A_578, %max3A_580 : vector<16xf32>
          %min3A_583 = arith.minimumf %max3A_578, %max3A_580 : vector<16xf32>
          %max3A_584 = arith.maximumf %max3A_579, %max3A_581 : vector<16xf32>
          %min3A_585 = arith.minimumf %max3A_579, %max3A_581 : vector<16xf32>
          %max3A_586 = arith.maximumf %max3A_582, %max3A_584 : vector<16xf32>
          %min3A_587 = arith.minimumf %max3A_582, %max3A_584 : vector<16xf32>
          %max3A_588 = arith.maximumf %min3A_583, %min3A_585 : vector<16xf32>
          %min3A_589 = arith.minimumf %min3A_583, %min3A_585 : vector<16xf32>
          %mul3A_590 = arith.constant 16 : i32
          %mul3A_591 = arith.muli %scan3A_459, %mul3A_590 : i32
          %add3A_592 = arith.constant 8 : i32
          %add3A_593 = arith.addi %mul3A_591, %add3A_592 : i32
          %add3A_594 = arith.constant 0 : i32
          %add3A_595 = arith.addi %add3A_593, %add3A_594 : i32
          %mul3A_596 = arith.constant 16 : i32
          %mul3A_597 = arith.muli %add3A_212, %mul3A_596 : i32
          %get3A_598 = arith.index_cast %add3A_595 : i32 to index
          %get3A_599 = arith.index_cast %mul3A_597 : i32 to index
          %get3A_600 = tpu.vector_load %arg5[%get3A_598, %get3A_599] {strides = array<i32>} : memref<64x256xf32, #tpu.memory_space<vmem>>, vector<1x16xf32>,
          %get3A_601 = vector.shape_cast %get3A_600 : vector<1x16xf32> to vector<16xf32>
          %add3A_602 = arith.constant 1 : i32
          %add3A_603 = arith.addi %add3A_593, %add3A_602 : i32
          %mul3A_604 = arith.constant 16 : i32
          %mul3A_605 = arith.muli %add3A_212, %mul3A_604 : i32
          %get3A_606 = arith.index_cast %add3A_603 : i32 to index
          %get3A_607 = arith.index_cast %mul3A_605 : i32 to index
          %get3A_608 = tpu.vector_load %arg5[%get3A_606, %get3A_607] {strides = array<i32>} : memref<64x256xf32, #tpu.memory_space<vmem>>, vector<1x16xf32>,
          %get3A_609 = vector.shape_cast %get3A_608 : vector<1x16xf32> to vector<16xf32>
          %add3A_610 = arith.constant 2 : i32
          %add3A_611 = arith.addi %add3A_593, %add3A_610 : i32
          %mul3A_612 = arith.constant 16 : i32
          %mul3A_613 = arith.muli %add3A_212, %mul3A_612 : i32
          %get3A_614 = arith.index_cast %add3A_611 : i32 to index
          %get3A_615 = arith.index_cast %mul3A_613 : i32 to index
          %get3A_616 = tpu.vector_load %arg5[%get3A_614, %get3A_615] {strides = array<i32>} : memref<64x256xf32, #tpu.memory_space<vmem>>, vector<1x16xf32>,
          %get3A_617 = vector.shape_cast %get3A_616 : vector<1x16xf32> to vector<16xf32>
          %add3A_618 = arith.constant 3 : i32
          %add3A_619 = arith.addi %add3A_593, %add3A_618 : i32
          %mul3A_620 = arith.constant 16 : i32
          %mul3A_621 = arith.muli %add3A_212, %mul3A_620 : i32
          %get3A_622 = arith.index_cast %add3A_619 : i32 to index
          %get3A_623 = arith.index_cast %mul3A_621 : i32 to index
          %get3A_624 = tpu.vector_load %arg5[%get3A_622, %get3A_623] {strides = array<i32>} : memref<64x256xf32, #tpu.memory_space<vmem>>, vector<1x16xf32>,
          %get3A_625 = vector.shape_cast %get3A_624 : vector<1x16xf32> to vector<16xf32>
          %max3A_626 = arith.maximumf %get3A_601, %get3A_609 : vector<16xf32>
          %min3A_627 = arith.minimumf %get3A_601, %get3A_609 : vector<16xf32>
          %max3A_628 = arith.maximumf %get3A_617, %get3A_625 : vector<16xf32>
          %min3A_629 = arith.minimumf %get3A_617, %get3A_625 : vector<16xf32>
          %max3A_630 = arith.maximumf %max3A_626, %max3A_628 : vector<16xf32>
          %min3A_631 = arith.minimumf %max3A_626, %max3A_628 : vector<16xf32>
          %max3A_632 = arith.maximumf %min3A_627, %min3A_629 : vector<16xf32>
          %min3A_633 = arith.minimumf %min3A_627, %min3A_629 : vector<16xf32>
          %max3A_634 = arith.maximumf %max3A_632, %min3A_631 : vector<16xf32>
          %min3A_635 = arith.minimumf %max3A_632, %min3A_631 : vector<16xf32>
          %max3A_636 = arith.maximumf %scan3A_468, %min3A_633 : vector<16xf32>
          %max3A_637 = arith.maximumf %scan3A_469, %min3A_635 : vector<16xf32>
          %max3A_638 = arith.maximumf %scan3A_470, %max3A_634 : vector<16xf32>
          %max3A_639 = arith.maximumf %scan3A_471, %max3A_630 : vector<16xf32>
          %max3A_640 = arith.maximumf %max3A_636, %max3A_638 : vector<16xf32>
          %min3A_641 = arith.minimumf %max3A_636, %max3A_638 : vector<16xf32>
          %max3A_642 = arith.maximumf %max3A_637, %max3A_639 : vector<16xf32>
          %min3A_643 = arith.minimumf %max3A_637, %max3A_639 : vector<16xf32>
          %max3A_644 = arith.maximumf %max3A_640, %max3A_642 : vector<16xf32>
          %min3A_645 = arith.minimumf %max3A_640, %max3A_642 : vector<16xf32>
          %max3A_646 = arith.maximumf %min3A_641, %min3A_643 : vector<16xf32>
          %min3A_647 = arith.minimumf %min3A_641, %min3A_643 : vector<16xf32>
          %mul3A_648 = arith.constant 16 : i32
          %mul3A_649 = arith.muli %scan3A_459, %mul3A_648 : i32
          %add3A_650 = arith.constant 12 : i32
          %add3A_651 = arith.addi %mul3A_649, %add3A_650 : i32
          %add3A_652 = arith.constant 0 : i32
          %add3A_653 = arith.addi %add3A_651, %add3A_652 : i32
          %mul3A_654 = arith.constant 16 : i32
          %mul3A_655 = arith.muli %add3A_212, %mul3A_654 : i32
          %get3A_656 = arith.index_cast %add3A_653 : i32 to index
          %get3A_657 = arith.index_cast %mul3A_655 : i32 to index
          %get3A_658 = tpu.vector_load %arg5[%get3A_656, %get3A_657] {strides = array<i32>} : memref<64x256xf32, #tpu.memory_space<vmem>>, vector<1x16xf32>,
          %get3A_659 = vector.shape_cast %get3A_658 : vector<1x16xf32> to vector<16xf32>
          %add3A_660 = arith.constant 1 : i32
          %add3A_661 = arith.addi %add3A_651, %add3A_660 : i32
          %mul3A_662 = arith.constant 16 : i32
          %mul3A_663 = arith.muli %add3A_212, %mul3A_662 : i32
          %get3A_664 = arith.index_cast %add3A_661 : i32 to index
          %get3A_665 = arith.index_cast %mul3A_663 : i32 to index
          %get3A_666 = tpu.vector_load %arg5[%get3A_664, %get3A_665] {strides = array<i32>} : memref<64x256xf32, #tpu.memory_space<vmem>>, vector<1x16xf32>,
          %get3A_667 = vector.shape_cast %get3A_666 : vector<1x16xf32> to vector<16xf32>
          %add3A_668 = arith.constant 2 : i32
          %add3A_669 = arith.addi %add3A_651, %add3A_668 : i32
          %mul3A_670 = arith.constant 16 : i32
          %mul3A_671 = arith.muli %add3A_212, %mul3A_670 : i32
          %get3A_672 = arith.index_cast %add3A_669 : i32 to index
          %get3A_673 = arith.index_cast %mul3A_671 : i32 to index
          %get3A_674 = tpu.vector_load %arg5[%get3A_672, %get3A_673] {strides = array<i32>} : memref<64x256xf32, #tpu.memory_space<vmem>>, vector<1x16xf32>,
          %get3A_675 = vector.shape_cast %get3A_674 : vector<1x16xf32> to vector<16xf32>
          %add3A_676 = arith.constant 3 : i32
          %add3A_677 = arith.addi %add3A_651, %add3A_676 : i32
          %mul3A_678 = arith.constant 16 : i32
          %mul3A_679 = arith.muli %add3A_212, %mul3A_678 : i32
          %get3A_680 = arith.index_cast %add3A_677 : i32 to index
          %get3A_681 = arith.index_cast %mul3A_679 : i32 to index
          %get3A_682 = tpu.vector_load %arg5[%get3A_680, %get3A_681] {strides = array<i32>} : memref<64x256xf32, #tpu.memory_space<vmem>>, vector<1x16xf32>,
          %get3A_683 = vector.shape_cast %get3A_682 : vector<1x16xf32> to vector<16xf32>
          %max3A_684 = arith.maximumf %get3A_659, %get3A_667 : vector<16xf32>
          %min3A_685 = arith.minimumf %get3A_659, %get3A_667 : vector<16xf32>
          %max3A_686 = arith.maximumf %get3A_675, %get3A_683 : vector<16xf32>
          %min3A_687 = arith.minimumf %get3A_675, %get3A_683 : vector<16xf32>
          %max3A_688 = arith.maximumf %max3A_684, %max3A_686 : vector<16xf32>
          %min3A_689 = arith.minimumf %max3A_684, %max3A_686 : vector<16xf32>
          %max3A_690 = arith.maximumf %min3A_685, %min3A_687 : vector<16xf32>
          %min3A_691 = arith.minimumf %min3A_685, %min3A_687 : vector<16xf32>
          %max3A_692 = arith.maximumf %max3A_690, %min3A_689 : vector<16xf32>
          %min3A_693 = arith.minimumf %max3A_690, %min3A_689 : vector<16xf32>
          %max3A_694 = arith.maximumf %scan3A_472, %min3A_691 : vector<16xf32>
          %max3A_695 = arith.maximumf %scan3A_473, %min3A_693 : vector<16xf32>
          %max3A_696 = arith.maximumf %scan3A_474, %max3A_692 : vector<16xf32>
          %max3A_697 = arith.maximumf %scan3A_475, %max3A_688 : vector<16xf32>
          %max3A_698 = arith.maximumf %max3A_694, %max3A_696 : vector<16xf32>
          %min3A_699 = arith.minimumf %max3A_694, %max3A_696 : vector<16xf32>
          %max3A_700 = arith.maximumf %max3A_695, %max3A_697 : vector<16xf32>
          %min3A_701 = arith.minimumf %max3A_695, %max3A_697 : vector<16xf32>
          %max3A_702 = arith.maximumf %max3A_698, %max3A_700 : vector<16xf32>
          %min3A_703 = arith.minimumf %max3A_698, %max3A_700 : vector<16xf32>
          %max3A_704 = arith.maximumf %min3A_699, %min3A_701 : vector<16xf32>
          %min3A_705 = arith.minimumf %min3A_699, %min3A_701 : vector<16xf32>
          scf.yield %max3A_528, %min3A_529, %max3A_530, %min3A_531, %max3A_586, %min3A_587, %max3A_588, %min3A_589, %max3A_644, %min3A_645, %max3A_646, %min3A_647, %max3A_702, %min3A_703, %max3A_704, %min3A_705 : vector<16xf32>, vector<16xf32>, vector<16xf32>, vector<16xf32>, vector<16xf32>, vector<16xf32>, vector<16xf32>, vector<16xf32>, vector<16xf32>, vector<16xf32>, vector<16xf32>, vector<16xf32>, vector<16xf32>, vector<16xf32>, vector<16xf32>, vector<16xf32>
        }
        %scan3A_347 = arith.constant 4 : i32
        %add3A_348 = arith.constant 0 : i32
        %add3A_349 = arith.addi %mul3A_214, %add3A_348 : i32
        %swap3A = arith.index_cast %add3A_349 : i32 to index
        %swap3A_350 = arith.constant 0 : index
        %swap3A_351 = tpu.vector_load %arg8[%swap3A, %swap3A_350] {strides = array<i32>} : memref<256x16xf32, #tpu.memory_space<vmem>>, vector<1x16xf32>,
        %swap3A_352 = vector.shape_cast %swap3A_351 : vector<1x16xf32> to vector<16xf32>
        %swap3A_353 = vector.shape_cast %scan3A_346#0 : vector<16xf32> to vector<1x16xf32>
        tpu.vector_store %arg8[%swap3A, %swap3A_350], %swap3A_353 {strides = array<i32>} : memref<256x16xf32, #tpu.memory_space<vmem>>, vector<1x16xf32>,
        %add3A_354 = arith.constant 1 : i32
        %add3A_355 = arith.addi %mul3A_214, %add3A_354 : i32
        %swap3A_356 = arith.index_cast %add3A_355 : i32 to index
        %swap3A_357 = arith.constant 0 : index
        %swap3A_358 = tpu.vector_load %arg8[%swap3A_356, %swap3A_357] {strides = array<i32>} : memref<256x16xf32, #tpu.memory_space<vmem>>, vector<1x16xf32>,
        %swap3A_359 = vector.shape_cast %swap3A_358 : vector<1x16xf32> to vector<16xf32>
        %swap3A_360 = vector.shape_cast %scan3A_346#1 : vector<16xf32> to vector<1x16xf32>
        tpu.vector_store %arg8[%swap3A_356, %swap3A_357], %swap3A_360 {strides = array<i32>} : memref<256x16xf32, #tpu.memory_space<vmem>>, vector<1x16xf32>,
        %add3A_361 = arith.constant 2 : i32
        %add3A_362 = arith.addi %mul3A_214, %add3A_361 : i32
        %swap3A_363 = arith.index_cast %add3A_362 : i32 to index
        %swap3A_364 = arith.constant 0 : index
        %swap3A_365 = tpu.vector_load %arg8[%swap3A_363, %swap3A_364] {strides = array<i32>} : memref<256x16xf32, #tpu.memory_space<vmem>>, vector<1x16xf32>,
        %swap3A_366 = vector.shape_cast %swap3A_365 : vector<1x16xf32> to vector<16xf32>
        %swap3A_367 = vector.shape_cast %scan3A_346#2 : vector<16xf32> to vector<1x16xf32>
        tpu.vector_store %arg8[%swap3A_363, %swap3A_364], %swap3A_367 {strides = array<i32>} : memref<256x16xf32, #tpu.memory_space<vmem>>, vector<1x16xf32>,
        %add3A_368 = arith.constant 3 : i32
        %add3A_369 = arith.addi %mul3A_214, %add3A_368 : i32
        %swap3A_370 = arith.index_cast %add3A_369 : i32 to index
        %swap3A_371 = arith.constant 0 : index
        %swap3A_372 = tpu.vector_load %arg8[%swap3A_370, %swap3A_371] {strides = array<i32>} : memref<256x16xf32, #tpu.memory_space<vmem>>, vector<1x16xf32>,
        %swap3A_373 = vector.shape_cast %swap3A_372 : vector<1x16xf32> to vector<16xf32>
        %swap3A_374 = vector.shape_cast %scan3A_346#3 : vector<16xf32> to vector<1x16xf32>
        tpu.vector_store %arg8[%swap3A_370, %swap3A_371], %swap3A_374 {strides = array<i32>} : memref<256x16xf32, #tpu.memory_space<vmem>>, vector<1x16xf32>,
        %add3A_375 = arith.constant 4 : i32
        %add3A_376 = arith.addi %mul3A_214, %add3A_375 : i32
        %swap3A_377 = arith.index_cast %add3A_376 : i32 to index
        %swap3A_378 = arith.constant 0 : index
        %swap3A_379 = tpu.vector_load %arg8[%swap3A_377, %swap3A_378] {strides = array<i32>} : memref<256x16xf32, #tpu.memory_space<vmem>>, vector<1x16xf32>,
        %swap3A_380 = vector.shape_cast %swap3A_379 : vector<1x16xf32> to vector<16xf32>
        %swap3A_381 = vector.shape_cast %scan3A_346#4 : vector<16xf32> to vector<1x16xf32>
        tpu.vector_store %arg8[%swap3A_377, %swap3A_378], %swap3A_381 {strides = array<i32>} : memref<256x16xf32, #tpu.memory_space<vmem>>, vector<1x16xf32>,
        %add3A_382 = arith.constant 5 : i32
        %add3A_383 = arith.addi %mul3A_214, %add3A_382 : i32
        %swap3A_384 = arith.index_cast %add3A_383 : i32 to index
        %swap3A_385 = arith.constant 0 : index
        %swap3A_386 = tpu.vector_load %arg8[%swap3A_384, %swap3A_385] {strides = array<i32>} : memref<256x16xf32, #tpu.memory_space<vmem>>, vector<1x16xf32>,
        %swap3A_387 = vector.shape_cast %swap3A_386 : vector<1x16xf32> to vector<16xf32>
        %swap3A_388 = vector.shape_cast %scan3A_346#5 : vector<16xf32> to vector<1x16xf32>
        tpu.vector_store %arg8[%swap3A_384, %swap3A_385], %swap3A_388 {strides = array<i32>} : memref<256x16xf32, #tpu.memory_space<vmem>>, vector<1x16xf32>,
        %add3A_389 = arith.constant 6 : i32
        %add3A_390 = arith.addi %mul3A_214, %add3A_389 : i32
        %swap3A_391 = arith.index_cast %add3A_390 : i32 to index
        %swap3A_392 = arith.constant 0 : index
        %swap3A_393 = tpu.vector_load %arg8[%swap3A_391, %swap3A_392] {strides = array<i32>} : memref<256x16xf32, #tpu.memory_space<vmem>>, vector<1x16xf32>,
        %swap3A_394 = vector.shape_cast %swap3A_393 : vector<1x16xf32> to vector<16xf32>
        %swap3A_395 = vector.shape_cast %scan3A_346#6 : vector<16xf32> to vector<1x16xf32>
        tpu.vector_store %arg8[%swap3A_391, %swap3A_392], %swap3A_395 {strides = array<i32>} : memref<256x16xf32, #tpu.memory_space<vmem>>, vector<1x16xf32>,
        %add3A_396 = arith.constant 7 : i32
        %add3A_397 = arith.addi %mul3A_214, %add3A_396 : i32
        %swap3A_398 = arith.index_cast %add3A_397 : i32 to index
        %swap3A_399 = arith.constant 0 : index
        %swap3A_400 = tpu.vector_load %arg8[%swap3A_398, %swap3A_399] {strides = array<i32>} : memref<256x16xf32, #tpu.memory_space<vmem>>, vector<1x16xf32>,
        %swap3A_401 = vector.shape_cast %swap3A_400 : vector<1x16xf32> to vector<16xf32>
        %swap3A_402 = vector.shape_cast %scan3A_346#7 : vector<16xf32> to vector<1x16xf32>
        tpu.vector_store %arg8[%swap3A_398, %swap3A_399], %swap3A_402 {strides = array<i32>} : memref<256x16xf32, #tpu.memory_space<vmem>>, vector<1x16xf32>,
        %add3A_403 = arith.constant 8 : i32
        %add3A_404 = arith.addi %mul3A_214, %add3A_403 : i32
        %swap3A_405 = arith.index_cast %add3A_404 : i32 to index
        %swap3A_406 = arith.constant 0 : index
        %swap3A_407 = tpu.vector_load %arg8[%swap3A_405, %swap3A_406] {strides = array<i32>} : memref<256x16xf32, #tpu.memory_space<vmem>>, vector<1x16xf32>,
        %swap3A_408 = vector.shape_cast %swap3A_407 : vector<1x16xf32> to vector<16xf32>
        %swap3A_409 = vector.shape_cast %scan3A_346#8 : vector<16xf32> to vector<1x16xf32>
        tpu.vector_store %arg8[%swap3A_405, %swap3A_406], %swap3A_409 {strides = array<i32>} : memref<256x16xf32, #tpu.memory_space<vmem>>, vector<1x16xf32>,
        %add3A_410 = arith.constant 9 : i32
        %add3A_411 = arith.addi %mul3A_214, %add3A_410 : i32
        %swap3A_412 = arith.index_cast %add3A_411 : i32 to index
        %swap3A_413 = arith.constant 0 : index
        %swap3A_414 = tpu.vector_load %arg8[%swap3A_412, %swap3A_413] {strides = array<i32>} : memref<256x16xf32, #tpu.memory_space<vmem>>, vector<1x16xf32>,
        %swap3A_415 = vector.shape_cast %swap3A_414 : vector<1x16xf32> to vector<16xf32>
        %swap3A_416 = vector.shape_cast %scan3A_346#9 : vector<16xf32> to vector<1x16xf32>
        tpu.vector_store %arg8[%swap3A_412, %swap3A_413], %swap3A_416 {strides = array<i32>} : memref<256x16xf32, #tpu.memory_space<vmem>>, vector<1x16xf32>,
        %add3A_417 = arith.constant 10 : i32
        %add3A_418 = arith.addi %mul3A_214, %add3A_417 : i32
        %swap3A_419 = arith.index_cast %add3A_418 : i32 to index
        %swap3A_420 = arith.constant 0 : index
        %swap3A_421 = tpu.vector_load %arg8[%swap3A_419, %swap3A_420] {strides = array<i32>} : memref<256x16xf32, #tpu.memory_space<vmem>>, vector<1x16xf32>,
        %swap3A_422 = vector.shape_cast %swap3A_421 : vector<1x16xf32> to vector<16xf32>
        %swap3A_423 = vector.shape_cast %scan3A_346#10 : vector<16xf32> to vector<1x16xf32>
        tpu.vector_store %arg8[%swap3A_419, %swap3A_420], %swap3A_423 {strides = array<i32>} : memref<256x16xf32, #tpu.memory_space<vmem>>, vector<1x16xf32>,
        %add3A_424 = arith.constant 11 : i32
        %add3A_425 = arith.addi %mul3A_214, %add3A_424 : i32
        %swap3A_426 = arith.index_cast %add3A_425 : i32 to index
        %swap3A_427 = arith.constant 0 : index
        %swap3A_428 = tpu.vector_load %arg8[%swap3A_426, %swap3A_427] {strides = array<i32>} : memref<256x16xf32, #tpu.memory_space<vmem>>, vector<1x16xf32>,
        %swap3A_429 = vector.shape_cast %swap3A_428 : vector<1x16xf32> to vector<16xf32>
        %swap3A_430 = vector.shape_cast %scan3A_346#11 : vector<16xf32> to vector<1x16xf32>
        tpu.vector_store %arg8[%swap3A_426, %swap3A_427], %swap3A_430 {strides = array<i32>} : memref<256x16xf32, #tpu.memory_space<vmem>>, vector<1x16xf32>,
        %add3A_431 = arith.constant 12 : i32
        %add3A_432 = arith.addi %mul3A_214, %add3A_431 : i32
        %swap3A_433 = arith.index_cast %add3A_432 : i32 to index
        %swap3A_434 = arith.constant 0 : index
        %swap3A_435 = tpu.vector_load %arg8[%swap3A_433, %swap3A_434] {strides = array<i32>} : memref<256x16xf32, #tpu.memory_space<vmem>>, vector<1x16xf32>,
        %swap3A_436 = vector.shape_cast %swap3A_435 : vector<1x16xf32> to vector<16xf32>
        %swap3A_437 = vector.shape_cast %scan3A_346#12 : vector<16xf32> to vector<1x16xf32>
        tpu.vector_store %arg8[%swap3A_433, %swap3A_434], %swap3A_437 {strides = array<i32>} : memref<256x16xf32, #tpu.memory_space<vmem>>, vector<1x16xf32>,
        %add3A_438 = arith.constant 13 : i32
        %add3A_439 = arith.addi %mul3A_214, %add3A_438 : i32
        %swap3A_440 = arith.index_cast %add3A_439 : i32 to index
        %swap3A_441 = arith.constant 0 : index
        %swap3A_442 = tpu.vector_load %arg8[%swap3A_440, %swap3A_441] {strides = array<i32>} : memref<256x16xf32, #tpu.memory_space<vmem>>, vector<1x16xf32>,
        %swap3A_443 = vector.shape_cast %swap3A_442 : vector<1x16xf32> to vector<16xf32>
        %swap3A_444 = vector.shape_cast %scan3A_346#13 : vector<16xf32> to vector<1x16xf32>
        tpu.vector_store %arg8[%swap3A_440, %swap3A_441], %swap3A_444 {strides = array<i32>} : memref<256x16xf32, #tpu.memory_space<vmem>>, vector<1x16xf32>,
        %add3A_445 = arith.constant 14 : i32
        %add3A_446 = arith.addi %mul3A_214, %add3A_445 : i32
        %swap3A_447 = arith.index_cast %add3A_446 : i32 to index
        %swap3A_448 = arith.constant 0 : index
        %swap3A_449 = tpu.vector_load %arg8[%swap3A_447, %swap3A_448] {strides = array<i32>} : memref<256x16xf32, #tpu.memory_space<vmem>>, vector<1x16xf32>,
        %swap3A_450 = vector.shape_cast %swap3A_449 : vector<1x16xf32> to vector<16xf32>
        %swap3A_451 = vector.shape_cast %scan3A_346#14 : vector<16xf32> to vector<1x16xf32>
        tpu.vector_store %arg8[%swap3A_447, %swap3A_448], %swap3A_451 {strides = array<i32>} : memref<256x16xf32, #tpu.memory_space<vmem>>, vector<1x16xf32>,
        %add3A_452 = arith.constant 15 : i32
        %add3A_453 = arith.addi %mul3A_214, %add3A_452 : i32
        %swap3A_454 = arith.index_cast %add3A_453 : i32 to index
        %swap3A_455 = arith.constant 0 : index
        %swap3A_456 = tpu.vector_load %arg8[%swap3A_454, %swap3A_455] {strides = array<i32>} : memref<256x16xf32, #tpu.memory_space<vmem>>, vector<1x16xf32>,
        %swap3A_457 = vector.shape_cast %swap3A_456 : vector<1x16xf32> to vector<16xf32>
        %swap3A_458 = vector.shape_cast %scan3A_346#15 : vector<16xf32> to vector<1x16xf32>
        tpu.vector_store %arg8[%swap3A_454, %swap3A_455], %swap3A_458 {strides = array<i32>} : memref<256x16xf32, #tpu.memory_space<vmem>>, vector<1x16xf32>,
      }
      %scan3A_207 = arith.constant 16 : i32
    }
    %scan3A_52 = arith.constant 16 : i32
    %dma_wait3A = arith.constant 1920 : i32
    %dma_wait3A_53 = arith.constant 0 : i32
    %dma_wait3A_54 = tpu.memref_slice %arg3[%mul3A_3, %dma_wait3A, %dma_wait3A_53] : memref<64x2048x256xf32, #tpu.memory_space<hbm>> -> memref<1x64x256xf32, #tpu.memory_space<hbm>>
    %dma_wait3A_55 = tpu.memref_squeeze %dma_wait3A_54 : memref<1x64x256xf32, #tpu.memory_space<hbm>> -> memref<64x256xf32, #tpu.memory_space<hbm>>
    %dma_wait3A_56 = arith.constant 1920 : i32
    %dma_wait3A_57 = arith.constant 0 : i32
    %dma_wait3A_58 = tpu.memref_slice %arg3[%mul3A_3, %dma_wait3A_56, %dma_wait3A_57] : memref<64x2048x256xf32, #tpu.memory_space<hbm>> -> memref<1x64x256xf32, #tpu.memory_space<hbm>>
    %dma_wait3A_59 = tpu.memref_squeeze %dma_wait3A_58 : memref<1x64x256xf32, #tpu.memory_space<hbm>> -> memref<64x256xf32, #tpu.memory_space<hbm>>
    tpu.wait_dma2 semaphore(%arg14 : memref<!tpu.dma_semaphore, #tpu.memory_space<semaphore_mem>>) src(%arg6 : memref<64x256xf32, #tpu.memory_space<vmem>>) dst(%dma_wait3A_59 : memref<64x256xf32, #tpu.memory_space<hbm>>)
    %dma_wait3A_60 = arith.constant 1984 : i32
    %dma_wait3A_61 = arith.constant 0 : i32
    %dma_wait3A_62 = tpu.memref_slice %arg3[%mul3A_3, %dma_wait3A_60, %dma_wait3A_61] : memref<64x2048x256xf32, #tpu.memory_space<hbm>> -> memref<1x64x256xf32, #tpu.memory_space<hbm>>
    %dma_wait3A_63 = tpu.memref_squeeze %dma_wait3A_62 : memref<1x64x256xf32, #tpu.memory_space<hbm>> -> memref<64x256xf32, #tpu.memory_space<hbm>>
    %dma_wait3A_64 = arith.constant 1984 : i32
    %dma_wait3A_65 = arith.constant 0 : i32
    %dma_wait3A_66 = tpu.memref_slice %arg3[%mul3A_3, %dma_wait3A_64, %dma_wait3A_65] : memref<64x2048x256xf32, #tpu.memory_space<hbm>> -> memref<1x64x256xf32, #tpu.memory_space<hbm>>
    %dma_wait3A_67 = tpu.memref_squeeze %dma_wait3A_66 : memref<1x64x256xf32, #tpu.memory_space<hbm>> -> memref<64x256xf32, #tpu.memory_space<hbm>>
    tpu.wait_dma2 semaphore(%arg15 : memref<!tpu.dma_semaphore, #tpu.memory_space<semaphore_mem>>) src(%arg7 : memref<64x256xf32, #tpu.memory_space<vmem>>) dst(%dma_wait3A_67 : memref<64x256xf32, #tpu.memory_space<hbm>>)
    %dma_start3A_68 = arith.constant 0 : i32
    %dma_start3A_69 = arith.constant 0 : i32
    %dma_start3A_70 = tpu.memref_slice %arg2[%add3A_5, %dma_start3A_68, %dma_start3A_69] : memref<64x2048x256xf32, #tpu.memory_space<hbm>> -> memref<1x64x256xf32, #tpu.memory_space<hbm>>
    %dma_start3A_71 = tpu.memref_squeeze %dma_start3A_70 : memref<1x64x256xf32, #tpu.memory_space<hbm>> -> memref<64x256xf32, #tpu.memory_space<hbm>>
    %dma_start3A_72 = arith.constant 0 : i32
    %dma_start3A_73 = arith.constant 0 : i32
    %dma_start3A_74 = tpu.memref_slice %arg2[%add3A_5, %dma_start3A_72, %dma_start3A_73] : memref<64x2048x256xf32, #tpu.memory_space<hbm>> -> memref<1x64x256xf32, #tpu.memory_space<hbm>>
    %dma_start3A_75 = tpu.memref_squeeze %dma_start3A_74 : memref<1x64x256xf32, #tpu.memory_space<hbm>> -> memref<64x256xf32, #tpu.memory_space<hbm>>
    tpu.enqueue_dma source(%dma_start3A_75 : memref<64x256xf32, #tpu.memory_space<hbm>>) target(%arg6 : memref<64x256xf32, #tpu.memory_space<vmem>>) target_semaphore(%arg12 : memref<!tpu.dma_semaphore, #tpu.memory_space<semaphore_mem>>)
    %scan3A_76 = arith.constant 0 : i32
    %scan3A_77 = arith.constant 16 : i32
    %scan3A_78 = arith.addi %scan3A_76, %scan3A_77 : i32
    %scan3A_79 = arith.constant 1 : i32
    scf.for %scan3A_102 = %scan3A_76 to %scan3A_78 step %scan3A_79  : i32 {
      %mul3A_103 = arith.constant 1 : i32
      %mul3A_104 = arith.muli %scan3A_102, %mul3A_103 : i32
      %add3A_105 = arith.constant 0 : i32
      %add3A_106 = arith.addi %add3A_105, %mul3A_104 : i32
      %mul3A_107 = arith.constant 16 : i32
      %mul3A_108 = arith.muli %add3A_106, %mul3A_107 : i32
      %add3A_109 = arith.constant 0 : i32
      %add3A_110 = arith.addi %mul3A_108, %add3A_109 : i32
      %add3A_111 = arith.constant 0 : i32
      %add3A_112 = arith.addi %add3A_110, %add3A_111 : i32
      %get3A = arith.index_cast %add3A_112 : i32 to index
      %get3A_113 = arith.constant 0 : index
      %get3A_114 = tpu.vector_load %arg8[%get3A, %get3A_113] {strides = array<i32>} : memref<256x16xf32, #tpu.memory_space<vmem>>, vector<1x16xf32>,
      %get3A_115 = vector.shape_cast %get3A_114 : vector<1x16xf32> to vector<16xf32>
      %add3A_116 = arith.constant 0 : i32
      %add3A_117 = arith.addi %mul3A_108, %add3A_116 : i32
      %add3A_118 = arith.constant 1 : i32
      %add3A_119 = arith.addi %add3A_117, %add3A_118 : i32
      %get3A_120 = arith.index_cast %add3A_119 : i32 to index
      %get3A_121 = arith.constant 0 : index
      %get3A_122 = tpu.vector_load %arg8[%get3A_120, %get3A_121] {strides = array<i32>} : memref<256x16xf32, #tpu.memory_space<vmem>>, vector<1x16xf32>,
      %get3A_123 = vector.shape_cast %get3A_122 : vector<1x16xf32> to vector<16xf32>
      %add3A_124 = arith.constant 0 : i32
      %add3A_125 = arith.addi %mul3A_108, %add3A_124 : i32
      %add3A_126 = arith.constant 2 : i32
      %add3A_127 = arith.addi %add3A_125, %add3A_126 : i32
      %get3A_128 = arith.index_cast %add3A_127 : i32 to index
      %get3A_129 = arith.constant 0 : index
      %get3A_130 = tpu.vector_load %arg8[%get3A_128, %get3A_129] {strides = array<i32>} : memref<256x16xf32, #tpu.memory_space<vmem>>, vector<1x16xf32>,
      %get3A_131 = vector.shape_cast %get3A_130 : vector<1x16xf32> to vector<16xf32>
      %add3A_132 = arith.constant 0 : i32
      %add3A_133 = arith.addi %mul3A_108, %add3A_132 : i32
      %add3A_134 = arith.constant 3 : i32
      %add3A_135 = arith.addi %add3A_133, %add3A_134 : i32
      %get3A_136 = arith.index_cast %add3A_135 : i32 to index
      %get3A_137 = arith.constant 0 : index
      %get3A_138 = tpu.vector_load %arg8[%get3A_136, %get3A_137] {strides = array<i32>} : memref<256x16xf32, #tpu.memory_space<vmem>>, vector<1x16xf32>,
      %get3A_139 = vector.shape_cast %get3A_138 : vector<1x16xf32> to vector<16xf32>
      %add3A_140 = arith.constant 4 : i32
      %add3A_141 = arith.addi %mul3A_108, %add3A_140 : i32
      %add3A_142 = arith.constant 0 : i32
      %add3A_143 = arith.addi %add3A_141, %add3A_142 : i32
      %get3A_144 = arith.index_cast %add3A_143 : i32 to index
      %get3A_145 = arith.constant 0 : index
      %get3A_146 = tpu.vector_load %arg8[%get3A_144, %get3A_145] {strides = array<i32>} : memref<256x16xf32, #tpu.memory_space<vmem>>, vector<1x16xf32>,
      %get3A_147 = vector.shape_cast %get3A_146 : vector<1x16xf32> to vector<16xf32>
      %add3A_148 = arith.constant 4 : i32
      %add3A_149 = arith.addi %mul3A_108, %add3A_148 : i32
      %add3A_150 = arith.constant 1 : i32
      %add3A_151 = arith.addi %add3A_149, %add3A_150 : i32
      %get3A_152 = arith.index_cast %add3A_151 : i32 to index
      %get3A_153 = arith.constant 0 : index
      %get3A_154 = tpu.vector_load %arg8[%get3A_152, %get3A_153] {strides = array<i32>} : memref<256x16xf32, #tpu.memory_space<vmem>>, vector<1x16xf32>,
      %get3A_155 = vector.shape_cast %get3A_154 : vector<1x16xf32> to vector<16xf32>
      %add3A_156 = arith.constant 4 : i32
      %add3A_157 = arith.addi %mul3A_108, %add3A_156 : i32
      %add3A_158 = arith.constant 2 : i32
      %add3A_159 = arith.addi %add3A_157, %add3A_158 : i32
      %get3A_160 = arith.index_cast %add3A_159 : i32 to index
      %get3A_161 = arith.constant 0 : index
      %get3A_162 = tpu.vector_load %arg8[%get3A_160, %get3A_161] {strides = array<i32>} : memref<256x16xf32, #tpu.memory_space<vmem>>, vector<1x16xf32>,
      %get3A_163 = vector.shape_cast %get3A_162 : vector<1x16xf32> to vector<16xf32>
      %add3A_164 = arith.constant 4 : i32
      %add3A_165 = arith.addi %mul3A_108, %add3A_164 : i32
      %add3A_166 = arith.constant 3 : i32
      %add3A_167 = arith.addi %add3A_165, %add3A_166 : i32
      %get3A_168 = arith.index_cast %add3A_167 : i32 to index
      %get3A_169 = arith.constant 0 : index
      %get3A_170 = tpu.vector_load %arg8[%get3A_168, %get3A_169] {strides = array<i32>} : memref<256x16xf32, #tpu.memory_space<vmem>>, vector<1x16xf32>,
      %get3A_171 = vector.shape_cast %get3A_170 : vector<1x16xf32> to vector<16xf32>
      %add3A_172 = arith.constant 8 : i32
      %add3A_173 = arith.addi %mul3A_108, %add3A_172 : i32
      %add3A_174 = arith.constant 0 : i32
      %add3A_175 = arith.addi %add3A_173, %add3A_174 : i32
      %get3A_176 = arith.index_cast %add3A_175 : i32 to index
      %get3A_177 = arith.constant 0 : index
      %get3A_178 = tpu.vector_load %arg8[%get3A_176, %get3A_177] {strides = array<i32>} : memref<256x16xf32, #tpu.memory_space<vmem>>, vector<1x16xf32>,
      %get3A_179 = vector.shape_cast %get3A_178 : vector<1x16xf32> to vector<16xf32>
      %add3A_180 = arith.constant 8 : i32
      %add3A_181 = arith.addi %mul3A_108, %add3A_180 : i32
      %add3A_182 = arith.constant 1 : i32
      %add3A_183 = arith.addi %add3A_181, %add3A_182 : i32
      %get3A_184 = arith.index_cast %add3A_183 : i32 to index
      %get3A_185 = arith.constant 0 : index
      %get3A_186 = tpu.vector_load %arg8[%get3A_184, %get3A_185] {strides = array<i32>} : memref<256x16xf32, #tpu.memory_space<vmem>>, vector<1x16xf32>,
      %get3A_187 = vector.shape_cast %get3A_186 : vector<1x16xf32> to vector<16xf32>
      %add3A_188 = arith.constant 8 : i32
      %add3A_189 = arith.addi %mul3A_108, %add3A_188 : i32
      %add3A_190 = arith.constant 2 : i32
      %add3A_191 = arith.addi %add3A_189, %add3A_190 : i32
      %get3A_192 = arith.index_cast %add3A_191 : i32 to index
      %get3A_193 = arith.constant 0 : index
      %get3A_194 = tpu.vector_load %arg8[%get3A_192, %get3A_193] {strides = array<i32>} : memref<256x16xf32, #tpu.memory_space<vmem>>, vector<1x16xf32>,
      %get3A_195 = vector.shape_cast %get3A_194 : vector<1x16xf32> to vector<16xf32>
      %add3A_196 = arith.constant 8 : i32
      %add3A_197 = arith.addi %mul3A_108, %add3A_196 : i32
      %add3A_198 = arith.constant 3 : i32
      %add3A_199 = arith.addi %add3A_197, %add3A_198 : i32
      %get3A_200 = arith.index_cast %add3A_199 : i32 to index
      %get3A_201 = arith.constant 0 : index
      %get3A_202 = tpu.vector_load %arg8[%get3A_200, %get3A_201] {strides = array<i32>} : memref<256x16xf32, #tpu.memory_space<vmem>>, vector<1x16xf32>,
      %get3A_203 = vector.shape_cast %get3A_202 : vector<1x16xf32> to vector<16xf32>
      %add3A_204 = arith.constant 12 : i32
      %add3A_205 = arith.addi %mul3A_108, %add3A_204 : i32
      %add3A_206 = arith.constant 0 : i32
      %add3A_207 = arith.addi %add3A_205, %add3A_206 : i32
      %get3A_208 = arith.index_cast %add3A_207 : i32 to index
      %get3A_209 = arith.constant 0 : index
      %get3A_210 = tpu.vector_load %arg8[%get3A_208, %get3A_209] {strides = array<i32>} : memref<256x16xf32, #tpu.memory_space<vmem>>, vector<1x16xf32>,
      %get3A_211 = vector.shape_cast %get3A_210 : vector<1x16xf32> to vector<16xf32>
      %add3A_212 = arith.constant 12 : i32
      %add3A_213 = arith.addi %mul3A_108, %add3A_212 : i32
      %add3A_214 = arith.constant 1 : i32
      %add3A_215 = arith.addi %add3A_213, %add3A_214 : i32
      %get3A_216 = arith.index_cast %add3A_215 : i32 to index
      %get3A_217 = arith.constant 0 : index
      %get3A_218 = tpu.vector_load %arg8[%get3A_216, %get3A_217] {strides = array<i32>} : memref<256x16xf32, #tpu.memory_space<vmem>>, vector<1x16xf32>,
      %get3A_219 = vector.shape_cast %get3A_218 : vector<1x16xf32> to vector<16xf32>
      %add3A_220 = arith.constant 12 : i32
      %add3A_221 = arith.addi %mul3A_108, %add3A_220 : i32
      %add3A_222 = arith.constant 2 : i32
      %add3A_223 = arith.addi %add3A_221, %add3A_222 : i32
      %get3A_224 = arith.index_cast %add3A_223 : i32 to index
      %get3A_225 = arith.constant 0 : index
      %get3A_226 = tpu.vector_load %arg8[%get3A_224, %get3A_225] {strides = array<i32>} : memref<256x16xf32, #tpu.memory_space<vmem>>, vector<1x16xf32>,
      %get3A_227 = vector.shape_cast %get3A_226 : vector<1x16xf32> to vector<16xf32>
      %add3A_228 = arith.constant 12 : i32
      %add3A_229 = arith.addi %mul3A_108, %add3A_228 : i32
      %add3A_230 = arith.constant 3 : i32
      %add3A_231 = arith.addi %add3A_229, %add3A_230 : i32
      %get3A_232 = arith.index_cast %add3A_231 : i32 to index
      %get3A_233 = arith.constant 0 : index
      %get3A_234 = tpu.vector_load %arg8[%get3A_232, %get3A_233] {strides = array<i32>} : memref<256x16xf32, #tpu.memory_space<vmem>>, vector<1x16xf32>,
      %get3A_235 = vector.shape_cast %get3A_234 : vector<1x16xf32> to vector<16xf32>
      %max3A = arith.maximumf %get3A_115, %get3A_171 : vector<16xf32>
      %max3A_236 = arith.maximumf %get3A_123, %get3A_163 : vector<16xf32>
      %max3A_237 = arith.maximumf %get3A_131, %get3A_155 : vector<16xf32>
      %max3A_238 = arith.maximumf %get3A_139, %get3A_147 : vector<16xf32>
      %max3A_239 = arith.maximumf %max3A, %max3A_237 : vector<16xf32>
      %min3A = arith.minimumf %max3A, %max3A_237 : vector<16xf32>
      %max3A_240 = arith.maximumf %max3A_236, %max3A_238 : vector<16xf32>
      %min3A_241 = arith.minimumf %max3A_236, %max3A_238 : vector<16xf32>
      %max3A_242 = arith.maximumf %max3A_239, %max3A_240 : vector<16xf32>
      %min3A_243 = arith.minimumf %max3A_239, %max3A_240 : vector<16xf32>
      %max3A_244 = arith.maximumf %min3A, %min3A_241 : vector<16xf32>
      %min3A_245 = arith.minimumf %min3A, %min3A_241 : vector<16xf32>
      %max3A_246 = arith.maximumf %get3A_179, %get3A_235 : vector<16xf32>
      %max3A_247 = arith.maximumf %get3A_187, %get3A_227 : vector<16xf32>
      %max3A_248 = arith.maximumf %get3A_195, %get3A_219 : vector<16xf32>
      %max3A_249 = arith.maximumf %get3A_203, %get3A_211 : vector<16xf32>
      %max3A_250 = arith.maximumf %max3A_246, %max3A_248 : vector<16xf32>
      %min3A_251 = arith.minimumf %max3A_246, %max3A_248 : vector<16xf32>
      %max3A_252 = arith.maximumf %max3A_247, %max3A_249 : vector<16xf32>
      %min3A_253 = arith.minimumf %max3A_247, %max3A_249 : vector<16xf32>
      %max3A_254 = arith.maximumf %max3A_250, %max3A_252 : vector<16xf32>
      %min3A_255 = arith.minimumf %max3A_250, %max3A_252 : vector<16xf32>
      %max3A_256 = arith.maximumf %min3A_251, %min3A_253 : vector<16xf32>
      %min3A_257 = arith.minimumf %min3A_251, %min3A_253 : vector<16xf32>
      %max3A_258 = arith.maximumf %max3A_242, %min3A_257 : vector<16xf32>
      %max3A_259 = arith.maximumf %min3A_243, %max3A_256 : vector<16xf32>
      %max3A_260 = arith.maximumf %max3A_244, %min3A_255 : vector<16xf32>
      %max3A_261 = arith.maximumf %min3A_245, %max3A_254 : vector<16xf32>
      %max3A_262 = arith.maximumf %max3A_258, %max3A_260 : vector<16xf32>
      %min3A_263 = arith.minimumf %max3A_258, %max3A_260 : vector<16xf32>
      %max3A_264 = arith.maximumf %max3A_259, %max3A_261 : vector<16xf32>
      %min3A_265 = arith.minimumf %max3A_259, %max3A_261 : vector<16xf32>
      %max3A_266 = arith.maximumf %max3A_262, %max3A_264 : vector<16xf32>
      %min3A_267 = arith.minimumf %max3A_262, %max3A_264 : vector<16xf32>
      %max3A_268 = arith.maximumf %min3A_263, %min3A_265 : vector<16xf32>
      %min3A_269 = arith.minimumf %min3A_263, %min3A_265 : vector<16xf32>
      %swap3A = arith.index_cast %add3A_106 : i32 to index
      %swap3A_270 = arith.constant 0 : index
      %swap3A_271 = tpu.vector_load %arg9[%swap3A, %swap3A_270] {strides = array<i32>} : memref<16x16xf32, #tpu.memory_space<vmem>>, vector<1x16xf32>,
      %swap3A_272 = vector.shape_cast %swap3A_271 : vector<1x16xf32> to vector<16xf32>
      %swap3A_273 = vector.shape_cast %min3A_269 : vector<16xf32> to vector<1x16xf32>
      tpu.vector_store %arg9[%swap3A, %swap3A_270], %swap3A_273 {strides = array<i32>} : memref<16x16xf32, #tpu.memory_space<vmem>>, vector<1x16xf32>,
    }
    %scan3A_80 = arith.constant 16 : i32
    %scan3A_81 = arith.constant 0 : i32
    %scan3A_82 = arith.constant 16 : i32
    %scan3A_83 = arith.addi %scan3A_81, %scan3A_82 : i32
    %scan3A_84 = arith.constant 1 : i32
    scf.for %scan3A_102 = %scan3A_81 to %scan3A_83 step %scan3A_84  : i32 {
      %mul3A_103 = arith.constant 2 : i32
      %mul3A_104 = arith.muli %scan3A_102, %mul3A_103 : i32
      %add3A_105 = arith.constant 0 : i32
      %add3A_106 = arith.addi %add3A_105, %mul3A_104 : i32
      %add3A_107 = arith.constant 0 : i32
      %add3A_108 = arith.addi %add3A_106, %add3A_107 : i32
      %mul3A_109 = arith.constant 64 : i32
      %mul3A_110 = arith.muli %add3A_108, %mul3A_109 : i32
      %dma_wait3A_111 = arith.constant 0 : i32
      %dma_wait3A_112 = tpu.memref_slice %arg2[%add3A_5, %mul3A_110, %dma_wait3A_111] : memref<64x2048x256xf32, #tpu.memory_space<hbm>> -> memref<1x64x256xf32, #tpu.memory_space<hbm>>
      %dma_wait3A_113 = tpu.memref_squeeze %dma_wait3A_112 : memref<1x64x256xf32, #tpu.memory_space<hbm>> -> memref<64x256xf32, #tpu.memory_space<hbm>>
      %dma_wait3A_114 = arith.constant 0 : i32
      %dma_wait3A_115 = tpu.memref_slice %arg2[%add3A_5, %mul3A_110, %dma_wait3A_114] : memref<64x2048x256xf32, #tpu.memory_space<hbm>> -> memref<1x64x256xf32, #tpu.memory_space<hbm>>
      %dma_wait3A_116 = tpu.memref_squeeze %dma_wait3A_115 : memref<1x64x256xf32, #tpu.memory_space<hbm>> -> memref<64x256xf32, #tpu.memory_space<hbm>>
      tpu.wait_dma2 semaphore(%arg12 : memref<!tpu.dma_semaphore, #tpu.memory_space<semaphore_mem>>) src(%dma_wait3A_116 : memref<64x256xf32, #tpu.memory_space<hbm>>) dst(%arg6 : memref<64x256xf32, #tpu.memory_space<vmem>>)
      %add3A_117 = arith.constant 1 : i32
      %add3A_118 = arith.addi %add3A_108, %add3A_117 : i32
      %lt3A = arith.constant 32 : i32
      %lt3A_119 = arith.cmpi slt, %add3A_118, %lt3A : i32
      %convert_element_type3A = arith.extui %lt3A_119 : i1 to i32
      %cond3A = arith.constant 0 : i32
      %cond3A_120 = arith.cmpi ne, %convert_element_type3A, %cond3A : i32
      scf.if %cond3A_120 {
        %ge3A = arith.constant 1 : i32
        %ge3A_168 = arith.cmpi sge, %add3A_108, %ge3A : i32
        %convert_element_type3A_169 = arith.extui %ge3A_168 : i1 to i32
        %cond3A_170 = arith.constant 0 : i32
        %cond3A_171 = arith.cmpi ne, %convert_element_type3A_169, %cond3A_170 : i32
        scf.if %cond3A_171 {
          %sub3A = arith.constant 1 : i32
          %sub3A_182 = arith.subi %add3A_108, %sub3A : i32
          %mul3A_183 = arith.constant 64 : i32
          %mul3A_184 = arith.muli %sub3A_182, %mul3A_183 : i32
          %dma_wait3A_185 = arith.constant 0 : i32
          %dma_wait3A_186 = tpu.memref_slice %arg3[%add3A_5, %mul3A_184, %dma_wait3A_185] : memref<64x2048x256xf32, #tpu.memory_space<hbm>> -> memref<1x64x256xf32, #tpu.memory_space<hbm>>
          %dma_wait3A_187 = tpu.memref_squeeze %dma_wait3A_186 : memref<1x64x256xf32, #tpu.memory_space<hbm>> -> memref<64x256xf32, #tpu.memory_space<hbm>>
          %dma_wait3A_188 = arith.constant 0 : i32
          %dma_wait3A_189 = tpu.memref_slice %arg3[%add3A_5, %mul3A_184, %dma_wait3A_188] : memref<64x2048x256xf32, #tpu.memory_space<hbm>> -> memref<1x64x256xf32, #tpu.memory_space<hbm>>
          %dma_wait3A_190 = tpu.memref_squeeze %dma_wait3A_189 : memref<1x64x256xf32, #tpu.memory_space<hbm>> -> memref<64x256xf32, #tpu.memory_space<hbm>>
          tpu.wait_dma2 semaphore(%arg15 : memref<!tpu.dma_semaphore, #tpu.memory_space<semaphore_mem>>) src(%arg7 : memref<64x256xf32, #tpu.memory_space<vmem>>) dst(%dma_wait3A_190 : memref<64x256xf32, #tpu.memory_space<hbm>>)
        } else {
        }
        %add3A_172 = arith.constant 1 : i32
        %add3A_173 = arith.addi %add3A_108, %add3A_172 : i32
        %mul3A_174 = arith.constant 64 : i32
        %mul3A_175 = arith.muli %add3A_173, %mul3A_174 : i32
        %dma_start3A_176 = arith.constant 0 : i32
        %dma_start3A_177 = tpu.memref_slice %arg2[%add3A_5, %mul3A_175, %dma_start3A_176] : memref<64x2048x256xf32, #tpu.memory_space<hbm>> -> memref<1x64x256xf32, #tpu.memory_space<hbm>>
        %dma_start3A_178 = tpu.memref_squeeze %dma_start3A_177 : memref<1x64x256xf32, #tpu.memory_space<hbm>> -> memref<64x256xf32, #tpu.memory_space<hbm>>
        %dma_start3A_179 = arith.constant 0 : i32
        %dma_start3A_180 = tpu.memref_slice %arg2[%add3A_5, %mul3A_175, %dma_start3A_179] : memref<64x2048x256xf32, #tpu.memory_space<hbm>> -> memref<1x64x256xf32, #tpu.memory_space<hbm>>
        %dma_start3A_181 = tpu.memref_squeeze %dma_start3A_180 : memref<1x64x256xf32, #tpu.memory_space<hbm>> -> memref<64x256xf32, #tpu.memory_space<hbm>>
        tpu.enqueue_dma source(%dma_start3A_181 : memref<64x256xf32, #tpu.memory_space<hbm>>) target(%arg7 : memref<64x256xf32, #tpu.memory_space<vmem>>) target_semaphore(%arg13 : memref<!tpu.dma_semaphore, #tpu.memory_space<semaphore_mem>>)
      } else {
      }
      %broadcast_in_dim3A_121 = arith.constant 0.000000e+00 : f32
      %broadcast_in_dim3A_122 = vector.broadcast %broadcast_in_dim3A_121 : f32 to vector<16xf32>
      %scan3A_123 = arith.constant 0 : i32
      %scan3A_124 = arith.constant 16 : i32
      %scan3A_125 = arith.addi %scan3A_123, %scan3A_124 : i32
      %scan3A_126 = arith.constant 1 : i32
      scf.for %scan3A_168 = %scan3A_123 to %scan3A_125 step %scan3A_126  : i32 {
        %mul3A_169 = arith.constant 1 : i32
        %mul3A_170 = arith.muli %scan3A_168, %mul3A_169 : i32
        %add3A_171 = arith.constant 0 : i32
        %add3A_172 = arith.addi %add3A_171, %mul3A_170 : i32
        %get3A = arith.index_cast %add3A_172 : i32 to index
        %get3A_173 = arith.constant 0 : index
        %get3A_174 = tpu.vector_load %arg9[%get3A, %get3A_173] {strides = array<i32>} : memref<16x16xf32, #tpu.memory_space<vmem>>, vector<1x16xf32>,
        %get3A_175 = vector.shape_cast %get3A_174 : vector<1x16xf32> to vector<16xf32>
        %scan3A_176 = arith.constant 0 : i32
        %scan3A_177 = arith.constant 8 : i32
        %scan3A_178 = arith.addi %scan3A_176, %scan3A_177 : i32
        %scan3A_179 = arith.constant 1 : i32
        scf.for %scan3A_181 = %scan3A_176 to %scan3A_178 step %scan3A_179  : i32 {
          %mul3A_182 = arith.constant 8 : i32
          %mul3A_183 = arith.muli %scan3A_181, %mul3A_182 : i32
          %add3A_184 = arith.constant 0 : i32
          %add3A_185 = arith.addi %add3A_184, %mul3A_183 : i32
          %add3A_186 = arith.constant 0 : i32
          %add3A_187 = arith.addi %add3A_185, %add3A_186 : i32
          %mul3A_188 = arith.constant 16 : i32
          %mul3A_189 = arith.muli %add3A_172, %mul3A_188 : i32
          %get3A_190 = arith.index_cast %add3A_187 : i32 to index
          %get3A_191 = arith.index_cast %mul3A_189 : i32 to index
          %get3A_192 = tpu.vector_load %arg6[%get3A_190, %get3A_191] {strides = array<i32>} : memref<64x256xf32, #tpu.memory_space<vmem>>, vector<1x16xf32>,
          %get3A_193 = vector.shape_cast %get3A_192 : vector<1x16xf32> to vector<16xf32>
          %ge3A = arith.cmpf oge, %get3A_193, %get3A_175 : vector<16xf32>
          %select_n3A = arith.select %ge3A, %broadcast_in_dim3A_122, %get3A_193 : vector<16xi1>, vector<16xf32>
          %add3A_194 = arith.constant 0 : i32
          %add3A_195 = arith.addi %add3A_185, %add3A_194 : i32
          %mul3A_196 = arith.constant 16 : i32
          %mul3A_197 = arith.muli %add3A_172, %mul3A_196 : i32
          %swap3A = arith.index_cast %add3A_195 : i32 to index
          %swap3A_198 = arith.index_cast %mul3A_197 : i32 to index
          %swap3A_199 = tpu.vector_load %arg6[%swap3A, %swap3A_198] {strides = array<i32>} : memref<64x256xf32, #tpu.memory_space<vmem>>, vector<1x16xf32>,
          %swap3A_200 = vector.shape_cast %swap3A_199 : vector<1x16xf32> to vector<16xf32>
          %swap3A_201 = vector.shape_cast %select_n3A : vector<16xf32> to vector<1x16xf32>
          tpu.vector_store %arg6[%swap3A, %swap3A_198], %swap3A_201 {strides = array<i32>} : memref<64x256xf32, #tpu.memory_space<vmem>>, vector<1x16xf32>,
          %add3A_202 = arith.constant 1 : i32
          %add3A_203 = arith.addi %add3A_185, %add3A_202 : i32
          %mul3A_204 = arith.constant 16 : i32
          %mul3A_205 = arith.muli %add3A_172, %mul3A_204 : i32
          %get3A_206 = arith.index_cast %add3A_203 : i32 to index
          %get3A_207 = arith.index_cast %mul3A_205 : i32 to index
          %get3A_208 = tpu.vector_load %arg6[%get3A_206, %get3A_207] {strides = array<i32>} : memref<64x256xf32, #tpu.memory_space<vmem>>, vector<1x16xf32>,
          %get3A_209 = vector.shape_cast %get3A_208 : vector<1x16xf32> to vector<16xf32>
          %ge3A_210 = arith.cmpf oge, %get3A_209, %get3A_175 : vector<16xf32>
          %select_n3A_211 = arith.select %ge3A_210, %broadcast_in_dim3A_122, %get3A_209 : vector<16xi1>, vector<16xf32>
          %add3A_212 = arith.constant 1 : i32
          %add3A_213 = arith.addi %add3A_185, %add3A_212 : i32
          %mul3A_214 = arith.constant 16 : i32
          %mul3A_215 = arith.muli %add3A_172, %mul3A_214 : i32
          %swap3A_216 = arith.index_cast %add3A_213 : i32 to index
          %swap3A_217 = arith.index_cast %mul3A_215 : i32 to index
          %swap3A_218 = tpu.vector_load %arg6[%swap3A_216, %swap3A_217] {strides = array<i32>} : memref<64x256xf32, #tpu.memory_space<vmem>>, vector<1x16xf32>,
          %swap3A_219 = vector.shape_cast %swap3A_218 : vector<1x16xf32> to vector<16xf32>
          %swap3A_220 = vector.shape_cast %select_n3A_211 : vector<16xf32> to vector<1x16xf32>
          tpu.vector_store %arg6[%swap3A_216, %swap3A_217], %swap3A_220 {strides = array<i32>} : memref<64x256xf32, #tpu.memory_space<vmem>>, vector<1x16xf32>,
          %add3A_221 = arith.constant 2 : i32
          %add3A_222 = arith.addi %add3A_185, %add3A_221 : i32
          %mul3A_223 = arith.constant 16 : i32
          %mul3A_224 = arith.muli %add3A_172, %mul3A_223 : i32
          %get3A_225 = arith.index_cast %add3A_222 : i32 to index
          %get3A_226 = arith.index_cast %mul3A_224 : i32 to index
          %get3A_227 = tpu.vector_load %arg6[%get3A_225, %get3A_226] {strides = array<i32>} : memref<64x256xf32, #tpu.memory_space<vmem>>, vector<1x16xf32>,
          %get3A_228 = vector.shape_cast %get3A_227 : vector<1x16xf32> to vector<16xf32>
          %ge3A_229 = arith.cmpf oge, %get3A_228, %get3A_175 : vector<16xf32>
          %select_n3A_230 = arith.select %ge3A_229, %broadcast_in_dim3A_122, %get3A_228 : vector<16xi1>, vector<16xf32>
          %add3A_231 = arith.constant 2 : i32
          %add3A_232 = arith.addi %add3A_185, %add3A_231 : i32
          %mul3A_233 = arith.constant 16 : i32
          %mul3A_234 = arith.muli %add3A_172, %mul3A_233 : i32
          %swap3A_235 = arith.index_cast %add3A_232 : i32 to index
          %swap3A_236 = arith.index_cast %mul3A_234 : i32 to index
          %swap3A_237 = tpu.vector_load %arg6[%swap3A_235, %swap3A_236] {strides = array<i32>} : memref<64x256xf32, #tpu.memory_space<vmem>>, vector<1x16xf32>,
          %swap3A_238 = vector.shape_cast %swap3A_237 : vector<1x16xf32> to vector<16xf32>
          %swap3A_239 = vector.shape_cast %select_n3A_230 : vector<16xf32> to vector<1x16xf32>
          tpu.vector_store %arg6[%swap3A_235, %swap3A_236], %swap3A_239 {strides = array<i32>} : memref<64x256xf32, #tpu.memory_space<vmem>>, vector<1x16xf32>,
          %add3A_240 = arith.constant 3 : i32
          %add3A_241 = arith.addi %add3A_185, %add3A_240 : i32
          %mul3A_242 = arith.constant 16 : i32
          %mul3A_243 = arith.muli %add3A_172, %mul3A_242 : i32
          %get3A_244 = arith.index_cast %add3A_241 : i32 to index
          %get3A_245 = arith.index_cast %mul3A_243 : i32 to index
          %get3A_246 = tpu.vector_load %arg6[%get3A_244, %get3A_245] {strides = array<i32>} : memref<64x256xf32, #tpu.memory_space<vmem>>, vector<1x16xf32>,
          %get3A_247 = vector.shape_cast %get3A_246 : vector<1x16xf32> to vector<16xf32>
          %ge3A_248 = arith.cmpf oge, %get3A_247, %get3A_175 : vector<16xf32>
          %select_n3A_249 = arith.select %ge3A_248, %broadcast_in_dim3A_122, %get3A_247 : vector<16xi1>, vector<16xf32>
          %add3A_250 = arith.constant 3 : i32
          %add3A_251 = arith.addi %add3A_185, %add3A_250 : i32
          %mul3A_252 = arith.constant 16 : i32
          %mul3A_253 = arith.muli %add3A_172, %mul3A_252 : i32
          %swap3A_254 = arith.index_cast %add3A_251 : i32 to index
          %swap3A_255 = arith.index_cast %mul3A_253 : i32 to index
          %swap3A_256 = tpu.vector_load %arg6[%swap3A_254, %swap3A_255] {strides = array<i32>} : memref<64x256xf32, #tpu.memory_space<vmem>>, vector<1x16xf32>,
          %swap3A_257 = vector.shape_cast %swap3A_256 : vector<1x16xf32> to vector<16xf32>
          %swap3A_258 = vector.shape_cast %select_n3A_249 : vector<16xf32> to vector<1x16xf32>
          tpu.vector_store %arg6[%swap3A_254, %swap3A_255], %swap3A_258 {strides = array<i32>} : memref<64x256xf32, #tpu.memory_space<vmem>>, vector<1x16xf32>,
          %add3A_259 = arith.constant 4 : i32
          %add3A_260 = arith.addi %add3A_185, %add3A_259 : i32
          %mul3A_261 = arith.constant 16 : i32
          %mul3A_262 = arith.muli %add3A_172, %mul3A_261 : i32
          %get3A_263 = arith.index_cast %add3A_260 : i32 to index
          %get3A_264 = arith.index_cast %mul3A_262 : i32 to index
          %get3A_265 = tpu.vector_load %arg6[%get3A_263, %get3A_264] {strides = array<i32>} : memref<64x256xf32, #tpu.memory_space<vmem>>, vector<1x16xf32>,
          %get3A_266 = vector.shape_cast %get3A_265 : vector<1x16xf32> to vector<16xf32>
          %ge3A_267 = arith.cmpf oge, %get3A_266, %get3A_175 : vector<16xf32>
          %select_n3A_268 = arith.select %ge3A_267, %broadcast_in_dim3A_122, %get3A_266 : vector<16xi1>, vector<16xf32>
          %add3A_269 = arith.constant 4 : i32
          %add3A_270 = arith.addi %add3A_185, %add3A_269 : i32
          %mul3A_271 = arith.constant 16 : i32
          %mul3A_272 = arith.muli %add3A_172, %mul3A_271 : i32
          %swap3A_273 = arith.index_cast %add3A_270 : i32 to index
          %swap3A_274 = arith.index_cast %mul3A_272 : i32 to index
          %swap3A_275 = tpu.vector_load %arg6[%swap3A_273, %swap3A_274] {strides = array<i32>} : memref<64x256xf32, #tpu.memory_space<vmem>>, vector<1x16xf32>,
          %swap3A_276 = vector.shape_cast %swap3A_275 : vector<1x16xf32> to vector<16xf32>
          %swap3A_277 = vector.shape_cast %select_n3A_268 : vector<16xf32> to vector<1x16xf32>
          tpu.vector_store %arg6[%swap3A_273, %swap3A_274], %swap3A_277 {strides = array<i32>} : memref<64x256xf32, #tpu.memory_space<vmem>>, vector<1x16xf32>,
          %add3A_278 = arith.constant 5 : i32
          %add3A_279 = arith.addi %add3A_185, %add3A_278 : i32
          %mul3A_280 = arith.constant 16 : i32
          %mul3A_281 = arith.muli %add3A_172, %mul3A_280 : i32
          %get3A_282 = arith.index_cast %add3A_279 : i32 to index
          %get3A_283 = arith.index_cast %mul3A_281 : i32 to index
          %get3A_284 = tpu.vector_load %arg6[%get3A_282, %get3A_283] {strides = array<i32>} : memref<64x256xf32, #tpu.memory_space<vmem>>, vector<1x16xf32>,
          %get3A_285 = vector.shape_cast %get3A_284 : vector<1x16xf32> to vector<16xf32>
          %ge3A_286 = arith.cmpf oge, %get3A_285, %get3A_175 : vector<16xf32>
          %select_n3A_287 = arith.select %ge3A_286, %broadcast_in_dim3A_122, %get3A_285 : vector<16xi1>, vector<16xf32>
          %add3A_288 = arith.constant 5 : i32
          %add3A_289 = arith.addi %add3A_185, %add3A_288 : i32
          %mul3A_290 = arith.constant 16 : i32
          %mul3A_291 = arith.muli %add3A_172, %mul3A_290 : i32
          %swap3A_292 = arith.index_cast %add3A_289 : i32 to index
          %swap3A_293 = arith.index_cast %mul3A_291 : i32 to index
          %swap3A_294 = tpu.vector_load %arg6[%swap3A_292, %swap3A_293] {strides = array<i32>} : memref<64x256xf32, #tpu.memory_space<vmem>>, vector<1x16xf32>,
          %swap3A_295 = vector.shape_cast %swap3A_294 : vector<1x16xf32> to vector<16xf32>
          %swap3A_296 = vector.shape_cast %select_n3A_287 : vector<16xf32> to vector<1x16xf32>
          tpu.vector_store %arg6[%swap3A_292, %swap3A_293], %swap3A_296 {strides = array<i32>} : memref<64x256xf32, #tpu.memory_space<vmem>>, vector<1x16xf32>,
          %add3A_297 = arith.constant 6 : i32
          %add3A_298 = arith.addi %add3A_185, %add3A_297 : i32
          %mul3A_299 = arith.constant 16 : i32
          %mul3A_300 = arith.muli %add3A_172, %mul3A_299 : i32
          %get3A_301 = arith.index_cast %add3A_298 : i32 to index
          %get3A_302 = arith.index_cast %mul3A_300 : i32 to index
          %get3A_303 = tpu.vector_load %arg6[%get3A_301, %get3A_302] {strides = array<i32>} : memref<64x256xf32, #tpu.memory_space<vmem>>, vector<1x16xf32>,
          %get3A_304 = vector.shape_cast %get3A_303 : vector<1x16xf32> to vector<16xf32>
          %ge3A_305 = arith.cmpf oge, %get3A_304, %get3A_175 : vector<16xf32>
          %select_n3A_306 = arith.select %ge3A_305, %broadcast_in_dim3A_122, %get3A_304 : vector<16xi1>, vector<16xf32>
          %add3A_307 = arith.constant 6 : i32
          %add3A_308 = arith.addi %add3A_185, %add3A_307 : i32
          %mul3A_309 = arith.constant 16 : i32
          %mul3A_310 = arith.muli %add3A_172, %mul3A_309 : i32
          %swap3A_311 = arith.index_cast %add3A_308 : i32 to index
          %swap3A_312 = arith.index_cast %mul3A_310 : i32 to index
          %swap3A_313 = tpu.vector_load %arg6[%swap3A_311, %swap3A_312] {strides = array<i32>} : memref<64x256xf32, #tpu.memory_space<vmem>>, vector<1x16xf32>,
          %swap3A_314 = vector.shape_cast %swap3A_313 : vector<1x16xf32> to vector<16xf32>
          %swap3A_315 = vector.shape_cast %select_n3A_306 : vector<16xf32> to vector<1x16xf32>
          tpu.vector_store %arg6[%swap3A_311, %swap3A_312], %swap3A_315 {strides = array<i32>} : memref<64x256xf32, #tpu.memory_space<vmem>>, vector<1x16xf32>,
          %add3A_316 = arith.constant 7 : i32
          %add3A_317 = arith.addi %add3A_185, %add3A_316 : i32
          %mul3A_318 = arith.constant 16 : i32
          %mul3A_319 = arith.muli %add3A_172, %mul3A_318 : i32
          %get3A_320 = arith.index_cast %add3A_317 : i32 to index
          %get3A_321 = arith.index_cast %mul3A_319 : i32 to index
          %get3A_322 = tpu.vector_load %arg6[%get3A_320, %get3A_321] {strides = array<i32>} : memref<64x256xf32, #tpu.memory_space<vmem>>, vector<1x16xf32>,
          %get3A_323 = vector.shape_cast %get3A_322 : vector<1x16xf32> to vector<16xf32>
          %ge3A_324 = arith.cmpf oge, %get3A_323, %get3A_175 : vector<16xf32>
          %select_n3A_325 = arith.select %ge3A_324, %broadcast_in_dim3A_122, %get3A_323 : vector<16xi1>, vector<16xf32>
          %add3A_326 = arith.constant 7 : i32
          %add3A_327 = arith.addi %add3A_185, %add3A_326 : i32
          %mul3A_328 = arith.constant 16 : i32
          %mul3A_329 = arith.muli %add3A_172, %mul3A_328 : i32
          %swap3A_330 = arith.index_cast %add3A_327 : i32 to index
          %swap3A_331 = arith.index_cast %mul3A_329 : i32 to index
          %swap3A_332 = tpu.vector_load %arg6[%swap3A_330, %swap3A_331] {strides = array<i32>} : memref<64x256xf32, #tpu.memory_space<vmem>>, vector<1x16xf32>,
          %swap3A_333 = vector.shape_cast %swap3A_332 : vector<1x16xf32> to vector<16xf32>
          %swap3A_334 = vector.shape_cast %select_n3A_325 : vector<16xf32> to vector<1x16xf32>
          tpu.vector_store %arg6[%swap3A_330, %swap3A_331], %swap3A_334 {strides = array<i32>} : memref<64x256xf32, #tpu.memory_space<vmem>>, vector<1x16xf32>,
        }
        %scan3A_180 = arith.constant 8 : i32
      }
      %scan3A_127 = arith.constant 16 : i32
      %mul3A_128 = arith.constant 64 : i32
      %mul3A_129 = arith.muli %add3A_108, %mul3A_128 : i32
      %dma_start3A_130 = arith.constant 0 : i32
      %dma_start3A_131 = tpu.memref_slice %arg3[%add3A_5, %mul3A_129, %dma_start3A_130] : memref<64x2048x256xf32, #tpu.memory_space<hbm>> -> memref<1x64x256xf32, #tpu.memory_space<hbm>>
      %dma_start3A_132 = tpu.memref_squeeze %dma_start3A_131 : memref<1x64x256xf32, #tpu.memory_space<hbm>> -> memref<64x256xf32, #tpu.memory_space<hbm>>
      %dma_start3A_133 = arith.constant 0 : i32
      %dma_start3A_134 = tpu.memref_slice %arg3[%add3A_5, %mul3A_129, %dma_start3A_133] : memref<64x2048x256xf32, #tpu.memory_space<hbm>> -> memref<1x64x256xf32, #tpu.memory_space<hbm>>
      %dma_start3A_135 = tpu.memref_squeeze %dma_start3A_134 : memref<1x64x256xf32, #tpu.memory_space<hbm>> -> memref<64x256xf32, #tpu.memory_space<hbm>>
      tpu.enqueue_dma source(%arg6 : memref<64x256xf32, #tpu.memory_space<vmem>>) target(%dma_start3A_135 : memref<64x256xf32, #tpu.memory_space<hbm>>) target_semaphore(%arg14 : memref<!tpu.dma_semaphore, #tpu.memory_space<semaphore_mem>>)
      %add3A_136 = arith.constant 1 : i32
      %add3A_137 = arith.addi %add3A_106, %add3A_136 : i32
      %mul3A_138 = arith.constant 64 : i32
      %mul3A_139 = arith.muli %add3A_137, %mul3A_138 : i32
      %dma_wait3A_140 = arith.constant 0 : i32
      %dma_wait3A_141 = tpu.memref_slice %arg2[%add3A_5, %mul3A_139, %dma_wait3A_140] : memref<64x2048x256xf32, #tpu.memory_space<hbm>> -> memref<1x64x256xf32, #tpu.memory_space<hbm>>
      %dma_wait3A_142 = tpu.memref_squeeze %dma_wait3A_141 : memref<1x64x256xf32, #tpu.memory_space<hbm>> -> memref<64x256xf32, #tpu.memory_space<hbm>>
      %dma_wait3A_143 = arith.constant 0 : i32
      %dma_wait3A_144 = tpu.memref_slice %arg2[%add3A_5, %mul3A_139, %dma_wait3A_143] : memref<64x2048x256xf32, #tpu.memory_space<hbm>> -> memref<1x64x256xf32, #tpu.memory_space<hbm>>
      %dma_wait3A_145 = tpu.memref_squeeze %dma_wait3A_144 : memref<1x64x256xf32, #tpu.memory_space<hbm>> -> memref<64x256xf32, #tpu.memory_space<hbm>>
      tpu.wait_dma2 semaphore(%arg13 : memref<!tpu.dma_semaphore, #tpu.memory_space<semaphore_mem>>) src(%dma_wait3A_145 : memref<64x256xf32, #tpu.memory_space<hbm>>) dst(%arg7 : memref<64x256xf32, #tpu.memory_space<vmem>>)
      %add3A_146 = arith.constant 1 : i32
      %add3A_147 = arith.addi %add3A_137, %add3A_146 : i32
      %lt3A_148 = arith.constant 32 : i32
      %lt3A_149 = arith.cmpi slt, %add3A_147, %lt3A_148 : i32
      %convert_element_type3A_150 = arith.extui %lt3A_149 : i1 to i32
      %cond3A_151 = arith.constant 0 : i32
      %cond3A_152 = arith.cmpi ne, %convert_element_type3A_150, %cond3A_151 : i32
      scf.if %cond3A_152 {
        %ge3A = arith.constant 1 : i32
        %ge3A_168 = arith.cmpi sge, %add3A_137, %ge3A : i32
        %convert_element_type3A_169 = arith.extui %ge3A_168 : i1 to i32
        %cond3A_170 = arith.constant 0 : i32
        %cond3A_171 = arith.cmpi ne, %convert_element_type3A_169, %cond3A_170 : i32
        scf.if %cond3A_171 {
          %sub3A = arith.constant 1 : i32
          %sub3A_182 = arith.subi %add3A_137, %sub3A : i32
          %mul3A_183 = arith.constant 64 : i32
          %mul3A_184 = arith.muli %sub3A_182, %mul3A_183 : i32
          %dma_wait3A_185 = arith.constant 0 : i32
          %dma_wait3A_186 = tpu.memref_slice %arg3[%add3A_5, %mul3A_184, %dma_wait3A_185] : memref<64x2048x256xf32, #tpu.memory_space<hbm>> -> memref<1x64x256xf32, #tpu.memory_space<hbm>>
          %dma_wait3A_187 = tpu.memref_squeeze %dma_wait3A_186 : memref<1x64x256xf32, #tpu.memory_space<hbm>> -> memref<64x256xf32, #tpu.memory_space<hbm>>
          %dma_wait3A_188 = arith.constant 0 : i32
          %dma_wait3A_189 = tpu.memref_slice %arg3[%add3A_5, %mul3A_184, %dma_wait3A_188] : memref<64x2048x256xf32, #tpu.memory_space<hbm>> -> memref<1x64x256xf32, #tpu.memory_space<hbm>>
          %dma_wait3A_190 = tpu.memref_squeeze %dma_wait3A_189 : memref<1x64x256xf32, #tpu.memory_space<hbm>> -> memref<64x256xf32, #tpu.memory_space<hbm>>
          tpu.wait_dma2 semaphore(%arg14 : memref<!tpu.dma_semaphore, #tpu.memory_space<semaphore_mem>>) src(%arg6 : memref<64x256xf32, #tpu.memory_space<vmem>>) dst(%dma_wait3A_190 : memref<64x256xf32, #tpu.memory_space<hbm>>)
        } else {
        }
        %add3A_172 = arith.constant 1 : i32
        %add3A_173 = arith.addi %add3A_137, %add3A_172 : i32
        %mul3A_174 = arith.constant 64 : i32
        %mul3A_175 = arith.muli %add3A_173, %mul3A_174 : i32
        %dma_start3A_176 = arith.constant 0 : i32
        %dma_start3A_177 = tpu.memref_slice %arg2[%add3A_5, %mul3A_175, %dma_start3A_176] : memref<64x2048x256xf32, #tpu.memory_space<hbm>> -> memref<1x64x256xf32, #tpu.memory_space<hbm>>
        %dma_start3A_178 = tpu.memref_squeeze %dma_start3A_177 : memref<1x64x256xf32, #tpu.memory_space<hbm>> -> memref<64x256xf32, #tpu.memory_space<hbm>>
        %dma_start3A_179 = arith.constant 0 : i32
        %dma_start3A_180 = tpu.memref_slice %arg2[%add3A_5, %mul3A_175, %dma_start3A_179] : memref<64x2048x256xf32, #tpu.memory_space<hbm>> -> memref<1x64x256xf32, #tpu.memory_space<hbm>>
        %dma_start3A_181 = tpu.memref_squeeze %dma_start3A_180 : memref<1x64x256xf32, #tpu.memory_space<hbm>> -> memref<64x256xf32, #tpu.memory_space<hbm>>
        tpu.enqueue_dma source(%dma_start3A_181 : memref<64x256xf32, #tpu.memory_space<hbm>>) target(%arg6 : memref<64x256xf32, #tpu.memory_space<vmem>>) target_semaphore(%arg12 : memref<!tpu.dma_semaphore, #tpu.memory_space<semaphore_mem>>)
      } else {
      }
      %broadcast_in_dim3A_153 = arith.constant 0.000000e+00 : f32
      %broadcast_in_dim3A_154 = vector.broadcast %broadcast_in_dim3A_153 : f32 to vector<16xf32>
      %scan3A_155 = arith.constant 0 : i32
      %scan3A_156 = arith.constant 16 : i32
      %scan3A_157 = arith.addi %scan3A_155, %scan3A_156 : i32
      %scan3A_158 = arith.constant 1 : i32
      scf.for %scan3A_168 = %scan3A_155 to %scan3A_157 step %scan3A_158  : i32 {
        %mul3A_169 = arith.constant 1 : i32
        %mul3A_170 = arith.muli %scan3A_168, %mul3A_169 : i32
        %add3A_171 = arith.constant 0 : i32
        %add3A_172 = arith.addi %add3A_171, %mul3A_170 : i32
        %get3A = arith.index_cast %add3A_172 : i32 to index
        %get3A_173 = arith.constant 0 : index
        %get3A_174 = tpu.vector_load %arg9[%get3A, %get3A_173] {strides = array<i32>} : memref<16x16xf32, #tpu.memory_space<vmem>>, vector<1x16xf32>,
        %get3A_175 = vector.shape_cast %get3A_174 : vector<1x16xf32> to vector<16xf32>
        %scan3A_176 = arith.constant 0 : i32
        %scan3A_177 = arith.constant 8 : i32
        %scan3A_178 = arith.addi %scan3A_176, %scan3A_177 : i32
        %scan3A_179 = arith.constant 1 : i32
        scf.for %scan3A_181 = %scan3A_176 to %scan3A_178 step %scan3A_179  : i32 {
          %mul3A_182 = arith.constant 8 : i32
          %mul3A_183 = arith.muli %scan3A_181, %mul3A_182 : i32
          %add3A_184 = arith.constant 0 : i32
          %add3A_185 = arith.addi %add3A_184, %mul3A_183 : i32
          %add3A_186 = arith.constant 0 : i32
          %add3A_187 = arith.addi %add3A_185, %add3A_186 : i32
          %mul3A_188 = arith.constant 16 : i32
          %mul3A_189 = arith.muli %add3A_172, %mul3A_188 : i32
          %get3A_190 = arith.index_cast %add3A_187 : i32 to index
          %get3A_191 = arith.index_cast %mul3A_189 : i32 to index
          %get3A_192 = tpu.vector_load %arg7[%get3A_190, %get3A_191] {strides = array<i32>} : memref<64x256xf32, #tpu.memory_space<vmem>>, vector<1x16xf32>,
          %get3A_193 = vector.shape_cast %get3A_192 : vector<1x16xf32> to vector<16xf32>
          %ge3A = arith.cmpf oge, %get3A_193, %get3A_175 : vector<16xf32>
          %select_n3A = arith.select %ge3A, %broadcast_in_dim3A_154, %get3A_193 : vector<16xi1>, vector<16xf32>
          %add3A_194 = arith.constant 0 : i32
          %add3A_195 = arith.addi %add3A_185, %add3A_194 : i32
          %mul3A_196 = arith.constant 16 : i32
          %mul3A_197 = arith.muli %add3A_172, %mul3A_196 : i32
          %swap3A = arith.index_cast %add3A_195 : i32 to index
          %swap3A_198 = arith.index_cast %mul3A_197 : i32 to index
          %swap3A_199 = tpu.vector_load %arg7[%swap3A, %swap3A_198] {strides = array<i32>} : memref<64x256xf32, #tpu.memory_space<vmem>>, vector<1x16xf32>,
          %swap3A_200 = vector.shape_cast %swap3A_199 : vector<1x16xf32> to vector<16xf32>
          %swap3A_201 = vector.shape_cast %select_n3A : vector<16xf32> to vector<1x16xf32>
          tpu.vector_store %arg7[%swap3A, %swap3A_198], %swap3A_201 {strides = array<i32>} : memref<64x256xf32, #tpu.memory_space<vmem>>, vector<1x16xf32>,
          %add3A_202 = arith.constant 1 : i32
          %add3A_203 = arith.addi %add3A_185, %add3A_202 : i32
          %mul3A_204 = arith.constant 16 : i32
          %mul3A_205 = arith.muli %add3A_172, %mul3A_204 : i32
          %get3A_206 = arith.index_cast %add3A_203 : i32 to index
          %get3A_207 = arith.index_cast %mul3A_205 : i32 to index
          %get3A_208 = tpu.vector_load %arg7[%get3A_206, %get3A_207] {strides = array<i32>} : memref<64x256xf32, #tpu.memory_space<vmem>>, vector<1x16xf32>,
          %get3A_209 = vector.shape_cast %get3A_208 : vector<1x16xf32> to vector<16xf32>
          %ge3A_210 = arith.cmpf oge, %get3A_209, %get3A_175 : vector<16xf32>
          %select_n3A_211 = arith.select %ge3A_210, %broadcast_in_dim3A_154, %get3A_209 : vector<16xi1>, vector<16xf32>
          %add3A_212 = arith.constant 1 : i32
          %add3A_213 = arith.addi %add3A_185, %add3A_212 : i32
          %mul3A_214 = arith.constant 16 : i32
          %mul3A_215 = arith.muli %add3A_172, %mul3A_214 : i32
          %swap3A_216 = arith.index_cast %add3A_213 : i32 to index
          %swap3A_217 = arith.index_cast %mul3A_215 : i32 to index
          %swap3A_218 = tpu.vector_load %arg7[%swap3A_216, %swap3A_217] {strides = array<i32>} : memref<64x256xf32, #tpu.memory_space<vmem>>, vector<1x16xf32>,
          %swap3A_219 = vector.shape_cast %swap3A_218 : vector<1x16xf32> to vector<16xf32>
          %swap3A_220 = vector.shape_cast %select_n3A_211 : vector<16xf32> to vector<1x16xf32>
          tpu.vector_store %arg7[%swap3A_216, %swap3A_217], %swap3A_220 {strides = array<i32>} : memref<64x256xf32, #tpu.memory_space<vmem>>, vector<1x16xf32>,
          %add3A_221 = arith.constant 2 : i32
          %add3A_222 = arith.addi %add3A_185, %add3A_221 : i32
          %mul3A_223 = arith.constant 16 : i32
          %mul3A_224 = arith.muli %add3A_172, %mul3A_223 : i32
          %get3A_225 = arith.index_cast %add3A_222 : i32 to index
          %get3A_226 = arith.index_cast %mul3A_224 : i32 to index
          %get3A_227 = tpu.vector_load %arg7[%get3A_225, %get3A_226] {strides = array<i32>} : memref<64x256xf32, #tpu.memory_space<vmem>>, vector<1x16xf32>,
          %get3A_228 = vector.shape_cast %get3A_227 : vector<1x16xf32> to vector<16xf32>
          %ge3A_229 = arith.cmpf oge, %get3A_228, %get3A_175 : vector<16xf32>
          %select_n3A_230 = arith.select %ge3A_229, %broadcast_in_dim3A_154, %get3A_228 : vector<16xi1>, vector<16xf32>
          %add3A_231 = arith.constant 2 : i32
          %add3A_232 = arith.addi %add3A_185, %add3A_231 : i32
          %mul3A_233 = arith.constant 16 : i32
          %mul3A_234 = arith.muli %add3A_172, %mul3A_233 : i32
          %swap3A_235 = arith.index_cast %add3A_232 : i32 to index
          %swap3A_236 = arith.index_cast %mul3A_234 : i32 to index
          %swap3A_237 = tpu.vector_load %arg7[%swap3A_235, %swap3A_236] {strides = array<i32>} : memref<64x256xf32, #tpu.memory_space<vmem>>, vector<1x16xf32>,
          %swap3A_238 = vector.shape_cast %swap3A_237 : vector<1x16xf32> to vector<16xf32>
          %swap3A_239 = vector.shape_cast %select_n3A_230 : vector<16xf32> to vector<1x16xf32>
          tpu.vector_store %arg7[%swap3A_235, %swap3A_236], %swap3A_239 {strides = array<i32>} : memref<64x256xf32, #tpu.memory_space<vmem>>, vector<1x16xf32>,
          %add3A_240 = arith.constant 3 : i32
          %add3A_241 = arith.addi %add3A_185, %add3A_240 : i32
          %mul3A_242 = arith.constant 16 : i32
          %mul3A_243 = arith.muli %add3A_172, %mul3A_242 : i32
          %get3A_244 = arith.index_cast %add3A_241 : i32 to index
          %get3A_245 = arith.index_cast %mul3A_243 : i32 to index
          %get3A_246 = tpu.vector_load %arg7[%get3A_244, %get3A_245] {strides = array<i32>} : memref<64x256xf32, #tpu.memory_space<vmem>>, vector<1x16xf32>,
          %get3A_247 = vector.shape_cast %get3A_246 : vector<1x16xf32> to vector<16xf32>
          %ge3A_248 = arith.cmpf oge, %get3A_247, %get3A_175 : vector<16xf32>
          %select_n3A_249 = arith.select %ge3A_248, %broadcast_in_dim3A_154, %get3A_247 : vector<16xi1>, vector<16xf32>
          %add3A_250 = arith.constant 3 : i32
          %add3A_251 = arith.addi %add3A_185, %add3A_250 : i32
          %mul3A_252 = arith.constant 16 : i32
          %mul3A_253 = arith.muli %add3A_172, %mul3A_252 : i32
          %swap3A_254 = arith.index_cast %add3A_251 : i32 to index
          %swap3A_255 = arith.index_cast %mul3A_253 : i32 to index
          %swap3A_256 = tpu.vector_load %arg7[%swap3A_254, %swap3A_255] {strides = array<i32>} : memref<64x256xf32, #tpu.memory_space<vmem>>, vector<1x16xf32>,
          %swap3A_257 = vector.shape_cast %swap3A_256 : vector<1x16xf32> to vector<16xf32>
          %swap3A_258 = vector.shape_cast %select_n3A_249 : vector<16xf32> to vector<1x16xf32>
          tpu.vector_store %arg7[%swap3A_254, %swap3A_255], %swap3A_258 {strides = array<i32>} : memref<64x256xf32, #tpu.memory_space<vmem>>, vector<1x16xf32>,
          %add3A_259 = arith.constant 4 : i32
          %add3A_260 = arith.addi %add3A_185, %add3A_259 : i32
          %mul3A_261 = arith.constant 16 : i32
          %mul3A_262 = arith.muli %add3A_172, %mul3A_261 : i32
          %get3A_263 = arith.index_cast %add3A_260 : i32 to index
          %get3A_264 = arith.index_cast %mul3A_262 : i32 to index
          %get3A_265 = tpu.vector_load %arg7[%get3A_263, %get3A_264] {strides = array<i32>} : memref<64x256xf32, #tpu.memory_space<vmem>>, vector<1x16xf32>,
          %get3A_266 = vector.shape_cast %get3A_265 : vector<1x16xf32> to vector<16xf32>
          %ge3A_267 = arith.cmpf oge, %get3A_266, %get3A_175 : vector<16xf32>
          %select_n3A_268 = arith.select %ge3A_267, %broadcast_in_dim3A_154, %get3A_266 : vector<16xi1>, vector<16xf32>
          %add3A_269 = arith.constant 4 : i32
          %add3A_270 = arith.addi %add3A_185, %add3A_269 : i32
          %mul3A_271 = arith.constant 16 : i32
          %mul3A_272 = arith.muli %add3A_172, %mul3A_271 : i32
          %swap3A_273 = arith.index_cast %add3A_270 : i32 to index
          %swap3A_274 = arith.index_cast %mul3A_272 : i32 to index
          %swap3A_275 = tpu.vector_load %arg7[%swap3A_273, %swap3A_274] {strides = array<i32>} : memref<64x256xf32, #tpu.memory_space<vmem>>, vector<1x16xf32>,
          %swap3A_276 = vector.shape_cast %swap3A_275 : vector<1x16xf32> to vector<16xf32>
          %swap3A_277 = vector.shape_cast %select_n3A_268 : vector<16xf32> to vector<1x16xf32>
          tpu.vector_store %arg7[%swap3A_273, %swap3A_274], %swap3A_277 {strides = array<i32>} : memref<64x256xf32, #tpu.memory_space<vmem>>, vector<1x16xf32>,
          %add3A_278 = arith.constant 5 : i32
          %add3A_279 = arith.addi %add3A_185, %add3A_278 : i32
          %mul3A_280 = arith.constant 16 : i32
          %mul3A_281 = arith.muli %add3A_172, %mul3A_280 : i32
          %get3A_282 = arith.index_cast %add3A_279 : i32 to index
          %get3A_283 = arith.index_cast %mul3A_281 : i32 to index
          %get3A_284 = tpu.vector_load %arg7[%get3A_282, %get3A_283] {strides = array<i32>} : memref<64x256xf32, #tpu.memory_space<vmem>>, vector<1x16xf32>,
          %get3A_285 = vector.shape_cast %get3A_284 : vector<1x16xf32> to vector<16xf32>
          %ge3A_286 = arith.cmpf oge, %get3A_285, %get3A_175 : vector<16xf32>
          %select_n3A_287 = arith.select %ge3A_286, %broadcast_in_dim3A_154, %get3A_285 : vector<16xi1>, vector<16xf32>
          %add3A_288 = arith.constant 5 : i32
          %add3A_289 = arith.addi %add3A_185, %add3A_288 : i32
          %mul3A_290 = arith.constant 16 : i32
          %mul3A_291 = arith.muli %add3A_172, %mul3A_290 : i32
          %swap3A_292 = arith.index_cast %add3A_289 : i32 to index
          %swap3A_293 = arith.index_cast %mul3A_291 : i32 to index
          %swap3A_294 = tpu.vector_load %arg7[%swap3A_292, %swap3A_293] {strides = array<i32>} : memref<64x256xf32, #tpu.memory_space<vmem>>, vector<1x16xf32>,
          %swap3A_295 = vector.shape_cast %swap3A_294 : vector<1x16xf32> to vector<16xf32>
          %swap3A_296 = vector.shape_cast %select_n3A_287 : vector<16xf32> to vector<1x16xf32>
          tpu.vector_store %arg7[%swap3A_292, %swap3A_293], %swap3A_296 {strides = array<i32>} : memref<64x256xf32, #tpu.memory_space<vmem>>, vector<1x16xf32>,
          %add3A_297 = arith.constant 6 : i32
          %add3A_298 = arith.addi %add3A_185, %add3A_297 : i32
          %mul3A_299 = arith.constant 16 : i32
          %mul3A_300 = arith.muli %add3A_172, %mul3A_299 : i32
          %get3A_301 = arith.index_cast %add3A_298 : i32 to index
          %get3A_302 = arith.index_cast %mul3A_300 : i32 to index
          %get3A_303 = tpu.vector_load %arg7[%get3A_301, %get3A_302] {strides = array<i32>} : memref<64x256xf32, #tpu.memory_space<vmem>>, vector<1x16xf32>,
          %get3A_304 = vector.shape_cast %get3A_303 : vector<1x16xf32> to vector<16xf32>
          %ge3A_305 = arith.cmpf oge, %get3A_304, %get3A_175 : vector<16xf32>
          %select_n3A_306 = arith.select %ge3A_305, %broadcast_in_dim3A_154, %get3A_304 : vector<16xi1>, vector<16xf32>
          %add3A_307 = arith.constant 6 : i32
          %add3A_308 = arith.addi %add3A_185, %add3A_307 : i32
          %mul3A_309 = arith.constant 16 : i32
          %mul3A_310 = arith.muli %add3A_172, %mul3A_309 : i32
          %swap3A_311 = arith.index_cast %add3A_308 : i32 to index
          %swap3A_312 = arith.index_cast %mul3A_310 : i32 to index
          %swap3A_313 = tpu.vector_load %arg7[%swap3A_311, %swap3A_312] {strides = array<i32>} : memref<64x256xf32, #tpu.memory_space<vmem>>, vector<1x16xf32>,
          %swap3A_314 = vector.shape_cast %swap3A_313 : vector<1x16xf32> to vector<16xf32>
          %swap3A_315 = vector.shape_cast %select_n3A_306 : vector<16xf32> to vector<1x16xf32>
          tpu.vector_store %arg7[%swap3A_311, %swap3A_312], %swap3A_315 {strides = array<i32>} : memref<64x256xf32, #tpu.memory_space<vmem>>, vector<1x16xf32>,
          %add3A_316 = arith.constant 7 : i32
          %add3A_317 = arith.addi %add3A_185, %add3A_316 : i32
          %mul3A_318 = arith.constant 16 : i32
          %mul3A_319 = arith.muli %add3A_172, %mul3A_318 : i32
          %get3A_320 = arith.index_cast %add3A_317 : i32 to index
          %get3A_321 = arith.index_cast %mul3A_319 : i32 to index
          %get3A_322 = tpu.vector_load %arg7[%get3A_320, %get3A_321] {strides = array<i32>} : memref<64x256xf32, #tpu.memory_space<vmem>>, vector<1x16xf32>,
          %get3A_323 = vector.shape_cast %get3A_322 : vector<1x16xf32> to vector<16xf32>
          %ge3A_324 = arith.cmpf oge, %get3A_323, %get3A_175 : vector<16xf32>
          %select_n3A_325 = arith.select %ge3A_324, %broadcast_in_dim3A_154, %get3A_323 : vector<16xi1>, vector<16xf32>
          %add3A_326 = arith.constant 7 : i32
          %add3A_327 = arith.addi %add3A_185, %add3A_326 : i32
          %mul3A_328 = arith.constant 16 : i32
          %mul3A_329 = arith.muli %add3A_172, %mul3A_328 : i32
          %swap3A_330 = arith.index_cast %add3A_327 : i32 to index
          %swap3A_331 = arith.index_cast %mul3A_329 : i32 to index
          %swap3A_332 = tpu.vector_load %arg7[%swap3A_330, %swap3A_331] {strides = array<i32>} : memref<64x256xf32, #tpu.memory_space<vmem>>, vector<1x16xf32>,
          %swap3A_333 = vector.shape_cast %swap3A_332 : vector<1x16xf32> to vector<16xf32>
          %swap3A_334 = vector.shape_cast %select_n3A_325 : vector<16xf32> to vector<1x16xf32>
          tpu.vector_store %arg7[%swap3A_330, %swap3A_331], %swap3A_334 {strides = array<i32>} : memref<64x256xf32, #tpu.memory_space<vmem>>, vector<1x16xf32>,
        }
        %scan3A_180 = arith.constant 8 : i32
      }
      %scan3A_159 = arith.constant 16 : i32
      %mul3A_160 = arith.constant 64 : i32
      %mul3A_161 = arith.muli %add3A_137, %mul3A_160 : i32
      %dma_start3A_162 = arith.constant 0 : i32
      %dma_start3A_163 = tpu.memref_slice %arg3[%add3A_5, %mul3A_161, %dma_start3A_162] : memref<64x2048x256xf32, #tpu.memory_space<hbm>> -> memref<1x64x256xf32, #tpu.memory_space<hbm>>
      %dma_start3A_164 = tpu.memref_squeeze %dma_start3A_163 : memref<1x64x256xf32, #tpu.memory_space<hbm>> -> memref<64x256xf32, #tpu.memory_space<hbm>>
      %dma_start3A_165 = arith.constant 0 : i32
      %dma_start3A_166 = tpu.memref_slice %arg3[%add3A_5, %mul3A_161, %dma_start3A_165] : memref<64x2048x256xf32, #tpu.memory_space<hbm>> -> memref<1x64x256xf32, #tpu.memory_space<hbm>>
      %dma_start3A_167 = tpu.memref_squeeze %dma_start3A_166 : memref<1x64x256xf32, #tpu.memory_space<hbm>> -> memref<64x256xf32, #tpu.memory_space<hbm>>
      tpu.enqueue_dma source(%arg7 : memref<64x256xf32, #tpu.memory_space<vmem>>) target(%dma_start3A_167 : memref<64x256xf32, #tpu.memory_space<hbm>>) target_semaphore(%arg15 : memref<!tpu.dma_semaphore, #tpu.memory_space<semaphore_mem>>)
    }
    %scan3A_85 = arith.constant 16 : i32
    %dma_wait3A_86 = arith.constant 1920 : i32
    %dma_wait3A_87 = arith.constant 0 : i32
    %dma_wait3A_88 = tpu.memref_slice %arg3[%add3A_5, %dma_wait3A_86, %dma_wait3A_87] : memref<64x2048x256xf32, #tpu.memory_space<hbm>> -> memref<1x64x256xf32, #tpu.memory_space<hbm>>
    %dma_wait3A_89 = tpu.memref_squeeze %dma_wait3A_88 : memref<1x64x256xf32, #tpu.memory_space<hbm>> -> memref<64x256xf32, #tpu.memory_space<hbm>>
    %dma_wait3A_90 = arith.constant 1920 : i32
    %dma_wait3A_91 = arith.constant 0 : i32
    %dma_wait3A_92 = tpu.memref_slice %arg3[%add3A_5, %dma_wait3A_90, %dma_wait3A_91] : memref<64x2048x256xf32, #tpu.memory_space<hbm>> -> memref<1x64x256xf32, #tpu.memory_space<hbm>>
    %dma_wait3A_93 = tpu.memref_squeeze %dma_wait3A_92 : memref<1x64x256xf32, #tpu.memory_space<hbm>> -> memref<64x256xf32, #tpu.memory_space<hbm>>
    tpu.wait_dma2 semaphore(%arg14 : memref<!tpu.dma_semaphore, #tpu.memory_space<semaphore_mem>>) src(%arg6 : memref<64x256xf32, #tpu.memory_space<vmem>>) dst(%dma_wait3A_93 : memref<64x256xf32, #tpu.memory_space<hbm>>)
    %dma_wait3A_94 = arith.constant 1984 : i32
    %dma_wait3A_95 = arith.constant 0 : i32
    %dma_wait3A_96 = tpu.memref_slice %arg3[%add3A_5, %dma_wait3A_94, %dma_wait3A_95] : memref<64x2048x256xf32, #tpu.memory_space<hbm>> -> memref<1x64x256xf32, #tpu.memory_space<hbm>>
    %dma_wait3A_97 = tpu.memref_squeeze %dma_wait3A_96 : memref<1x64x256xf32, #tpu.memory_space<hbm>> -> memref<64x256xf32, #tpu.memory_space<hbm>>
    %dma_wait3A_98 = arith.constant 1984 : i32
    %dma_wait3A_99 = arith.constant 0 : i32
    %dma_wait3A_100 = tpu.memref_slice %arg3[%add3A_5, %dma_wait3A_98, %dma_wait3A_99] : memref<64x2048x256xf32, #tpu.memory_space<hbm>> -> memref<1x64x256xf32, #tpu.memory_space<hbm>>
    %dma_wait3A_101 = tpu.memref_squeeze %dma_wait3A_100 : memref<1x64x256xf32, #tpu.memory_space<hbm>> -> memref<64x256xf32, #tpu.memory_space<hbm>>
    tpu.wait_dma2 semaphore(%arg15 : memref<!tpu.dma_semaphore, #tpu.memory_space<semaphore_mem>>) src(%arg7 : memref<64x256xf32, #tpu.memory_space<vmem>>) dst(%dma_wait3A_101 : memref<64x256xf32, #tpu.memory_space<hbm>>)
    return
  }
}

</mosaic_0001>

<sc_bundles>
// kernel: kernel.3.cloned.1.call-start
scs
__scs_entry_jumppad:
0x0: {  	(pc) =	sbr.rel $0x88, $3  }
0x1: {  	(tag) =	ssettag $0x0;
	lr =	simm.s32 $0x1  }
0x2: {  	[smem:$0x3FA0] =	sst lr;
	_ =	strace $0xD0000000  }
0x3: {  	_ = 	snop  }
0x4: {  	_ = 	snop  }
0x5: {  	_ = 	snop  }
0x6: {  	_ = 	snop  }
0x7: {  	_ = 	snop  }
__scs_overlays_trampoline_lowered:
0x8: {  	[smem:$0x3FAF] =	sst s0  }
0x9: {  	[smem:$0x3FB0] =	sst s1  }
0xa: {  	[smem:$0x3FB1] =	sst s2  }
0xb: {  	[smem:$0x3FB2] =	sst s3  }
0xc: {  	[smem:$0x3FB3] =	sst s4  }
0xd: {  	[smem:$0x3FB4] =	sst s5  }
0xe: {  	[smem:$0x3FB5] =	sst s6  }
0xf: {  	[smem:$0x3FB6] =	sst s7  }
0x10: {  	[smem:$0x3FB7] =	sst s8  }
0x11: {  	[smem:$0x3FB8] =	sst s9;
	s0 =	simm.s32 @!p0 $0x0  }
0x12: {  	s1 =	sld [smem:$0x3F9E];
	s0 =	simm.s32 @p0 $0x1  }
0x13: {  	[smem:$0x3FB9] =	sst s0;
	s0 =	simm.s32 @!p1 $0x0  }
0x14: {  	s2 =	sld [smem:$0x3F9D];
	s0 =	simm.s32 @p1 $0x1  }
0x15: {  	[smem:$0x3FBA] =	sst s0;
	s0 =	simm.s32 @!p2 $0x0  }
0x16: {  	s3 =	sld [smem:$0x3FDB];
	s0 =	simm.s32 @p2 $0x1  }
0x17: {  	s4 =	simm.s32 $0x1BF5;
	[smem:$0x3FBC] =	sst s0  }
0x18: {  	s0 =	sld [smem:$0x3F9F];
	_ =	swait.ge [sflag:s4], $0x0  }
0x19: {  	s7 =	sld [smem:$0x3FA0]  }
0x1a: {  	s8 =	sadd.s32 $0xFFFFE003, lr  }
0x1b: {  	s9 =	sadd.s32 $0xFFFFFEF7, lr;
	s5 =	simm.s32 $0xFFFFFFFF;
	p2 =	slt.u32 s8, $0xFFFFF086  }
0x1c: {  	p1 =	slt.u32 s9, $0xF7A;
	s5 =	simm.s32 @!p2 $0x0  }
0x1d: {  	s5 =	simm.s32 @p1 $0x1;
	p0 =	seq.s32 s7, s2  }
0x1e: {  	s7 =	smul.u32 @!p0 $0xF7A, s2;
	p2 =	seq.s32 @!p0 s5, $0x0  }
0x1f: {  	s9 =	smul.u32 $0xF7A, s1;
	s8 =	simm.s32 @!p0 $0x1BF5;
	p2 =	por !p2, p0  }
0x20: {  	[sflag:s8] =	ssyncset.s32 @!p0 $0xFFFFF086;
	s6 =	sadd.s32 @!p0 s3, s7;
	s7 =	simm.s32 @!p0 $0x108  }
0x21: {  	s3 =	sadd.s32 s3, s9;
	s6 =	sadd.s32 @!p0 $0x88, s6;
	s7 =	simm.s32 @p2 $0x1082  }
0x22: {  	[simem:s7], [sflag:s8] =	dma.local @!p0 [hbm:s6], $0xF7A  }
0x23: {  	s9 =	sor.u32 $0xD0000000, s2;
	s6 =	simm.s32 $0x108;
	_ =	swait.ge @!p0 [sflag:s8], $0x0  }
0x24: {  	s3 =	sadd.s32 $0x88, s3;
	s6 =	simm.s32 @!p1 $0x1082;
	[sflag:s4] =	ssyncset.s32 $0xFFFFF086  }
0x25: {  	[simem:s6], [sflag:s4] =	dma.local [hbm:s3], $0xF7A  }
0x26: {  	[smem:$0x3FA0] =	sst s1;
	(tag) =	ssettag s2;
	_ =	strace s9  }
0x27: {  	s1 =	sld [smem:$0x3FB0]  }
0x28: {  	s2 =	sld [smem:$0x3FB1]  }
0x29: {  	s4 =	sld [smem:$0x3FB3]  }
0x2a: {  	p0 =	seq.s32 s5, $0x0;
	s5 =	sld [smem:$0x3FB4]  }
0x2b: {  	s6 =	sld [smem:$0x3FB5]  }
0x2c: {  	s7 =	sld [smem:$0x3FB6]  }
0x2d: {  	s3 =	simm.s32 $0x108;
	s8 =	sld [smem:$0x3FB7]  }
0x2e: {  	s3 =	simm.s32 @!p0 $0x1082;
	s9 =	sld [smem:$0x3FB8]  }
0x2f: {  	lr =	sadd.s32 s0, s3;
	s0 =	sld [smem:$0x3FAF]  }
0x30: {  	s3 =	sld [smem:$0x3FB2]  }
0x31: {  	[smem:$0x3FBB] =	sst s10  }
0x32: {  	s10 =	sld [smem:$0x3FB9];
	_ =	sdelay $0x3  }
0x33: {  	p0 =	seq.s32 s10, $0x1;
	s10 =	sld [smem:$0x3FBB];
	_ =	sdelay $0x3  }
0x34: {  	[smem:$0x3FBB] =	sst s10  }
0x35: {  	s10 =	sld [smem:$0x3FBA];
	_ =	sdelay $0x3  }
0x36: {  	p1 =	seq.s32 s10, $0x1;
	s10 =	sld [smem:$0x3FBB];
	_ =	sdelay $0x3  }
0x37: {  	[smem:$0x3FBB] =	sst s10  }
0x38: {  	s10 =	sld [smem:$0x3FBC]  }
0x39: {  	_ = 	snop;
	(pc) =	sbr.ind lr, $3  }
0x3a: {  	_ = 	snop  }
0x3b: {  	_ = 	snop  }
0x3c: {  	p2 =	seq.s32 s10, $0x1;
	s10 =	sld [smem:$0x3FBB]  }
0x3d: {  	_ =	shalt  }
0x3e: {  	_ =	shalt  }
0x3f: {  	_ =	shalt  }
0x40: {  	_ =	shalt  }
0x41: {  	_ =	shalt  }
0x42: {  	_ =	shalt  }
0x43: {  	_ =	shalt  }
0x44: {  	_ =	shalt  }
0x45: {  	_ =	shalt  }
0x46: {  	_ =	shalt  }
0x47: {  	_ =	shalt  }
0x48: {  	_ =	shalt  }
0x49: {  	_ =	shalt  }
0x4a: {  	_ =	shalt  }
0x4b: {  	_ =	shalt  }
0x4c: {  	_ =	shalt  }
0x4d: {  	_ =	shalt  }
0x4e: {  	_ =	shalt  }
0x4f: {  	_ =	shalt  }
0x50: {  	_ =	shalt  }
0x51: {  	_ =	shalt  }
0x52: {  	_ =	shalt  }
0x53: {  	_ =	shalt  }
0x54: {  	_ =	shalt  }
0x55: {  	_ =	shalt  }
0x56: {  	_ =	shalt  }
0x57: {  	_ =	shalt  }
0x58: {  	_ =	shalt  }
0x59: {  	_ =	shalt  }
0x5a: {  	_ =	shalt  }
0x5b: {  	_ =	shalt  }
0x5c: {  	_ =	shalt  }
0x5d: {  	_ =	shalt  }
0x5e: {  	_ =	shalt  }
0x5f: {  	_ =	shalt  }
0x60: {  	_ =	shalt  }
0x61: {  	_ =	shalt  }
0x62: {  	_ =	shalt  }
0x63: {  	_ =	shalt  }
0x64: {  	_ =	shalt  }
0x65: {  	_ =	shalt  }
0x66: {  	_ =	shalt  }
0x67: {  	_ =	shalt  }
0x68: {  	_ =	shalt  }
0x69: {  	_ =	shalt  }
0x6a: {  	_ =	shalt  }
0x6b: {  	_ =	shalt  }
0x6c: {  	_ =	shalt  }
0x6d: {  	_ =	shalt  }
0x6e: {  	_ =	shalt  }
0x6f: {  	_ =	shalt  }
0x70: {  	_ =	shalt  }
0x71: {  	_ =	shalt  }
0x72: {  	_ =	shalt  }
0x73: {  	_ =	shalt  }
0x74: {  	_ =	shalt  }
0x75: {  	_ =	shalt  }
0x76: {  	_ =	shalt  }
0x77: {  	_ =	shalt  }
0x78: {  	_ =	shalt  }
0x79: {  	_ =	shalt  }
0x7a: {  	_ =	shalt  }
0x7b: {  	_ =	shalt  }
0x7c: {  	_ =	shalt  }
0x7d: {  	_ =	shalt  }
0x7e: {  	_ =	shalt  }
0x7f: {  	_ =	shalt  }
0x80: {  	_ =	shalt  }
0x81: {  	_ =	shalt  }
0x82: {  	_ =	shalt  }
0x83: {  	_ =	shalt  }
0x84: {  	_ =	shalt  }
0x85: {  	_ =	shalt  }
0x86: {  	_ =	shalt  }
0x87: {  	_ =	shalt  }
.Lfunc_end0:
.L_simem_size_0:
called_computation_lowered:
.L_overlay_start_0:
0x88: {  	s2 =	sld [smem:$0x3FD9]  }
0x89: {  	s3 =	sld [smem:$0x3FFE];
	_ =	sdelay $0x1  }
0x8a: {  	s1 =	srdreg.scid  }
0x8b: {  	s0 =	sand.u32 $0x1, s1  }
0x8c: {  	s18 =	sshll.u32 s0, $0xA;
	s2 =	sadd.s32 s3, s2  }
0x8d: {  	s2 =	sadd.s32 s2, s18  }
0x8e: {  	[smem:$0x3FC7] =	sst s2  }
0x8f: {  	_ = 	snop  }
0x90: {  	s2 =	sld [smem:$0x3FC9]  }
0x91: {  	s19 =	sld [smem:$0x3FD0];
	(tm) =	ssettm $0x1  }
0x92: {  	s4 =	sld [smem:$0x3FFB];
	_ =	sdelay $0x3  }
0x93: {  	_ =	strace s4  }
0x94: {  	s4 =	sld [smem:$0x3FFC];
	_ =	sdelay $0x3  }
0x95: {  	_ =	strace s4  }
0x96: {  	s4 =	sld [smem:$0x3FFD];
	_ =	sdelay $0x3  }
0x97: {  	_ =	strace s4  }
0x98: {  	_ =	strace $0x8FFFFFFF  }
0x99: {  	s20 =	sld [smem:$0x3FDB];
	_ =	sdelay $0x1  }
0x9a: {  	s5 =	simm.s32 $_scs_section_size  }
0x9b: {  	s6 =	simm.s32 $_size__tile_overlayer_lowered;
	s7 =	simm.s32 $_tile_overlayer_lowered  }
0x9c: {  	s23 =	simm.s32 $0x1BFF;
	s22 =	sshll.u32 s7, $0x1;
	s4 =	sadd.s32 s5, s20  }
0x9d: {  	s8 =	simm.s32 $0x0;
	s21 =	sshll.u32 s6, $0x1;
	s6 =	sadd.s32 s22, s4  }
0x9e: {  	[timem:s8], [sflag:s23] =	dma.local [hbm:s6], s21  }
0x9f: {  	_ =	swait.ge [sflag:s23], s21  }
0xa0: {  	s5 =	ssub.s32 $0x0, s21;
	[sflag:s23] =	ssyncset.done $0x0  }
0xa1: {  	[sflag:s23] =	ssyncadd.s32 s5;
	_ =	sdelay $0x1  }
0xa2: {  	s24 =	simm.s32 $0x1B8B  }
0xa3: {  	_ =	swait.ge [sflag:s24], $0x1  }
0xa4: {  	[sflag:s24] =	ssyncset.done $0x0  }
0xa5: {  	s25 =	simm.s32 $0x1B8E;
	[sflag:s24] =	ssyncadd.s32 $0xFFFFFFFF  }
0xa6: {  	s26 =	simm.s32 $execute0_lowered;
	[smem:$0x3FD2] =	sst s25  }
0xa7: {  	s5 =	sshll.u32 s26, $0x1;
	_ =	strace $0x80000046;
	[dreg:$0x1] =	wrdreg $0xFFFFFFFF  }
0xa8: {  	s28 =	simm.s32 $_size_execute0_lowered;
	s4 =	sadd.s32 s4, s5;
	[dreg:$0x0] =	wrdreg $0x0  }
0xa9: {  	s5 =	sshll.u32 s28, $0x1;
	[dreg:$0x2] =	wrdreg s4  }
0xaa: {  	[dreg:$0x3] =	wrdreg s5  }
0xab: {  	[dreg:$0x4] =	wrdreg $0xC0  }
0xac: {  	_ =	task [dreg:s8], $0x5FFFF  }
0xad: {  	[dreg:$0x1] =	wrdreg $0xFFFFFFFF  }
0xae: {  	[dreg:$0x0] =	wrdreg $0x60  }
0xaf: {  	[dreg:$0x2] =	wrdreg s2  }
0xb0: {  	[dreg:$0x3] =	wrdreg s19  }
0xb1: {  	[dreg:$0x4] =	wrdreg $0x9  }
0xb2: {  	_ =	task.clear_ibuf [dreg:s8], $0x5FFFF;
	_ =	strace $0x90000046  }
0xb3: {  	s29 =	simm.s32 $0x9;
	_ =	strace $0x80000048  }
0xb4: {  	_ =	swait.ge [sflag:s29], $0x1  }
0xb5: {  	[sflag:s29] =	ssyncadd.s32 $0xFFFFFFFF  }
0xb6: {  	_ =	strace $0x90000048  }
0xb7: {  	_ =	sfence  }
0xb8: {  	s30 =	sld [smem:$0x0];
	_ =	sdelay $0x2  }
0xb9: {  	s31 =	sshll.u32 s1, $0xD;
	s1 =	sshrl.u32 s1, $0x2  }
0xba: {  	s3 =	sand.u32 $0x4000, s31;
	s1 =	sadd.s32 s1, s30  }
0xbb: {  	s0 =	sor.u32 s3, s0;
	s1 =	sshll.u32 s1, $0x11  }
0xbc: {  	s0 =	sor.u32 s1, s0  }
0xbd: {  	s0 =	sadd.s32 $0x8F2B, s0  }
0xbe: {  	[sflag:s0] =	ssyncadd.remote.s32 $0x1  }
0xbf: {  	_ =	sfence.sel $0xFFFF  }
0xc0: {  	[dreg:$0x0] =	wrdreg $0xFFFFFFFF;
	(pc) =	sbr.abs _section_cstart, $3  }
0xc1: {  	[dreg:$0x1] =	wrdreg $0xFFFFFFFF  }
0xc2: {  	_ =	task.clear_ibuf [dreg:s8], $0x2FFFF;
	_ =	strace $0x9FFFFFFF  }
0xc3: {  	(tm) =	ssettm $0x7FFFFFFF  }
tec
execute0_lowered:
.L_overlay_start_1:
0x0: {  	(tag) =	ssettag $0x1  }
0x1: {  	s2 =	rddreg [dreg:$0x0]  }
0x2: {  	s3 =	rddreg [dreg:$0x1]  }
0x3: {  	s0 =	srdreg.scid;
	s1 =	stileid.u32  }
0x4: {  	s4 =	simm.s32 $0x0;
	s13 =	simm.s32 $0x1;
	s14 =	simm.s32 $0x4000  }
0x5: {  	s15 =	simm.s32 $0x2;
	s16 =	simm.s32 $0x8000;
	s17 =	simm.s32 $0x3  }
0x6: {  	s18 =	simm.s32 $0xC000;
	s19 =	simm.s32 $0x4;
	s20 =	simm.s32 $0x5  }
0x7: {  	s21 =	simm.s32 $0x6;
	s22 =	simm.s32 $0x0;
	s0 =	sand.u32 $0x1, s0  }
0x8: {  	s1 =	sshll.u32 s1, $0x2;
	[smem:$0x7FF] =	sst s4;
	s5 =	sshll.u32 s0, $0x1  }
0x9: {  	_ =	strace $0x80000047;
	s0 =	ssub.s32 $0x2, s0;
	s1 =	sor.u32 s5, s1  }
0xa: {  	s7 =	sshrl.u32 s0, $0x1;
	s5 =	sshll.u32 s1, $0x13;
	s1 =	sshll.u32 s1, $0x10  }
0xb: {  	s0 =	ssub.s32 s0, s7;
	s6 =	sor.u32 $0x80000, s5;
	s7 =	sadd.s32 s2, s1  }
0xc: {  	s8 =	sor.u32 $0x8000, s5;
	s10 =	sor.u32 $0x84000, s5;
	s31 =	sshrl.u32 s6, $0x3  }
0xd: {  	v0 =	vimm.f32 $-Inf;
	s11 =	sor.u32 $0x88000, s5;
	s12 =	smax.u32 s0, $0x1;
	s9 =	sadd.s32 s2, s31  }
.LBB2_1:
0xe: {  	s0 =	simm.s32 $0x200;
	s1 =	simm.s32 $0x0  }
.LBB2_2:
0xf: {  	p0 =	sne.s32 s0, $0x1FE00;
	[tilespmem:s1+$0x10000] =	vst v0;
	s1 =	smov.u32 s0;
	s0 =	sadd.s32 $0x200, s0  }
.Ltmp0:
0x10: {  	(pc) =	sbr.rel @p0 .LBB2_2-.Ltmp0, $2  }
0x11: {  	_ =	sdelay $0x2  }
0x12: {  	s1 =	sshra.s32 s1, $0x2  }
0x13: {  	[tilespmem:s1+$0x10000] =	vst v0;
	s23 =	simm.s32 $0x0;
	s24 =	simm.s32 $0x0  }
0x14: {  	[tilespmem:s23], [sflag:$0x1] =	stream.linear.gather [hbm4b:s7+s23], $0x4000, $0x38;
	[tilespmem:$0x18800] =	vst v63  }
.LBB2_4:
0x15: {  	s25 =	sshll.u32 s24, $0xF  }
0x16: {  	s0 =	sor.u32 s25, s5  }
0x17: {  	_ =	swait.ge [sflag:s13], $0x4000;
	s26 =	simm.s32 $0x0;
	s0 =	sshrl.u32 s0, $0x3  }
0x18: {  	s28 =	simm.s32 $0x0;
	[sflag:s13] =	ssyncset.done $0x0;
	s0 =	sadd.s32 s0, s2  }
0x19: {  	s29 =	simm.s32 $0x0;
	[sflag:s13] =	ssyncadd.s32 $0xFFFFC000;
	s0 =	sadd.s32 $0x800, s0  }
0x1a: {  	[tilespmem:s14], [sflag:$0x2] =	stream.linear.gather [hbm4b:s0+s23], $0x4000, $0x38;
	[tilespmem:$0x18800] =	vst v63  }
.LBB2_5:
0x1b: {  	s0 =	sshll.u32 s28, $0x2;
	s1 =	sand.u32 $0x7, s26  }
0x1c: {  	s0 =	sand.u32 $0xFFFFF000, s0;
	s1 =	sshll.u32 s1, $0x6  }
0x1d: {  	s0 =	sor.u32 s1, s0  }
0x1e: {  	s1 =	sshll.u32 s29, $0xB;
	s0 =	sshrl.u32 s0, $0x2  }
0x1f: {  	s30 =	sand.u32 $0x3FFFF800, s1;
	s0 =	sadd.s32 $0xB80, s0  }
0x20: {  	v4 =	vld [tilespmem:s30+$0x10000];
	v1 =	vmov s0  }
0x21: {  	v3 =	vld [tilespmem:s30+$0x10380]  }
0x22: {  	v5 =	vld [tilespmem:s30+$0x10600]  }
0x23: {  	v6 =	vld [tilespmem:s30+$0x10680]  }
0x24: {  	s1 =	simm.s32 $0x0;
	v2 =	vld [tilespmem:s30+$0x10780]  }
0x25: {  	v8 =	vld.idx.msk [tilespmem:v1+s1+$0xFFFFFF80 ss:$0x1], $0xffff  }
0x26: {  	v9 =	vld.idx.msk [tilespmem:v1+s1+$0xFFFFFF00 ss:$0x1], $0xffff  }
0x27: {  	v10 =	vld.idx.msk [tilespmem:v1+s1+$0x0 ss:$0x1], $0xffff  }
0x28: {  	v11 =	vld.idx.msk [tilespmem:v1+s1+$0xFFFFFE80 ss:$0x1], $0xffff  }
0x29: {  	v14 =	vld.idx.msk [tilespmem:v1+s1+$0xFFFFF700 ss:$0x1], $0xffff  }
0x2a: {  	v16 =	vld.idx.msk [tilespmem:v1+s1+$0xFFFFF600 ss:$0x1], $0xffff  }
0x2b: {  	v18 =	vld.idx.msk [tilespmem:v1+s1+$0xFFFFF800 ss:$0x1], $0xffff  }
0x2c: {  	v19 =	vld.idx.msk [tilespmem:v1+s1+$0xFFFFF680 ss:$0x1], $0xffff  }
0x2d: {  	v21 =	vld.idx.msk [tilespmem:v1+s1+$0xFFFFF780 ss:$0x1], $0xffff  }
0x2e: {  	v22 =	vld.idx.msk [tilespmem:v1+s1+$0xFFFFF580 ss:$0x1], $0xffff  }
0x2f: {  	v23 =	vld.idx.msk [tilespmem:v1+s1+$0xFFFFF480 ss:$0x1], $0xffff  }
0x30: {  	v27 =	vld.idx.msk [tilespmem:v1+s1+$0xFFFFF500 ss:$0x1], $0xffff  }
0x31: {  	v13 =	vld.idx.msk [tilespmem:v1+s1+$0xFFFFFE00 ss:$0x1], $0xffff  }
0x32: {  	v12 =	vld.idx.msk [tilespmem:v1+s1+$0xFFFFFD00 ss:$0x1], $0xffff;
	v17 =	vmax.f32 v8, v10;
	v8 =	vmin.f32 v8, v10;
	v10 =	vmax.f32 v11, v9  }
0x33: {  	v15 =	vld.idx.msk [tilespmem:v1+s1+$0xFFFFFC80 ss:$0x1], $0xffff;
	v9 =	vmin.f32 v11, v9;
	v29 =	vmax.f32 v19, v14;
	v31 =	vmax.f32 v21, v18  }
0x34: {  	v20 =	vld.idx.msk [tilespmem:v1+s1+$0xFFFFFD80 ss:$0x1], $0xffff;
	v28 =	vmin.f32 v22, v16;
	v25 =	vmin.f32 v19, v14;
	v26 =	vmin.f32 v21, v18  }
0x35: {  	v7 =	vld [tilespmem:s30+$0x10700];
	v30 =	vmin.f32 v23, v27;
	v11 =	vmax.f32 v10, v17;
	v10 =	vmin.f32 v10, v17  }
0x36: {  	v32 =	vld [tilespmem:s30+$0x10280];
	v17 =	vmax.f32 v9, v8;
	v8 =	vmin.f32 v9, v8;
	v18 =	vmax.f32 v25, v26  }
0x37: {  	v33 =	vld [tilespmem:s30+$0x10300];
	v2 =	vmax.f32 v2, v11;
	v11 =	vmin.f32 v17, v10;
	v24 =	vmax.f32 v17, v10  }
0x38: {  	v34 =	vld [tilespmem:s30+$0x10500];
	v10 =	vmax.f32 v15, v12;
	v12 =	vmin.f32 v15, v12;
	v5 =	vmax.f32 v5, v8  }
0x39: {  	v14 =	vld [tilespmem:s30+$0x10200];
	v17 =	vmin.f32 v20, v13;
	v8 =	vmax.f32 v29, v31;
	v6 =	vmax.f32 v6, v11  }
0x3a: {  	v9 =	vld [tilespmem:s30+$0x10080];
	v7 =	vmax.f32 v7, v24;
	v11 =	vmax.f32 v3, v8;
	v24 =	vmax.f32 v22, v16  }
0x3b: {  	v15 =	vld [tilespmem:s30+$0x10100];
	v3 =	vmin.f32 v29, v31;
	v29 =	vmax.f32 v23, v27;
	v27 =	vmax.f32 v20, v13  }
0x3c: {  	v16 =	vld [tilespmem:s30+$0x10180];
	v31 =	vmax.f32 v30, v28;
	v35 =	vmax.f32 v12, v17;
	v8 =	vmin.f32 v6, v2  }
0x3d: {  	v20 =	vld [tilespmem:s30+$0x10400];
	v21 =	vmax.f32 v18, v3;
	v18 =	vmin.f32 v18, v3;
	v13 =	vmin.f32 v10, v27  }
0x3e: {  	v3 =	vld [tilespmem:s30+$0x10480];
	v19 =	vmin.f32 v5, v7;
	v22 =	vmax.f32 v32, v18;
	v63 =	vmax.f32 v35, v13  }
0x3f: {  	s31 =	simm.s32 $0x4000;
	v18 =	vld [tilespmem:s30+$0x10580];
	v23 =	vmax.f32 v33, v21;
	v13 =	vmin.f32 v35, v13;
	v21 =	vmax.f32 v34, v63  }
.LBB2_6:
0x40: {  	s0 =	sshra.s32 s31, $0x2;
	p0 =	sne.s32 s31, $0xC000;
	s31 =	sadd.s32 $0x4000, s31;
	v32 =	vmin.f32 v29, v24;
	v28 =	vmin.f32 v30, v28;
	v30 =	vmax.f32 v22, v11  }
0x41: {  	v25 =	vmin.f32 v25, v26;
	v33 =	vld.idx.msk [tilespmem:v1+s0+$0xFFFFFF80 ss:$0x1], $0xffff;
	v34 =	vmax.f32 v31, v32;
	v31 =	vmin.f32 v31, v32  }
0x42: {  	v10 =	vmax.f32 v10, v27;
	v27 =	vmin.f32 v19, v8;
	v4 =	vmax.f32 v4, v28;
	v26 =	vld.idx.msk [tilespmem:v1+s0+$0xFFFFFF00 ss:$0x1], $0xffff  }
0x43: {  	v24 =	vmax.f32 v29, v24;
	v12 =	vmin.f32 v12, v17;
	v15 =	vmax.f32 v15, v34;
	v32 =	vld.idx.msk [tilespmem:v1+s0+$0xFFFFFE00 ss:$0x1], $0xffff  }
0x44: {  	v8 =	vmax.f32 v19, v8;
	v12 =	vmax.f32 v20, v12;
	v9 =	vmax.f32 v9, v31;
	v17 =	vld.idx.msk [tilespmem:v1+s0+$0x0 ss:$0x1], $0xffff  }
0x45: {  	v5 =	vmax.f32 v5, v7;
	v2 =	vmax.f32 v6, v2;
	v20 =	vmin.f32 v4, v15;
	v19 =	vld.idx.msk [tilespmem:v1+s0+$0xFFFFFE80 ss:$0x1], $0xffff  }
0x46: {  	v6 =	vmax.f32 v16, v24;
	v7 =	vmax.f32 v5, v2;
	v24 =	vmin.f32 v5, v2;
	v29 =	vld.idx.msk [tilespmem:v1+s0+$0xFFFFF700 ss:$0x1], $0xffff  }
0x47: {  	v34 =	vmin.f32 v12, v21;
	v5 =	vmax.f32 v9, v6;
	v6 =	vmin.f32 v9, v6;
	v31 =	vld.idx.msk [tilespmem:v1+s0+$0xFFFFF600 ss:$0x1], $0xffff  }
0x48: {  	v11 =	vmin.f32 v22, v11;
	v2 =	vmax.f32 v14, v25;
	v18 =	vmax.f32 v18, v10;
	v28 =	vld.idx.msk [tilespmem:v1+s0+$0xFFFFFD00 ss:$0x1], $0xffff  }
0x49: {  	v14 =	vmax.f32 v2, v23;
	v10 =	vmin.f32 v2, v23;
	v21 =	vmax.f32 v12, v21;
	v22 =	vld.idx.msk [tilespmem:v1+s0+$0xFFFFF800 ss:$0x1], $0xffff  }
0x4a: {  	v9 =	vmax.f32 v4, v15;
	v2 =	vmax.f32 v33, v17;
	v12 =	vmin.f32 v33, v17;
	v23 =	vld.idx.msk [tilespmem:v1+s0+$0xFFFFF480 ss:$0x1], $0xffff  }
0x4b: {  	v4 =	vmax.f32 v19, v26;
	v15 =	vmin.f32 v19, v26;
	v19 =	vmin.f32 v10, v11;
	v17 =	vld.idx.msk [tilespmem:v1+s0+$0xFFFFFC80 ss:$0x1], $0xffff  }
0x4c: {  	v16 =	vmax.f32 v4, v2;
	v26 =	vmin.f32 v4, v2;
	v4 =	vmax.f32 v9, v5;
	v25 =	vld.idx.msk [tilespmem:v1+s0+$0xFFFFF680 ss:$0x1], $0xffff  }
0x4d: {  	v35 =	vmax.f32 v15, v12;
	v9 =	vmin.f32 v9, v5;
	v2 =	vmax.f32 v27, v16;
	v33 =	vld.idx.msk [tilespmem:v1+s0+$0xFFFFFD80 ss:$0x1], $0xffff  }
0x4e: {  	v5 =	vmin.f32 v15, v12;
	v15 =	vmax.f32 v20, v6;
	v36 =	vmin.f32 v35, v26;
	v27 =	vld.idx.msk [tilespmem:v1+s0+$0xFFFFF780 ss:$0x1], $0xffff  }
0x4f: {  	v26 =	vmax.f32 v35, v26;
	v16 =	vmin.f32 v20, v6;
	v35 =	vmin.f32 v14, v30;
	v37 =	vld.idx.msk [tilespmem:v1+s0+$0xFFFFF580 ss:$0x1], $0xffff  }
0x50: {  	v39 =	vmax.f32 v10, v11;
	v38 =	vld.idx.msk [tilespmem:v1+s0+$0xFFFFF500 ss:$0x1], $0xffff  }
0x51: {  	v14 =	vmax.f32 v14, v30;
	v10 =	vmax.f32 v17, v28;
	v12 =	vmin.f32 v17, v28  }
0x52: {  	v3 =	vmax.f32 v3, v13;
	v5 =	vmax.f32 v7, v5;
	v6 =	vmax.f32 v24, v36  }
0x53: {  	v11 =	vmax.f32 v3, v18;
	v13 =	vmax.f32 v25, v29;
	v17 =	vmin.f32 v33, v32  }
0x54: {  	v40 =	vmin.f32 v3, v18;
	v3 =	vmin.f32 v21, v11;
	v36 =	vmax.f32 v27, v22  }
0x55: {  	v20 =	vmax.f32 v21, v11;
	v7 =	vmax.f32 v8, v26;
	v18 =	vmax.f32 v13, v36  }
0x56: {  	v8 =	vmin.f32 v6, v2;
	v28 =	vmin.f32 v37, v31;
	v11 =	vmax.f32 v19, v18  }
0x57: {  	v25 =	vmin.f32 v25, v29;
	v26 =	vmin.f32 v27, v22;
	v24 =	vmax.f32 v37, v31  }
0x58: {  	v13 =	vmin.f32 v13, v36;
	v30 =	vmin.f32 v23, v38;
	v19 =	vmax.f32 v25, v26  }
.Ltmp1:
0x59: {  	v29 =	vmax.f32 v23, v38;
	v18 =	vmin.f32 v34, v40;
	v21 =	vmax.f32 v19, v13;
	(pc) =	sbr.rel @p0 .LBB2_6-.Ltmp1, $4  }
0x5a: {  	v27 =	vmax.f32 v33, v32;
	v32 =	vmax.f32 v34, v40;
	v13 =	vmin.f32 v19, v13  }
0x5b: {  	v33 =	vmin.f32 v10, v27;
	v34 =	vmax.f32 v12, v17;
	v31 =	vmax.f32 v30, v28  }
0x5c: {  	v19 =	vmin.f32 v5, v7;
	v22 =	vmax.f32 v35, v13;
	v35 =	vmax.f32 v34, v33  }
0x5d: {  	v23 =	vmax.f32 v39, v21;
	v13 =	vmin.f32 v34, v33;
	v21 =	vmax.f32 v32, v35  }
0x5e: {  	v1 =	vmin.f32 v29, v24;
	v28 =	vmin.f32 v30, v28;
	v46 =	vmax.f32 v29, v24  }
0x5f: {  	v25 =	vmin.f32 v25, v26;
	v51 =	vmax.f32 v22, v11;
	v53 =	vmin.f32 v12, v17  }
0x60: {  	v45 =	vmax.f32 v31, v1;
	v1 =	vmin.f32 v31, v1;
	v14 =	vmax.f32 v14, v25  }
0x61: {  	v4 =	vmax.f32 v4, v28;
	v47 =	vmax.f32 v16, v46;
	v54 =	vmax.f32 v14, v23  }
0x62: {  	v15 =	vmax.f32 v15, v45;
	v1 =	vmax.f32 v9, v1;
	v56 =	vmax.f32 v54, v51  }
0x63: {  	v16 =	vmax.f32 v1, v47;
	v48 =	vmax.f32 v4, v15;
	v12 =	vmin.f32 v54, v51;
	[tilespmem:s30+$0x10200] =	vst v56  }
0x64: {  	v49 =	vmax.f32 v48, v16;
	[tilespmem:s30+$0x10280] =	vst v12  }
0x65: {  	v4 =	vmin.f32 v4, v15;
	v1 =	vmin.f32 v1, v47;
	v50 =	vmin.f32 v48, v16;
	[tilespmem:s30+$0x10000] =	vst v49  }
0x66: {  	v55 =	vmax.f32 v10, v27;
	v52 =	vmax.f32 v4, v1;
	v1 =	vmin.f32 v4, v1;
	[tilespmem:s30+$0x10080] =	vst v50  }
0x67: {  	v3 =	vmax.f32 v3, v13;
	v57 =	vmin.f32 v14, v23;
	[tilespmem:s30+$0x10180] =	vst v1;
	v1 =	vmin.f32 v22, v11  }
0x68: {  	v9 =	vmax.f32 v20, v53;
	v4 =	vmax.f32 v18, v55;
	[tilespmem:s30+$0x10100] =	vst v52;
	v58 =	vmax.f32 v57, v1  }
0x69: {  	v59 =	vmax.f32 v9, v21;
	v60 =	vmax.f32 v3, v4;
	v1 =	vmin.f32 v57, v1;
	[tilespmem:s30+$0x10300] =	vst v58  }
0x6a: {  	v61 =	vmax.f32 v59, v60;
	[tilespmem:s30+$0x10380] =	vst v1  }
0x6b: {  	v3 =	vmin.f32 v3, v4;
	v62 =	vmin.f32 v59, v60;
	v1 =	vmin.f32 v9, v21;
	[tilespmem:s30+$0x10400] =	vst v61  }
0x6c: {  	s29 =	sadd.s32 $0x1, s29;
	[tilespmem:s30+$0x10480] =	vst v62;
	v9 =	vmax.f32 v1, v3  }
0x6d: {  	v63 =	vmax.f32 v5, v7;
	v2 =	vmax.f32 v6, v2;
	p0 =	sne.s32 s29, $0x10;
	v1 =	vmin.f32 v1, v3;
	[tilespmem:s30+$0x10500] =	vst v9  }
.Ltmp2:
0x6e: {  	v3 =	vmax.f32 v63, v2;
	[tilespmem:s30+$0x10580] =	vst v1;
	(pc) =	sbr.rel @p0 .LBB2_5-.Ltmp2, $4  }
0x6f: {  	v1 =	vmin.f32 v63, v2;
	[tilespmem:s30+$0x10600] =	vst v3  }
0x70: {  	v2 =	vmax.f32 v19, v8;
	[tilespmem:s30+$0x10680] =	vst v1  }
0x71: {  	v1 =	vmin.f32 v19, v8;
	[tilespmem:s30+$0x10700] =	vst v2  }
0x72: {  	s28 =	sadd.s32 $0x80, s28;
	s26 =	sadd.s32 $0x1, s26;
	[tilespmem:s30+$0x10780] =	vst v1  }
0x73: {  	p0 =	seq.s32 s24, $0xF;
	_ =	swait.ge [sflag:s15], $0x4000  }
0x74: {  	s26 =	simm.s32 $0x0;
	s28 =	simm.s32 $0x0;
	s0 =	sadd.s32 @!p0 s8, s25  }
0x75: {  	[sflag:s15] =	ssyncset.done $0x0;
	s1 =	simm.s32 @!p0 $0x0;
	s0 =	sshrl.u32 @!p0 s0, $0x3  }
0x76: {  	s25 =	simm.s32 $0x0;
	[sflag:s15] =	ssyncadd.s32 $0xFFFFC000;
	s0 =	sadd.s32 @!p0 s2, s0  }
0x77: {  	[tilespmem:s1], [sflag:$0x1] =	stream.linear.gather @!p0 [hbm4b:s0+s1], $0x4000, $0x38;
	[tilespmem:$0x18800] =	vst v63  }
.LBB2_9:
0x78: {  	s0 =	sshll.u32 s26, $0x2;
	s1 =	sand.u32 $0x7, s25  }
0x79: {  	s0 =	sand.u32 $0xFFFFF000, s0;
	s1 =	sshll.u32 s1, $0x6  }
0x7a: {  	s0 =	sor.u32 s1, s0  }
0x7b: {  	s31 =	sshll.u32 s28, $0xB;
	s0 =	sshrl.u32 s0, $0x2  }
0x7c: {  	s29 =	sand.u32 $0x3FFFF800, s31;
	s0 =	sadd.s32 $0x4B80, s0  }
0x7d: {  	v4 =	vld [tilespmem:s29+$0x10000];
	v1 =	vmov s0  }
0x7e: {  	v3 =	vld [tilespmem:s29+$0x10380]  }
0x7f: {  	v5 =	vld [tilespmem:s29+$0x10600]  }
0x80: {  	v6 =	vld [tilespmem:s29+$0x10680]  }
0x81: {  	s31 =	simm.s32 $0x0;
	v2 =	vld [tilespmem:s29+$0x10780]  }
0x82: {  	v8 =	vld.idx.msk [tilespmem:v1+s31+$0xFFFFFF80 ss:$0x1], $0xffff  }
0x83: {  	v9 =	vld.idx.msk [tilespmem:v1+s31+$0xFFFFFF00 ss:$0x1], $0xffff  }
0x84: {  	v10 =	vld.idx.msk [tilespmem:v1+s31+$0x0 ss:$0x1], $0xffff  }
0x85: {  	v11 =	vld.idx.msk [tilespmem:v1+s31+$0xFFFFFE80 ss:$0x1], $0xffff  }
0x86: {  	v14 =	vld.idx.msk [tilespmem:v1+s31+$0xFFFFF700 ss:$0x1], $0xffff  }
0x87: {  	v16 =	vld.idx.msk [tilespmem:v1+s31+$0xFFFFF600 ss:$0x1], $0xffff  }
0x88: {  	v18 =	vld.idx.msk [tilespmem:v1+s31+$0xFFFFF800 ss:$0x1], $0xffff  }
0x89: {  	v19 =	vld.idx.msk [tilespmem:v1+s31+$0xFFFFF680 ss:$0x1], $0xffff  }
0x8a: {  	v21 =	vld.idx.msk [tilespmem:v1+s31+$0xFFFFF780 ss:$0x1], $0xffff  }
0x8b: {  	v22 =	vld.idx.msk [tilespmem:v1+s31+$0xFFFFF580 ss:$0x1], $0xffff  }
0x8c: {  	v23 =	vld.idx.msk [tilespmem:v1+s31+$0xFFFFF480 ss:$0x1], $0xffff  }
0x8d: {  	v27 =	vld.idx.msk [tilespmem:v1+s31+$0xFFFFF500 ss:$0x1], $0xffff  }
0x8e: {  	v13 =	vld.idx.msk [tilespmem:v1+s31+$0xFFFFFE00 ss:$0x1], $0xffff  }
0x8f: {  	v12 =	vld.idx.msk [tilespmem:v1+s31+$0xFFFFFD00 ss:$0x1], $0xffff;
	v17 =	vmax.f32 v8, v10;
	v8 =	vmin.f32 v8, v10;
	v10 =	vmax.f32 v11, v9  }
0x90: {  	v15 =	vld.idx.msk [tilespmem:v1+s31+$0xFFFFFC80 ss:$0x1], $0xffff;
	v9 =	vmin.f32 v11, v9;
	v29 =	vmax.f32 v19, v14;
	v31 =	vmax.f32 v21, v18  }
0x91: {  	v20 =	vld.idx.msk [tilespmem:v1+s31+$0xFFFFFD80 ss:$0x1], $0xffff;
	v28 =	vmin.f32 v22, v16;
	v25 =	vmin.f32 v19, v14;
	v26 =	vmin.f32 v21, v18  }
0x92: {  	v7 =	vld [tilespmem:s29+$0x10700];
	v30 =	vmin.f32 v23, v27;
	v11 =	vmax.f32 v10, v17;
	v10 =	vmin.f32 v10, v17  }
0x93: {  	v32 =	vld [tilespmem:s29+$0x10280];
	v17 =	vmax.f32 v9, v8;
	v8 =	vmin.f32 v9, v8;
	v18 =	vmax.f32 v25, v26  }
0x94: {  	v33 =	vld [tilespmem:s29+$0x10300];
	v2 =	vmax.f32 v2, v11;
	v11 =	vmin.f32 v17, v10;
	v24 =	vmax.f32 v17, v10  }
0x95: {  	v34 =	vld [tilespmem:s29+$0x10500];
	v10 =	vmax.f32 v15, v12;
	v12 =	vmin.f32 v15, v12;
	v5 =	vmax.f32 v5, v8  }
0x96: {  	v14 =	vld [tilespmem:s29+$0x10200];
	v17 =	vmin.f32 v20, v13;
	v8 =	vmax.f32 v29, v31;
	v6 =	vmax.f32 v6, v11  }
0x97: {  	v9 =	vld [tilespmem:s29+$0x10080];
	v7 =	vmax.f32 v7, v24;
	v11 =	vmax.f32 v3, v8;
	v24 =	vmax.f32 v22, v16  }
0x98: {  	v15 =	vld [tilespmem:s29+$0x10100];
	v3 =	vmin.f32 v29, v31;
	v29 =	vmax.f32 v23, v27;
	v27 =	vmax.f32 v20, v13  }
0x99: {  	v16 =	vld [tilespmem:s29+$0x10180];
	v31 =	vmax.f32 v30, v28;
	v35 =	vmax.f32 v12, v17;
	v8 =	vmin.f32 v6, v2  }
0x9a: {  	v20 =	vld [tilespmem:s29+$0x10400];
	v21 =	vmax.f32 v18, v3;
	v18 =	vmin.f32 v18, v3;
	v13 =	vmin.f32 v10, v27  }
0x9b: {  	v3 =	vld [tilespmem:s29+$0x10480];
	v19 =	vmin.f32 v5, v7;
	v22 =	vmax.f32 v32, v18;
	v63 =	vmax.f32 v35, v13  }
0x9c: {  	s30 =	simm.s32 $0x4000;
	v18 =	vld [tilespmem:s29+$0x10580];
	v23 =	vmax.f32 v33, v21;
	v13 =	vmin.f32 v35, v13;
	v21 =	vmax.f32 v34, v63  }
.LBB2_10:
0x9d: {  	s0 =	sshra.s32 s30, $0x2;
	p0 =	sne.s32 s30, $0xC000;
	s30 =	sadd.s32 $0x4000, s30;
	v32 =	vmin.f32 v29, v24;
	v28 =	vmin.f32 v30, v28;
	v30 =	vmax.f32 v22, v11  }
0x9e: {  	v25 =	vmin.f32 v25, v26;
	v33 =	vld.idx.msk [tilespmem:v1+s0+$0xFFFFFF80 ss:$0x1], $0xffff;
	v34 =	vmax.f32 v31, v32;
	v31 =	vmin.f32 v31, v32  }
0x9f: {  	v10 =	vmax.f32 v10, v27;
	v27 =	vmin.f32 v19, v8;
	v4 =	vmax.f32 v4, v28;
	v26 =	vld.idx.msk [tilespmem:v1+s0+$0xFFFFFF00 ss:$0x1], $0xffff  }
0xa0: {  	v24 =	vmax.f32 v29, v24;
	v12 =	vmin.f32 v12, v17;
	v15 =	vmax.f32 v15, v34;
	v32 =	vld.idx.msk [tilespmem:v1+s0+$0xFFFFFE00 ss:$0x1], $0xffff  }
0xa1: {  	v8 =	vmax.f32 v19, v8;
	v12 =	vmax.f32 v20, v12;
	v9 =	vmax.f32 v9, v31;
	v17 =	vld.idx.msk [tilespmem:v1+s0+$0x0 ss:$0x1], $0xffff  }
0xa2: {  	v5 =	vmax.f32 v5, v7;
	v2 =	vmax.f32 v6, v2;
	v20 =	vmin.f32 v4, v15;
	v19 =	vld.idx.msk [tilespmem:v1+s0+$0xFFFFFE80 ss:$0x1], $0xffff  }
0xa3: {  	v6 =	vmax.f32 v16, v24;
	v7 =	vmax.f32 v5, v2;
	v24 =	vmin.f32 v5, v2;
	v29 =	vld.idx.msk [tilespmem:v1+s0+$0xFFFFF700 ss:$0x1], $0xffff  }
0xa4: {  	v34 =	vmin.f32 v12, v21;
	v5 =	vmax.f32 v9, v6;
	v6 =	vmin.f32 v9, v6;
	v31 =	vld.idx.msk [tilespmem:v1+s0+$0xFFFFF600 ss:$0x1], $0xffff  }
0xa5: {  	v11 =	vmin.f32 v22, v11;
	v2 =	vmax.f32 v14, v25;
	v18 =	vmax.f32 v18, v10;
	v28 =	vld.idx.msk [tilespmem:v1+s0+$0xFFFFFD00 ss:$0x1], $0xffff  }
0xa6: {  	v14 =	vmax.f32 v2, v23;
	v10 =	vmin.f32 v2, v23;
	v21 =	vmax.f32 v12, v21;
	v22 =	vld.idx.msk [tilespmem:v1+s0+$0xFFFFF800 ss:$0x1], $0xffff  }
0xa7: {  	v9 =	vmax.f32 v4, v15;
	v2 =	vmax.f32 v33, v17;
	v12 =	vmin.f32 v33, v17;
	v23 =	vld.idx.msk [tilespmem:v1+s0+$0xFFFFF480 ss:$0x1], $0xffff  }
0xa8: {  	v4 =	vmax.f32 v19, v26;
	v15 =	vmin.f32 v19, v26;
	v19 =	vmin.f32 v10, v11;
	v17 =	vld.idx.msk [tilespmem:v1+s0+$0xFFFFFC80 ss:$0x1], $0xffff  }
0xa9: {  	v16 =	vmax.f32 v4, v2;
	v26 =	vmin.f32 v4, v2;
	v4 =	vmax.f32 v9, v5;
	v25 =	vld.idx.msk [tilespmem:v1+s0+$0xFFFFF680 ss:$0x1], $0xffff  }
0xaa: {  	v35 =	vmax.f32 v15, v12;
	v9 =	vmin.f32 v9, v5;
	v2 =	vmax.f32 v27, v16;
	v33 =	vld.idx.msk [tilespmem:v1+s0+$0xFFFFFD80 ss:$0x1], $0xffff  }
0xab: {  	v5 =	vmin.f32 v15, v12;
	v15 =	vmax.f32 v20, v6;
	v36 =	vmin.f32 v35, v26;
	v27 =	vld.idx.msk [tilespmem:v1+s0+$0xFFFFF780 ss:$0x1], $0xffff  }
0xac: {  	v26 =	vmax.f32 v35, v26;
	v16 =	vmin.f32 v20, v6;
	v35 =	vmin.f32 v14, v30;
	v37 =	vld.idx.msk [tilespmem:v1+s0+$0xFFFFF580 ss:$0x1], $0xffff  }
0xad: {  	v39 =	vmax.f32 v10, v11;
	v38 =	vld.idx.msk [tilespmem:v1+s0+$0xFFFFF500 ss:$0x1], $0xffff  }
0xae: {  	v14 =	vmax.f32 v14, v30;
	v10 =	vmax.f32 v17, v28;
	v12 =	vmin.f32 v17, v28  }
0xaf: {  	v3 =	vmax.f32 v3, v13;
	v5 =	vmax.f32 v7, v5;
	v6 =	vmax.f32 v24, v36  }
0xb0: {  	v11 =	vmax.f32 v3, v18;
	v13 =	vmax.f32 v25, v29;
	v17 =	vmin.f32 v33, v32  }
0xb1: {  	v40 =	vmin.f32 v3, v18;
	v3 =	vmin.f32 v21, v11;
	v36 =	vmax.f32 v27, v22  }
0xb2: {  	v20 =	vmax.f32 v21, v11;
	v7 =	vmax.f32 v8, v26;
	v18 =	vmax.f32 v13, v36  }
0xb3: {  	v8 =	vmin.f32 v6, v2;
	v28 =	vmin.f32 v37, v31;
	v11 =	vmax.f32 v19, v18  }
0xb4: {  	v25 =	vmin.f32 v25, v29;
	v26 =	vmin.f32 v27, v22;
	v24 =	vmax.f32 v37, v31  }
0xb5: {  	v13 =	vmin.f32 v13, v36;
	v30 =	vmin.f32 v23, v38;
	v19 =	vmax.f32 v25, v26  }
.Ltmp3:
0xb6: {  	v29 =	vmax.f32 v23, v38;
	v18 =	vmin.f32 v34, v40;
	v21 =	vmax.f32 v19, v13;
	(pc) =	sbr.rel @p0 .LBB2_10-.Ltmp3, $4  }
0xb7: {  	v27 =	vmax.f32 v33, v32;
	v32 =	vmax.f32 v34, v40;
	v13 =	vmin.f32 v19, v13  }
0xb8: {  	v33 =	vmin.f32 v10, v27;
	v34 =	vmax.f32 v12, v17;
	v31 =	vmax.f32 v30, v28  }
0xb9: {  	v19 =	vmin.f32 v5, v7;
	v22 =	vmax.f32 v35, v13;
	v35 =	vmax.f32 v34, v33  }
0xba: {  	v23 =	vmax.f32 v39, v21;
	v13 =	vmin.f32 v34, v33;
	v21 =	vmax.f32 v32, v35  }
0xbb: {  	v1 =	vmin.f32 v29, v24;
	v28 =	vmin.f32 v30, v28;
	v46 =	vmax.f32 v29, v24  }
0xbc: {  	v25 =	vmin.f32 v25, v26;
	v51 =	vmax.f32 v22, v11;
	v53 =	vmin.f32 v12, v17  }
0xbd: {  	v45 =	vmax.f32 v31, v1;
	v1 =	vmin.f32 v31, v1;
	v14 =	vmax.f32 v14, v25  }
0xbe: {  	v4 =	vmax.f32 v4, v28;
	v47 =	vmax.f32 v16, v46;
	v54 =	vmax.f32 v14, v23  }
0xbf: {  	v15 =	vmax.f32 v15, v45;
	v1 =	vmax.f32 v9, v1;
	v56 =	vmax.f32 v54, v51  }
0xc0: {  	v16 =	vmax.f32 v1, v47;
	v48 =	vmax.f32 v4, v15;
	v12 =	vmin.f32 v54, v51;
	[tilespmem:s29+$0x10200] =	vst v56  }
0xc1: {  	v49 =	vmax.f32 v48, v16;
	[tilespmem:s29+$0x10280] =	vst v12  }
0xc2: {  	v4 =	vmin.f32 v4, v15;
	v1 =	vmin.f32 v1, v47;
	v50 =	vmin.f32 v48, v16;
	[tilespmem:s29+$0x10000] =	vst v49  }
0xc3: {  	v55 =	vmax.f32 v10, v27;
	v52 =	vmax.f32 v4, v1;
	v1 =	vmin.f32 v4, v1;
	[tilespmem:s29+$0x10080] =	vst v50  }
0xc4: {  	v3 =	vmax.f32 v3, v13;
	v57 =	vmin.f32 v14, v23;
	[tilespmem:s29+$0x10180] =	vst v1;
	v1 =	vmin.f32 v22, v11  }
0xc5: {  	v9 =	vmax.f32 v20, v53;
	v4 =	vmax.f32 v18, v55;
	[tilespmem:s29+$0x10100] =	vst v52;
	v58 =	vmax.f32 v57, v1  }
0xc6: {  	v59 =	vmax.f32 v9, v21;
	v60 =	vmax.f32 v3, v4;
	v1 =	vmin.f32 v57, v1;
	[tilespmem:s29+$0x10300] =	vst v58  }
0xc7: {  	v61 =	vmax.f32 v59, v60;
	[tilespmem:s29+$0x10380] =	vst v1  }
0xc8: {  	v3 =	vmin.f32 v3, v4;
	v62 =	vmin.f32 v59, v60;
	v1 =	vmin.f32 v9, v21;
	[tilespmem:s29+$0x10400] =	vst v61  }
0xc9: {  	s28 =	sadd.s32 $0x1, s28;
	[tilespmem:s29+$0x10480] =	vst v62;
	v9 =	vmax.f32 v1, v3  }
0xca: {  	v63 =	vmax.f32 v5, v7;
	v2 =	vmax.f32 v6, v2;
	p0 =	sne.s32 s28, $0x10;
	v1 =	vmin.f32 v1, v3;
	[tilespmem:s29+$0x10500] =	vst v9  }
.Ltmp4:
0xcb: {  	v3 =	vmax.f32 v63, v2;
	[tilespmem:s29+$0x10580] =	vst v1;
	(pc) =	sbr.rel @p0 .LBB2_9-.Ltmp4, $4  }
0xcc: {  	v1 =	vmin.f32 v63, v2;
	[tilespmem:s29+$0x10600] =	vst v3  }
0xcd: {  	v2 =	vmax.f32 v19, v8;
	[tilespmem:s29+$0x10680] =	vst v1  }
0xce: {  	v1 =	vmin.f32 v19, v8;
	[tilespmem:s29+$0x10700] =	vst v2  }
0xcf: {  	s26 =	sadd.s32 $0x80, s26;
	s25 =	sadd.s32 $0x1, s25;
	[tilespmem:s29+$0x10780] =	vst v1  }
0xd0: {  	s24 =	sadd.s32 $0x1, s24  }
0xd1: {  	p0 =	sne.s32 s24, $0x10  }
.Ltmp5:
0xd2: {  	_ = 	snop;
	(pc) =	sbr.rel @p0 .LBB2_4-.Ltmp5, $1  }
0xd3: {  	_ =	sdelay $0x3  }
0xd4: {  	s0 =	simm.s32 $0x0  }
0xd5: {  	[tilespmem:s16], [sflag:$0x3] =	stream.linear.gather [hbm4b:s7+s0], $0x4000, $0x38;
	[tilespmem:$0x18800] =	vst v63  }
0xd6: {  	s23 =	simm.s32 $0x10400  }
0xd7: {  	[tilespmem:s0], [sflag:$0x1] =	stream.linear.gather [hbm4b:s9+s0], $0x4000, $0x38;
	[tilespmem:$0x18800] =	vst v63  }
0xd8: {  	v8 =	vld [tilespmem:s23+$0xFFFFFE00]  }
0xd9: {  	v9 =	vld [tilespmem:s23+$0xFFFFFD80]  }
0xda: {  	v11 =	vld [tilespmem:s23+$0xFFFFFF00]  }
0xdb: {  	v12 =	vld [tilespmem:s23+$0xFFFFFC80]  }
0xdc: {  	v13 =	vld [tilespmem:s23+$0xFFFFFE80]  }
0xdd: {  	v14 =	vld [tilespmem:s23+$0xFFFFFD00]  }
0xde: {  	v10 =	vld [tilespmem:s23+$0xFFFFFF80]  }
0xdf: {  	v15 =	vld [tilespmem:s23+$0xFFFFFC00]  }
0xe0: {  	v1 =	vld [tilespmem:s23+$0x200]  }
0xe1: {  	v2 =	vld [tilespmem:s23+$0x180]  }
0xe2: {  	v4 =	vld [tilespmem:s23+$0x300]  }
0xe3: {  	v6 =	vld [tilespmem:s23+$0x80]  }
0xe4: {  	v3 =	vld [tilespmem:s23+$0x280]  }
0xe5: {  	v5 =	vld [tilespmem:s23+$0x100]  }
0xe6: {  	v7 =	vld [tilespmem:s23+$0x380]  }
0xe7: {  	v9 =	vmax.f32 v9, v8;
	v8 =	vld [tilespmem:s23+$0x0]  }
0xe8: {  	s24 =	simm.s32 $0x200;
	v10 =	vmax.f32 v15, v10;
	v12 =	vmax.f32 v12, v11;
	v11 =	vmax.f32 v14, v13  }
.LBB2_14:
0xe9: {  	p0 =	sne.s32 s24, $0x1E00;
	v13 =	vmax.f32 v10, v11;
	v14 =	vmax.f32 v12, v9;
	v9 =	vmin.f32 v12, v9  }
0xea: {  	v10 =	vmin.f32 v10, v11;
	v11 =	vmax.f32 v13, v14;
	v12 =	vmin.f32 v13, v14  }
0xeb: {  	v4 =	vmax.f32 v6, v4;
	v1 =	vmax.f32 v2, v1;
	v13 =	vmax.f32 v10, v9  }
0xec: {  	v3 =	vmax.f32 v5, v3;
	v5 =	vmax.f32 v4, v1;
	v2 =	vmax.f32 v8, v7  }
0xed: {  	v1 =	vmin.f32 v4, v1;
	v6 =	vmax.f32 v2, v3;
	v2 =	vmin.f32 v2, v3  }
0xee: {  	v3 =	vmin.f32 v10, v9;
	v4 =	vmax.f32 v6, v5;
	v7 =	vmin.f32 v2, v1  }
0xef: {  	v5 =	vmin.f32 v6, v5;
	v1 =	vmax.f32 v2, v1;
	v2 =	vmax.f32 v11, v7  }
0xf0: {  	v1 =	vmax.f32 v12, v1;
	v5 =	vmax.f32 v13, v5;
	v3 =	vmax.f32 v3, v4  }
0xf1: {  	v2 =	vmin.f32 v2, v5;
	v1 =	vmin.f32 v1, v3  }
0xf2: {  	s1 =	sshra.s32 s0, $0x2;
	s0 =	smov.u32 s24;
	v1 =	vmin.f32 v2, v1  }
0xf3: {  	s23 =	sadd.s32 $0x800, s23;
	[tilespmem:s1+$0x18000] =	vst v1  }
0xf4: {  	v9 =	vld [tilespmem:s23+$0xFFFFFE00]  }
0xf5: {  	v10 =	vld [tilespmem:s23+$0xFFFFFD80]  }
0xf6: {  	v11 =	vld [tilespmem:s23+$0xFFFFFF00]  }
0xf7: {  	v12 =	vld [tilespmem:s23+$0xFFFFFC80]  }
0xf8: {  	v13 =	vld [tilespmem:s23+$0xFFFFFE80]  }
0xf9: {  	v14 =	vld [tilespmem:s23+$0xFFFFFD00]  }
0xfa: {  	v15 =	vld [tilespmem:s23+$0xFFFFFF80]  }
0xfb: {  	v16 =	vld [tilespmem:s23+$0xFFFFFC00]  }
0xfc: {  	v1 =	vld [tilespmem:s23+$0x200]  }
0xfd: {  	v2 =	vld [tilespmem:s23+$0x180]  }
0xfe: {  	v4 =	vld [tilespmem:s23+$0x300]  }
0xff: {  	v6 =	vld [tilespmem:s23+$0x80]  }
.Ltmp6:
0x100: {  	v3 =	vld [tilespmem:s23+$0x280];
	(pc) =	sbr.rel @p0 .LBB2_14-.Ltmp6, $4  }
0x101: {  	v5 =	vld [tilespmem:s23+$0x100]  }
0x102: {  	v7 =	vld [tilespmem:s23+$0x380]  }
0x103: {  	v9 =	vmax.f32 v10, v9;
	v8 =	vld [tilespmem:s23+$0x0]  }
0x104: {  	s24 =	sadd.s32 $0x200, s24;
	v12 =	vmax.f32 v12, v11;
	v11 =	vmax.f32 v14, v13;
	v10 =	vmax.f32 v16, v15  }
0x105: {  	v13 =	vmax.f32 v10, v11;
	v14 =	vmax.f32 v12, v9;
	v55 =	vmin.f32 v12, v9  }
0x106: {  	v56 =	vmin.f32 v10, v11;
	v4 =	vmax.f32 v6, v4;
	v1 =	vmax.f32 v2, v1  }
0x107: {  	v57 =	vmax.f32 v13, v14;
	v58 =	vmin.f32 v13, v14;
	v59 =	vmax.f32 v56, v55  }
0x108: {  	v3 =	vmax.f32 v5, v3;
	v60 =	vmax.f32 v4, v1;
	v2 =	vmax.f32 v8, v7  }
0x109: {  	v1 =	vmin.f32 v4, v1;
	v61 =	vmax.f32 v2, v3;
	v2 =	vmin.f32 v2, v3  }
0x10a: {  	v3 =	vmin.f32 v56, v55;
	v62 =	vmax.f32 v61, v60;
	v63 =	vmin.f32 v2, v1  }
0x10b: {  	v5 =	vmin.f32 v61, v60;
	v1 =	vmax.f32 v2, v1;
	v2 =	vmax.f32 v57, v63  }
0x10c: {  	v1 =	vmax.f32 v58, v1;
	v5 =	vmax.f32 v59, v5;
	v3 =	vmax.f32 v3, v62  }
0x10d: {  	v2 =	vmin.f32 v2, v5;
	v1 =	vmin.f32 v1, v3  }
0x10e: {  	s0 =	sshra.s32 s0, $0x2;
	v1 =	vmin.f32 v2, v1  }
0x10f: {  	s1 =	simm.s32 $0x0;
	[tilespmem:s0+$0x18000] =	vst v1;
	s0 =	simm.s32 $0x200  }
.LBB2_16:
0x110: {  	p0 =	sne.s32 s0, $0x1FE00;
	[tilespmem:s1+$0x10000] =	vst v0;
	s1 =	smov.u32 s0;
	s0 =	sadd.s32 $0x200, s0  }
.Ltmp7:
0x111: {  	(pc) =	sbr.rel @p0 .LBB2_16-.Ltmp7, $2  }
0x112: {  	_ =	sdelay $0x2  }
0x113: {  	s1 =	sshra.s32 s1, $0x2  }
0x114: {  	[tilespmem:s1+$0x10000] =	vst v0;
	s23 =	simm.s32 $0x0;
	s24 =	simm.s32 $0x0  }
.LBB2_18:
0x115: {  	_ =	swait.ge [sflag:s17], $0x4000  }
0x116: {  	s26 =	sshll.u32 s24, $0xF;
	p0 =	seq.s32 s24, $0x0;
	[sflag:s17] =	ssyncset.done $0x0  }
0x117: {  	s0 =	sor.u32 $0x4000, s26;
	s1 =	simm.s32 @!p0 $0x6;
	[sflag:s17] =	ssyncadd.s32 $0xFFFFC000  }
0x118: {  	s25 =	sor.u32 s5, s0;
	_ =	swait.ge @!p0 [sflag:s1], $0x4000  }
0x119: {  	s25 =	sshrl.u32 s25, $0x3;
	[sflag:s1] =	ssyncset.done @!p0 $0x0  }
0x11a: {  	s31 =	sadd.s32 s2, s25;
	[sflag:s1] =	ssyncadd.s32 @!p0 $0xFFFFC000  }
0x11b: {  	[tilespmem:s18], [sflag:$0x4] =	stream.linear.gather [hbm4b:s31+s23], $0x4000, $0x38;
	[tilespmem:$0x18800] =	vst v63  }
0x11c: {  	s0 =	sor.u32 s6, s0;
	_ =	swait.ge [sflag:s13], $0x4000  }
0x11d: {  	s0 =	sshrl.u32 s0, $0x3;
	[sflag:s13] =	ssyncset.done $0x0  }
0x11e: {  	s0 =	sadd.s32 s2, s0;
	[sflag:s13] =	ssyncadd.s32 $0xFFFFC000  }
0x11f: {  	[tilespmem:s14], [sflag:$0x2] =	stream.linear.gather [hbm4b:s0+s23], $0x4000, $0x38;
	[tilespmem:$0x18800] =	vst v63  }
0x120: {  	s28 =	simm.s32 $0x0;
	s29 =	simm.s32 $0x0;
	s0 =	simm.s32 $0x0  }
.LBB2_19:
0x121: {  	s1 =	sshll.u32 s28, $0x2;
	s30 =	sand.u32 $0x7, s0  }
0x122: {  	s1 =	sand.u32 $0xFFFFF000, s1;
	s30 =	sshll.u32 s30, $0x6  }
0x123: {  	s1 =	sor.u32 s30, s1  }
0x124: {  	s1 =	sshrl.u32 s1, $0x2  }
0x125: {  	s1 =	sadd.s32 $0x8200, s1  }
0x126: {  	v1 =	vmov s1;
	_ =	sdelay $0x1  }
0x127: {  	s31 =	sshll.u32 s29, $0x7  }
0x128: {  	s1 =	sand.u32 $0x3FFFFF80, s31  }
0x129: {  	s30 =	simm.s32 $0x0;
	v2 =	vld [tilespmem:s1+$0x18000]  }
0x12a: {  	v9 =	vld.idx.msk [tilespmem:v1+s30+$0xFFFFFE00 ss:$0x1], $0xffff  }
0x12b: {  	v8 =	vld.idx.msk [tilespmem:v1+s30+$0xFFFFFE80 ss:$0x1], $0xffff  }
0x12c: {  	v7 =	vld.idx.msk [tilespmem:v1+s30+$0xFFFFFF00 ss:$0x1], $0xffff  }
0x12d: {  	v6 =	vld.idx.msk [tilespmem:v1+s30+$0xFFFFFF80 ss:$0x1], $0xffff  }
0x12e: {  	v5 =	vld.idx.msk [tilespmem:v1+s30+$0x0 ss:$0x1], $0xffff  }
0x12f: {  	v4 =	vld.idx.msk [tilespmem:v1+s30+$0x80 ss:$0x1], $0xffff  }
0x130: {  	s1 =	simm.s32 $0x2000;
	v3 =	vld.idx.msk [tilespmem:v1+s30+$0x100 ss:$0x1], $0xffff;
	vm0 =	vge.f32 v9, v2  }
.LBB2_20:
0x131: {  	p0 =	sne.s32 s1, $0xE000;
	v9 =	vsel vm0, $0x0, v9;
	vm0 =	vge.f32 v8, v2;
	v10 =	vld.idx.msk [tilespmem:v1+s30+$0x180 ss:$0x1], $0xffff  }
0x132: {  	s31 =	sshra.s32 s1, $0x2;
	[tilespmem:v1+s30+$0xFFFFFE00 ss:$0x1] =	vst.idx.msk $0xffff, v9;
	v8 =	vsel vm0, $0x0, v8;
	vm0 =	vge.f32 v7, v2  }
0x133: {  	v9 =	vld.idx.msk [tilespmem:v1+s31+$0xFFFFFE00 ss:$0x1], $0xffff;
	[tilespmem:v1+s30+$0xFFFFFE80 ss:$0x1] =	vst.idx.msk $0xffff, v8;
	v7 =	vsel vm0, $0x0, v7;
	vm0 =	vge.f32 v6, v2  }
0x134: {  	v8 =	vld.idx.msk [tilespmem:v1+s31+$0xFFFFFE80 ss:$0x1], $0xffff;
	[tilespmem:v1+s30+$0xFFFFFF00 ss:$0x1] =	vst.idx.msk $0xffff, v7;
	v6 =	vsel vm0, $0x0, v6;
	vm0 =	vge.f32 v5, v2  }
.Ltmp8:
0x135: {  	v7 =	vld.idx.msk [tilespmem:v1+s31+$0xFFFFFF00 ss:$0x1], $0xffff;
	[tilespmem:v1+s30+$0xFFFFFF80 ss:$0x1] =	vst.idx.msk $0xffff, v6;
	v5 =	vsel vm0, $0x0, v5;
	vm0 =	vge.f32 v4, v2;
	(pc) =	sbr.rel @p0 .LBB2_20-.Ltmp8, $4  }
0x136: {  	v6 =	vld.idx.msk [tilespmem:v1+s31+$0xFFFFFF80 ss:$0x1], $0xffff;
	[tilespmem:v1+s30+$0x0 ss:$0x1] =	vst.idx.msk $0xffff, v5;
	v4 =	vsel vm0, $0x0, v4;
	vm0 =	vge.f32 v3, v2  }
0x137: {  	v5 =	vld.idx.msk [tilespmem:v1+s31+$0x0 ss:$0x1], $0xffff;
	[tilespmem:v1+s30+$0x80 ss:$0x1] =	vst.idx.msk $0xffff, v4;
	v3 =	vsel vm0, $0x0, v3;
	vm0 =	vge.f32 v10, v2  }
0x138: {  	v4 =	vld.idx.msk [tilespmem:v1+s31+$0x80 ss:$0x1], $0xffff;
	[tilespmem:v1+s30+$0x100 ss:$0x1] =	vst.idx.msk $0xffff, v3;
	v10 =	vsel vm0, $0x0, v10  }
0x139: {  	s1 =	sadd.s32 $0x2000, s1;
	vm0 =	vge.f32 v9, v2;
	v3 =	vld.idx.msk [tilespmem:v1+s31+$0x100 ss:$0x1], $0xffff;
	[tilespmem:v1+s30+$0x180 ss:$0x1] =	vst.idx.msk $0xffff, v10;
	s30 =	smov.u32 s31  }
0x13a: {  	_ =	sdelay $0x2  }
0x13b: {  	v9 =	vsel vm0, $0x0, v9;
	vm9 =	vge.f32 v8, v2  }
0x13c: {  	v10 =	vld.idx.msk [tilespmem:v1+s30+$0x180 ss:$0x1], $0xffff;
	vm10 =	vge.f32 v7, v2;
	[tilespmem:v1+s30+$0xFFFFFE00 ss:$0x1] =	vst.idx.msk $0xffff, v9;
	v8 =	vsel vm9, $0x0, v8  }
0x13d: {  	s29 =	sadd.s32 $0x1, s29;
	v7 =	vsel vm10, $0x0, v7;
	vm11 =	vge.f32 v6, v2;
	[tilespmem:v1+s30+$0xFFFFFE80 ss:$0x1] =	vst.idx.msk $0xffff, v8  }
0x13e: {  	p0 =	sne.s32 s29, $0x10;
	[tilespmem:v1+s30+$0xFFFFFF00 ss:$0x1] =	vst.idx.msk $0xffff, v7;
	v6 =	vsel vm11, $0x0, v6;
	vm12 =	vge.f32 v5, v2  }
.Ltmp9:
0x13f: {  	[tilespmem:v1+s30+$0xFFFFFF80 ss:$0x1] =	vst.idx.msk $0xffff, v6;
	v5 =	vsel vm12, $0x0, v5;
	vm13 =	vge.f32 v4, v2;
	(pc) =	sbr.rel @p0 .LBB2_19-.Ltmp9, $4  }
0x140: {  	[tilespmem:v1+s30+$0x0 ss:$0x1] =	vst.idx.msk $0xffff, v5;
	v4 =	vsel vm13, $0x0, v4;
	vm14 =	vge.f32 v3, v2  }
0x141: {  	[tilespmem:v1+s30+$0x80 ss:$0x1] =	vst.idx.msk $0xffff, v4;
	v3 =	vsel vm14, $0x0, v3;
	vm15 =	vge.f32 v10, v2  }
0x142: {  	[tilespmem:v1+s30+$0x100 ss:$0x1] =	vst.idx.msk $0xffff, v3;
	v2 =	vsel vm15, $0x0, v10  }
0x143: {  	s28 =	sadd.s32 $0x80, s28;
	s0 =	sadd.s32 $0x1, s0;
	[tilespmem:v1+s30+$0x180 ss:$0x1] =	vst.idx.msk $0xffff, v2  }
0x144: {  	s0 =	sor.u32 s5, s26  }
0x145: {  	s28 =	simm.s32 $0x0;
	s0 =	sshrl.u32 s0, $0x3  }
0x146: {  	s29 =	simm.s32 $0x0;
	s30 =	simm.s32 $0x0;
	s0 =	sadd.s32 s3, s0  }
0x147: {  	[hbm4b:s0+s28] =	stream.linear.scatter [tilespmem:s16], [sflag:$0x5], $0x4000, $0x38;
	[tilespmem:$0x18800] =	vst v63  }
.LBB2_23:
0x148: {  	s0 =	sshll.u32 s29, $0x2;
	s1 =	sand.u32 $0x7, s28  }
0x149: {  	s0 =	sand.u32 $0xFFFFF000, s0;
	s1 =	sshll.u32 s1, $0x6  }
0x14a: {  	s0 =	sor.u32 s1, s0  }
0x14b: {  	s1 =	sshll.u32 s30, $0xB;
	s0 =	sshrl.u32 s0, $0x2  }
0x14c: {  	s31 =	sand.u32 $0x3FFFF800, s1;
	s0 =	sadd.s32 $0xB80, s0  }
0x14d: {  	v4 =	vld [tilespmem:s31+$0x10000];
	v1 =	vmov s0  }
0x14e: {  	v3 =	vld [tilespmem:s31+$0x10380]  }
0x14f: {  	v5 =	vld [tilespmem:s31+$0x10600]  }
0x150: {  	v6 =	vld [tilespmem:s31+$0x10680]  }
0x151: {  	s1 =	simm.s32 $0x0;
	v2 =	vld [tilespmem:s31+$0x10780]  }
0x152: {  	v8 =	vld.idx.msk [tilespmem:v1+s1+$0xFFFFFF80 ss:$0x1], $0xffff  }
0x153: {  	v9 =	vld.idx.msk [tilespmem:v1+s1+$0xFFFFFF00 ss:$0x1], $0xffff  }
0x154: {  	v10 =	vld.idx.msk [tilespmem:v1+s1+$0x0 ss:$0x1], $0xffff  }
0x155: {  	v11 =	vld.idx.msk [tilespmem:v1+s1+$0xFFFFFE80 ss:$0x1], $0xffff  }
0x156: {  	v14 =	vld.idx.msk [tilespmem:v1+s1+$0xFFFFF700 ss:$0x1], $0xffff  }
0x157: {  	v16 =	vld.idx.msk [tilespmem:v1+s1+$0xFFFFF600 ss:$0x1], $0xffff  }
0x158: {  	v18 =	vld.idx.msk [tilespmem:v1+s1+$0xFFFFF800 ss:$0x1], $0xffff  }
0x159: {  	v19 =	vld.idx.msk [tilespmem:v1+s1+$0xFFFFF680 ss:$0x1], $0xffff  }
0x15a: {  	v21 =	vld.idx.msk [tilespmem:v1+s1+$0xFFFFF780 ss:$0x1], $0xffff  }
0x15b: {  	v22 =	vld.idx.msk [tilespmem:v1+s1+$0xFFFFF580 ss:$0x1], $0xffff  }
0x15c: {  	v23 =	vld.idx.msk [tilespmem:v1+s1+$0xFFFFF480 ss:$0x1], $0xffff  }
0x15d: {  	v27 =	vld.idx.msk [tilespmem:v1+s1+$0xFFFFF500 ss:$0x1], $0xffff  }
0x15e: {  	v13 =	vld.idx.msk [tilespmem:v1+s1+$0xFFFFFE00 ss:$0x1], $0xffff  }
0x15f: {  	v12 =	vld.idx.msk [tilespmem:v1+s1+$0xFFFFFD00 ss:$0x1], $0xffff;
	v17 =	vmax.f32 v8, v10;
	v8 =	vmin.f32 v8, v10;
	v10 =	vmax.f32 v11, v9  }
0x160: {  	v15 =	vld.idx.msk [tilespmem:v1+s1+$0xFFFFFC80 ss:$0x1], $0xffff;
	v9 =	vmin.f32 v11, v9;
	v29 =	vmax.f32 v19, v14;
	v31 =	vmax.f32 v21, v18  }
0x161: {  	v20 =	vld.idx.msk [tilespmem:v1+s1+$0xFFFFFD80 ss:$0x1], $0xffff;
	v28 =	vmin.f32 v22, v16;
	v25 =	vmin.f32 v19, v14;
	v26 =	vmin.f32 v21, v18  }
0x162: {  	v7 =	vld [tilespmem:s31+$0x10700];
	v30 =	vmin.f32 v23, v27;
	v11 =	vmax.f32 v10, v17;
	v10 =	vmin.f32 v10, v17  }
0x163: {  	v32 =	vld [tilespmem:s31+$0x10280];
	v17 =	vmax.f32 v9, v8;
	v8 =	vmin.f32 v9, v8;
	v18 =	vmax.f32 v25, v26  }
0x164: {  	v33 =	vld [tilespmem:s31+$0x10300];
	v2 =	vmax.f32 v2, v11;
	v11 =	vmin.f32 v17, v10;
	v24 =	vmax.f32 v17, v10  }
0x165: {  	v34 =	vld [tilespmem:s31+$0x10500];
	v10 =	vmax.f32 v15, v12;
	v12 =	vmin.f32 v15, v12;
	v5 =	vmax.f32 v5, v8  }
0x166: {  	v14 =	vld [tilespmem:s31+$0x10200];
	v17 =	vmin.f32 v20, v13;
	v8 =	vmax.f32 v29, v31;
	v6 =	vmax.f32 v6, v11  }
0x167: {  	v9 =	vld [tilespmem:s31+$0x10080];
	v7 =	vmax.f32 v7, v24;
	v11 =	vmax.f32 v3, v8;
	v24 =	vmax.f32 v22, v16  }
0x168: {  	v15 =	vld [tilespmem:s31+$0x10100];
	v3 =	vmin.f32 v29, v31;
	v29 =	vmax.f32 v23, v27;
	v27 =	vmax.f32 v20, v13  }
0x169: {  	v16 =	vld [tilespmem:s31+$0x10180];
	v31 =	vmax.f32 v30, v28;
	v35 =	vmax.f32 v12, v17;
	v8 =	vmin.f32 v6, v2  }
0x16a: {  	v20 =	vld [tilespmem:s31+$0x10400];
	v21 =	vmax.f32 v18, v3;
	v18 =	vmin.f32 v18, v3;
	v13 =	vmin.f32 v10, v27  }
0x16b: {  	v3 =	vld [tilespmem:s31+$0x10480];
	v19 =	vmin.f32 v5, v7;
	v22 =	vmax.f32 v32, v18;
	v63 =	vmax.f32 v35, v13  }
0x16c: {  	s0 =	simm.s32 $0x4000;
	v18 =	vld [tilespmem:s31+$0x10580];
	v23 =	vmax.f32 v33, v21;
	v13 =	vmin.f32 v35, v13;
	v21 =	vmax.f32 v34, v63  }
.LBB2_24:
0x16d: {  	s1 =	sshra.s32 s0, $0x2;
	p0 =	sne.s32 s0, $0xC000;
	s0 =	sadd.s32 $0x4000, s0;
	v32 =	vmin.f32 v29, v24;
	v28 =	vmin.f32 v30, v28;
	v30 =	vmax.f32 v22, v11  }
0x16e: {  	v25 =	vmin.f32 v25, v26;
	v33 =	vld.idx.msk [tilespmem:v1+s1+$0xFFFFFF80 ss:$0x1], $0xffff;
	v34 =	vmax.f32 v31, v32;
	v31 =	vmin.f32 v31, v32  }
0x16f: {  	v10 =	vmax.f32 v10, v27;
	v27 =	vmin.f32 v19, v8;
	v4 =	vmax.f32 v4, v28;
	v26 =	vld.idx.msk [tilespmem:v1+s1+$0xFFFFFF00 ss:$0x1], $0xffff  }
0x170: {  	v24 =	vmax.f32 v29, v24;
	v12 =	vmin.f32 v12, v17;
	v15 =	vmax.f32 v15, v34;
	v32 =	vld.idx.msk [tilespmem:v1+s1+$0xFFFFFE00 ss:$0x1], $0xffff  }
0x171: {  	v8 =	vmax.f32 v19, v8;
	v12 =	vmax.f32 v20, v12;
	v9 =	vmax.f32 v9, v31;
	v17 =	vld.idx.msk [tilespmem:v1+s1+$0x0 ss:$0x1], $0xffff  }
0x172: {  	v5 =	vmax.f32 v5, v7;
	v2 =	vmax.f32 v6, v2;
	v20 =	vmin.f32 v4, v15;
	v19 =	vld.idx.msk [tilespmem:v1+s1+$0xFFFFFE80 ss:$0x1], $0xffff  }
0x173: {  	v6 =	vmax.f32 v16, v24;
	v7 =	vmax.f32 v5, v2;
	v24 =	vmin.f32 v5, v2;
	v29 =	vld.idx.msk [tilespmem:v1+s1+$0xFFFFF700 ss:$0x1], $0xffff  }
0x174: {  	v34 =	vmin.f32 v12, v21;
	v5 =	vmax.f32 v9, v6;
	v6 =	vmin.f32 v9, v6;
	v31 =	vld.idx.msk [tilespmem:v1+s1+$0xFFFFF600 ss:$0x1], $0xffff  }
0x175: {  	v11 =	vmin.f32 v22, v11;
	v2 =	vmax.f32 v14, v25;
	v18 =	vmax.f32 v18, v10;
	v28 =	vld.idx.msk [tilespmem:v1+s1+$0xFFFFFD00 ss:$0x1], $0xffff  }
0x176: {  	v14 =	vmax.f32 v2, v23;
	v10 =	vmin.f32 v2, v23;
	v21 =	vmax.f32 v12, v21;
	v22 =	vld.idx.msk [tilespmem:v1+s1+$0xFFFFF800 ss:$0x1], $0xffff  }
0x177: {  	v9 =	vmax.f32 v4, v15;
	v2 =	vmax.f32 v33, v17;
	v12 =	vmin.f32 v33, v17;
	v23 =	vld.idx.msk [tilespmem:v1+s1+$0xFFFFF480 ss:$0x1], $0xffff  }
0x178: {  	v4 =	vmax.f32 v19, v26;
	v15 =	vmin.f32 v19, v26;
	v19 =	vmin.f32 v10, v11;
	v17 =	vld.idx.msk [tilespmem:v1+s1+$0xFFFFFC80 ss:$0x1], $0xffff  }
0x179: {  	v16 =	vmax.f32 v4, v2;
	v26 =	vmin.f32 v4, v2;
	v4 =	vmax.f32 v9, v5;
	v25 =	vld.idx.msk [tilespmem:v1+s1+$0xFFFFF680 ss:$0x1], $0xffff  }
0x17a: {  	v35 =	vmax.f32 v15, v12;
	v9 =	vmin.f32 v9, v5;
	v2 =	vmax.f32 v27, v16;
	v33 =	vld.idx.msk [tilespmem:v1+s1+$0xFFFFFD80 ss:$0x1], $0xffff  }
0x17b: {  	v5 =	vmin.f32 v15, v12;
	v15 =	vmax.f32 v20, v6;
	v36 =	vmin.f32 v35, v26;
	v27 =	vld.idx.msk [tilespmem:v1+s1+$0xFFFFF780 ss:$0x1], $0xffff  }
0x17c: {  	v26 =	vmax.f32 v35, v26;
	v16 =	vmin.f32 v20, v6;
	v35 =	vmin.f32 v14, v30;
	v37 =	vld.idx.msk [tilespmem:v1+s1+$0xFFFFF580 ss:$0x1], $0xffff  }
0x17d: {  	v39 =	vmax.f32 v10, v11;
	v38 =	vld.idx.msk [tilespmem:v1+s1+$0xFFFFF500 ss:$0x1], $0xffff  }
0x17e: {  	v14 =	vmax.f32 v14, v30;
	v10 =	vmax.f32 v17, v28;
	v12 =	vmin.f32 v17, v28  }
0x17f: {  	v3 =	vmax.f32 v3, v13;
	v5 =	vmax.f32 v7, v5;
	v6 =	vmax.f32 v24, v36  }
0x180: {  	v11 =	vmax.f32 v3, v18;
	v13 =	vmax.f32 v25, v29;
	v17 =	vmin.f32 v33, v32  }
0x181: {  	v40 =	vmin.f32 v3, v18;
	v3 =	vmin.f32 v21, v11;
	v36 =	vmax.f32 v27, v22  }
0x182: {  	v20 =	vmax.f32 v21, v11;
	v7 =	vmax.f32 v8, v26;
	v18 =	vmax.f32 v13, v36  }
0x183: {  	v8 =	vmin.f32 v6, v2;
	v28 =	vmin.f32 v37, v31;
	v11 =	vmax.f32 v19, v18  }
0x184: {  	v25 =	vmin.f32 v25, v29;
	v26 =	vmin.f32 v27, v22;
	v24 =	vmax.f32 v37, v31  }
0x185: {  	v13 =	vmin.f32 v13, v36;
	v30 =	vmin.f32 v23, v38;
	v19 =	vmax.f32 v25, v26  }
.Ltmp10:
0x186: {  	v29 =	vmax.f32 v23, v38;
	v18 =	vmin.f32 v34, v40;
	v21 =	vmax.f32 v19, v13;
	(pc) =	sbr.rel @p0 .LBB2_24-.Ltmp10, $4  }
0x187: {  	v27 =	vmax.f32 v33, v32;
	v32 =	vmax.f32 v34, v40;
	v13 =	vmin.f32 v19, v13  }
0x188: {  	v33 =	vmin.f32 v10, v27;
	v34 =	vmax.f32 v12, v17;
	v31 =	vmax.f32 v30, v28  }
0x189: {  	v19 =	vmin.f32 v5, v7;
	v22 =	vmax.f32 v35, v13;
	v35 =	vmax.f32 v34, v33  }
0x18a: {  	v23 =	vmax.f32 v39, v21;
	v13 =	vmin.f32 v34, v33;
	v21 =	vmax.f32 v32, v35  }
0x18b: {  	v1 =	vmin.f32 v29, v24;
	v28 =	vmin.f32 v30, v28;
	v46 =	vmax.f32 v29, v24  }
0x18c: {  	v25 =	vmin.f32 v25, v26;
	v51 =	vmax.f32 v22, v11;
	v53 =	vmin.f32 v12, v17  }
0x18d: {  	v45 =	vmax.f32 v31, v1;
	v1 =	vmin.f32 v31, v1;
	v14 =	vmax.f32 v14, v25  }
0x18e: {  	v4 =	vmax.f32 v4, v28;
	v47 =	vmax.f32 v16, v46;
	v54 =	vmax.f32 v14, v23  }
0x18f: {  	v15 =	vmax.f32 v15, v45;
	v1 =	vmax.f32 v9, v1;
	v56 =	vmax.f32 v54, v51  }
0x190: {  	v16 =	vmax.f32 v1, v47;
	v48 =	vmax.f32 v4, v15;
	v12 =	vmin.f32 v54, v51;
	[tilespmem:s31+$0x10200] =	vst v56  }
0x191: {  	v49 =	vmax.f32 v48, v16;
	[tilespmem:s31+$0x10280] =	vst v12  }
0x192: {  	v4 =	vmin.f32 v4, v15;
	v1 =	vmin.f32 v1, v47;
	v50 =	vmin.f32 v48, v16;
	[tilespmem:s31+$0x10000] =	vst v49  }
0x193: {  	v55 =	vmax.f32 v10, v27;
	v52 =	vmax.f32 v4, v1;
	v1 =	vmin.f32 v4, v1;
	[tilespmem:s31+$0x10080] =	vst v50  }
0x194: {  	v3 =	vmax.f32 v3, v13;
	v57 =	vmin.f32 v14, v23;
	[tilespmem:s31+$0x10180] =	vst v1;
	v1 =	vmin.f32 v22, v11  }
0x195: {  	v9 =	vmax.f32 v20, v53;
	v4 =	vmax.f32 v18, v55;
	[tilespmem:s31+$0x10100] =	vst v52;
	v58 =	vmax.f32 v57, v1  }
0x196: {  	v59 =	vmax.f32 v9, v21;
	v60 =	vmax.f32 v3, v4;
	v1 =	vmin.f32 v57, v1;
	[tilespmem:s31+$0x10300] =	vst v58  }
0x197: {  	v61 =	vmax.f32 v59, v60;
	[tilespmem:s31+$0x10380] =	vst v1  }
0x198: {  	v3 =	vmin.f32 v3, v4;
	v62 =	vmin.f32 v59, v60;
	v1 =	vmin.f32 v9, v21;
	[tilespmem:s31+$0x10400] =	vst v61  }
0x199: {  	s30 =	sadd.s32 $0x1, s30;
	[tilespmem:s31+$0x10480] =	vst v62;
	v9 =	vmax.f32 v1, v3  }
0x19a: {  	v63 =	vmax.f32 v5, v7;
	v2 =	vmax.f32 v6, v2;
	p0 =	sne.s32 s30, $0x10;
	v1 =	vmin.f32 v1, v3;
	[tilespmem:s31+$0x10500] =	vst v9  }
.Ltmp11:
0x19b: {  	v3 =	vmax.f32 v63, v2;
	[tilespmem:s31+$0x10580] =	vst v1;
	(pc) =	sbr.rel @p0 .LBB2_23-.Ltmp11, $4  }
0x19c: {  	v1 =	vmin.f32 v63, v2;
	[tilespmem:s31+$0x10600] =	vst v3  }
0x19d: {  	v2 =	vmax.f32 v19, v8;
	[tilespmem:s31+$0x10680] =	vst v1  }
0x19e: {  	v1 =	vmin.f32 v19, v8;
	[tilespmem:s31+$0x10700] =	vst v2  }
0x19f: {  	s29 =	sadd.s32 $0x80, s29;
	s28 =	sadd.s32 $0x1, s28;
	[tilespmem:s31+$0x10780] =	vst v1  }
0x1a0: {  	_ =	swait.ge [sflag:s19], $0x4000  }
0x1a1: {  	p0 =	seq.s32 s24, $0xF;
	[sflag:s19] =	ssyncset.done $0x0  }
0x1a2: {  	s0 =	simm.s32 @p0 $0x2;
	[sflag:s19] =	ssyncadd.s32 $0xFFFFC000  }
0x1a3: {  	_ =	swait.ge @p0 [sflag:s0], $0x4000  }
0x1a4: {  	[sflag:s0] =	ssyncset.done @p0 $0x0  }
0x1a5: {  	[sflag:s0] =	ssyncadd.s32 @p0 $0xFFFFC000;
	s0 =	simm.s32 @!p0 $0x5  }
0x1a6: {  	s1 =	sadd.s32 @!p0 $0x8000, s26;
	_ =	swait.ge @!p0 [sflag:s0], $0x4000  }
0x1a7: {  	s26 =	sor.u32 @!p0 s5, s1;
	[sflag:s0] =	ssyncset.done @!p0 $0x0  }
0x1a8: {  	[sflag:s0] =	ssyncadd.s32 @!p0 $0xFFFFC000;
	s0 =	sshrl.u32 @!p0 s26, $0x3  }
0x1a9: {  	s28 =	simm.s32 @!p0 $0x8000;
	s26 =	simm.s32 @!p0 $0x0;
	s0 =	sadd.s32 @!p0 s2, s0  }
0x1aa: {  	[tilespmem:s28], [sflag:$0x3] =	stream.linear.gather @!p0 [hbm4b:s0+s26], $0x4000, $0x38;
	[tilespmem:$0x18800] =	vst v63  }
0x1ab: {  	s0 =	simm.s32 @!p0 $0x2  }
0x1ac: {  	s1 =	sadd.s32 @!p0 s6, s1;
	_ =	swait.ge @!p0 [sflag:s0], $0x4000  }
0x1ad: {  	s1 =	sshrl.u32 @!p0 s1, $0x3;
	[sflag:s0] =	ssyncset.done @!p0 $0x0  }
0x1ae: {  	[sflag:s0] =	ssyncadd.s32 @!p0 $0xFFFFC000;
	s0 =	sadd.s32 @!p0 s2, s1  }
0x1af: {  	[tilespmem:s26], [sflag:$0x1] =	stream.linear.gather @!p0 [hbm4b:s0+s26], $0x4000, $0x38;
	[tilespmem:$0x18800] =	vst v63  }
0x1b0: {  	s28 =	simm.s32 $0x0;
	s0 =	simm.s32 $0x0;
	s26 =	simm.s32 $0x0  }
.LBB2_27:
0x1b1: {  	s1 =	sshll.u32 s26, $0x2;
	s29 =	sand.u32 $0x7, s0  }
0x1b2: {  	s1 =	sand.u32 $0xFFFFF000, s1;
	s29 =	sshll.u32 s29, $0x6  }
0x1b3: {  	s1 =	sor.u32 s29, s1  }
0x1b4: {  	s1 =	sshrl.u32 s1, $0x2  }
0x1b5: {  	s1 =	sadd.s32 $0xC200, s1  }
0x1b6: {  	v1 =	vmov s1;
	_ =	sdelay $0x1  }
0x1b7: {  	s31 =	sshll.u32 s28, $0x7  }
0x1b8: {  	s1 =	sand.u32 $0x3FFFFF80, s31  }
0x1b9: {  	s29 =	simm.s32 $0x0;
	v2 =	vld [tilespmem:s1+$0x18000]  }
0x1ba: {  	v9 =	vld.idx.msk [tilespmem:v1+s29+$0xFFFFFE00 ss:$0x1], $0xffff  }
0x1bb: {  	v8 =	vld.idx.msk [tilespmem:v1+s29+$0xFFFFFE80 ss:$0x1], $0xffff  }
0x1bc: {  	v7 =	vld.idx.msk [tilespmem:v1+s29+$0xFFFFFF00 ss:$0x1], $0xffff  }
0x1bd: {  	v6 =	vld.idx.msk [tilespmem:v1+s29+$0xFFFFFF80 ss:$0x1], $0xffff  }
0x1be: {  	v5 =	vld.idx.msk [tilespmem:v1+s29+$0x0 ss:$0x1], $0xffff  }
0x1bf: {  	v4 =	vld.idx.msk [tilespmem:v1+s29+$0x80 ss:$0x1], $0xffff  }
0x1c0: {  	s1 =	simm.s32 $0x2000;
	v3 =	vld.idx.msk [tilespmem:v1+s29+$0x100 ss:$0x1], $0xffff;
	vm0 =	vge.f32 v9, v2  }
.LBB2_28:
0x1c1: {  	p0 =	sne.s32 s1, $0xE000;
	v9 =	vsel vm0, $0x0, v9;
	vm0 =	vge.f32 v8, v2;
	v10 =	vld.idx.msk [tilespmem:v1+s29+$0x180 ss:$0x1], $0xffff  }
0x1c2: {  	s30 =	sshra.s32 s1, $0x2;
	[tilespmem:v1+s29+$0xFFFFFE00 ss:$0x1] =	vst.idx.msk $0xffff, v9;
	v8 =	vsel vm0, $0x0, v8;
	vm0 =	vge.f32 v7, v2  }
0x1c3: {  	v9 =	vld.idx.msk [tilespmem:v1+s30+$0xFFFFFE00 ss:$0x1], $0xffff;
	[tilespmem:v1+s29+$0xFFFFFE80 ss:$0x1] =	vst.idx.msk $0xffff, v8;
	v7 =	vsel vm0, $0x0, v7;
	vm0 =	vge.f32 v6, v2  }
0x1c4: {  	v8 =	vld.idx.msk [tilespmem:v1+s30+$0xFFFFFE80 ss:$0x1], $0xffff;
	[tilespmem:v1+s29+$0xFFFFFF00 ss:$0x1] =	vst.idx.msk $0xffff, v7;
	v6 =	vsel vm0, $0x0, v6;
	vm0 =	vge.f32 v5, v2  }
.Ltmp12:
0x1c5: {  	v7 =	vld.idx.msk [tilespmem:v1+s30+$0xFFFFFF00 ss:$0x1], $0xffff;
	[tilespmem:v1+s29+$0xFFFFFF80 ss:$0x1] =	vst.idx.msk $0xffff, v6;
	v5 =	vsel vm0, $0x0, v5;
	vm0 =	vge.f32 v4, v2;
	(pc) =	sbr.rel @p0 .LBB2_28-.Ltmp12, $4  }
0x1c6: {  	v6 =	vld.idx.msk [tilespmem:v1+s30+$0xFFFFFF80 ss:$0x1], $0xffff;
	[tilespmem:v1+s29+$0x0 ss:$0x1] =	vst.idx.msk $0xffff, v5;
	v4 =	vsel vm0, $0x0, v4;
	vm0 =	vge.f32 v3, v2  }
0x1c7: {  	v5 =	vld.idx.msk [tilespmem:v1+s30+$0x0 ss:$0x1], $0xffff;
	[tilespmem:v1+s29+$0x80 ss:$0x1] =	vst.idx.msk $0xffff, v4;
	v3 =	vsel vm0, $0x0, v3;
	vm0 =	vge.f32 v10, v2  }
0x1c8: {  	v4 =	vld.idx.msk [tilespmem:v1+s30+$0x80 ss:$0x1], $0xffff;
	[tilespmem:v1+s29+$0x100 ss:$0x1] =	vst.idx.msk $0xffff, v3;
	v10 =	vsel vm0, $0x0, v10  }
0x1c9: {  	s1 =	sadd.s32 $0x2000, s1;
	vm0 =	vge.f32 v9, v2;
	v3 =	vld.idx.msk [tilespmem:v1+s30+$0x100 ss:$0x1], $0xffff;
	[tilespmem:v1+s29+$0x180 ss:$0x1] =	vst.idx.msk $0xffff, v10;
	s29 =	smov.u32 s30  }
0x1ca: {  	_ =	sdelay $0x2  }
0x1cb: {  	v9 =	vsel vm0, $0x0, v9;
	vm9 =	vge.f32 v8, v2  }
0x1cc: {  	v10 =	vld.idx.msk [tilespmem:v1+s29+$0x180 ss:$0x1], $0xffff;
	vm10 =	vge.f32 v7, v2;
	[tilespmem:v1+s29+$0xFFFFFE00 ss:$0x1] =	vst.idx.msk $0xffff, v9;
	v8 =	vsel vm9, $0x0, v8  }
0x1cd: {  	s28 =	sadd.s32 $0x1, s28;
	v7 =	vsel vm10, $0x0, v7;
	vm11 =	vge.f32 v6, v2;
	[tilespmem:v1+s29+$0xFFFFFE80 ss:$0x1] =	vst.idx.msk $0xffff, v8  }
0x1ce: {  	p0 =	sne.s32 s28, $0x10;
	[tilespmem:v1+s29+$0xFFFFFF00 ss:$0x1] =	vst.idx.msk $0xffff, v7;
	v6 =	vsel vm11, $0x0, v6;
	vm12 =	vge.f32 v5, v2  }
.Ltmp13:
0x1cf: {  	[tilespmem:v1+s29+$0xFFFFFF80 ss:$0x1] =	vst.idx.msk $0xffff, v6;
	v5 =	vsel vm12, $0x0, v5;
	vm13 =	vge.f32 v4, v2;
	(pc) =	sbr.rel @p0 .LBB2_27-.Ltmp13, $4  }
0x1d0: {  	[tilespmem:v1+s29+$0x0 ss:$0x1] =	vst.idx.msk $0xffff, v5;
	v4 =	vsel vm13, $0x0, v4;
	vm14 =	vge.f32 v3, v2  }
0x1d1: {  	[tilespmem:v1+s29+$0x80 ss:$0x1] =	vst.idx.msk $0xffff, v4;
	v3 =	vsel vm14, $0x0, v3;
	vm15 =	vge.f32 v10, v2  }
0x1d2: {  	[tilespmem:v1+s29+$0x100 ss:$0x1] =	vst.idx.msk $0xffff, v3;
	v2 =	vsel vm15, $0x0, v10  }
0x1d3: {  	s26 =	sadd.s32 $0x80, s26;
	s0 =	sadd.s32 $0x1, s0;
	[tilespmem:v1+s29+$0x180 ss:$0x1] =	vst.idx.msk $0xffff, v2  }
0x1d4: {  	s0 =	sadd.s32 s3, s25  }
0x1d5: {  	s25 =	simm.s32 $0x0;
	s26 =	simm.s32 $0x0;
	s28 =	simm.s32 $0x0  }
0x1d6: {  	[hbm4b:s0+s25] =	stream.linear.scatter [tilespmem:s18], [sflag:$0x6], $0x4000, $0x38;
	[tilespmem:$0x18800] =	vst v63  }
.LBB2_31:
0x1d7: {  	s0 =	sshll.u32 s26, $0x2;
	s1 =	sand.u32 $0x7, s25  }
0x1d8: {  	s0 =	sand.u32 $0xFFFFF000, s0;
	s1 =	sshll.u32 s1, $0x6  }
0x1d9: {  	s0 =	sor.u32 s1, s0  }
0x1da: {  	s30 =	sshll.u32 s28, $0xB;
	s0 =	sshrl.u32 s0, $0x2  }
0x1db: {  	s29 =	sand.u32 $0x3FFFF800, s30;
	s0 =	sadd.s32 $0x4B80, s0  }
0x1dc: {  	v4 =	vld [tilespmem:s29+$0x10000];
	v1 =	vmov s0  }
0x1dd: {  	v3 =	vld [tilespmem:s29+$0x10380]  }
0x1de: {  	v5 =	vld [tilespmem:s29+$0x10600]  }
0x1df: {  	v6 =	vld [tilespmem:s29+$0x10680]  }
0x1e0: {  	s31 =	simm.s32 $0x0;
	v2 =	vld [tilespmem:s29+$0x10780]  }
0x1e1: {  	v8 =	vld.idx.msk [tilespmem:v1+s31+$0xFFFFFF80 ss:$0x1], $0xffff  }
0x1e2: {  	v9 =	vld.idx.msk [tilespmem:v1+s31+$0xFFFFFF00 ss:$0x1], $0xffff  }
0x1e3: {  	v10 =	vld.idx.msk [tilespmem:v1+s31+$0x0 ss:$0x1], $0xffff  }
0x1e4: {  	v11 =	vld.idx.msk [tilespmem:v1+s31+$0xFFFFFE80 ss:$0x1], $0xffff  }
0x1e5: {  	v14 =	vld.idx.msk [tilespmem:v1+s31+$0xFFFFF700 ss:$0x1], $0xffff  }
0x1e6: {  	v16 =	vld.idx.msk [tilespmem:v1+s31+$0xFFFFF600 ss:$0x1], $0xffff  }
0x1e7: {  	v18 =	vld.idx.msk [tilespmem:v1+s31+$0xFFFFF800 ss:$0x1], $0xffff  }
0x1e8: {  	v19 =	vld.idx.msk [tilespmem:v1+s31+$0xFFFFF680 ss:$0x1], $0xffff  }
0x1e9: {  	v21 =	vld.idx.msk [tilespmem:v1+s31+$0xFFFFF780 ss:$0x1], $0xffff  }
0x1ea: {  	v22 =	vld.idx.msk [tilespmem:v1+s31+$0xFFFFF580 ss:$0x1], $0xffff  }
0x1eb: {  	v23 =	vld.idx.msk [tilespmem:v1+s31+$0xFFFFF480 ss:$0x1], $0xffff  }
0x1ec: {  	v27 =	vld.idx.msk [tilespmem:v1+s31+$0xFFFFF500 ss:$0x1], $0xffff  }
0x1ed: {  	v13 =	vld.idx.msk [tilespmem:v1+s31+$0xFFFFFE00 ss:$0x1], $0xffff  }
0x1ee: {  	v12 =	vld.idx.msk [tilespmem:v1+s31+$0xFFFFFD00 ss:$0x1], $0xffff;
	v17 =	vmax.f32 v8, v10;
	v8 =	vmin.f32 v8, v10;
	v10 =	vmax.f32 v11, v9  }
0x1ef: {  	v15 =	vld.idx.msk [tilespmem:v1+s31+$0xFFFFFC80 ss:$0x1], $0xffff;
	v9 =	vmin.f32 v11, v9;
	v29 =	vmax.f32 v19, v14;
	v31 =	vmax.f32 v21, v18  }
0x1f0: {  	v20 =	vld.idx.msk [tilespmem:v1+s31+$0xFFFFFD80 ss:$0x1], $0xffff;
	v28 =	vmin.f32 v22, v16;
	v25 =	vmin.f32 v19, v14;
	v26 =	vmin.f32 v21, v18  }
0x1f1: {  	v7 =	vld [tilespmem:s29+$0x10700];
	v30 =	vmin.f32 v23, v27;
	v11 =	vmax.f32 v10, v17;
	v10 =	vmin.f32 v10, v17  }
0x1f2: {  	v32 =	vld [tilespmem:s29+$0x10280];
	v17 =	vmax.f32 v9, v8;
	v8 =	vmin.f32 v9, v8;
	v18 =	vmax.f32 v25, v26  }
0x1f3: {  	v33 =	vld [tilespmem:s29+$0x10300];
	v2 =	vmax.f32 v2, v11;
	v11 =	vmin.f32 v17, v10;
	v24 =	vmax.f32 v17, v10  }
0x1f4: {  	v34 =	vld [tilespmem:s29+$0x10500];
	v10 =	vmax.f32 v15, v12;
	v12 =	vmin.f32 v15, v12;
	v5 =	vmax.f32 v5, v8  }
0x1f5: {  	v14 =	vld [tilespmem:s29+$0x10200];
	v17 =	vmin.f32 v20, v13;
	v8 =	vmax.f32 v29, v31;
	v6 =	vmax.f32 v6, v11  }
0x1f6: {  	v9 =	vld [tilespmem:s29+$0x10080];
	v7 =	vmax.f32 v7, v24;
	v11 =	vmax.f32 v3, v8;
	v24 =	vmax.f32 v22, v16  }
0x1f7: {  	v15 =	vld [tilespmem:s29+$0x10100];
	v3 =	vmin.f32 v29, v31;
	v29 =	vmax.f32 v23, v27;
	v27 =	vmax.f32 v20, v13  }
0x1f8: {  	v16 =	vld [tilespmem:s29+$0x10180];
	v31 =	vmax.f32 v30, v28;
	v35 =	vmax.f32 v12, v17;
	v8 =	vmin.f32 v6, v2  }
0x1f9: {  	v20 =	vld [tilespmem:s29+$0x10400];
	v21 =	vmax.f32 v18, v3;
	v18 =	vmin.f32 v18, v3;
	v13 =	vmin.f32 v10, v27  }
0x1fa: {  	v3 =	vld [tilespmem:s29+$0x10480];
	v19 =	vmin.f32 v5, v7;
	v22 =	vmax.f32 v32, v18;
	v63 =	vmax.f32 v35, v13  }
0x1fb: {  	s0 =	simm.s32 $0x4000;
	v18 =	vld [tilespmem:s29+$0x10580];
	v23 =	vmax.f32 v33, v21;
	v13 =	vmin.f32 v35, v13;
	v21 =	vmax.f32 v34, v63  }
.LBB2_32:
0x1fc: {  	s1 =	sshra.s32 s0, $0x2;
	p0 =	sne.s32 s0, $0xC000;
	s0 =	sadd.s32 $0x4000, s0;
	v32 =	vmin.f32 v29, v24;
	v28 =	vmin.f32 v30, v28;
	v30 =	vmax.f32 v22, v11  }
0x1fd: {  	v25 =	vmin.f32 v25, v26;
	v33 =	vld.idx.msk [tilespmem:v1+s1+$0xFFFFFF80 ss:$0x1], $0xffff;
	v34 =	vmax.f32 v31, v32;
	v31 =	vmin.f32 v31, v32  }
0x1fe: {  	v10 =	vmax.f32 v10, v27;
	v27 =	vmin.f32 v19, v8;
	v4 =	vmax.f32 v4, v28;
	v26 =	vld.idx.msk [tilespmem:v1+s1+$0xFFFFFF00 ss:$0x1], $0xffff  }
0x1ff: {  	v24 =	vmax.f32 v29, v24;
	v12 =	vmin.f32 v12, v17;
	v15 =	vmax.f32 v15, v34;
	v32 =	vld.idx.msk [tilespmem:v1+s1+$0xFFFFFE00 ss:$0x1], $0xffff  }
0x200: {  	v8 =	vmax.f32 v19, v8;
	v12 =	vmax.f32 v20, v12;
	v9 =	vmax.f32 v9, v31;
	v17 =	vld.idx.msk [tilespmem:v1+s1+$0x0 ss:$0x1], $0xffff  }
0x201: {  	v5 =	vmax.f32 v5, v7;
	v2 =	vmax.f32 v6, v2;
	v20 =	vmin.f32 v4, v15;
	v19 =	vld.idx.msk [tilespmem:v1+s1+$0xFFFFFE80 ss:$0x1], $0xffff  }
0x202: {  	v6 =	vmax.f32 v16, v24;
	v7 =	vmax.f32 v5, v2;
	v24 =	vmin.f32 v5, v2;
	v29 =	vld.idx.msk [tilespmem:v1+s1+$0xFFFFF700 ss:$0x1], $0xffff  }
0x203: {  	v34 =	vmin.f32 v12, v21;
	v5 =	vmax.f32 v9, v6;
	v6 =	vmin.f32 v9, v6;
	v31 =	vld.idx.msk [tilespmem:v1+s1+$0xFFFFF600 ss:$0x1], $0xffff  }
0x204: {  	v11 =	vmin.f32 v22, v11;
	v2 =	vmax.f32 v14, v25;
	v18 =	vmax.f32 v18, v10;
	v28 =	vld.idx.msk [tilespmem:v1+s1+$0xFFFFFD00 ss:$0x1], $0xffff  }
0x205: {  	v14 =	vmax.f32 v2, v23;
	v10 =	vmin.f32 v2, v23;
	v21 =	vmax.f32 v12, v21;
	v22 =	vld.idx.msk [tilespmem:v1+s1+$0xFFFFF800 ss:$0x1], $0xffff  }
0x206: {  	v9 =	vmax.f32 v4, v15;
	v2 =	vmax.f32 v33, v17;
	v12 =	vmin.f32 v33, v17;
	v23 =	vld.idx.msk [tilespmem:v1+s1+$0xFFFFF480 ss:$0x1], $0xffff  }
0x207: {  	v4 =	vmax.f32 v19, v26;
	v15 =	vmin.f32 v19, v26;
	v19 =	vmin.f32 v10, v11;
	v17 =	vld.idx.msk [tilespmem:v1+s1+$0xFFFFFC80 ss:$0x1], $0xffff  }
0x208: {  	v16 =	vmax.f32 v4, v2;
	v26 =	vmin.f32 v4, v2;
	v4 =	vmax.f32 v9, v5;
	v25 =	vld.idx.msk [tilespmem:v1+s1+$0xFFFFF680 ss:$0x1], $0xffff  }
0x209: {  	v35 =	vmax.f32 v15, v12;
	v9 =	vmin.f32 v9, v5;
	v2 =	vmax.f32 v27, v16;
	v33 =	vld.idx.msk [tilespmem:v1+s1+$0xFFFFFD80 ss:$0x1], $0xffff  }
0x20a: {  	v5 =	vmin.f32 v15, v12;
	v15 =	vmax.f32 v20, v6;
	v36 =	vmin.f32 v35, v26;
	v27 =	vld.idx.msk [tilespmem:v1+s1+$0xFFFFF780 ss:$0x1], $0xffff  }
0x20b: {  	v26 =	vmax.f32 v35, v26;
	v16 =	vmin.f32 v20, v6;
	v35 =	vmin.f32 v14, v30;
	v37 =	vld.idx.msk [tilespmem:v1+s1+$0xFFFFF580 ss:$0x1], $0xffff  }
0x20c: {  	v39 =	vmax.f32 v10, v11;
	v38 =	vld.idx.msk [tilespmem:v1+s1+$0xFFFFF500 ss:$0x1], $0xffff  }
0x20d: {  	v14 =	vmax.f32 v14, v30;
	v10 =	vmax.f32 v17, v28;
	v12 =	vmin.f32 v17, v28  }
0x20e: {  	v3 =	vmax.f32 v3, v13;
	v5 =	vmax.f32 v7, v5;
	v6 =	vmax.f32 v24, v36  }
0x20f: {  	v11 =	vmax.f32 v3, v18;
	v13 =	vmax.f32 v25, v29;
	v17 =	vmin.f32 v33, v32  }
0x210: {  	v40 =	vmin.f32 v3, v18;
	v3 =	vmin.f32 v21, v11;
	v36 =	vmax.f32 v27, v22  }
0x211: {  	v20 =	vmax.f32 v21, v11;
	v7 =	vmax.f32 v8, v26;
	v18 =	vmax.f32 v13, v36  }
0x212: {  	v8 =	vmin.f32 v6, v2;
	v28 =	vmin.f32 v37, v31;
	v11 =	vmax.f32 v19, v18  }
0x213: {  	v25 =	vmin.f32 v25, v29;
	v26 =	vmin.f32 v27, v22;
	v24 =	vmax.f32 v37, v31  }
0x214: {  	v13 =	vmin.f32 v13, v36;
	v30 =	vmin.f32 v23, v38;
	v19 =	vmax.f32 v25, v26  }
.Ltmp14:
0x215: {  	v29 =	vmax.f32 v23, v38;
	v18 =	vmin.f32 v34, v40;
	v21 =	vmax.f32 v19, v13;
	(pc) =	sbr.rel @p0 .LBB2_32-.Ltmp14, $4  }
0x216: {  	v27 =	vmax.f32 v33, v32;
	v32 =	vmax.f32 v34, v40;
	v13 =	vmin.f32 v19, v13  }
0x217: {  	v33 =	vmin.f32 v10, v27;
	v34 =	vmax.f32 v12, v17;
	v31 =	vmax.f32 v30, v28  }
0x218: {  	v19 =	vmin.f32 v5, v7;
	v22 =	vmax.f32 v35, v13;
	v35 =	vmax.f32 v34, v33  }
0x219: {  	v23 =	vmax.f32 v39, v21;
	v13 =	vmin.f32 v34, v33;
	v21 =	vmax.f32 v32, v35  }
0x21a: {  	v1 =	vmin.f32 v29, v24;
	v28 =	vmin.f32 v30, v28;
	v46 =	vmax.f32 v29, v24  }
0x21b: {  	v25 =	vmin.f32 v25, v26;
	v51 =	vmax.f32 v22, v11;
	v53 =	vmin.f32 v12, v17  }
0x21c: {  	v45 =	vmax.f32 v31, v1;
	v1 =	vmin.f32 v31, v1;
	v14 =	vmax.f32 v14, v25  }
0x21d: {  	v4 =	vmax.f32 v4, v28;
	v47 =	vmax.f32 v16, v46;
	v54 =	vmax.f32 v14, v23  }
0x21e: {  	v15 =	vmax.f32 v15, v45;
	v1 =	vmax.f32 v9, v1;
	v56 =	vmax.f32 v54, v51  }
0x21f: {  	v16 =	vmax.f32 v1, v47;
	v48 =	vmax.f32 v4, v15;
	v12 =	vmin.f32 v54, v51;
	[tilespmem:s29+$0x10200] =	vst v56  }
0x220: {  	v49 =	vmax.f32 v48, v16;
	[tilespmem:s29+$0x10280] =	vst v12  }
0x221: {  	v4 =	vmin.f32 v4, v15;
	v1 =	vmin.f32 v1, v47;
	v50 =	vmin.f32 v48, v16;
	[tilespmem:s29+$0x10000] =	vst v49  }
0x222: {  	v55 =	vmax.f32 v10, v27;
	v52 =	vmax.f32 v4, v1;
	v1 =	vmin.f32 v4, v1;
	[tilespmem:s29+$0x10080] =	vst v50  }
0x223: {  	v3 =	vmax.f32 v3, v13;
	v57 =	vmin.f32 v14, v23;
	[tilespmem:s29+$0x10180] =	vst v1;
	v1 =	vmin.f32 v22, v11  }
0x224: {  	v9 =	vmax.f32 v20, v53;
	v4 =	vmax.f32 v18, v55;
	[tilespmem:s29+$0x10100] =	vst v52;
	v58 =	vmax.f32 v57, v1  }
0x225: {  	v59 =	vmax.f32 v9, v21;
	v60 =	vmax.f32 v3, v4;
	v1 =	vmin.f32 v57, v1;
	[tilespmem:s29+$0x10300] =	vst v58  }
0x226: {  	v61 =	vmax.f32 v59, v60;
	[tilespmem:s29+$0x10380] =	vst v1  }
0x227: {  	v3 =	vmin.f32 v3, v4;
	v62 =	vmin.f32 v59, v60;
	v1 =	vmin.f32 v9, v21;
	[tilespmem:s29+$0x10400] =	vst v61  }
0x228: {  	s28 =	sadd.s32 $0x1, s28;
	[tilespmem:s29+$0x10480] =	vst v62;
	v9 =	vmax.f32 v1, v3  }
0x229: {  	v63 =	vmax.f32 v5, v7;
	v2 =	vmax.f32 v6, v2;
	p0 =	sne.s32 s28, $0x10;
	v1 =	vmin.f32 v1, v3;
	[tilespmem:s29+$0x10500] =	vst v9  }
.Ltmp15:
0x22a: {  	v3 =	vmax.f32 v63, v2;
	[tilespmem:s29+$0x10580] =	vst v1;
	(pc) =	sbr.rel @p0 .LBB2_31-.Ltmp15, $4  }
0x22b: {  	v1 =	vmin.f32 v63, v2;
	[tilespmem:s29+$0x10600] =	vst v3  }
0x22c: {  	v2 =	vmax.f32 v19, v8;
	[tilespmem:s29+$0x10680] =	vst v1  }
0x22d: {  	v1 =	vmin.f32 v19, v8;
	[tilespmem:s29+$0x10700] =	vst v2  }
0x22e: {  	s26 =	sadd.s32 $0x80, s26;
	s25 =	sadd.s32 $0x1, s25;
	[tilespmem:s29+$0x10780] =	vst v1  }
0x22f: {  	s24 =	sadd.s32 $0x1, s24  }
0x230: {  	p0 =	sne.s32 s24, $0x10  }
.Ltmp16:
0x231: {  	_ = 	snop;
	(pc) =	sbr.rel @p0 .LBB2_18-.Ltmp16, $1  }
0x232: {  	_ =	sdelay $0x3  }
0x233: {  	_ =	swait.ge [sflag:s20], $0x4000  }
0x234: {  	[sflag:s20] =	ssyncset.done $0x0  }
0x235: {  	[sflag:s20] =	ssyncadd.s32 $0xFFFFC000  }
0x236: {  	_ =	swait.ge [sflag:s21], $0x4000  }
0x237: {  	[sflag:s21] =	ssyncset.done $0x0  }
0x238: {  	s23 =	simm.s32 $0x0;
	s24 =	simm.s32 $0x10400;
	[sflag:s21] =	ssyncadd.s32 $0xFFFFC000  }
0x239: {  	[tilespmem:s16], [sflag:$0x3] =	stream.linear.gather [hbm4b:s9+s23], $0x4000, $0x38;
	[tilespmem:$0x18800] =	vst v63  }
0x23a: {  	v8 =	vld [tilespmem:s24+$0xFFFFFE00]  }
0x23b: {  	v9 =	vld [tilespmem:s24+$0xFFFFFD80]  }
0x23c: {  	v11 =	vld [tilespmem:s24+$0xFFFFFF00]  }
0x23d: {  	v12 =	vld [tilespmem:s24+$0xFFFFFC80]  }
0x23e: {  	v13 =	vld [tilespmem:s24+$0xFFFFFE80]  }
0x23f: {  	v14 =	vld [tilespmem:s24+$0xFFFFFD00]  }
0x240: {  	v10 =	vld [tilespmem:s24+$0xFFFFFF80]  }
0x241: {  	v15 =	vld [tilespmem:s24+$0xFFFFFC00]  }
0x242: {  	v1 =	vld [tilespmem:s24+$0x200]  }
0x243: {  	v2 =	vld [tilespmem:s24+$0x180]  }
0x244: {  	v4 =	vld [tilespmem:s24+$0x300]  }
0x245: {  	v6 =	vld [tilespmem:s24+$0x80]  }
0x246: {  	v3 =	vld [tilespmem:s24+$0x280]  }
0x247: {  	v5 =	vld [tilespmem:s24+$0x100]  }
0x248: {  	v7 =	vld [tilespmem:s24+$0x380]  }
0x249: {  	v9 =	vmax.f32 v9, v8;
	v8 =	vld [tilespmem:s24+$0x0]  }
0x24a: {  	s25 =	simm.s32 $0x200;
	s0 =	simm.s32 $0x0;
	v10 =	vmax.f32 v15, v10;
	v12 =	vmax.f32 v12, v11;
	v11 =	vmax.f32 v14, v13  }
.LBB2_36:
0x24b: {  	p0 =	sne.s32 s25, $0x1E00;
	v13 =	vmax.f32 v10, v11;
	v14 =	vmax.f32 v12, v9;
	v9 =	vmin.f32 v12, v9  }
0x24c: {  	v10 =	vmin.f32 v10, v11;
	v11 =	vmax.f32 v13, v14;
	v12 =	vmin.f32 v13, v14  }
0x24d: {  	v4 =	vmax.f32 v6, v4;
	v1 =	vmax.f32 v2, v1;
	v13 =	vmax.f32 v10, v9  }
0x24e: {  	v3 =	vmax.f32 v5, v3;
	v5 =	vmax.f32 v4, v1;
	v2 =	vmax.f32 v8, v7  }
0x24f: {  	v1 =	vmin.f32 v4, v1;
	v6 =	vmax.f32 v2, v3;
	v2 =	vmin.f32 v2, v3  }
0x250: {  	v3 =	vmin.f32 v10, v9;
	v4 =	vmax.f32 v6, v5;
	v7 =	vmin.f32 v2, v1  }
0x251: {  	v5 =	vmin.f32 v6, v5;
	v1 =	vmax.f32 v2, v1;
	v2 =	vmax.f32 v11, v7  }
0x252: {  	v1 =	vmax.f32 v12, v1;
	v5 =	vmax.f32 v13, v5;
	v3 =	vmax.f32 v3, v4  }
0x253: {  	v2 =	vmin.f32 v2, v5;
	v1 =	vmin.f32 v1, v3  }
0x254: {  	s1 =	sshra.s32 s0, $0x2;
	s0 =	smov.u32 s25;
	v1 =	vmin.f32 v2, v1  }
0x255: {  	s24 =	sadd.s32 $0x800, s24;
	[tilespmem:s1+$0x18000] =	vst v1  }
0x256: {  	v9 =	vld [tilespmem:s24+$0xFFFFFE00]  }
0x257: {  	v10 =	vld [tilespmem:s24+$0xFFFFFD80]  }
0x258: {  	v11 =	vld [tilespmem:s24+$0xFFFFFF00]  }
0x259: {  	v12 =	vld [tilespmem:s24+$0xFFFFFC80]  }
0x25a: {  	v13 =	vld [tilespmem:s24+$0xFFFFFE80]  }
0x25b: {  	v14 =	vld [tilespmem:s24+$0xFFFFFD00]  }
0x25c: {  	v15 =	vld [tilespmem:s24+$0xFFFFFF80]  }
0x25d: {  	v16 =	vld [tilespmem:s24+$0xFFFFFC00]  }
0x25e: {  	v1 =	vld [tilespmem:s24+$0x200]  }
0x25f: {  	v2 =	vld [tilespmem:s24+$0x180]  }
0x260: {  	v4 =	vld [tilespmem:s24+$0x300]  }
0x261: {  	v6 =	vld [tilespmem:s24+$0x80]  }
.Ltmp17:
0x262: {  	v3 =	vld [tilespmem:s24+$0x280];
	(pc) =	sbr.rel @p0 .LBB2_36-.Ltmp17, $4  }
0x263: {  	v5 =	vld [tilespmem:s24+$0x100]  }
0x264: {  	v7 =	vld [tilespmem:s24+$0x380]  }
0x265: {  	v9 =	vmax.f32 v10, v9;
	v8 =	vld [tilespmem:s24+$0x0]  }
0x266: {  	s25 =	sadd.s32 $0x200, s25;
	v12 =	vmax.f32 v12, v11;
	v11 =	vmax.f32 v14, v13;
	v10 =	vmax.f32 v16, v15  }
0x267: {  	v13 =	vmax.f32 v10, v11;
	v14 =	vmax.f32 v12, v9;
	v55 =	vmin.f32 v12, v9  }
0x268: {  	v56 =	vmin.f32 v10, v11;
	v4 =	vmax.f32 v6, v4;
	v1 =	vmax.f32 v2, v1  }
0x269: {  	v57 =	vmax.f32 v13, v14;
	v58 =	vmin.f32 v13, v14;
	v59 =	vmax.f32 v56, v55  }
0x26a: {  	v3 =	vmax.f32 v5, v3;
	v60 =	vmax.f32 v4, v1;
	v2 =	vmax.f32 v8, v7  }
0x26b: {  	v1 =	vmin.f32 v4, v1;
	v61 =	vmax.f32 v2, v3;
	v2 =	vmin.f32 v2, v3  }
0x26c: {  	v3 =	vmin.f32 v56, v55;
	v62 =	vmax.f32 v61, v60;
	v63 =	vmin.f32 v2, v1  }
0x26d: {  	v5 =	vmin.f32 v61, v60;
	v1 =	vmax.f32 v2, v1;
	v2 =	vmax.f32 v57, v63  }
0x26e: {  	v1 =	vmax.f32 v58, v1;
	v5 =	vmax.f32 v59, v5;
	v3 =	vmax.f32 v3, v62  }
0x26f: {  	v2 =	vmin.f32 v2, v5;
	v1 =	vmin.f32 v1, v3  }
0x270: {  	s0 =	sshra.s32 s0, $0x2;
	v1 =	vmin.f32 v2, v1  }
0x271: {  	[tilespmem:s0+$0x18000] =	vst v1  }
.LBB2_38:
0x272: {  	_ =	swait.ge [sflag:s17], $0x4000  }
0x273: {  	p0 =	seq.s32 s23, $0x0;
	[sflag:s17] =	ssyncset.done $0x0  }
0x274: {  	s0 =	sshll.u32 s23, $0xF;
	s1 =	simm.s32 @!p0 $0x6;
	[sflag:s17] =	ssyncadd.s32 $0xFFFFC000  }
0x275: {  	s25 =	simm.s32 $0x0;
	s24 =	sadd.s32 s10, s0;
	_ =	swait.ge @!p0 [sflag:s1], $0x4000  }
0x276: {  	s26 =	simm.s32 $0x0;
	s24 =	sshrl.u32 s24, $0x3;
	[sflag:s1] =	ssyncset.done @!p0 $0x0  }
0x277: {  	s28 =	simm.s32 $0x0;
	s31 =	sadd.s32 s2, s24;
	[sflag:s1] =	ssyncadd.s32 @!p0 $0xFFFFC000  }
0x278: {  	[tilespmem:s18], [sflag:$0x4] =	stream.linear.gather [hbm4b:s31+s25], $0x4000, $0x38;
	[tilespmem:$0x18800] =	vst v63  }
.LBB2_39:
0x279: {  	s1 =	sshll.u32 s26, $0x2;
	s29 =	sand.u32 $0x7, s25  }
0x27a: {  	s1 =	sand.u32 $0xFFFFF000, s1;
	s29 =	sshll.u32 s29, $0x6  }
0x27b: {  	s1 =	sor.u32 s29, s1  }
0x27c: {  	s1 =	sshrl.u32 s1, $0x2  }
0x27d: {  	s1 =	sadd.s32 $0x8200, s1  }
0x27e: {  	v1 =	vmov s1;
	_ =	sdelay $0x1  }
0x27f: {  	s31 =	sshll.u32 s28, $0x7  }
0x280: {  	s1 =	sand.u32 $0x3FFFFF80, s31  }
0x281: {  	s29 =	simm.s32 $0x0;
	v2 =	vld [tilespmem:s1+$0x18000]  }
0x282: {  	v9 =	vld.idx.msk [tilespmem:v1+s29+$0xFFFFFE00 ss:$0x1], $0xffff  }
0x283: {  	v8 =	vld.idx.msk [tilespmem:v1+s29+$0xFFFFFE80 ss:$0x1], $0xffff  }
0x284: {  	v7 =	vld.idx.msk [tilespmem:v1+s29+$0xFFFFFF00 ss:$0x1], $0xffff  }
0x285: {  	v6 =	vld.idx.msk [tilespmem:v1+s29+$0xFFFFFF80 ss:$0x1], $0xffff  }
0x286: {  	v5 =	vld.idx.msk [tilespmem:v1+s29+$0x0 ss:$0x1], $0xffff  }
0x287: {  	v4 =	vld.idx.msk [tilespmem:v1+s29+$0x80 ss:$0x1], $0xffff  }
0x288: {  	s1 =	simm.s32 $0x2000;
	v3 =	vld.idx.msk [tilespmem:v1+s29+$0x100 ss:$0x1], $0xffff;
	vm0 =	vge.f32 v9, v2  }
.LBB2_40:
0x289: {  	p0 =	sne.s32 s1, $0xE000;
	v9 =	vsel vm0, $0x0, v9;
	vm0 =	vge.f32 v8, v2;
	v10 =	vld.idx.msk [tilespmem:v1+s29+$0x180 ss:$0x1], $0xffff  }
0x28a: {  	s30 =	sshra.s32 s1, $0x2;
	[tilespmem:v1+s29+$0xFFFFFE00 ss:$0x1] =	vst.idx.msk $0xffff, v9;
	v8 =	vsel vm0, $0x0, v8;
	vm0 =	vge.f32 v7, v2  }
0x28b: {  	v9 =	vld.idx.msk [tilespmem:v1+s30+$0xFFFFFE00 ss:$0x1], $0xffff;
	[tilespmem:v1+s29+$0xFFFFFE80 ss:$0x1] =	vst.idx.msk $0xffff, v8;
	v7 =	vsel vm0, $0x0, v7;
	vm0 =	vge.f32 v6, v2  }
0x28c: {  	v8 =	vld.idx.msk [tilespmem:v1+s30+$0xFFFFFE80 ss:$0x1], $0xffff;
	[tilespmem:v1+s29+$0xFFFFFF00 ss:$0x1] =	vst.idx.msk $0xffff, v7;
	v6 =	vsel vm0, $0x0, v6;
	vm0 =	vge.f32 v5, v2  }
.Ltmp18:
0x28d: {  	v7 =	vld.idx.msk [tilespmem:v1+s30+$0xFFFFFF00 ss:$0x1], $0xffff;
	[tilespmem:v1+s29+$0xFFFFFF80 ss:$0x1] =	vst.idx.msk $0xffff, v6;
	v5 =	vsel vm0, $0x0, v5;
	vm0 =	vge.f32 v4, v2;
	(pc) =	sbr.rel @p0 .LBB2_40-.Ltmp18, $4  }
0x28e: {  	v6 =	vld.idx.msk [tilespmem:v1+s30+$0xFFFFFF80 ss:$0x1], $0xffff;
	[tilespmem:v1+s29+$0x0 ss:$0x1] =	vst.idx.msk $0xffff, v5;
	v4 =	vsel vm0, $0x0, v4;
	vm0 =	vge.f32 v3, v2  }
0x28f: {  	v5 =	vld.idx.msk [tilespmem:v1+s30+$0x0 ss:$0x1], $0xffff;
	[tilespmem:v1+s29+$0x80 ss:$0x1] =	vst.idx.msk $0xffff, v4;
	v3 =	vsel vm0, $0x0, v3;
	vm0 =	vge.f32 v10, v2  }
0x290: {  	v4 =	vld.idx.msk [tilespmem:v1+s30+$0x80 ss:$0x1], $0xffff;
	[tilespmem:v1+s29+$0x100 ss:$0x1] =	vst.idx.msk $0xffff, v3;
	v10 =	vsel vm0, $0x0, v10  }
0x291: {  	s1 =	sadd.s32 $0x2000, s1;
	vm0 =	vge.f32 v9, v2;
	v3 =	vld.idx.msk [tilespmem:v1+s30+$0x100 ss:$0x1], $0xffff;
	[tilespmem:v1+s29+$0x180 ss:$0x1] =	vst.idx.msk $0xffff, v10;
	s29 =	smov.u32 s30  }
0x292: {  	_ =	sdelay $0x2  }
0x293: {  	v9 =	vsel vm0, $0x0, v9;
	vm9 =	vge.f32 v8, v2  }
0x294: {  	v10 =	vld.idx.msk [tilespmem:v1+s29+$0x180 ss:$0x1], $0xffff;
	vm10 =	vge.f32 v7, v2;
	[tilespmem:v1+s29+$0xFFFFFE00 ss:$0x1] =	vst.idx.msk $0xffff, v9;
	v8 =	vsel vm9, $0x0, v8  }
0x295: {  	s28 =	sadd.s32 $0x1, s28;
	v7 =	vsel vm10, $0x0, v7;
	vm11 =	vge.f32 v6, v2;
	[tilespmem:v1+s29+$0xFFFFFE80 ss:$0x1] =	vst.idx.msk $0xffff, v8  }
0x296: {  	p0 =	sne.s32 s28, $0x10;
	[tilespmem:v1+s29+$0xFFFFFF00 ss:$0x1] =	vst.idx.msk $0xffff, v7;
	v6 =	vsel vm11, $0x0, v6;
	vm12 =	vge.f32 v5, v2  }
.Ltmp19:
0x297: {  	[tilespmem:v1+s29+$0xFFFFFF80 ss:$0x1] =	vst.idx.msk $0xffff, v6;
	v5 =	vsel vm12, $0x0, v5;
	vm13 =	vge.f32 v4, v2;
	(pc) =	sbr.rel @p0 .LBB2_39-.Ltmp19, $4  }
0x298: {  	[tilespmem:v1+s29+$0x0 ss:$0x1] =	vst.idx.msk $0xffff, v5;
	v4 =	vsel vm13, $0x0, v4;
	vm14 =	vge.f32 v3, v2  }
0x299: {  	[tilespmem:v1+s29+$0x80 ss:$0x1] =	vst.idx.msk $0xffff, v4;
	v3 =	vsel vm14, $0x0, v3;
	vm15 =	vge.f32 v10, v2  }
0x29a: {  	[tilespmem:v1+s29+$0x100 ss:$0x1] =	vst.idx.msk $0xffff, v3;
	v2 =	vsel vm15, $0x0, v10  }
0x29b: {  	s26 =	sadd.s32 $0x80, s26;
	s25 =	sadd.s32 $0x1, s25;
	[tilespmem:v1+s29+$0x180 ss:$0x1] =	vst.idx.msk $0xffff, v2  }
0x29c: {  	s1 =	sor.u32 s6, s0  }
0x29d: {  	s1 =	sshrl.u32 s1, $0x3  }
0x29e: {  	s1 =	sadd.s32 s3, s1  }
0x29f: {  	[hbm4b:s1+s4] =	stream.linear.scatter [tilespmem:s16], [sflag:$0x5], $0x4000, $0x38;
	[tilespmem:$0x18800] =	vst v63  }
0x2a0: {  	_ =	swait.ge [sflag:s19], $0x4000  }
0x2a1: {  	p0 =	seq.s32 s23, $0xF;
	[sflag:s19] =	ssyncset.done $0x0  }
0x2a2: {  	s1 =	simm.s32 @!p0 $0x5;
	[sflag:s19] =	ssyncadd.s32 $0xFFFFC000  }
0x2a3: {  	s0 =	sadd.s32 @!p0 s0, s11;
	_ =	swait.ge @!p0 [sflag:s1], $0x4000  }
0x2a4: {  	s25 =	simm.s32 @!p0 $0x8000;
	s0 =	sshrl.u32 @!p0 s0, $0x3;
	[sflag:s1] =	ssyncset.done @!p0 $0x0  }
0x2a5: {  	s0 =	sadd.s32 @!p0 s2, s0;
	[sflag:s1] =	ssyncadd.s32 @!p0 $0xFFFFC000;
	s1 =	simm.s32 @!p0 $0x0  }
0x2a6: {  	[tilespmem:s25], [sflag:$0x3] =	stream.linear.gather @!p0 [hbm4b:s0+s1], $0x4000, $0x38;
	[tilespmem:$0x18800] =	vst v63  }
0x2a7: {  	s26 =	simm.s32 $0x0;
	s0 =	simm.s32 $0x0;
	s25 =	simm.s32 $0x0  }
.LBB2_43:
0x2a8: {  	s1 =	sshll.u32 s25, $0x2;
	s28 =	sand.u32 $0x7, s0  }
0x2a9: {  	s1 =	sand.u32 $0xFFFFF000, s1;
	s28 =	sshll.u32 s28, $0x6  }
0x2aa: {  	s1 =	sor.u32 s28, s1  }
0x2ab: {  	s1 =	sshrl.u32 s1, $0x2  }
0x2ac: {  	s1 =	sadd.s32 $0xC200, s1  }
0x2ad: {  	v1 =	vmov s1;
	_ =	sdelay $0x1  }
0x2ae: {  	s31 =	sshll.u32 s26, $0x7  }
0x2af: {  	s1 =	sand.u32 $0x3FFFFF80, s31  }
0x2b0: {  	s28 =	simm.s32 $0x0;
	v2 =	vld [tilespmem:s1+$0x18000]  }
0x2b1: {  	v9 =	vld.idx.msk [tilespmem:v1+s28+$0xFFFFFE00 ss:$0x1], $0xffff  }
0x2b2: {  	v8 =	vld.idx.msk [tilespmem:v1+s28+$0xFFFFFE80 ss:$0x1], $0xffff  }
0x2b3: {  	v7 =	vld.idx.msk [tilespmem:v1+s28+$0xFFFFFF00 ss:$0x1], $0xffff  }
0x2b4: {  	v6 =	vld.idx.msk [tilespmem:v1+s28+$0xFFFFFF80 ss:$0x1], $0xffff  }
0x2b5: {  	v5 =	vld.idx.msk [tilespmem:v1+s28+$0x0 ss:$0x1], $0xffff  }
0x2b6: {  	v4 =	vld.idx.msk [tilespmem:v1+s28+$0x80 ss:$0x1], $0xffff  }
0x2b7: {  	s1 =	simm.s32 $0x2000;
	v3 =	vld.idx.msk [tilespmem:v1+s28+$0x100 ss:$0x1], $0xffff;
	vm0 =	vge.f32 v9, v2  }
.LBB2_44:
0x2b8: {  	p0 =	sne.s32 s1, $0xE000;
	v9 =	vsel vm0, $0x0, v9;
	vm0 =	vge.f32 v8, v2;
	v10 =	vld.idx.msk [tilespmem:v1+s28+$0x180 ss:$0x1], $0xffff  }
0x2b9: {  	s29 =	sshra.s32 s1, $0x2;
	[tilespmem:v1+s28+$0xFFFFFE00 ss:$0x1] =	vst.idx.msk $0xffff, v9;
	v8 =	vsel vm0, $0x0, v8;
	vm0 =	vge.f32 v7, v2  }
0x2ba: {  	v9 =	vld.idx.msk [tilespmem:v1+s29+$0xFFFFFE00 ss:$0x1], $0xffff;
	[tilespmem:v1+s28+$0xFFFFFE80 ss:$0x1] =	vst.idx.msk $0xffff, v8;
	v7 =	vsel vm0, $0x0, v7;
	vm0 =	vge.f32 v6, v2  }
0x2bb: {  	v8 =	vld.idx.msk [tilespmem:v1+s29+$0xFFFFFE80 ss:$0x1], $0xffff;
	[tilespmem:v1+s28+$0xFFFFFF00 ss:$0x1] =	vst.idx.msk $0xffff, v7;
	v6 =	vsel vm0, $0x0, v6;
	vm0 =	vge.f32 v5, v2  }
.Ltmp20:
0x2bc: {  	v7 =	vld.idx.msk [tilespmem:v1+s29+$0xFFFFFF00 ss:$0x1], $0xffff;
	[tilespmem:v1+s28+$0xFFFFFF80 ss:$0x1] =	vst.idx.msk $0xffff, v6;
	v5 =	vsel vm0, $0x0, v5;
	vm0 =	vge.f32 v4, v2;
	(pc) =	sbr.rel @p0 .LBB2_44-.Ltmp20, $4  }
0x2bd: {  	v6 =	vld.idx.msk [tilespmem:v1+s29+$0xFFFFFF80 ss:$0x1], $0xffff;
	[tilespmem:v1+s28+$0x0 ss:$0x1] =	vst.idx.msk $0xffff, v5;
	v4 =	vsel vm0, $0x0, v4;
	vm0 =	vge.f32 v3, v2  }
0x2be: {  	v5 =	vld.idx.msk [tilespmem:v1+s29+$0x0 ss:$0x1], $0xffff;
	[tilespmem:v1+s28+$0x80 ss:$0x1] =	vst.idx.msk $0xffff, v4;
	v3 =	vsel vm0, $0x0, v3;
	vm0 =	vge.f32 v10, v2  }
0x2bf: {  	v4 =	vld.idx.msk [tilespmem:v1+s29+$0x80 ss:$0x1], $0xffff;
	[tilespmem:v1+s28+$0x100 ss:$0x1] =	vst.idx.msk $0xffff, v3;
	v10 =	vsel vm0, $0x0, v10  }
0x2c0: {  	s1 =	sadd.s32 $0x2000, s1;
	vm0 =	vge.f32 v9, v2;
	v3 =	vld.idx.msk [tilespmem:v1+s29+$0x100 ss:$0x1], $0xffff;
	[tilespmem:v1+s28+$0x180 ss:$0x1] =	vst.idx.msk $0xffff, v10;
	s28 =	smov.u32 s29  }
0x2c1: {  	_ =	sdelay $0x2  }
0x2c2: {  	v9 =	vsel vm0, $0x0, v9;
	vm9 =	vge.f32 v8, v2  }
0x2c3: {  	v10 =	vld.idx.msk [tilespmem:v1+s28+$0x180 ss:$0x1], $0xffff;
	vm10 =	vge.f32 v7, v2;
	[tilespmem:v1+s28+$0xFFFFFE00 ss:$0x1] =	vst.idx.msk $0xffff, v9;
	v8 =	vsel vm9, $0x0, v8  }
0x2c4: {  	s26 =	sadd.s32 $0x1, s26;
	v7 =	vsel vm10, $0x0, v7;
	vm11 =	vge.f32 v6, v2;
	[tilespmem:v1+s28+$0xFFFFFE80 ss:$0x1] =	vst.idx.msk $0xffff, v8  }
0x2c5: {  	p0 =	sne.s32 s26, $0x10;
	[tilespmem:v1+s28+$0xFFFFFF00 ss:$0x1] =	vst.idx.msk $0xffff, v7;
	v6 =	vsel vm11, $0x0, v6;
	vm12 =	vge.f32 v5, v2  }
.Ltmp21:
0x2c6: {  	[tilespmem:v1+s28+$0xFFFFFF80 ss:$0x1] =	vst.idx.msk $0xffff, v6;
	v5 =	vsel vm12, $0x0, v5;
	vm13 =	vge.f32 v4, v2;
	(pc) =	sbr.rel @p0 .LBB2_43-.Ltmp21, $4  }
0x2c7: {  	[tilespmem:v1+s28+$0x0 ss:$0x1] =	vst.idx.msk $0xffff, v5;
	v4 =	vsel vm13, $0x0, v4;
	vm14 =	vge.f32 v3, v2  }
0x2c8: {  	[tilespmem:v1+s28+$0x80 ss:$0x1] =	vst.idx.msk $0xffff, v4;
	v3 =	vsel vm14, $0x0, v3;
	vm15 =	vge.f32 v10, v2  }
0x2c9: {  	[tilespmem:v1+s28+$0x100 ss:$0x1] =	vst.idx.msk $0xffff, v3;
	v2 =	vsel vm15, $0x0, v10  }
0x2ca: {  	s25 =	sadd.s32 $0x80, s25;
	s0 =	sadd.s32 $0x1, s0;
	[tilespmem:v1+s28+$0x180 ss:$0x1] =	vst.idx.msk $0xffff, v2  }
0x2cb: {  	s23 =	sadd.s32 $0x1, s23  }
0x2cc: {  	p0 =	sne.s32 s23, $0x10  }
.Ltmp22:
0x2cd: {  	_ = 	snop;
	(pc) =	sbr.rel @p0 .LBB2_38-.Ltmp22, $3  }
0x2ce: {  	_ =	sdelay $0x1  }
0x2cf: {  	s0 =	sadd.s32 s3, s24  }
0x2d0: {  	[hbm4b:s0+s4] =	stream.linear.scatter [tilespmem:s18], [sflag:$0x6], $0x4000, $0x38;
	[tilespmem:$0x18800] =	vst v63  }
0x2d1: {  	s22 =	sadd.s32 $0x1, s22  }
0x2d2: {  	_ =	swait.ge [sflag:s20], $0x4000;
	p0 =	sne.s32 s22, s12  }
.Ltmp23:
0x2d3: {  	[sflag:s20] =	ssyncset.done $0x0;
	(pc) =	sbr.rel @p0 .LBB2_1-.Ltmp23, $4  }
0x2d4: {  	[sflag:s20] =	ssyncadd.s32 $0xFFFFC000  }
0x2d5: {  	_ =	swait.ge [sflag:s21], $0x4000  }
0x2d6: {  	[sflag:s21] =	ssyncset.done $0x0  }
0x2d7: {  	[sflag:s21] =	ssyncadd.s32 $0xFFFFC000  }
0x2d8: {  	_ =	sfence.sel $0x180000  }
0x2d9: {  	[bflag:$0x0] =	sbarrier.arrive $0xFFFF  }
0x2da: {  	_ =	strace $0x90000047  }
0x2db: {  	s0 =	stileid.u32;
	[bflag:$0x2] =	sbarrier.arrive $0xFFFF  }
0x2dc: {  	p0 =	sne.s32 s0, $0x0;
	s0 =	rddreg [dreg:$0x2]  }
0x2dd: {  	s0 =	sadd.s32 @!p0 $0x100000, s0  }
0x2de: {  	[sflag:s0] =	ssyncadd.tile.s32 @!p0 $0x1;
	_ =	shalt  }
.Lfunc_end2:
_tile_overlayer_lowered:
.L_overlay_start_2:
0x2df: {  	(tag) =	ssettag $0x2  }
0x2e0: {  	s0 =	rddreg [dreg:$0x0];
	s2 =	stileid.u32  }
0x2e1: {  	s1 =	rddreg [dreg:$0x1];
	p0 =	sne.s32 s2, $0x0  }
0x2e2: {  	s3 =	rddreg [dreg:$0x2];
	[bflag:$0x3] =	sbarrier.arrive $0xFFFF;
	s2 =	simm.s32 @!p0 $0x1C07  }
0x2e3: {  	[timem:s3], [sflag:s2] =	dma.local @!p0 [hbm:s0], s1  }
0x2e4: {  	s0 =	simm.s32 @!p0 $0x7  }
0x2e5: {  	_ =	swait.ge @!p0 [sflag:s0], s1  }
0x2e6: {  	s1 =	ssub.s32 @!p0 $0x0, s1;
	[sflag:s0] =	ssyncset.done @!p0 $0x0  }
0x2e7: {  	[sflag:s0] =	ssyncadd.s32 @!p0 s1  }
0x2e8: {  	[bflag:$0x3] =	sbarrier.arrive $0xFFFF  }
0x2e9: {  	_ =	shalt  }

</sc_bundles>
